<compile_context>
chip_gen: v7x
topology: tpu7x:2x2x1
jax: 0.10.2.dev20260603
libtpu: 0.0.44.dev20260713+nightly
codegen_flags: <defaults>
</compile_context>

<pallas_src>
import functools
import math

import jax
import jax.numpy as jnp
import numpy as np
from jax import lax
from jax.experimental import pallas as pl
from jax.experimental.pallas import tpu as pltpu
from jax.experimental.pallas import tpu_sc as plsc

_LANES = 16


def _make_pe(max_len: int, d_model: int) -> np.ndarray:
    position = np.arange(max_len, dtype=np.float32)[:, None]
    div_term = np.exp(
        np.arange(0, d_model, 2, dtype=np.float32) * (-(math.log(10000.0) / d_model))
    )
    pe = np.zeros((max_len, d_model), dtype=np.float32)
    pe[:, 0::2] = np.sin(position * div_term)
    pe[:, 1::2] = np.cos(position * div_term)
    return pe


def _interleave_perm(d: int) -> np.ndarray:
    perm = np.empty((d,), dtype=np.int32)
    for b in range(d // 32):
        for l in range(_LANES):
            perm[32 * b + 2 * l] = 32 * b + l
            perm[32 * b + 2 * l + 1] = 32 * b + 16 + l
    return perm


@functools.cache
def _build_sc_kernel(N: int, D: int, V: int, C: int):
    info = plsc.get_sparse_core_info()
    NC, NS = info.num_cores, info.num_subcores
    NW = NC * NS
    assert N % NW == 0
    rows_per_w = N // NW
    CH = 32
    NSLOT = 4
    assert rows_per_w % (NSLOT * CH) == 0
    n_chunks = rows_per_w // CH

    mesh = plsc.VectorSubcoreMesh(core_axis_name="c", subcore_axis_name="s")

    @functools.partial(
        pl.kernel,
        mesh=mesh,
        compiler_params=pltpu.CompilerParams(needs_layout_passes=False),
        out_type=jax.ShapeDtypeStruct((N, D), jnp.float32),
        scratch_types=[
            pltpu.VMEM((rows_per_w,), jnp.int32),
            pltpu.VMEM((rows_per_w,), jnp.int32),
        ]
        + [pltpu.VMEM((CH, D), jnp.float32) for _ in range(NSLOT)]
        + [pltpu.VMEM((CH, D // 2), jnp.int32) for _ in range(NSLOT)]
        + [pltpu.SemaphoreType.DMA for _ in range(2 * NSLOT)],
    )
    def k(tok_hbm, cid_hbm, wte_hbm, combo_hbm, out_hbm, *refs):
        ti_all, ci_all = refs[0], refs[1]
        bufs_a = refs[2:2 + NSLOT]
        bufs_b = refs[2 + NSLOT:2 + 2 * NSLOT]
        sems_g = refs[2 + 2 * NSLOT:2 + 3 * NSLOT]
        sems_s = refs[2 + 3 * NSLOT:2 + 4 * NSLOT]

        wid = lax.axis_index("s") * NC + lax.axis_index("c")
        base0 = wid * rows_per_w

        pltpu.sync_copy(tok_hbm.at[pl.ds(base0, rows_per_w)], ti_all)
        pltpu.sync_copy(cid_hbm.at[pl.ds(base0, rows_per_w)], ci_all)

        def start_gathers(i, slot):
            ti = ti_all.at[pl.ds(i * CH, CH)]
            ci = ci_all.at[pl.ds(i * CH, CH)]
            pltpu.async_copy(wte_hbm.at[ti], bufs_a[slot], sems_g[slot])
            pltpu.async_copy(combo_hbm.at[ci], bufs_b[slot], sems_g[slot])

        def wait_gathers(slot):
            pltpu.make_async_copy(
                wte_hbm.at[ti_all.at[pl.ds(0, CH)]], bufs_a[slot], sems_g[slot]).wait()
            pltpu.make_async_copy(
                combo_hbm.at[ci_all.at[pl.ds(0, CH)]], bufs_b[slot], sems_g[slot]).wait()

        def start_scatter(i, slot):
            pltpu.async_copy(
                bufs_a[slot], out_hbm.at[pl.ds(base0 + i * CH, CH)], sems_s[slot])

        def wait_scatter(slot):
            pltpu.make_async_copy(
                bufs_a[slot], out_hbm.at[pl.ds(base0, CH)], sems_s[slot]).wait()

        def add_chunk(slot):
            buf_a, buf_b = bufs_a[slot], bufs_b[slot]

            def add_row(r):
                for g in range(D // 32):
                    sp = plsc.bitcast(
                        buf_b[r, pl.ds(g * _LANES, _LANES)], jnp.bfloat16)
                    lo, hi = plsc.unpack(sp, format=plsc.PackFormat.INTERLEAVED)
                    sl0 = pl.ds(2 * g * _LANES, _LANES)
                    sl1 = pl.ds((2 * g + 1) * _LANES, _LANES)
                    buf_a[r, sl0] = buf_a[r, sl0] + lo
                    buf_a[r, sl1] = buf_a[r, sl1] + hi

            plsc.parallel_loop(0, CH, 1, unroll=2)(add_row)

        start_gathers(0, 0)
        start_gathers(1, 1)

        def pipe_body(j, carry):
            for t in range(NSLOT):
                i = NSLOT * j + t
                wait_gathers(t)
                add_chunk(t)
                start_scatter(i, t)
                nslot = (t + 2) % NSLOT

                if t < 2:
                    @pl.when(j >= 1)
                    def _():
                        wait_scatter(nslot)
                    start_gathers(i + 2, nslot)
                else:
                    wait_scatter(nslot)

                    @pl.when(j < n_chunks // NSLOT - 1)
                    def _():
                        start_gathers(i + 2, nslot)
            return carry

        lax.fori_loop(0, n_chunks // NSLOT, pipe_body, 0, unroll=False)
        wait_scatter(2)
        wait_scatter(3)

    return k


def kernel(sequence, seqment_label, wte, wse):
    B, S = sequence.shape
    V, D = wte.shape
    N = B * S
    C = 3 * S

    pe = jnp.asarray(_make_pe(S, D))
    combo = (pe[:, None, :] + wse[None, :, :]).reshape(C, D)
    perm = _interleave_perm(D)
    combo_bf = jax.lax.bitcast_convert_type(
        combo.astype(jnp.bfloat16)[:, perm].reshape(C, D // 2, 2), jnp.int32
    )

    tok_idx = sequence.reshape(N).astype(jnp.int32)
    cid = (
        3 * jnp.arange(S, dtype=jnp.int32)[None, :]
        + seqment_label.astype(jnp.int32)
    ).reshape(N)

    k = _build_sc_kernel(N, D, V, C)
    out = k(tok_idx, cid, wte, combo_bf)
    return out.reshape(B, S, D)

# --- scband reference (transcript-rebuilt; emitter-appended) ---
"""Pipeline reference for scband-bert-embedding-257698038246 (READ-ONLY COPY).

The authoritative reference and input builder live on the scoring server;
editing this copy changes nothing except your own understanding.
"""

import jax, jax.numpy as jnp
import numpy as np

D_MODEL = 512
MAX_LEN = 512
VOCAB = 32000
B = 1024
S = 200


def make_pe(max_len, d_model):
    position = jnp.arange(max_len, dtype=jnp.float32)[:, None]
    div_term = jnp.exp(jnp.arange(0, d_model, 2, dtype=jnp.float32) * (-(np.log(10000.0) / d_model)))
    pe = jnp.zeros((max_len, d_model), dtype=jnp.float32)
    pe = pe.at[:, 0::2].set(jnp.sin(position * div_term))
    pe = pe.at[:, 1::2].set(jnp.cos(position * div_term))
    return pe


def setup_inputs(seed: int = 0) -> dict:
    key = jax.random.key(seed)
    k1, k2, k3, k4 = jax.random.split(key, 4)
    sequence = jax.random.randint(k1, (B, S), 0, VOCAB)
    seqment_label = jax.random.randint(k2, (B, S), 0, 3)
    # learned tables (padding_idx=0 rows zeroed, as nn.Embedding does at init)
    wte = jax.random.normal(k3, (VOCAB, D_MODEL), dtype=jnp.float32) * 0.02
    wte = wte.at[0].set(0.0)
    wse = jax.random.normal(k4, (3, D_MODEL), dtype=jnp.float32) * 0.02
    wse = wse.at[0].set(0.0)
    return {"sequence": sequence, "seqment_label": seqment_label, "wte": wte, "wse": wse}


def reference(sequence, seqment_label, wte, wse):
    # TokenEmbedding lookup
    tok = jnp.take(wte, sequence, axis=0)
    # PositionalEmbedding: fixed sinusoidal buffer, sliced to seq len, broadcast over batch
    pe = make_pe(MAX_LEN, D_MODEL)
    pos = pe[None, : sequence.shape[1], :]
    # SegmentEmbedding lookup
    seg = jnp.take(wse, seqment_label, axis=0)
    x = tok + pos + seg
    # dropout is identity in eval / deterministic mode
    return x

if __name__ == "__main__":
    import jax
    _d = setup_inputs()
    print(jax.jit(kernel)(*tuple(_d.values())))

</pallas_src>

<mosaic_0001>
#map = affine_map<(d0, d1) -> (0)>
#map1 = affine_map<(d0, d1) -> (0, 0)>
module attributes {stable_mosaic.version = 14 : i64} {
  func.func @k(%arg0: i32, %arg1: i32, %arg2: memref<204800xi32, #tpu.memory_space<hbm>>, %arg3: memref<204800xi32, #tpu.memory_space<hbm>>, %arg4: memref<32000x512xf32, #tpu.memory_space<hbm>>, %arg5: memref<600x256xi32, #tpu.memory_space<hbm>>, %arg6: memref<204800x512xf32, #tpu.memory_space<hbm>>, %arg7: memref<6400xi32, #tpu.memory_space<vmem>>, %arg8: memref<6400xi32, #tpu.memory_space<vmem>>, %arg9: memref<32x512xf32, #tpu.memory_space<vmem>>, %arg10: memref<32x512xf32, #tpu.memory_space<vmem>>, %arg11: memref<32x512xf32, #tpu.memory_space<vmem>>, %arg12: memref<32x512xf32, #tpu.memory_space<vmem>>, %arg13: memref<32x256xi32, #tpu.memory_space<vmem>>, %arg14: memref<32x256xi32, #tpu.memory_space<vmem>>, %arg15: memref<32x256xi32, #tpu.memory_space<vmem>>, %arg16: memref<32x256xi32, #tpu.memory_space<vmem>>, %arg17: memref<!tpu.dma_semaphore, #tpu.memory_space<semaphore_mem>>, %arg18: memref<!tpu.dma_semaphore, #tpu.memory_space<semaphore_mem>>, %arg19: memref<!tpu.dma_semaphore, #tpu.memory_space<semaphore_mem>>, %arg20: memref<!tpu.dma_semaphore, #tpu.memory_space<semaphore_mem>>, %arg21: memref<!tpu.dma_semaphore, #tpu.memory_space<semaphore_mem>>, %arg22: memref<!tpu.dma_semaphore, #tpu.memory_space<semaphore_mem>>, %arg23: memref<!tpu.dma_semaphore, #tpu.memory_space<semaphore_mem>>, %arg24: memref<!tpu.dma_semaphore, #tpu.memory_space<semaphore_mem>>) attributes {dimension_semantics = [#tpu.dimension_semantics<core_parallel>, #tpu.dimension_semantics<subcore_parallel>], iteration_bounds = array<i64: 2, 16>, scalar_prefetch = 0 : i64, scratch_operands = 18 : i64, tpu.core_type = #tpu.core_type<sc_vector_subcore>, window_params = [{transform_indices = #map}, {transform_indices = #map}, {transform_indices = #map1}, {transform_indices = #map1}, {transform_indices = #map1}]} {
    %mul3A = arith.constant 2 : i32
    %mul3A_0 = arith.muli %arg1, %mul3A : i32
    %add3A = arith.addi %mul3A_0, %arg0 : i32
    %mul3A_1 = arith.constant 6400 : i32
    %mul3A_2 = arith.muli %add3A, %mul3A_1 : i32
    "tpu.region"() ({
      %run_scoped3A = tpu.sem_alloc : memref<!tpu.dma_semaphore, #tpu.memory_space<semaphore_mem>>
      %dma_start3A_34 = tpu.memref_slice %arg2[%mul3A_2] : memref<204800xi32, #tpu.memory_space<hbm>> -> memref<6400xi32, #tpu.memory_space<hbm>>
      %dma_start3A_35 = tpu.memref_slice %arg2[%mul3A_2] : memref<204800xi32, #tpu.memory_space<hbm>> -> memref<6400xi32, #tpu.memory_space<hbm>>
      tpu.enqueue_dma source(%dma_start3A_35 : memref<6400xi32, #tpu.memory_space<hbm>>) target(%arg7 : memref<6400xi32, #tpu.memory_space<vmem>>) target_semaphore(%run_scoped3A : memref<!tpu.dma_semaphore, #tpu.memory_space<semaphore_mem>>)
      %dma_wait3A_36 = tpu.memref_slice %arg2[%mul3A_2] : memref<204800xi32, #tpu.memory_space<hbm>> -> memref<6400xi32, #tpu.memory_space<hbm>>
      %dma_wait3A_37 = tpu.memref_slice %arg2[%mul3A_2] : memref<204800xi32, #tpu.memory_space<hbm>> -> memref<6400xi32, #tpu.memory_space<hbm>>
      tpu.wait_dma2 semaphore(%run_scoped3A : memref<!tpu.dma_semaphore, #tpu.memory_space<semaphore_mem>>) src(%dma_wait3A_37 : memref<6400xi32, #tpu.memory_space<hbm>>) dst(%arg7 : memref<6400xi32, #tpu.memory_space<vmem>>)
      tpu.yield
    }) : () -> ()
    "tpu.region"() ({
      %run_scoped3A = tpu.sem_alloc : memref<!tpu.dma_semaphore, #tpu.memory_space<semaphore_mem>>
      %dma_start3A_34 = tpu.memref_slice %arg3[%mul3A_2] : memref<204800xi32, #tpu.memory_space<hbm>> -> memref<6400xi32, #tpu.memory_space<hbm>>
      %dma_start3A_35 = tpu.memref_slice %arg3[%mul3A_2] : memref<204800xi32, #tpu.memory_space<hbm>> -> memref<6400xi32, #tpu.memory_space<hbm>>
      tpu.enqueue_dma source(%dma_start3A_35 : memref<6400xi32, #tpu.memory_space<hbm>>) target(%arg8 : memref<6400xi32, #tpu.memory_space<vmem>>) target_semaphore(%run_scoped3A : memref<!tpu.dma_semaphore, #tpu.memory_space<semaphore_mem>>)
      %dma_wait3A_36 = tpu.memref_slice %arg3[%mul3A_2] : memref<204800xi32, #tpu.memory_space<hbm>> -> memref<6400xi32, #tpu.memory_space<hbm>>
      %dma_wait3A_37 = tpu.memref_slice %arg3[%mul3A_2] : memref<204800xi32, #tpu.memory_space<hbm>> -> memref<6400xi32, #tpu.memory_space<hbm>>
      tpu.wait_dma2 semaphore(%run_scoped3A : memref<!tpu.dma_semaphore, #tpu.memory_space<semaphore_mem>>) src(%dma_wait3A_37 : memref<6400xi32, #tpu.memory_space<hbm>>) dst(%arg8 : memref<6400xi32, #tpu.memory_space<vmem>>)
      tpu.yield
    }) : () -> ()
    %dma_start3A = arith.constant 0 : i32
    %dma_start3A_3 = tpu.memref_slice %arg7[%dma_start3A] : memref<6400xi32, #tpu.memory_space<vmem>> -> memref<32xi32, #tpu.memory_space<vmem>>
    %dma_start3A_4 = arith.constant 0 : i32
    %dma_start3A_5 = arith.constant 0 : i32
    %dma_start3A_6 = tpu.memref_slice %arg4[%dma_start3A_4, %dma_start3A_5] : memref<32000x512xf32, #tpu.memory_space<hbm>> -> memref<32000x512xf32, #tpu.memory_space<hbm>>
    tpu.enqueue_indirect_dma source(%dma_start3A_6 : memref<32000x512xf32, #tpu.memory_space<hbm>>) target(%arg9 : memref<32x512xf32, #tpu.memory_space<vmem>>) offsets(%dma_start3A_3 : memref<32xi32, #tpu.memory_space<vmem>>) semaphore(%arg17 : memref<!tpu.dma_semaphore, #tpu.memory_space<semaphore_mem>>)
    %dma_start3A_7 = arith.constant 0 : i32
    %dma_start3A_8 = tpu.memref_slice %arg8[%dma_start3A_7] : memref<6400xi32, #tpu.memory_space<vmem>> -> memref<32xi32, #tpu.memory_space<vmem>>
    %dma_start3A_9 = arith.constant 0 : i32
    %dma_start3A_10 = arith.constant 0 : i32
    %dma_start3A_11 = tpu.memref_slice %arg5[%dma_start3A_9, %dma_start3A_10] : memref<600x256xi32, #tpu.memory_space<hbm>> -> memref<600x256xi32, #tpu.memory_space<hbm>>
    tpu.enqueue_indirect_dma source(%dma_start3A_11 : memref<600x256xi32, #tpu.memory_space<hbm>>) target(%arg13 : memref<32x256xi32, #tpu.memory_space<vmem>>) offsets(%dma_start3A_8 : memref<32xi32, #tpu.memory_space<vmem>>) semaphore(%arg17 : memref<!tpu.dma_semaphore, #tpu.memory_space<semaphore_mem>>)
    %dma_start3A_12 = arith.constant 32 : i32
    %dma_start3A_13 = tpu.memref_slice %arg7[%dma_start3A_12] : memref<6400xi32, #tpu.memory_space<vmem>> -> memref<32xi32, #tpu.memory_space<vmem>>
    %dma_start3A_14 = arith.constant 0 : i32
    %dma_start3A_15 = arith.constant 0 : i32
    %dma_start3A_16 = tpu.memref_slice %arg4[%dma_start3A_14, %dma_start3A_15] : memref<32000x512xf32, #tpu.memory_space<hbm>> -> memref<32000x512xf32, #tpu.memory_space<hbm>>
    tpu.enqueue_indirect_dma source(%dma_start3A_16 : memref<32000x512xf32, #tpu.memory_space<hbm>>) target(%arg10 : memref<32x512xf32, #tpu.memory_space<vmem>>) offsets(%dma_start3A_13 : memref<32xi32, #tpu.memory_space<vmem>>) semaphore(%arg18 : memref<!tpu.dma_semaphore, #tpu.memory_space<semaphore_mem>>)
    %dma_start3A_17 = arith.constant 32 : i32
    %dma_start3A_18 = tpu.memref_slice %arg8[%dma_start3A_17] : memref<6400xi32, #tpu.memory_space<vmem>> -> memref<32xi32, #tpu.memory_space<vmem>>
    %dma_start3A_19 = arith.constant 0 : i32
    %dma_start3A_20 = arith.constant 0 : i32
    %dma_start3A_21 = tpu.memref_slice %arg5[%dma_start3A_19, %dma_start3A_20] : memref<600x256xi32, #tpu.memory_space<hbm>> -> memref<600x256xi32, #tpu.memory_space<hbm>>
    tpu.enqueue_indirect_dma source(%dma_start3A_21 : memref<600x256xi32, #tpu.memory_space<hbm>>) target(%arg14 : memref<32x256xi32, #tpu.memory_space<vmem>>) offsets(%dma_start3A_18 : memref<32xi32, #tpu.memory_space<vmem>>) semaphore(%arg18 : memref<!tpu.dma_semaphore, #tpu.memory_space<semaphore_mem>>)
    %scan3A = arith.constant 0 : i32
    %scan3A_22 = arith.constant 0 : i32
    %scan3A_23 = arith.constant 50 : i32
    %scan3A_24 = arith.addi %scan3A_22, %scan3A_23 : i32
    %scan3A_25 = arith.constant 1 : i32
    scf.for %scan3A_34 = %scan3A_22 to %scan3A_24 step %scan3A_25  : i32 {
      %mul3A_35 = arith.constant 4 : i32
      %mul3A_36 = arith.muli %mul3A_35, %scan3A_34 : i32
      %add3A_37 = arith.constant 0 : i32
      %add3A_38 = arith.addi %mul3A_36, %add3A_37 : i32
      %dma_wait3A_39 = arith.constant 0 : i32
      %dma_wait3A_40 = tpu.memref_slice %arg7[%dma_wait3A_39] : memref<6400xi32, #tpu.memory_space<vmem>> -> memref<32xi32, #tpu.memory_space<vmem>>
      %dma_wait3A_41 = arith.constant 0 : i32
      %dma_wait3A_42 = arith.constant 0 : i32
      %dma_wait3A_43 = tpu.memref_slice %arg4[%dma_wait3A_41, %dma_wait3A_42] : memref<32000x512xf32, #tpu.memory_space<hbm>> -> memref<32000x512xf32, #tpu.memory_space<hbm>>
      tpu.wait_indirect_dma semaphore(%arg17 : memref<!tpu.dma_semaphore, #tpu.memory_space<semaphore_mem>>) src(%dma_wait3A_43 : memref<32000x512xf32, #tpu.memory_space<hbm>>) dst(%arg9 : memref<32x512xf32, #tpu.memory_space<vmem>>)
      %dma_wait3A_44 = arith.constant 0 : i32
      %dma_wait3A_45 = tpu.memref_slice %arg8[%dma_wait3A_44] : memref<6400xi32, #tpu.memory_space<vmem>> -> memref<32xi32, #tpu.memory_space<vmem>>
      %dma_wait3A_46 = arith.constant 0 : i32
      %dma_wait3A_47 = arith.constant 0 : i32
      %dma_wait3A_48 = tpu.memref_slice %arg5[%dma_wait3A_46, %dma_wait3A_47] : memref<600x256xi32, #tpu.memory_space<hbm>> -> memref<600x256xi32, #tpu.memory_space<hbm>>
      tpu.wait_indirect_dma semaphore(%arg17 : memref<!tpu.dma_semaphore, #tpu.memory_space<semaphore_mem>>) src(%dma_wait3A_48 : memref<600x256xi32, #tpu.memory_space<hbm>>) dst(%arg13 : memref<32x256xi32, #tpu.memory_space<vmem>>)
      %parallel_loop3A = arith.constant 0 : i32
      %parallel_loop3A_49 = arith.constant 32 : i32
      %parallel_loop3A_50 = arith.constant 1 : i32
      scf.for %parallel_loop3A_182 = %parallel_loop3A to %parallel_loop3A_49 step %parallel_loop3A_50  : i32 {
        %parallel_loop3A_183 = arith.index_cast %parallel_loop3A_182 : i32 to index
        %parallel_loop3A_184 = arith.constant 0 : index
        %parallel_loop3A_185 = tpu.vector_load %arg13[%parallel_loop3A_183, %parallel_loop3A_184] {strides = array<i32>} : memref<32x256xi32, #tpu.memory_space<vmem>>, vector<16xi32>,
        %parallel_loop3A_186 = vector.bitcast %parallel_loop3A_185 : vector<16xi32> to vector<32xbf16>
        %parallel_loop3A_187 = tpu.unpack_subelements %parallel_loop3A_186, 0 {pack_format = #tpu.pack_format<interleaved>} : vector<32xbf16> -> vector<16xf32>
        %parallel_loop3A_188 = tpu.unpack_subelements %parallel_loop3A_186, 1 {pack_format = #tpu.pack_format<interleaved>} : vector<32xbf16> -> vector<16xf32>
        %parallel_loop3A_189 = arith.index_cast %parallel_loop3A_182 : i32 to index
        %parallel_loop3A_190 = arith.constant 0 : index
        %parallel_loop3A_191 = tpu.vector_load %arg9[%parallel_loop3A_189, %parallel_loop3A_190] {strides = array<i32>} : memref<32x512xf32, #tpu.memory_space<vmem>>, vector<16xf32>,
        %parallel_loop3A_192 = arith.addf %parallel_loop3A_191, %parallel_loop3A_187 : vector<16xf32>
        %parallel_loop3A_193 = arith.index_cast %parallel_loop3A_182 : i32 to index
        %parallel_loop3A_194 = arith.constant 0 : index
        %parallel_loop3A_195 = tpu.vector_load %arg9[%parallel_loop3A_193, %parallel_loop3A_194] {strides = array<i32>} : memref<32x512xf32, #tpu.memory_space<vmem>>, vector<16xf32>,
        tpu.vector_store %arg9[%parallel_loop3A_193, %parallel_loop3A_194], %parallel_loop3A_192 {strides = array<i32>} : memref<32x512xf32, #tpu.memory_space<vmem>>, vector<16xf32>,
        %parallel_loop3A_196 = arith.index_cast %parallel_loop3A_182 : i32 to index
        %parallel_loop3A_197 = arith.constant 16 : index
        %parallel_loop3A_198 = tpu.vector_load %arg9[%parallel_loop3A_196, %parallel_loop3A_197] {strides = array<i32>} : memref<32x512xf32, #tpu.memory_space<vmem>>, vector<16xf32>,
        %parallel_loop3A_199 = arith.addf %parallel_loop3A_198, %parallel_loop3A_188 : vector<16xf32>
        %parallel_loop3A_200 = arith.index_cast %parallel_loop3A_182 : i32 to index
        %parallel_loop3A_201 = arith.constant 16 : index
        %parallel_loop3A_202 = tpu.vector_load %arg9[%parallel_loop3A_200, %parallel_loop3A_201] {strides = array<i32>} : memref<32x512xf32, #tpu.memory_space<vmem>>, vector<16xf32>,
        tpu.vector_store %arg9[%parallel_loop3A_200, %parallel_loop3A_201], %parallel_loop3A_199 {strides = array<i32>} : memref<32x512xf32, #tpu.memory_space<vmem>>, vector<16xf32>,
        %parallel_loop3A_203 = arith.index_cast %parallel_loop3A_182 : i32 to index
        %parallel_loop3A_204 = arith.constant 16 : index
        %parallel_loop3A_205 = tpu.vector_load %arg13[%parallel_loop3A_203, %parallel_loop3A_204] {strides = array<i32>} : memref<32x256xi32, #tpu.memory_space<vmem>>, vector<16xi32>,
        %parallel_loop3A_206 = vector.bitcast %parallel_loop3A_205 : vector<16xi32> to vector<32xbf16>
        %parallel_loop3A_207 = tpu.unpack_subelements %parallel_loop3A_206, 0 {pack_format = #tpu.pack_format<interleaved>} : vector<32xbf16> -> vector<16xf32>
        %parallel_loop3A_208 = tpu.unpack_subelements %parallel_loop3A_206, 1 {pack_format = #tpu.pack_format<interleaved>} : vector<32xbf16> -> vector<16xf32>
        %parallel_loop3A_209 = arith.index_cast %parallel_loop3A_182 : i32 to index
        %parallel_loop3A_210 = arith.constant 32 : index
        %parallel_loop3A_211 = tpu.vector_load %arg9[%parallel_loop3A_209, %parallel_loop3A_210] {strides = array<i32>} : memref<32x512xf32, #tpu.memory_space<vmem>>, vector<16xf32>,
        %parallel_loop3A_212 = arith.addf %parallel_loop3A_211, %parallel_loop3A_207 : vector<16xf32>
        %parallel_loop3A_213 = arith.index_cast %parallel_loop3A_182 : i32 to index
        %parallel_loop3A_214 = arith.constant 32 : index
        %parallel_loop3A_215 = tpu.vector_load %arg9[%parallel_loop3A_213, %parallel_loop3A_214] {strides = array<i32>} : memref<32x512xf32, #tpu.memory_space<vmem>>, vector<16xf32>,
        tpu.vector_store %arg9[%parallel_loop3A_213, %parallel_loop3A_214], %parallel_loop3A_212 {strides = array<i32>} : memref<32x512xf32, #tpu.memory_space<vmem>>, vector<16xf32>,
        %parallel_loop3A_216 = arith.index_cast %parallel_loop3A_182 : i32 to index
        %parallel_loop3A_217 = arith.constant 48 : index
        %parallel_loop3A_218 = tpu.vector_load %arg9[%parallel_loop3A_216, %parallel_loop3A_217] {strides = array<i32>} : memref<32x512xf32, #tpu.memory_space<vmem>>, vector<16xf32>,
        %parallel_loop3A_219 = arith.addf %parallel_loop3A_218, %parallel_loop3A_208 : vector<16xf32>
        %parallel_loop3A_220 = arith.index_cast %parallel_loop3A_182 : i32 to index
        %parallel_loop3A_221 = arith.constant 48 : index
        %parallel_loop3A_222 = tpu.vector_load %arg9[%parallel_loop3A_220, %parallel_loop3A_221] {strides = array<i32>} : memref<32x512xf32, #tpu.memory_space<vmem>>, vector<16xf32>,
        tpu.vector_store %arg9[%parallel_loop3A_220, %parallel_loop3A_221], %parallel_loop3A_219 {strides = array<i32>} : memref<32x512xf32, #tpu.memory_space<vmem>>, vector<16xf32>,
        %parallel_loop3A_223 = arith.index_cast %parallel_loop3A_182 : i32 to index
        %parallel_loop3A_224 = arith.constant 32 : index
        %parallel_loop3A_225 = tpu.vector_load %arg13[%parallel_loop3A_223, %parallel_loop3A_224] {strides = array<i32>} : memref<32x256xi32, #tpu.memory_space<vmem>>, vector<16xi32>,
        %parallel_loop3A_226 = vector.bitcast %parallel_loop3A_225 : vector<16xi32> to vector<32xbf16>
        %parallel_loop3A_227 = tpu.unpack_subelements %parallel_loop3A_226, 0 {pack_format = #tpu.pack_format<interleaved>} : vector<32xbf16> -> vector<16xf32>
        %parallel_loop3A_228 = tpu.unpack_subelements %parallel_loop3A_226, 1 {pack_format = #tpu.pack_format<interleaved>} : vector<32xbf16> -> vector<16xf32>
        %parallel_loop3A_229 = arith.index_cast %parallel_loop3A_182 : i32 to index
        %parallel_loop3A_230 = arith.constant 64 : index
        %parallel_loop3A_231 = tpu.vector_load %arg9[%parallel_loop3A_229, %parallel_loop3A_230] {strides = array<i32>} : memref<32x512xf32, #tpu.memory_space<vmem>>, vector<16xf32>,
        %parallel_loop3A_232 = arith.addf %parallel_loop3A_231, %parallel_loop3A_227 : vector<16xf32>
        %parallel_loop3A_233 = arith.index_cast %parallel_loop3A_182 : i32 to index
        %parallel_loop3A_234 = arith.constant 64 : index
        %parallel_loop3A_235 = tpu.vector_load %arg9[%parallel_loop3A_233, %parallel_loop3A_234] {strides = array<i32>} : memref<32x512xf32, #tpu.memory_space<vmem>>, vector<16xf32>,
        tpu.vector_store %arg9[%parallel_loop3A_233, %parallel_loop3A_234], %parallel_loop3A_232 {strides = array<i32>} : memref<32x512xf32, #tpu.memory_space<vmem>>, vector<16xf32>,
        %parallel_loop3A_236 = arith.index_cast %parallel_loop3A_182 : i32 to index
        %parallel_loop3A_237 = arith.constant 80 : index
        %parallel_loop3A_238 = tpu.vector_load %arg9[%parallel_loop3A_236, %parallel_loop3A_237] {strides = array<i32>} : memref<32x512xf32, #tpu.memory_space<vmem>>, vector<16xf32>,
        %parallel_loop3A_239 = arith.addf %parallel_loop3A_238, %parallel_loop3A_228 : vector<16xf32>
        %parallel_loop3A_240 = arith.index_cast %parallel_loop3A_182 : i32 to index
        %parallel_loop3A_241 = arith.constant 80 : index
        %parallel_loop3A_242 = tpu.vector_load %arg9[%parallel_loop3A_240, %parallel_loop3A_241] {strides = array<i32>} : memref<32x512xf32, #tpu.memory_space<vmem>>, vector<16xf32>,
        tpu.vector_store %arg9[%parallel_loop3A_240, %parallel_loop3A_241], %parallel_loop3A_239 {strides = array<i32>} : memref<32x512xf32, #tpu.memory_space<vmem>>, vector<16xf32>,
        %parallel_loop3A_243 = arith.index_cast %parallel_loop3A_182 : i32 to index
        %parallel_loop3A_244 = arith.constant 48 : index
        %parallel_loop3A_245 = tpu.vector_load %arg13[%parallel_loop3A_243, %parallel_loop3A_244] {strides = array<i32>} : memref<32x256xi32, #tpu.memory_space<vmem>>, vector<16xi32>,
        %parallel_loop3A_246 = vector.bitcast %parallel_loop3A_245 : vector<16xi32> to vector<32xbf16>
        %parallel_loop3A_247 = tpu.unpack_subelements %parallel_loop3A_246, 0 {pack_format = #tpu.pack_format<interleaved>} : vector<32xbf16> -> vector<16xf32>
        %parallel_loop3A_248 = tpu.unpack_subelements %parallel_loop3A_246, 1 {pack_format = #tpu.pack_format<interleaved>} : vector<32xbf16> -> vector<16xf32>
        %parallel_loop3A_249 = arith.index_cast %parallel_loop3A_182 : i32 to index
        %parallel_loop3A_250 = arith.constant 96 : index
        %parallel_loop3A_251 = tpu.vector_load %arg9[%parallel_loop3A_249, %parallel_loop3A_250] {strides = array<i32>} : memref<32x512xf32, #tpu.memory_space<vmem>>, vector<16xf32>,
        %parallel_loop3A_252 = arith.addf %parallel_loop3A_251, %parallel_loop3A_247 : vector<16xf32>
        %parallel_loop3A_253 = arith.index_cast %parallel_loop3A_182 : i32 to index
        %parallel_loop3A_254 = arith.constant 96 : index
        %parallel_loop3A_255 = tpu.vector_load %arg9[%parallel_loop3A_253, %parallel_loop3A_254] {strides = array<i32>} : memref<32x512xf32, #tpu.memory_space<vmem>>, vector<16xf32>,
        tpu.vector_store %arg9[%parallel_loop3A_253, %parallel_loop3A_254], %parallel_loop3A_252 {strides = array<i32>} : memref<32x512xf32, #tpu.memory_space<vmem>>, vector<16xf32>,
        %parallel_loop3A_256 = arith.index_cast %parallel_loop3A_182 : i32 to index
        %parallel_loop3A_257 = arith.constant 112 : index
        %parallel_loop3A_258 = tpu.vector_load %arg9[%parallel_loop3A_256, %parallel_loop3A_257] {strides = array<i32>} : memref<32x512xf32, #tpu.memory_space<vmem>>, vector<16xf32>,
        %parallel_loop3A_259 = arith.addf %parallel_loop3A_258, %parallel_loop3A_248 : vector<16xf32>
        %parallel_loop3A_260 = arith.index_cast %parallel_loop3A_182 : i32 to index
        %parallel_loop3A_261 = arith.constant 112 : index
        %parallel_loop3A_262 = tpu.vector_load %arg9[%parallel_loop3A_260, %parallel_loop3A_261] {strides = array<i32>} : memref<32x512xf32, #tpu.memory_space<vmem>>, vector<16xf32>,
        tpu.vector_store %arg9[%parallel_loop3A_260, %parallel_loop3A_261], %parallel_loop3A_259 {strides = array<i32>} : memref<32x512xf32, #tpu.memory_space<vmem>>, vector<16xf32>,
        %parallel_loop3A_263 = arith.index_cast %parallel_loop3A_182 : i32 to index
        %parallel_loop3A_264 = arith.constant 64 : index
        %parallel_loop3A_265 = tpu.vector_load %arg13[%parallel_loop3A_263, %parallel_loop3A_264] {strides = array<i32>} : memref<32x256xi32, #tpu.memory_space<vmem>>, vector<16xi32>,
        %parallel_loop3A_266 = vector.bitcast %parallel_loop3A_265 : vector<16xi32> to vector<32xbf16>
        %parallel_loop3A_267 = tpu.unpack_subelements %parallel_loop3A_266, 0 {pack_format = #tpu.pack_format<interleaved>} : vector<32xbf16> -> vector<16xf32>
        %parallel_loop3A_268 = tpu.unpack_subelements %parallel_loop3A_266, 1 {pack_format = #tpu.pack_format<interleaved>} : vector<32xbf16> -> vector<16xf32>
        %parallel_loop3A_269 = arith.index_cast %parallel_loop3A_182 : i32 to index
        %parallel_loop3A_270 = arith.constant 128 : index
        %parallel_loop3A_271 = tpu.vector_load %arg9[%parallel_loop3A_269, %parallel_loop3A_270] {strides = array<i32>} : memref<32x512xf32, #tpu.memory_space<vmem>>, vector<16xf32>,
        %parallel_loop3A_272 = arith.addf %parallel_loop3A_271, %parallel_loop3A_267 : vector<16xf32>
        %parallel_loop3A_273 = arith.index_cast %parallel_loop3A_182 : i32 to index
        %parallel_loop3A_274 = arith.constant 128 : index
        %parallel_loop3A_275 = tpu.vector_load %arg9[%parallel_loop3A_273, %parallel_loop3A_274] {strides = array<i32>} : memref<32x512xf32, #tpu.memory_space<vmem>>, vector<16xf32>,
        tpu.vector_store %arg9[%parallel_loop3A_273, %parallel_loop3A_274], %parallel_loop3A_272 {strides = array<i32>} : memref<32x512xf32, #tpu.memory_space<vmem>>, vector<16xf32>,
        %parallel_loop3A_276 = arith.index_cast %parallel_loop3A_182 : i32 to index
        %parallel_loop3A_277 = arith.constant 144 : index
        %parallel_loop3A_278 = tpu.vector_load %arg9[%parallel_loop3A_276, %parallel_loop3A_277] {strides = array<i32>} : memref<32x512xf32, #tpu.memory_space<vmem>>, vector<16xf32>,
        %parallel_loop3A_279 = arith.addf %parallel_loop3A_278, %parallel_loop3A_268 : vector<16xf32>
        %parallel_loop3A_280 = arith.index_cast %parallel_loop3A_182 : i32 to index
        %parallel_loop3A_281 = arith.constant 144 : index
        %parallel_loop3A_282 = tpu.vector_load %arg9[%parallel_loop3A_280, %parallel_loop3A_281] {strides = array<i32>} : memref<32x512xf32, #tpu.memory_space<vmem>>, vector<16xf32>,
        tpu.vector_store %arg9[%parallel_loop3A_280, %parallel_loop3A_281], %parallel_loop3A_279 {strides = array<i32>} : memref<32x512xf32, #tpu.memory_space<vmem>>, vector<16xf32>,
        %parallel_loop3A_283 = arith.index_cast %parallel_loop3A_182 : i32 to index
        %parallel_loop3A_284 = arith.constant 80 : index
        %parallel_loop3A_285 = tpu.vector_load %arg13[%parallel_loop3A_283, %parallel_loop3A_284] {strides = array<i32>} : memref<32x256xi32, #tpu.memory_space<vmem>>, vector<16xi32>,
        %parallel_loop3A_286 = vector.bitcast %parallel_loop3A_285 : vector<16xi32> to vector<32xbf16>
        %parallel_loop3A_287 = tpu.unpack_subelements %parallel_loop3A_286, 0 {pack_format = #tpu.pack_format<interleaved>} : vector<32xbf16> -> vector<16xf32>
        %parallel_loop3A_288 = tpu.unpack_subelements %parallel_loop3A_286, 1 {pack_format = #tpu.pack_format<interleaved>} : vector<32xbf16> -> vector<16xf32>
        %parallel_loop3A_289 = arith.index_cast %parallel_loop3A_182 : i32 to index
        %parallel_loop3A_290 = arith.constant 160 : index
        %parallel_loop3A_291 = tpu.vector_load %arg9[%parallel_loop3A_289, %parallel_loop3A_290] {strides = array<i32>} : memref<32x512xf32, #tpu.memory_space<vmem>>, vector<16xf32>,
        %parallel_loop3A_292 = arith.addf %parallel_loop3A_291, %parallel_loop3A_287 : vector<16xf32>
        %parallel_loop3A_293 = arith.index_cast %parallel_loop3A_182 : i32 to index
        %parallel_loop3A_294 = arith.constant 160 : index
        %parallel_loop3A_295 = tpu.vector_load %arg9[%parallel_loop3A_293, %parallel_loop3A_294] {strides = array<i32>} : memref<32x512xf32, #tpu.memory_space<vmem>>, vector<16xf32>,
        tpu.vector_store %arg9[%parallel_loop3A_293, %parallel_loop3A_294], %parallel_loop3A_292 {strides = array<i32>} : memref<32x512xf32, #tpu.memory_space<vmem>>, vector<16xf32>,
        %parallel_loop3A_296 = arith.index_cast %parallel_loop3A_182 : i32 to index
        %parallel_loop3A_297 = arith.constant 176 : index
        %parallel_loop3A_298 = tpu.vector_load %arg9[%parallel_loop3A_296, %parallel_loop3A_297] {strides = array<i32>} : memref<32x512xf32, #tpu.memory_space<vmem>>, vector<16xf32>,
        %parallel_loop3A_299 = arith.addf %parallel_loop3A_298, %parallel_loop3A_288 : vector<16xf32>
        %parallel_loop3A_300 = arith.index_cast %parallel_loop3A_182 : i32 to index
        %parallel_loop3A_301 = arith.constant 176 : index
        %parallel_loop3A_302 = tpu.vector_load %arg9[%parallel_loop3A_300, %parallel_loop3A_301] {strides = array<i32>} : memref<32x512xf32, #tpu.memory_space<vmem>>, vector<16xf32>,
        tpu.vector_store %arg9[%parallel_loop3A_300, %parallel_loop3A_301], %parallel_loop3A_299 {strides = array<i32>} : memref<32x512xf32, #tpu.memory_space<vmem>>, vector<16xf32>,
        %parallel_loop3A_303 = arith.index_cast %parallel_loop3A_182 : i32 to index
        %parallel_loop3A_304 = arith.constant 96 : index
        %parallel_loop3A_305 = tpu.vector_load %arg13[%parallel_loop3A_303, %parallel_loop3A_304] {strides = array<i32>} : memref<32x256xi32, #tpu.memory_space<vmem>>, vector<16xi32>,
        %parallel_loop3A_306 = vector.bitcast %parallel_loop3A_305 : vector<16xi32> to vector<32xbf16>
        %parallel_loop3A_307 = tpu.unpack_subelements %parallel_loop3A_306, 0 {pack_format = #tpu.pack_format<interleaved>} : vector<32xbf16> -> vector<16xf32>
        %parallel_loop3A_308 = tpu.unpack_subelements %parallel_loop3A_306, 1 {pack_format = #tpu.pack_format<interleaved>} : vector<32xbf16> -> vector<16xf32>
        %parallel_loop3A_309 = arith.index_cast %parallel_loop3A_182 : i32 to index
        %parallel_loop3A_310 = arith.constant 192 : index
        %parallel_loop3A_311 = tpu.vector_load %arg9[%parallel_loop3A_309, %parallel_loop3A_310] {strides = array<i32>} : memref<32x512xf32, #tpu.memory_space<vmem>>, vector<16xf32>,
        %parallel_loop3A_312 = arith.addf %parallel_loop3A_311, %parallel_loop3A_307 : vector<16xf32>
        %parallel_loop3A_313 = arith.index_cast %parallel_loop3A_182 : i32 to index
        %parallel_loop3A_314 = arith.constant 192 : index
        %parallel_loop3A_315 = tpu.vector_load %arg9[%parallel_loop3A_313, %parallel_loop3A_314] {strides = array<i32>} : memref<32x512xf32, #tpu.memory_space<vmem>>, vector<16xf32>,
        tpu.vector_store %arg9[%parallel_loop3A_313, %parallel_loop3A_314], %parallel_loop3A_312 {strides = array<i32>} : memref<32x512xf32, #tpu.memory_space<vmem>>, vector<16xf32>,
        %parallel_loop3A_316 = arith.index_cast %parallel_loop3A_182 : i32 to index
        %parallel_loop3A_317 = arith.constant 208 : index
        %parallel_loop3A_318 = tpu.vector_load %arg9[%parallel_loop3A_316, %parallel_loop3A_317] {strides = array<i32>} : memref<32x512xf32, #tpu.memory_space<vmem>>, vector<16xf32>,
        %parallel_loop3A_319 = arith.addf %parallel_loop3A_318, %parallel_loop3A_308 : vector<16xf32>
        %parallel_loop3A_320 = arith.index_cast %parallel_loop3A_182 : i32 to index
        %parallel_loop3A_321 = arith.constant 208 : index
        %parallel_loop3A_322 = tpu.vector_load %arg9[%parallel_loop3A_320, %parallel_loop3A_321] {strides = array<i32>} : memref<32x512xf32, #tpu.memory_space<vmem>>, vector<16xf32>,
        tpu.vector_store %arg9[%parallel_loop3A_320, %parallel_loop3A_321], %parallel_loop3A_319 {strides = array<i32>} : memref<32x512xf32, #tpu.memory_space<vmem>>, vector<16xf32>,
        %parallel_loop3A_323 = arith.index_cast %parallel_loop3A_182 : i32 to index
        %parallel_loop3A_324 = arith.constant 112 : index
        %parallel_loop3A_325 = tpu.vector_load %arg13[%parallel_loop3A_323, %parallel_loop3A_324] {strides = array<i32>} : memref<32x256xi32, #tpu.memory_space<vmem>>, vector<16xi32>,
        %parallel_loop3A_326 = vector.bitcast %parallel_loop3A_325 : vector<16xi32> to vector<32xbf16>
        %parallel_loop3A_327 = tpu.unpack_subelements %parallel_loop3A_326, 0 {pack_format = #tpu.pack_format<interleaved>} : vector<32xbf16> -> vector<16xf32>
        %parallel_loop3A_328 = tpu.unpack_subelements %parallel_loop3A_326, 1 {pack_format = #tpu.pack_format<interleaved>} : vector<32xbf16> -> vector<16xf32>
        %parallel_loop3A_329 = arith.index_cast %parallel_loop3A_182 : i32 to index
        %parallel_loop3A_330 = arith.constant 224 : index
        %parallel_loop3A_331 = tpu.vector_load %arg9[%parallel_loop3A_329, %parallel_loop3A_330] {strides = array<i32>} : memref<32x512xf32, #tpu.memory_space<vmem>>, vector<16xf32>,
        %parallel_loop3A_332 = arith.addf %parallel_loop3A_331, %parallel_loop3A_327 : vector<16xf32>
        %parallel_loop3A_333 = arith.index_cast %parallel_loop3A_182 : i32 to index
        %parallel_loop3A_334 = arith.constant 224 : index
        %parallel_loop3A_335 = tpu.vector_load %arg9[%parallel_loop3A_333, %parallel_loop3A_334] {strides = array<i32>} : memref<32x512xf32, #tpu.memory_space<vmem>>, vector<16xf32>,
        tpu.vector_store %arg9[%parallel_loop3A_333, %parallel_loop3A_334], %parallel_loop3A_332 {strides = array<i32>} : memref<32x512xf32, #tpu.memory_space<vmem>>, vector<16xf32>,
        %parallel_loop3A_336 = arith.index_cast %parallel_loop3A_182 : i32 to index
        %parallel_loop3A_337 = arith.constant 240 : index
        %parallel_loop3A_338 = tpu.vector_load %arg9[%parallel_loop3A_336, %parallel_loop3A_337] {strides = array<i32>} : memref<32x512xf32, #tpu.memory_space<vmem>>, vector<16xf32>,
        %parallel_loop3A_339 = arith.addf %parallel_loop3A_338, %parallel_loop3A_328 : vector<16xf32>
        %parallel_loop3A_340 = arith.index_cast %parallel_loop3A_182 : i32 to index
        %parallel_loop3A_341 = arith.constant 240 : index
        %parallel_loop3A_342 = tpu.vector_load %arg9[%parallel_loop3A_340, %parallel_loop3A_341] {strides = array<i32>} : memref<32x512xf32, #tpu.memory_space<vmem>>, vector<16xf32>,
        tpu.vector_store %arg9[%parallel_loop3A_340, %parallel_loop3A_341], %parallel_loop3A_339 {strides = array<i32>} : memref<32x512xf32, #tpu.memory_space<vmem>>, vector<16xf32>,
        %parallel_loop3A_343 = arith.index_cast %parallel_loop3A_182 : i32 to index
        %parallel_loop3A_344 = arith.constant 128 : index
        %parallel_loop3A_345 = tpu.vector_load %arg13[%parallel_loop3A_343, %parallel_loop3A_344] {strides = array<i32>} : memref<32x256xi32, #tpu.memory_space<vmem>>, vector<16xi32>,
        %parallel_loop3A_346 = vector.bitcast %parallel_loop3A_345 : vector<16xi32> to vector<32xbf16>
        %parallel_loop3A_347 = tpu.unpack_subelements %parallel_loop3A_346, 0 {pack_format = #tpu.pack_format<interleaved>} : vector<32xbf16> -> vector<16xf32>
        %parallel_loop3A_348 = tpu.unpack_subelements %parallel_loop3A_346, 1 {pack_format = #tpu.pack_format<interleaved>} : vector<32xbf16> -> vector<16xf32>
        %parallel_loop3A_349 = arith.index_cast %parallel_loop3A_182 : i32 to index
        %parallel_loop3A_350 = arith.constant 256 : index
        %parallel_loop3A_351 = tpu.vector_load %arg9[%parallel_loop3A_349, %parallel_loop3A_350] {strides = array<i32>} : memref<32x512xf32, #tpu.memory_space<vmem>>, vector<16xf32>,
        %parallel_loop3A_352 = arith.addf %parallel_loop3A_351, %parallel_loop3A_347 : vector<16xf32>
        %parallel_loop3A_353 = arith.index_cast %parallel_loop3A_182 : i32 to index
        %parallel_loop3A_354 = arith.constant 256 : index
        %parallel_loop3A_355 = tpu.vector_load %arg9[%parallel_loop3A_353, %parallel_loop3A_354] {strides = array<i32>} : memref<32x512xf32, #tpu.memory_space<vmem>>, vector<16xf32>,
        tpu.vector_store %arg9[%parallel_loop3A_353, %parallel_loop3A_354], %parallel_loop3A_352 {strides = array<i32>} : memref<32x512xf32, #tpu.memory_space<vmem>>, vector<16xf32>,
        %parallel_loop3A_356 = arith.index_cast %parallel_loop3A_182 : i32 to index
        %parallel_loop3A_357 = arith.constant 272 : index
        %parallel_loop3A_358 = tpu.vector_load %arg9[%parallel_loop3A_356, %parallel_loop3A_357] {strides = array<i32>} : memref<32x512xf32, #tpu.memory_space<vmem>>, vector<16xf32>,
        %parallel_loop3A_359 = arith.addf %parallel_loop3A_358, %parallel_loop3A_348 : vector<16xf32>
        %parallel_loop3A_360 = arith.index_cast %parallel_loop3A_182 : i32 to index
        %parallel_loop3A_361 = arith.constant 272 : index
        %parallel_loop3A_362 = tpu.vector_load %arg9[%parallel_loop3A_360, %parallel_loop3A_361] {strides = array<i32>} : memref<32x512xf32, #tpu.memory_space<vmem>>, vector<16xf32>,
        tpu.vector_store %arg9[%parallel_loop3A_360, %parallel_loop3A_361], %parallel_loop3A_359 {strides = array<i32>} : memref<32x512xf32, #tpu.memory_space<vmem>>, vector<16xf32>,
        %parallel_loop3A_363 = arith.index_cast %parallel_loop3A_182 : i32 to index
        %parallel_loop3A_364 = arith.constant 144 : index
        %parallel_loop3A_365 = tpu.vector_load %arg13[%parallel_loop3A_363, %parallel_loop3A_364] {strides = array<i32>} : memref<32x256xi32, #tpu.memory_space<vmem>>, vector<16xi32>,
        %parallel_loop3A_366 = vector.bitcast %parallel_loop3A_365 : vector<16xi32> to vector<32xbf16>
        %parallel_loop3A_367 = tpu.unpack_subelements %parallel_loop3A_366, 0 {pack_format = #tpu.pack_format<interleaved>} : vector<32xbf16> -> vector<16xf32>
        %parallel_loop3A_368 = tpu.unpack_subelements %parallel_loop3A_366, 1 {pack_format = #tpu.pack_format<interleaved>} : vector<32xbf16> -> vector<16xf32>
        %parallel_loop3A_369 = arith.index_cast %parallel_loop3A_182 : i32 to index
        %parallel_loop3A_370 = arith.constant 288 : index
        %parallel_loop3A_371 = tpu.vector_load %arg9[%parallel_loop3A_369, %parallel_loop3A_370] {strides = array<i32>} : memref<32x512xf32, #tpu.memory_space<vmem>>, vector<16xf32>,
        %parallel_loop3A_372 = arith.addf %parallel_loop3A_371, %parallel_loop3A_367 : vector<16xf32>
        %parallel_loop3A_373 = arith.index_cast %parallel_loop3A_182 : i32 to index
        %parallel_loop3A_374 = arith.constant 288 : index
        %parallel_loop3A_375 = tpu.vector_load %arg9[%parallel_loop3A_373, %parallel_loop3A_374] {strides = array<i32>} : memref<32x512xf32, #tpu.memory_space<vmem>>, vector<16xf32>,
        tpu.vector_store %arg9[%parallel_loop3A_373, %parallel_loop3A_374], %parallel_loop3A_372 {strides = array<i32>} : memref<32x512xf32, #tpu.memory_space<vmem>>, vector<16xf32>,
        %parallel_loop3A_376 = arith.index_cast %parallel_loop3A_182 : i32 to index
        %parallel_loop3A_377 = arith.constant 304 : index
        %parallel_loop3A_378 = tpu.vector_load %arg9[%parallel_loop3A_376, %parallel_loop3A_377] {strides = array<i32>} : memref<32x512xf32, #tpu.memory_space<vmem>>, vector<16xf32>,
        %parallel_loop3A_379 = arith.addf %parallel_loop3A_378, %parallel_loop3A_368 : vector<16xf32>
        %parallel_loop3A_380 = arith.index_cast %parallel_loop3A_182 : i32 to index
        %parallel_loop3A_381 = arith.constant 304 : index
        %parallel_loop3A_382 = tpu.vector_load %arg9[%parallel_loop3A_380, %parallel_loop3A_381] {strides = array<i32>} : memref<32x512xf32, #tpu.memory_space<vmem>>, vector<16xf32>,
        tpu.vector_store %arg9[%parallel_loop3A_380, %parallel_loop3A_381], %parallel_loop3A_379 {strides = array<i32>} : memref<32x512xf32, #tpu.memory_space<vmem>>, vector<16xf32>,
        %parallel_loop3A_383 = arith.index_cast %parallel_loop3A_182 : i32 to index
        %parallel_loop3A_384 = arith.constant 160 : index
        %parallel_loop3A_385 = tpu.vector_load %arg13[%parallel_loop3A_383, %parallel_loop3A_384] {strides = array<i32>} : memref<32x256xi32, #tpu.memory_space<vmem>>, vector<16xi32>,
        %parallel_loop3A_386 = vector.bitcast %parallel_loop3A_385 : vector<16xi32> to vector<32xbf16>
        %parallel_loop3A_387 = tpu.unpack_subelements %parallel_loop3A_386, 0 {pack_format = #tpu.pack_format<interleaved>} : vector<32xbf16> -> vector<16xf32>
        %parallel_loop3A_388 = tpu.unpack_subelements %parallel_loop3A_386, 1 {pack_format = #tpu.pack_format<interleaved>} : vector<32xbf16> -> vector<16xf32>
        %parallel_loop3A_389 = arith.index_cast %parallel_loop3A_182 : i32 to index
        %parallel_loop3A_390 = arith.constant 320 : index
        %parallel_loop3A_391 = tpu.vector_load %arg9[%parallel_loop3A_389, %parallel_loop3A_390] {strides = array<i32>} : memref<32x512xf32, #tpu.memory_space<vmem>>, vector<16xf32>,
        %parallel_loop3A_392 = arith.addf %parallel_loop3A_391, %parallel_loop3A_387 : vector<16xf32>
        %parallel_loop3A_393 = arith.index_cast %parallel_loop3A_182 : i32 to index
        %parallel_loop3A_394 = arith.constant 320 : index
        %parallel_loop3A_395 = tpu.vector_load %arg9[%parallel_loop3A_393, %parallel_loop3A_394] {strides = array<i32>} : memref<32x512xf32, #tpu.memory_space<vmem>>, vector<16xf32>,
        tpu.vector_store %arg9[%parallel_loop3A_393, %parallel_loop3A_394], %parallel_loop3A_392 {strides = array<i32>} : memref<32x512xf32, #tpu.memory_space<vmem>>, vector<16xf32>,
        %parallel_loop3A_396 = arith.index_cast %parallel_loop3A_182 : i32 to index
        %parallel_loop3A_397 = arith.constant 336 : index
        %parallel_loop3A_398 = tpu.vector_load %arg9[%parallel_loop3A_396, %parallel_loop3A_397] {strides = array<i32>} : memref<32x512xf32, #tpu.memory_space<vmem>>, vector<16xf32>,
        %parallel_loop3A_399 = arith.addf %parallel_loop3A_398, %parallel_loop3A_388 : vector<16xf32>
        %parallel_loop3A_400 = arith.index_cast %parallel_loop3A_182 : i32 to index
        %parallel_loop3A_401 = arith.constant 336 : index
        %parallel_loop3A_402 = tpu.vector_load %arg9[%parallel_loop3A_400, %parallel_loop3A_401] {strides = array<i32>} : memref<32x512xf32, #tpu.memory_space<vmem>>, vector<16xf32>,
        tpu.vector_store %arg9[%parallel_loop3A_400, %parallel_loop3A_401], %parallel_loop3A_399 {strides = array<i32>} : memref<32x512xf32, #tpu.memory_space<vmem>>, vector<16xf32>,
        %parallel_loop3A_403 = arith.index_cast %parallel_loop3A_182 : i32 to index
        %parallel_loop3A_404 = arith.constant 176 : index
        %parallel_loop3A_405 = tpu.vector_load %arg13[%parallel_loop3A_403, %parallel_loop3A_404] {strides = array<i32>} : memref<32x256xi32, #tpu.memory_space<vmem>>, vector<16xi32>,
        %parallel_loop3A_406 = vector.bitcast %parallel_loop3A_405 : vector<16xi32> to vector<32xbf16>
        %parallel_loop3A_407 = tpu.unpack_subelements %parallel_loop3A_406, 0 {pack_format = #tpu.pack_format<interleaved>} : vector<32xbf16> -> vector<16xf32>
        %parallel_loop3A_408 = tpu.unpack_subelements %parallel_loop3A_406, 1 {pack_format = #tpu.pack_format<interleaved>} : vector<32xbf16> -> vector<16xf32>
        %parallel_loop3A_409 = arith.index_cast %parallel_loop3A_182 : i32 to index
        %parallel_loop3A_410 = arith.constant 352 : index
        %parallel_loop3A_411 = tpu.vector_load %arg9[%parallel_loop3A_409, %parallel_loop3A_410] {strides = array<i32>} : memref<32x512xf32, #tpu.memory_space<vmem>>, vector<16xf32>,
        %parallel_loop3A_412 = arith.addf %parallel_loop3A_411, %parallel_loop3A_407 : vector<16xf32>
        %parallel_loop3A_413 = arith.index_cast %parallel_loop3A_182 : i32 to index
        %parallel_loop3A_414 = arith.constant 352 : index
        %parallel_loop3A_415 = tpu.vector_load %arg9[%parallel_loop3A_413, %parallel_loop3A_414] {strides = array<i32>} : memref<32x512xf32, #tpu.memory_space<vmem>>, vector<16xf32>,
        tpu.vector_store %arg9[%parallel_loop3A_413, %parallel_loop3A_414], %parallel_loop3A_412 {strides = array<i32>} : memref<32x512xf32, #tpu.memory_space<vmem>>, vector<16xf32>,
        %parallel_loop3A_416 = arith.index_cast %parallel_loop3A_182 : i32 to index
        %parallel_loop3A_417 = arith.constant 368 : index
        %parallel_loop3A_418 = tpu.vector_load %arg9[%parallel_loop3A_416, %parallel_loop3A_417] {strides = array<i32>} : memref<32x512xf32, #tpu.memory_space<vmem>>, vector<16xf32>,
        %parallel_loop3A_419 = arith.addf %parallel_loop3A_418, %parallel_loop3A_408 : vector<16xf32>
        %parallel_loop3A_420 = arith.index_cast %parallel_loop3A_182 : i32 to index
        %parallel_loop3A_421 = arith.constant 368 : index
        %parallel_loop3A_422 = tpu.vector_load %arg9[%parallel_loop3A_420, %parallel_loop3A_421] {strides = array<i32>} : memref<32x512xf32, #tpu.memory_space<vmem>>, vector<16xf32>,
        tpu.vector_store %arg9[%parallel_loop3A_420, %parallel_loop3A_421], %parallel_loop3A_419 {strides = array<i32>} : memref<32x512xf32, #tpu.memory_space<vmem>>, vector<16xf32>,
        %parallel_loop3A_423 = arith.index_cast %parallel_loop3A_182 : i32 to index
        %parallel_loop3A_424 = arith.constant 192 : index
        %parallel_loop3A_425 = tpu.vector_load %arg13[%parallel_loop3A_423, %parallel_loop3A_424] {strides = array<i32>} : memref<32x256xi32, #tpu.memory_space<vmem>>, vector<16xi32>,
        %parallel_loop3A_426 = vector.bitcast %parallel_loop3A_425 : vector<16xi32> to vector<32xbf16>
        %parallel_loop3A_427 = tpu.unpack_subelements %parallel_loop3A_426, 0 {pack_format = #tpu.pack_format<interleaved>} : vector<32xbf16> -> vector<16xf32>
        %parallel_loop3A_428 = tpu.unpack_subelements %parallel_loop3A_426, 1 {pack_format = #tpu.pack_format<interleaved>} : vector<32xbf16> -> vector<16xf32>
        %parallel_loop3A_429 = arith.index_cast %parallel_loop3A_182 : i32 to index
        %parallel_loop3A_430 = arith.constant 384 : index
        %parallel_loop3A_431 = tpu.vector_load %arg9[%parallel_loop3A_429, %parallel_loop3A_430] {strides = array<i32>} : memref<32x512xf32, #tpu.memory_space<vmem>>, vector<16xf32>,
        %parallel_loop3A_432 = arith.addf %parallel_loop3A_431, %parallel_loop3A_427 : vector<16xf32>
        %parallel_loop3A_433 = arith.index_cast %parallel_loop3A_182 : i32 to index
        %parallel_loop3A_434 = arith.constant 384 : index
        %parallel_loop3A_435 = tpu.vector_load %arg9[%parallel_loop3A_433, %parallel_loop3A_434] {strides = array<i32>} : memref<32x512xf32, #tpu.memory_space<vmem>>, vector<16xf32>,
        tpu.vector_store %arg9[%parallel_loop3A_433, %parallel_loop3A_434], %parallel_loop3A_432 {strides = array<i32>} : memref<32x512xf32, #tpu.memory_space<vmem>>, vector<16xf32>,
        %parallel_loop3A_436 = arith.index_cast %parallel_loop3A_182 : i32 to index
        %parallel_loop3A_437 = arith.constant 400 : index
        %parallel_loop3A_438 = tpu.vector_load %arg9[%parallel_loop3A_436, %parallel_loop3A_437] {strides = array<i32>} : memref<32x512xf32, #tpu.memory_space<vmem>>, vector<16xf32>,
        %parallel_loop3A_439 = arith.addf %parallel_loop3A_438, %parallel_loop3A_428 : vector<16xf32>
        %parallel_loop3A_440 = arith.index_cast %parallel_loop3A_182 : i32 to index
        %parallel_loop3A_441 = arith.constant 400 : index
        %parallel_loop3A_442 = tpu.vector_load %arg9[%parallel_loop3A_440, %parallel_loop3A_441] {strides = array<i32>} : memref<32x512xf32, #tpu.memory_space<vmem>>, vector<16xf32>,
        tpu.vector_store %arg9[%parallel_loop3A_440, %parallel_loop3A_441], %parallel_loop3A_439 {strides = array<i32>} : memref<32x512xf32, #tpu.memory_space<vmem>>, vector<16xf32>,
        %parallel_loop3A_443 = arith.index_cast %parallel_loop3A_182 : i32 to index
        %parallel_loop3A_444 = arith.constant 208 : index
        %parallel_loop3A_445 = tpu.vector_load %arg13[%parallel_loop3A_443, %parallel_loop3A_444] {strides = array<i32>} : memref<32x256xi32, #tpu.memory_space<vmem>>, vector<16xi32>,
        %parallel_loop3A_446 = vector.bitcast %parallel_loop3A_445 : vector<16xi32> to vector<32xbf16>
        %parallel_loop3A_447 = tpu.unpack_subelements %parallel_loop3A_446, 0 {pack_format = #tpu.pack_format<interleaved>} : vector<32xbf16> -> vector<16xf32>
        %parallel_loop3A_448 = tpu.unpack_subelements %parallel_loop3A_446, 1 {pack_format = #tpu.pack_format<interleaved>} : vector<32xbf16> -> vector<16xf32>
        %parallel_loop3A_449 = arith.index_cast %parallel_loop3A_182 : i32 to index
        %parallel_loop3A_450 = arith.constant 416 : index
        %parallel_loop3A_451 = tpu.vector_load %arg9[%parallel_loop3A_449, %parallel_loop3A_450] {strides = array<i32>} : memref<32x512xf32, #tpu.memory_space<vmem>>, vector<16xf32>,
        %parallel_loop3A_452 = arith.addf %parallel_loop3A_451, %parallel_loop3A_447 : vector<16xf32>
        %parallel_loop3A_453 = arith.index_cast %parallel_loop3A_182 : i32 to index
        %parallel_loop3A_454 = arith.constant 416 : index
        %parallel_loop3A_455 = tpu.vector_load %arg9[%parallel_loop3A_453, %parallel_loop3A_454] {strides = array<i32>} : memref<32x512xf32, #tpu.memory_space<vmem>>, vector<16xf32>,
        tpu.vector_store %arg9[%parallel_loop3A_453, %parallel_loop3A_454], %parallel_loop3A_452 {strides = array<i32>} : memref<32x512xf32, #tpu.memory_space<vmem>>, vector<16xf32>,
        %parallel_loop3A_456 = arith.index_cast %parallel_loop3A_182 : i32 to index
        %parallel_loop3A_457 = arith.constant 432 : index
        %parallel_loop3A_458 = tpu.vector_load %arg9[%parallel_loop3A_456, %parallel_loop3A_457] {strides = array<i32>} : memref<32x512xf32, #tpu.memory_space<vmem>>, vector<16xf32>,
        %parallel_loop3A_459 = arith.addf %parallel_loop3A_458, %parallel_loop3A_448 : vector<16xf32>
        %parallel_loop3A_460 = arith.index_cast %parallel_loop3A_182 : i32 to index
        %parallel_loop3A_461 = arith.constant 432 : index
        %parallel_loop3A_462 = tpu.vector_load %arg9[%parallel_loop3A_460, %parallel_loop3A_461] {strides = array<i32>} : memref<32x512xf32, #tpu.memory_space<vmem>>, vector<16xf32>,
        tpu.vector_store %arg9[%parallel_loop3A_460, %parallel_loop3A_461], %parallel_loop3A_459 {strides = array<i32>} : memref<32x512xf32, #tpu.memory_space<vmem>>, vector<16xf32>,
        %parallel_loop3A_463 = arith.index_cast %parallel_loop3A_182 : i32 to index
        %parallel_loop3A_464 = arith.constant 224 : index
        %parallel_loop3A_465 = tpu.vector_load %arg13[%parallel_loop3A_463, %parallel_loop3A_464] {strides = array<i32>} : memref<32x256xi32, #tpu.memory_space<vmem>>, vector<16xi32>,
        %parallel_loop3A_466 = vector.bitcast %parallel_loop3A_465 : vector<16xi32> to vector<32xbf16>
        %parallel_loop3A_467 = tpu.unpack_subelements %parallel_loop3A_466, 0 {pack_format = #tpu.pack_format<interleaved>} : vector<32xbf16> -> vector<16xf32>
        %parallel_loop3A_468 = tpu.unpack_subelements %parallel_loop3A_466, 1 {pack_format = #tpu.pack_format<interleaved>} : vector<32xbf16> -> vector<16xf32>
        %parallel_loop3A_469 = arith.index_cast %parallel_loop3A_182 : i32 to index
        %parallel_loop3A_470 = arith.constant 448 : index
        %parallel_loop3A_471 = tpu.vector_load %arg9[%parallel_loop3A_469, %parallel_loop3A_470] {strides = array<i32>} : memref<32x512xf32, #tpu.memory_space<vmem>>, vector<16xf32>,
        %parallel_loop3A_472 = arith.addf %parallel_loop3A_471, %parallel_loop3A_467 : vector<16xf32>
        %parallel_loop3A_473 = arith.index_cast %parallel_loop3A_182 : i32 to index
        %parallel_loop3A_474 = arith.constant 448 : index
        %parallel_loop3A_475 = tpu.vector_load %arg9[%parallel_loop3A_473, %parallel_loop3A_474] {strides = array<i32>} : memref<32x512xf32, #tpu.memory_space<vmem>>, vector<16xf32>,
        tpu.vector_store %arg9[%parallel_loop3A_473, %parallel_loop3A_474], %parallel_loop3A_472 {strides = array<i32>} : memref<32x512xf32, #tpu.memory_space<vmem>>, vector<16xf32>,
        %parallel_loop3A_476 = arith.index_cast %parallel_loop3A_182 : i32 to index
        %parallel_loop3A_477 = arith.constant 464 : index
        %parallel_loop3A_478 = tpu.vector_load %arg9[%parallel_loop3A_476, %parallel_loop3A_477] {strides = array<i32>} : memref<32x512xf32, #tpu.memory_space<vmem>>, vector<16xf32>,
        %parallel_loop3A_479 = arith.addf %parallel_loop3A_478, %parallel_loop3A_468 : vector<16xf32>
        %parallel_loop3A_480 = arith.index_cast %parallel_loop3A_182 : i32 to index
        %parallel_loop3A_481 = arith.constant 464 : index
        %parallel_loop3A_482 = tpu.vector_load %arg9[%parallel_loop3A_480, %parallel_loop3A_481] {strides = array<i32>} : memref<32x512xf32, #tpu.memory_space<vmem>>, vector<16xf32>,
        tpu.vector_store %arg9[%parallel_loop3A_480, %parallel_loop3A_481], %parallel_loop3A_479 {strides = array<i32>} : memref<32x512xf32, #tpu.memory_space<vmem>>, vector<16xf32>,
        %parallel_loop3A_483 = arith.index_cast %parallel_loop3A_182 : i32 to index
        %parallel_loop3A_484 = arith.constant 240 : index
        %parallel_loop3A_485 = tpu.vector_load %arg13[%parallel_loop3A_483, %parallel_loop3A_484] {strides = array<i32>} : memref<32x256xi32, #tpu.memory_space<vmem>>, vector<16xi32>,
        %parallel_loop3A_486 = vector.bitcast %parallel_loop3A_485 : vector<16xi32> to vector<32xbf16>
        %parallel_loop3A_487 = tpu.unpack_subelements %parallel_loop3A_486, 0 {pack_format = #tpu.pack_format<interleaved>} : vector<32xbf16> -> vector<16xf32>
        %parallel_loop3A_488 = tpu.unpack_subelements %parallel_loop3A_486, 1 {pack_format = #tpu.pack_format<interleaved>} : vector<32xbf16> -> vector<16xf32>
        %parallel_loop3A_489 = arith.index_cast %parallel_loop3A_182 : i32 to index
        %parallel_loop3A_490 = arith.constant 480 : index
        %parallel_loop3A_491 = tpu.vector_load %arg9[%parallel_loop3A_489, %parallel_loop3A_490] {strides = array<i32>} : memref<32x512xf32, #tpu.memory_space<vmem>>, vector<16xf32>,
        %parallel_loop3A_492 = arith.addf %parallel_loop3A_491, %parallel_loop3A_487 : vector<16xf32>
        %parallel_loop3A_493 = arith.index_cast %parallel_loop3A_182 : i32 to index
        %parallel_loop3A_494 = arith.constant 480 : index
        %parallel_loop3A_495 = tpu.vector_load %arg9[%parallel_loop3A_493, %parallel_loop3A_494] {strides = array<i32>} : memref<32x512xf32, #tpu.memory_space<vmem>>, vector<16xf32>,
        tpu.vector_store %arg9[%parallel_loop3A_493, %parallel_loop3A_494], %parallel_loop3A_492 {strides = array<i32>} : memref<32x512xf32, #tpu.memory_space<vmem>>, vector<16xf32>,
        %parallel_loop3A_496 = arith.index_cast %parallel_loop3A_182 : i32 to index
        %parallel_loop3A_497 = arith.constant 496 : index
        %parallel_loop3A_498 = tpu.vector_load %arg9[%parallel_loop3A_496, %parallel_loop3A_497] {strides = array<i32>} : memref<32x512xf32, #tpu.memory_space<vmem>>, vector<16xf32>,
        %parallel_loop3A_499 = arith.addf %parallel_loop3A_498, %parallel_loop3A_488 : vector<16xf32>
        %parallel_loop3A_500 = arith.index_cast %parallel_loop3A_182 : i32 to index
        %parallel_loop3A_501 = arith.constant 496 : index
        %parallel_loop3A_502 = tpu.vector_load %arg9[%parallel_loop3A_500, %parallel_loop3A_501] {strides = array<i32>} : memref<32x512xf32, #tpu.memory_space<vmem>>, vector<16xf32>,
        tpu.vector_store %arg9[%parallel_loop3A_500, %parallel_loop3A_501], %parallel_loop3A_499 {strides = array<i32>} : memref<32x512xf32, #tpu.memory_space<vmem>>, vector<16xf32>,
      } {sc.loop_unroll_factor = 2 : i64, sc.parallel_access}
      %mul3A_51 = arith.constant 32 : i32
      %mul3A_52 = arith.muli %add3A_38, %mul3A_51 : i32
      %add3A_53 = arith.addi %mul3A_2, %mul3A_52 : i32
      %dma_start3A_54 = arith.constant 0 : i32
      %dma_start3A_55 = tpu.memref_slice %arg6[%add3A_53, %dma_start3A_54] : memref<204800x512xf32, #tpu.memory_space<hbm>> -> memref<32x512xf32, #tpu.memory_space<hbm>>
      %dma_start3A_56 = arith.constant 0 : i32
      %dma_start3A_57 = tpu.memref_slice %arg6[%add3A_53, %dma_start3A_56] : memref<204800x512xf32, #tpu.memory_space<hbm>> -> memref<32x512xf32, #tpu.memory_space<hbm>>
      tpu.enqueue_dma source(%arg9 : memref<32x512xf32, #tpu.memory_space<vmem>>) target(%dma_start3A_57 : memref<32x512xf32, #tpu.memory_space<hbm>>) target_semaphore(%arg21 : memref<!tpu.dma_semaphore, #tpu.memory_space<semaphore_mem>>)
      %ge3A = arith.constant 1 : i32
      %ge3A_58 = arith.cmpi sge, %scan3A_34, %ge3A : i32
      %convert_element_type3A = arith.extui %ge3A_58 : i1 to i32
      %cond3A = arith.constant 0 : i32
      %cond3A_59 = arith.cmpi ne, %convert_element_type3A, %cond3A : i32
      scf.if %cond3A_59 {
        %dma_wait3A_182 = arith.constant 0 : i32
        %dma_wait3A_183 = tpu.memref_slice %arg6[%mul3A_2, %dma_wait3A_182] : memref<204800x512xf32, #tpu.memory_space<hbm>> -> memref<32x512xf32, #tpu.memory_space<hbm>>
        %dma_wait3A_184 = arith.constant 0 : i32
        %dma_wait3A_185 = tpu.memref_slice %arg6[%mul3A_2, %dma_wait3A_184] : memref<204800x512xf32, #tpu.memory_space<hbm>> -> memref<32x512xf32, #tpu.memory_space<hbm>>
        tpu.wait_dma2 semaphore(%arg23 : memref<!tpu.dma_semaphore, #tpu.memory_space<semaphore_mem>>) src(%arg11 : memref<32x512xf32, #tpu.memory_space<vmem>>) dst(%dma_wait3A_185 : memref<32x512xf32, #tpu.memory_space<hbm>>)
      } else {
      }
      %add3A_60 = arith.constant 2 : i32
      %add3A_61 = arith.addi %add3A_38, %add3A_60 : i32
      %mul3A_62 = arith.constant 32 : i32
      %mul3A_63 = arith.muli %add3A_61, %mul3A_62 : i32
      %mul3A_64 = arith.constant 32 : i32
      %mul3A_65 = arith.muli %add3A_61, %mul3A_64 : i32
      %dma_start3A_66 = tpu.memref_slice %arg7[%mul3A_63] : memref<6400xi32, #tpu.memory_space<vmem>> -> memref<32xi32, #tpu.memory_space<vmem>>
      %dma_start3A_67 = arith.constant 0 : i32
      %dma_start3A_68 = arith.constant 0 : i32
      %dma_start3A_69 = tpu.memref_slice %arg4[%dma_start3A_67, %dma_start3A_68] : memref<32000x512xf32, #tpu.memory_space<hbm>> -> memref<32000x512xf32, #tpu.memory_space<hbm>>
      tpu.enqueue_indirect_dma source(%dma_start3A_69 : memref<32000x512xf32, #tpu.memory_space<hbm>>) target(%arg11 : memref<32x512xf32, #tpu.memory_space<vmem>>) offsets(%dma_start3A_66 : memref<32xi32, #tpu.memory_space<vmem>>) semaphore(%arg19 : memref<!tpu.dma_semaphore, #tpu.memory_space<semaphore_mem>>)
      %dma_start3A_70 = tpu.memref_slice %arg8[%mul3A_65] : memref<6400xi32, #tpu.memory_space<vmem>> -> memref<32xi32, #tpu.memory_space<vmem>>
      %dma_start3A_71 = arith.constant 0 : i32
      %dma_start3A_72 = arith.constant 0 : i32
      %dma_start3A_73 = tpu.memref_slice %arg5[%dma_start3A_71, %dma_start3A_72] : memref<600x256xi32, #tpu.memory_space<hbm>> -> memref<600x256xi32, #tpu.memory_space<hbm>>
      tpu.enqueue_indirect_dma source(%dma_start3A_73 : memref<600x256xi32, #tpu.memory_space<hbm>>) target(%arg15 : memref<32x256xi32, #tpu.memory_space<vmem>>) offsets(%dma_start3A_70 : memref<32xi32, #tpu.memory_space<vmem>>) semaphore(%arg19 : memref<!tpu.dma_semaphore, #tpu.memory_space<semaphore_mem>>)
      %mul3A_74 = arith.constant 4 : i32
      %mul3A_75 = arith.muli %mul3A_74, %scan3A_34 : i32
      %add3A_76 = arith.constant 1 : i32
      %add3A_77 = arith.addi %mul3A_75, %add3A_76 : i32
      %dma_wait3A_78 = arith.constant 0 : i32
      %dma_wait3A_79 = tpu.memref_slice %arg7[%dma_wait3A_78] : memref<6400xi32, #tpu.memory_space<vmem>> -> memref<32xi32, #tpu.memory_space<vmem>>
      %dma_wait3A_80 = arith.constant 0 : i32
      %dma_wait3A_81 = arith.constant 0 : i32
      %dma_wait3A_82 = tpu.memref_slice %arg4[%dma_wait3A_80, %dma_wait3A_81] : memref<32000x512xf32, #tpu.memory_space<hbm>> -> memref<32000x512xf32, #tpu.memory_space<hbm>>
      tpu.wait_indirect_dma semaphore(%arg18 : memref<!tpu.dma_semaphore, #tpu.memory_space<semaphore_mem>>) src(%dma_wait3A_82 : memref<32000x512xf32, #tpu.memory_space<hbm>>) dst(%arg10 : memref<32x512xf32, #tpu.memory_space<vmem>>)
      %dma_wait3A_83 = arith.constant 0 : i32
      %dma_wait3A_84 = tpu.memref_slice %arg8[%dma_wait3A_83] : memref<6400xi32, #tpu.memory_space<vmem>> -> memref<32xi32, #tpu.memory_space<vmem>>
      %dma_wait3A_85 = arith.constant 0 : i32
      %dma_wait3A_86 = arith.constant 0 : i32
      %dma_wait3A_87 = tpu.memref_slice %arg5[%dma_wait3A_85, %dma_wait3A_86] : memref<600x256xi32, #tpu.memory_space<hbm>> -> memref<600x256xi32, #tpu.memory_space<hbm>>
      tpu.wait_indirect_dma semaphore(%arg18 : memref<!tpu.dma_semaphore, #tpu.memory_space<semaphore_mem>>) src(%dma_wait3A_87 : memref<600x256xi32, #tpu.memory_space<hbm>>) dst(%arg14 : memref<32x256xi32, #tpu.memory_space<vmem>>)
      %parallel_loop3A_88 = arith.constant 0 : i32
      %parallel_loop3A_89 = arith.constant 32 : i32
      %parallel_loop3A_90 = arith.constant 1 : i32
      scf.for %parallel_loop3A_182 = %parallel_loop3A_88 to %parallel_loop3A_89 step %parallel_loop3A_90  : i32 {
        %parallel_loop3A_183 = arith.index_cast %parallel_loop3A_182 : i32 to index
        %parallel_loop3A_184 = arith.constant 0 : index
        %parallel_loop3A_185 = tpu.vector_load %arg14[%parallel_loop3A_183, %parallel_loop3A_184] {strides = array<i32>} : memref<32x256xi32, #tpu.memory_space<vmem>>, vector<16xi32>,
        %parallel_loop3A_186 = vector.bitcast %parallel_loop3A_185 : vector<16xi32> to vector<32xbf16>
        %parallel_loop3A_187 = tpu.unpack_subelements %parallel_loop3A_186, 0 {pack_format = #tpu.pack_format<interleaved>} : vector<32xbf16> -> vector<16xf32>
        %parallel_loop3A_188 = tpu.unpack_subelements %parallel_loop3A_186, 1 {pack_format = #tpu.pack_format<interleaved>} : vector<32xbf16> -> vector<16xf32>
        %parallel_loop3A_189 = arith.index_cast %parallel_loop3A_182 : i32 to index
        %parallel_loop3A_190 = arith.constant 0 : index
        %parallel_loop3A_191 = tpu.vector_load %arg10[%parallel_loop3A_189, %parallel_loop3A_190] {strides = array<i32>} : memref<32x512xf32, #tpu.memory_space<vmem>>, vector<16xf32>,
        %parallel_loop3A_192 = arith.addf %parallel_loop3A_191, %parallel_loop3A_187 : vector<16xf32>
        %parallel_loop3A_193 = arith.index_cast %parallel_loop3A_182 : i32 to index
        %parallel_loop3A_194 = arith.constant 0 : index
        %parallel_loop3A_195 = tpu.vector_load %arg10[%parallel_loop3A_193, %parallel_loop3A_194] {strides = array<i32>} : memref<32x512xf32, #tpu.memory_space<vmem>>, vector<16xf32>,
        tpu.vector_store %arg10[%parallel_loop3A_193, %parallel_loop3A_194], %parallel_loop3A_192 {strides = array<i32>} : memref<32x512xf32, #tpu.memory_space<vmem>>, vector<16xf32>,
        %parallel_loop3A_196 = arith.index_cast %parallel_loop3A_182 : i32 to index
        %parallel_loop3A_197 = arith.constant 16 : index
        %parallel_loop3A_198 = tpu.vector_load %arg10[%parallel_loop3A_196, %parallel_loop3A_197] {strides = array<i32>} : memref<32x512xf32, #tpu.memory_space<vmem>>, vector<16xf32>,
        %parallel_loop3A_199 = arith.addf %parallel_loop3A_198, %parallel_loop3A_188 : vector<16xf32>
        %parallel_loop3A_200 = arith.index_cast %parallel_loop3A_182 : i32 to index
        %parallel_loop3A_201 = arith.constant 16 : index
        %parallel_loop3A_202 = tpu.vector_load %arg10[%parallel_loop3A_200, %parallel_loop3A_201] {strides = array<i32>} : memref<32x512xf32, #tpu.memory_space<vmem>>, vector<16xf32>,
        tpu.vector_store %arg10[%parallel_loop3A_200, %parallel_loop3A_201], %parallel_loop3A_199 {strides = array<i32>} : memref<32x512xf32, #tpu.memory_space<vmem>>, vector<16xf32>,
        %parallel_loop3A_203 = arith.index_cast %parallel_loop3A_182 : i32 to index
        %parallel_loop3A_204 = arith.constant 16 : index
        %parallel_loop3A_205 = tpu.vector_load %arg14[%parallel_loop3A_203, %parallel_loop3A_204] {strides = array<i32>} : memref<32x256xi32, #tpu.memory_space<vmem>>, vector<16xi32>,
        %parallel_loop3A_206 = vector.bitcast %parallel_loop3A_205 : vector<16xi32> to vector<32xbf16>
        %parallel_loop3A_207 = tpu.unpack_subelements %parallel_loop3A_206, 0 {pack_format = #tpu.pack_format<interleaved>} : vector<32xbf16> -> vector<16xf32>
        %parallel_loop3A_208 = tpu.unpack_subelements %parallel_loop3A_206, 1 {pack_format = #tpu.pack_format<interleaved>} : vector<32xbf16> -> vector<16xf32>
        %parallel_loop3A_209 = arith.index_cast %parallel_loop3A_182 : i32 to index
        %parallel_loop3A_210 = arith.constant 32 : index
        %parallel_loop3A_211 = tpu.vector_load %arg10[%parallel_loop3A_209, %parallel_loop3A_210] {strides = array<i32>} : memref<32x512xf32, #tpu.memory_space<vmem>>, vector<16xf32>,
        %parallel_loop3A_212 = arith.addf %parallel_loop3A_211, %parallel_loop3A_207 : vector<16xf32>
        %parallel_loop3A_213 = arith.index_cast %parallel_loop3A_182 : i32 to index
        %parallel_loop3A_214 = arith.constant 32 : index
        %parallel_loop3A_215 = tpu.vector_load %arg10[%parallel_loop3A_213, %parallel_loop3A_214] {strides = array<i32>} : memref<32x512xf32, #tpu.memory_space<vmem>>, vector<16xf32>,
        tpu.vector_store %arg10[%parallel_loop3A_213, %parallel_loop3A_214], %parallel_loop3A_212 {strides = array<i32>} : memref<32x512xf32, #tpu.memory_space<vmem>>, vector<16xf32>,
        %parallel_loop3A_216 = arith.index_cast %parallel_loop3A_182 : i32 to index
        %parallel_loop3A_217 = arith.constant 48 : index
        %parallel_loop3A_218 = tpu.vector_load %arg10[%parallel_loop3A_216, %parallel_loop3A_217] {strides = array<i32>} : memref<32x512xf32, #tpu.memory_space<vmem>>, vector<16xf32>,
        %parallel_loop3A_219 = arith.addf %parallel_loop3A_218, %parallel_loop3A_208 : vector<16xf32>
        %parallel_loop3A_220 = arith.index_cast %parallel_loop3A_182 : i32 to index
        %parallel_loop3A_221 = arith.constant 48 : index
        %parallel_loop3A_222 = tpu.vector_load %arg10[%parallel_loop3A_220, %parallel_loop3A_221] {strides = array<i32>} : memref<32x512xf32, #tpu.memory_space<vmem>>, vector<16xf32>,
        tpu.vector_store %arg10[%parallel_loop3A_220, %parallel_loop3A_221], %parallel_loop3A_219 {strides = array<i32>} : memref<32x512xf32, #tpu.memory_space<vmem>>, vector<16xf32>,
        %parallel_loop3A_223 = arith.index_cast %parallel_loop3A_182 : i32 to index
        %parallel_loop3A_224 = arith.constant 32 : index
        %parallel_loop3A_225 = tpu.vector_load %arg14[%parallel_loop3A_223, %parallel_loop3A_224] {strides = array<i32>} : memref<32x256xi32, #tpu.memory_space<vmem>>, vector<16xi32>,
        %parallel_loop3A_226 = vector.bitcast %parallel_loop3A_225 : vector<16xi32> to vector<32xbf16>
        %parallel_loop3A_227 = tpu.unpack_subelements %parallel_loop3A_226, 0 {pack_format = #tpu.pack_format<interleaved>} : vector<32xbf16> -> vector<16xf32>
        %parallel_loop3A_228 = tpu.unpack_subelements %parallel_loop3A_226, 1 {pack_format = #tpu.pack_format<interleaved>} : vector<32xbf16> -> vector<16xf32>
        %parallel_loop3A_229 = arith.index_cast %parallel_loop3A_182 : i32 to index
        %parallel_loop3A_230 = arith.constant 64 : index
        %parallel_loop3A_231 = tpu.vector_load %arg10[%parallel_loop3A_229, %parallel_loop3A_230] {strides = array<i32>} : memref<32x512xf32, #tpu.memory_space<vmem>>, vector<16xf32>,
        %parallel_loop3A_232 = arith.addf %parallel_loop3A_231, %parallel_loop3A_227 : vector<16xf32>
        %parallel_loop3A_233 = arith.index_cast %parallel_loop3A_182 : i32 to index
        %parallel_loop3A_234 = arith.constant 64 : index
        %parallel_loop3A_235 = tpu.vector_load %arg10[%parallel_loop3A_233, %parallel_loop3A_234] {strides = array<i32>} : memref<32x512xf32, #tpu.memory_space<vmem>>, vector<16xf32>,
        tpu.vector_store %arg10[%parallel_loop3A_233, %parallel_loop3A_234], %parallel_loop3A_232 {strides = array<i32>} : memref<32x512xf32, #tpu.memory_space<vmem>>, vector<16xf32>,
        %parallel_loop3A_236 = arith.index_cast %parallel_loop3A_182 : i32 to index
        %parallel_loop3A_237 = arith.constant 80 : index
        %parallel_loop3A_238 = tpu.vector_load %arg10[%parallel_loop3A_236, %parallel_loop3A_237] {strides = array<i32>} : memref<32x512xf32, #tpu.memory_space<vmem>>, vector<16xf32>,
        %parallel_loop3A_239 = arith.addf %parallel_loop3A_238, %parallel_loop3A_228 : vector<16xf32>
        %parallel_loop3A_240 = arith.index_cast %parallel_loop3A_182 : i32 to index
        %parallel_loop3A_241 = arith.constant 80 : index
        %parallel_loop3A_242 = tpu.vector_load %arg10[%parallel_loop3A_240, %parallel_loop3A_241] {strides = array<i32>} : memref<32x512xf32, #tpu.memory_space<vmem>>, vector<16xf32>,
        tpu.vector_store %arg10[%parallel_loop3A_240, %parallel_loop3A_241], %parallel_loop3A_239 {strides = array<i32>} : memref<32x512xf32, #tpu.memory_space<vmem>>, vector<16xf32>,
        %parallel_loop3A_243 = arith.index_cast %parallel_loop3A_182 : i32 to index
        %parallel_loop3A_244 = arith.constant 48 : index
        %parallel_loop3A_245 = tpu.vector_load %arg14[%parallel_loop3A_243, %parallel_loop3A_244] {strides = array<i32>} : memref<32x256xi32, #tpu.memory_space<vmem>>, vector<16xi32>,
        %parallel_loop3A_246 = vector.bitcast %parallel_loop3A_245 : vector<16xi32> to vector<32xbf16>
        %parallel_loop3A_247 = tpu.unpack_subelements %parallel_loop3A_246, 0 {pack_format = #tpu.pack_format<interleaved>} : vector<32xbf16> -> vector<16xf32>
        %parallel_loop3A_248 = tpu.unpack_subelements %parallel_loop3A_246, 1 {pack_format = #tpu.pack_format<interleaved>} : vector<32xbf16> -> vector<16xf32>
        %parallel_loop3A_249 = arith.index_cast %parallel_loop3A_182 : i32 to index
        %parallel_loop3A_250 = arith.constant 96 : index
        %parallel_loop3A_251 = tpu.vector_load %arg10[%parallel_loop3A_249, %parallel_loop3A_250] {strides = array<i32>} : memref<32x512xf32, #tpu.memory_space<vmem>>, vector<16xf32>,
        %parallel_loop3A_252 = arith.addf %parallel_loop3A_251, %parallel_loop3A_247 : vector<16xf32>
        %parallel_loop3A_253 = arith.index_cast %parallel_loop3A_182 : i32 to index
        %parallel_loop3A_254 = arith.constant 96 : index
        %parallel_loop3A_255 = tpu.vector_load %arg10[%parallel_loop3A_253, %parallel_loop3A_254] {strides = array<i32>} : memref<32x512xf32, #tpu.memory_space<vmem>>, vector<16xf32>,
        tpu.vector_store %arg10[%parallel_loop3A_253, %parallel_loop3A_254], %parallel_loop3A_252 {strides = array<i32>} : memref<32x512xf32, #tpu.memory_space<vmem>>, vector<16xf32>,
        %parallel_loop3A_256 = arith.index_cast %parallel_loop3A_182 : i32 to index
        %parallel_loop3A_257 = arith.constant 112 : index
        %parallel_loop3A_258 = tpu.vector_load %arg10[%parallel_loop3A_256, %parallel_loop3A_257] {strides = array<i32>} : memref<32x512xf32, #tpu.memory_space<vmem>>, vector<16xf32>,
        %parallel_loop3A_259 = arith.addf %parallel_loop3A_258, %parallel_loop3A_248 : vector<16xf32>
        %parallel_loop3A_260 = arith.index_cast %parallel_loop3A_182 : i32 to index
        %parallel_loop3A_261 = arith.constant 112 : index
        %parallel_loop3A_262 = tpu.vector_load %arg10[%parallel_loop3A_260, %parallel_loop3A_261] {strides = array<i32>} : memref<32x512xf32, #tpu.memory_space<vmem>>, vector<16xf32>,
        tpu.vector_store %arg10[%parallel_loop3A_260, %parallel_loop3A_261], %parallel_loop3A_259 {strides = array<i32>} : memref<32x512xf32, #tpu.memory_space<vmem>>, vector<16xf32>,
        %parallel_loop3A_263 = arith.index_cast %parallel_loop3A_182 : i32 to index
        %parallel_loop3A_264 = arith.constant 64 : index
        %parallel_loop3A_265 = tpu.vector_load %arg14[%parallel_loop3A_263, %parallel_loop3A_264] {strides = array<i32>} : memref<32x256xi32, #tpu.memory_space<vmem>>, vector<16xi32>,
        %parallel_loop3A_266 = vector.bitcast %parallel_loop3A_265 : vector<16xi32> to vector<32xbf16>
        %parallel_loop3A_267 = tpu.unpack_subelements %parallel_loop3A_266, 0 {pack_format = #tpu.pack_format<interleaved>} : vector<32xbf16> -> vector<16xf32>
        %parallel_loop3A_268 = tpu.unpack_subelements %parallel_loop3A_266, 1 {pack_format = #tpu.pack_format<interleaved>} : vector<32xbf16> -> vector<16xf32>
        %parallel_loop3A_269 = arith.index_cast %parallel_loop3A_182 : i32 to index
        %parallel_loop3A_270 = arith.constant 128 : index
        %parallel_loop3A_271 = tpu.vector_load %arg10[%parallel_loop3A_269, %parallel_loop3A_270] {strides = array<i32>} : memref<32x512xf32, #tpu.memory_space<vmem>>, vector<16xf32>,
        %parallel_loop3A_272 = arith.addf %parallel_loop3A_271, %parallel_loop3A_267 : vector<16xf32>
        %parallel_loop3A_273 = arith.index_cast %parallel_loop3A_182 : i32 to index
        %parallel_loop3A_274 = arith.constant 128 : index
        %parallel_loop3A_275 = tpu.vector_load %arg10[%parallel_loop3A_273, %parallel_loop3A_274] {strides = array<i32>} : memref<32x512xf32, #tpu.memory_space<vmem>>, vector<16xf32>,
        tpu.vector_store %arg10[%parallel_loop3A_273, %parallel_loop3A_274], %parallel_loop3A_272 {strides = array<i32>} : memref<32x512xf32, #tpu.memory_space<vmem>>, vector<16xf32>,
        %parallel_loop3A_276 = arith.index_cast %parallel_loop3A_182 : i32 to index
        %parallel_loop3A_277 = arith.constant 144 : index
        %parallel_loop3A_278 = tpu.vector_load %arg10[%parallel_loop3A_276, %parallel_loop3A_277] {strides = array<i32>} : memref<32x512xf32, #tpu.memory_space<vmem>>, vector<16xf32>,
        %parallel_loop3A_279 = arith.addf %parallel_loop3A_278, %parallel_loop3A_268 : vector<16xf32>
        %parallel_loop3A_280 = arith.index_cast %parallel_loop3A_182 : i32 to index
        %parallel_loop3A_281 = arith.constant 144 : index
        %parallel_loop3A_282 = tpu.vector_load %arg10[%parallel_loop3A_280, %parallel_loop3A_281] {strides = array<i32>} : memref<32x512xf32, #tpu.memory_space<vmem>>, vector<16xf32>,
        tpu.vector_store %arg10[%parallel_loop3A_280, %parallel_loop3A_281], %parallel_loop3A_279 {strides = array<i32>} : memref<32x512xf32, #tpu.memory_space<vmem>>, vector<16xf32>,
        %parallel_loop3A_283 = arith.index_cast %parallel_loop3A_182 : i32 to index
        %parallel_loop3A_284 = arith.constant 80 : index
        %parallel_loop3A_285 = tpu.vector_load %arg14[%parallel_loop3A_283, %parallel_loop3A_284] {strides = array<i32>} : memref<32x256xi32, #tpu.memory_space<vmem>>, vector<16xi32>,
        %parallel_loop3A_286 = vector.bitcast %parallel_loop3A_285 : vector<16xi32> to vector<32xbf16>
        %parallel_loop3A_287 = tpu.unpack_subelements %parallel_loop3A_286, 0 {pack_format = #tpu.pack_format<interleaved>} : vector<32xbf16> -> vector<16xf32>
        %parallel_loop3A_288 = tpu.unpack_subelements %parallel_loop3A_286, 1 {pack_format = #tpu.pack_format<interleaved>} : vector<32xbf16> -> vector<16xf32>
        %parallel_loop3A_289 = arith.index_cast %parallel_loop3A_182 : i32 to index
        %parallel_loop3A_290 = arith.constant 160 : index
        %parallel_loop3A_291 = tpu.vector_load %arg10[%parallel_loop3A_289, %parallel_loop3A_290] {strides = array<i32>} : memref<32x512xf32, #tpu.memory_space<vmem>>, vector<16xf32>,
        %parallel_loop3A_292 = arith.addf %parallel_loop3A_291, %parallel_loop3A_287 : vector<16xf32>
        %parallel_loop3A_293 = arith.index_cast %parallel_loop3A_182 : i32 to index
        %parallel_loop3A_294 = arith.constant 160 : index
        %parallel_loop3A_295 = tpu.vector_load %arg10[%parallel_loop3A_293, %parallel_loop3A_294] {strides = array<i32>} : memref<32x512xf32, #tpu.memory_space<vmem>>, vector<16xf32>,
        tpu.vector_store %arg10[%parallel_loop3A_293, %parallel_loop3A_294], %parallel_loop3A_292 {strides = array<i32>} : memref<32x512xf32, #tpu.memory_space<vmem>>, vector<16xf32>,
        %parallel_loop3A_296 = arith.index_cast %parallel_loop3A_182 : i32 to index
        %parallel_loop3A_297 = arith.constant 176 : index
        %parallel_loop3A_298 = tpu.vector_load %arg10[%parallel_loop3A_296, %parallel_loop3A_297] {strides = array<i32>} : memref<32x512xf32, #tpu.memory_space<vmem>>, vector<16xf32>,
        %parallel_loop3A_299 = arith.addf %parallel_loop3A_298, %parallel_loop3A_288 : vector<16xf32>
        %parallel_loop3A_300 = arith.index_cast %parallel_loop3A_182 : i32 to index
        %parallel_loop3A_301 = arith.constant 176 : index
        %parallel_loop3A_302 = tpu.vector_load %arg10[%parallel_loop3A_300, %parallel_loop3A_301] {strides = array<i32>} : memref<32x512xf32, #tpu.memory_space<vmem>>, vector<16xf32>,
        tpu.vector_store %arg10[%parallel_loop3A_300, %parallel_loop3A_301], %parallel_loop3A_299 {strides = array<i32>} : memref<32x512xf32, #tpu.memory_space<vmem>>, vector<16xf32>,
        %parallel_loop3A_303 = arith.index_cast %parallel_loop3A_182 : i32 to index
        %parallel_loop3A_304 = arith.constant 96 : index
        %parallel_loop3A_305 = tpu.vector_load %arg14[%parallel_loop3A_303, %parallel_loop3A_304] {strides = array<i32>} : memref<32x256xi32, #tpu.memory_space<vmem>>, vector<16xi32>,
        %parallel_loop3A_306 = vector.bitcast %parallel_loop3A_305 : vector<16xi32> to vector<32xbf16>
        %parallel_loop3A_307 = tpu.unpack_subelements %parallel_loop3A_306, 0 {pack_format = #tpu.pack_format<interleaved>} : vector<32xbf16> -> vector<16xf32>
        %parallel_loop3A_308 = tpu.unpack_subelements %parallel_loop3A_306, 1 {pack_format = #tpu.pack_format<interleaved>} : vector<32xbf16> -> vector<16xf32>
        %parallel_loop3A_309 = arith.index_cast %parallel_loop3A_182 : i32 to index
        %parallel_loop3A_310 = arith.constant 192 : index
        %parallel_loop3A_311 = tpu.vector_load %arg10[%parallel_loop3A_309, %parallel_loop3A_310] {strides = array<i32>} : memref<32x512xf32, #tpu.memory_space<vmem>>, vector<16xf32>,
        %parallel_loop3A_312 = arith.addf %parallel_loop3A_311, %parallel_loop3A_307 : vector<16xf32>
        %parallel_loop3A_313 = arith.index_cast %parallel_loop3A_182 : i32 to index
        %parallel_loop3A_314 = arith.constant 192 : index
        %parallel_loop3A_315 = tpu.vector_load %arg10[%parallel_loop3A_313, %parallel_loop3A_314] {strides = array<i32>} : memref<32x512xf32, #tpu.memory_space<vmem>>, vector<16xf32>,
        tpu.vector_store %arg10[%parallel_loop3A_313, %parallel_loop3A_314], %parallel_loop3A_312 {strides = array<i32>} : memref<32x512xf32, #tpu.memory_space<vmem>>, vector<16xf32>,
        %parallel_loop3A_316 = arith.index_cast %parallel_loop3A_182 : i32 to index
        %parallel_loop3A_317 = arith.constant 208 : index
        %parallel_loop3A_318 = tpu.vector_load %arg10[%parallel_loop3A_316, %parallel_loop3A_317] {strides = array<i32>} : memref<32x512xf32, #tpu.memory_space<vmem>>, vector<16xf32>,
        %parallel_loop3A_319 = arith.addf %parallel_loop3A_318, %parallel_loop3A_308 : vector<16xf32>
        %parallel_loop3A_320 = arith.index_cast %parallel_loop3A_182 : i32 to index
        %parallel_loop3A_321 = arith.constant 208 : index
        %parallel_loop3A_322 = tpu.vector_load %arg10[%parallel_loop3A_320, %parallel_loop3A_321] {strides = array<i32>} : memref<32x512xf32, #tpu.memory_space<vmem>>, vector<16xf32>,
        tpu.vector_store %arg10[%parallel_loop3A_320, %parallel_loop3A_321], %parallel_loop3A_319 {strides = array<i32>} : memref<32x512xf32, #tpu.memory_space<vmem>>, vector<16xf32>,
        %parallel_loop3A_323 = arith.index_cast %parallel_loop3A_182 : i32 to index
        %parallel_loop3A_324 = arith.constant 112 : index
        %parallel_loop3A_325 = tpu.vector_load %arg14[%parallel_loop3A_323, %parallel_loop3A_324] {strides = array<i32>} : memref<32x256xi32, #tpu.memory_space<vmem>>, vector<16xi32>,
        %parallel_loop3A_326 = vector.bitcast %parallel_loop3A_325 : vector<16xi32> to vector<32xbf16>
        %parallel_loop3A_327 = tpu.unpack_subelements %parallel_loop3A_326, 0 {pack_format = #tpu.pack_format<interleaved>} : vector<32xbf16> -> vector<16xf32>
        %parallel_loop3A_328 = tpu.unpack_subelements %parallel_loop3A_326, 1 {pack_format = #tpu.pack_format<interleaved>} : vector<32xbf16> -> vector<16xf32>
        %parallel_loop3A_329 = arith.index_cast %parallel_loop3A_182 : i32 to index
        %parallel_loop3A_330 = arith.constant 224 : index
        %parallel_loop3A_331 = tpu.vector_load %arg10[%parallel_loop3A_329, %parallel_loop3A_330] {strides = array<i32>} : memref<32x512xf32, #tpu.memory_space<vmem>>, vector<16xf32>,
        %parallel_loop3A_332 = arith.addf %parallel_loop3A_331, %parallel_loop3A_327 : vector<16xf32>
        %parallel_loop3A_333 = arith.index_cast %parallel_loop3A_182 : i32 to index
        %parallel_loop3A_334 = arith.constant 224 : index
        %parallel_loop3A_335 = tpu.vector_load %arg10[%parallel_loop3A_333, %parallel_loop3A_334] {strides = array<i32>} : memref<32x512xf32, #tpu.memory_space<vmem>>, vector<16xf32>,
        tpu.vector_store %arg10[%parallel_loop3A_333, %parallel_loop3A_334], %parallel_loop3A_332 {strides = array<i32>} : memref<32x512xf32, #tpu.memory_space<vmem>>, vector<16xf32>,
        %parallel_loop3A_336 = arith.index_cast %parallel_loop3A_182 : i32 to index
        %parallel_loop3A_337 = arith.constant 240 : index
        %parallel_loop3A_338 = tpu.vector_load %arg10[%parallel_loop3A_336, %parallel_loop3A_337] {strides = array<i32>} : memref<32x512xf32, #tpu.memory_space<vmem>>, vector<16xf32>,
        %parallel_loop3A_339 = arith.addf %parallel_loop3A_338, %parallel_loop3A_328 : vector<16xf32>
        %parallel_loop3A_340 = arith.index_cast %parallel_loop3A_182 : i32 to index
        %parallel_loop3A_341 = arith.constant 240 : index
        %parallel_loop3A_342 = tpu.vector_load %arg10[%parallel_loop3A_340, %parallel_loop3A_341] {strides = array<i32>} : memref<32x512xf32, #tpu.memory_space<vmem>>, vector<16xf32>,
        tpu.vector_store %arg10[%parallel_loop3A_340, %parallel_loop3A_341], %parallel_loop3A_339 {strides = array<i32>} : memref<32x512xf32, #tpu.memory_space<vmem>>, vector<16xf32>,
        %parallel_loop3A_343 = arith.index_cast %parallel_loop3A_182 : i32 to index
        %parallel_loop3A_344 = arith.constant 128 : index
        %parallel_loop3A_345 = tpu.vector_load %arg14[%parallel_loop3A_343, %parallel_loop3A_344] {strides = array<i32>} : memref<32x256xi32, #tpu.memory_space<vmem>>, vector<16xi32>,
        %parallel_loop3A_346 = vector.bitcast %parallel_loop3A_345 : vector<16xi32> to vector<32xbf16>
        %parallel_loop3A_347 = tpu.unpack_subelements %parallel_loop3A_346, 0 {pack_format = #tpu.pack_format<interleaved>} : vector<32xbf16> -> vector<16xf32>
        %parallel_loop3A_348 = tpu.unpack_subelements %parallel_loop3A_346, 1 {pack_format = #tpu.pack_format<interleaved>} : vector<32xbf16> -> vector<16xf32>
        %parallel_loop3A_349 = arith.index_cast %parallel_loop3A_182 : i32 to index
        %parallel_loop3A_350 = arith.constant 256 : index
        %parallel_loop3A_351 = tpu.vector_load %arg10[%parallel_loop3A_349, %parallel_loop3A_350] {strides = array<i32>} : memref<32x512xf32, #tpu.memory_space<vmem>>, vector<16xf32>,
        %parallel_loop3A_352 = arith.addf %parallel_loop3A_351, %parallel_loop3A_347 : vector<16xf32>
        %parallel_loop3A_353 = arith.index_cast %parallel_loop3A_182 : i32 to index
        %parallel_loop3A_354 = arith.constant 256 : index
        %parallel_loop3A_355 = tpu.vector_load %arg10[%parallel_loop3A_353, %parallel_loop3A_354] {strides = array<i32>} : memref<32x512xf32, #tpu.memory_space<vmem>>, vector<16xf32>,
        tpu.vector_store %arg10[%parallel_loop3A_353, %parallel_loop3A_354], %parallel_loop3A_352 {strides = array<i32>} : memref<32x512xf32, #tpu.memory_space<vmem>>, vector<16xf32>,
        %parallel_loop3A_356 = arith.index_cast %parallel_loop3A_182 : i32 to index
        %parallel_loop3A_357 = arith.constant 272 : index
        %parallel_loop3A_358 = tpu.vector_load %arg10[%parallel_loop3A_356, %parallel_loop3A_357] {strides = array<i32>} : memref<32x512xf32, #tpu.memory_space<vmem>>, vector<16xf32>,
        %parallel_loop3A_359 = arith.addf %parallel_loop3A_358, %parallel_loop3A_348 : vector<16xf32>
        %parallel_loop3A_360 = arith.index_cast %parallel_loop3A_182 : i32 to index
        %parallel_loop3A_361 = arith.constant 272 : index
        %parallel_loop3A_362 = tpu.vector_load %arg10[%parallel_loop3A_360, %parallel_loop3A_361] {strides = array<i32>} : memref<32x512xf32, #tpu.memory_space<vmem>>, vector<16xf32>,
        tpu.vector_store %arg10[%parallel_loop3A_360, %parallel_loop3A_361], %parallel_loop3A_359 {strides = array<i32>} : memref<32x512xf32, #tpu.memory_space<vmem>>, vector<16xf32>,
        %parallel_loop3A_363 = arith.index_cast %parallel_loop3A_182 : i32 to index
        %parallel_loop3A_364 = arith.constant 144 : index
        %parallel_loop3A_365 = tpu.vector_load %arg14[%parallel_loop3A_363, %parallel_loop3A_364] {strides = array<i32>} : memref<32x256xi32, #tpu.memory_space<vmem>>, vector<16xi32>,
        %parallel_loop3A_366 = vector.bitcast %parallel_loop3A_365 : vector<16xi32> to vector<32xbf16>
        %parallel_loop3A_367 = tpu.unpack_subelements %parallel_loop3A_366, 0 {pack_format = #tpu.pack_format<interleaved>} : vector<32xbf16> -> vector<16xf32>
        %parallel_loop3A_368 = tpu.unpack_subelements %parallel_loop3A_366, 1 {pack_format = #tpu.pack_format<interleaved>} : vector<32xbf16> -> vector<16xf32>
        %parallel_loop3A_369 = arith.index_cast %parallel_loop3A_182 : i32 to index
        %parallel_loop3A_370 = arith.constant 288 : index
        %parallel_loop3A_371 = tpu.vector_load %arg10[%parallel_loop3A_369, %parallel_loop3A_370] {strides = array<i32>} : memref<32x512xf32, #tpu.memory_space<vmem>>, vector<16xf32>,
        %parallel_loop3A_372 = arith.addf %parallel_loop3A_371, %parallel_loop3A_367 : vector<16xf32>
        %parallel_loop3A_373 = arith.index_cast %parallel_loop3A_182 : i32 to index
        %parallel_loop3A_374 = arith.constant 288 : index
        %parallel_loop3A_375 = tpu.vector_load %arg10[%parallel_loop3A_373, %parallel_loop3A_374] {strides = array<i32>} : memref<32x512xf32, #tpu.memory_space<vmem>>, vector<16xf32>,
        tpu.vector_store %arg10[%parallel_loop3A_373, %parallel_loop3A_374], %parallel_loop3A_372 {strides = array<i32>} : memref<32x512xf32, #tpu.memory_space<vmem>>, vector<16xf32>,
        %parallel_loop3A_376 = arith.index_cast %parallel_loop3A_182 : i32 to index
        %parallel_loop3A_377 = arith.constant 304 : index
        %parallel_loop3A_378 = tpu.vector_load %arg10[%parallel_loop3A_376, %parallel_loop3A_377] {strides = array<i32>} : memref<32x512xf32, #tpu.memory_space<vmem>>, vector<16xf32>,
        %parallel_loop3A_379 = arith.addf %parallel_loop3A_378, %parallel_loop3A_368 : vector<16xf32>
        %parallel_loop3A_380 = arith.index_cast %parallel_loop3A_182 : i32 to index
        %parallel_loop3A_381 = arith.constant 304 : index
        %parallel_loop3A_382 = tpu.vector_load %arg10[%parallel_loop3A_380, %parallel_loop3A_381] {strides = array<i32>} : memref<32x512xf32, #tpu.memory_space<vmem>>, vector<16xf32>,
        tpu.vector_store %arg10[%parallel_loop3A_380, %parallel_loop3A_381], %parallel_loop3A_379 {strides = array<i32>} : memref<32x512xf32, #tpu.memory_space<vmem>>, vector<16xf32>,
        %parallel_loop3A_383 = arith.index_cast %parallel_loop3A_182 : i32 to index
        %parallel_loop3A_384 = arith.constant 160 : index
        %parallel_loop3A_385 = tpu.vector_load %arg14[%parallel_loop3A_383, %parallel_loop3A_384] {strides = array<i32>} : memref<32x256xi32, #tpu.memory_space<vmem>>, vector<16xi32>,
        %parallel_loop3A_386 = vector.bitcast %parallel_loop3A_385 : vector<16xi32> to vector<32xbf16>
        %parallel_loop3A_387 = tpu.unpack_subelements %parallel_loop3A_386, 0 {pack_format = #tpu.pack_format<interleaved>} : vector<32xbf16> -> vector<16xf32>
        %parallel_loop3A_388 = tpu.unpack_subelements %parallel_loop3A_386, 1 {pack_format = #tpu.pack_format<interleaved>} : vector<32xbf16> -> vector<16xf32>
        %parallel_loop3A_389 = arith.index_cast %parallel_loop3A_182 : i32 to index
        %parallel_loop3A_390 = arith.constant 320 : index
        %parallel_loop3A_391 = tpu.vector_load %arg10[%parallel_loop3A_389, %parallel_loop3A_390] {strides = array<i32>} : memref<32x512xf32, #tpu.memory_space<vmem>>, vector<16xf32>,
        %parallel_loop3A_392 = arith.addf %parallel_loop3A_391, %parallel_loop3A_387 : vector<16xf32>
        %parallel_loop3A_393 = arith.index_cast %parallel_loop3A_182 : i32 to index
        %parallel_loop3A_394 = arith.constant 320 : index
        %parallel_loop3A_395 = tpu.vector_load %arg10[%parallel_loop3A_393, %parallel_loop3A_394] {strides = array<i32>} : memref<32x512xf32, #tpu.memory_space<vmem>>, vector<16xf32>,
        tpu.vector_store %arg10[%parallel_loop3A_393, %parallel_loop3A_394], %parallel_loop3A_392 {strides = array<i32>} : memref<32x512xf32, #tpu.memory_space<vmem>>, vector<16xf32>,
        %parallel_loop3A_396 = arith.index_cast %parallel_loop3A_182 : i32 to index
        %parallel_loop3A_397 = arith.constant 336 : index
        %parallel_loop3A_398 = tpu.vector_load %arg10[%parallel_loop3A_396, %parallel_loop3A_397] {strides = array<i32>} : memref<32x512xf32, #tpu.memory_space<vmem>>, vector<16xf32>,
        %parallel_loop3A_399 = arith.addf %parallel_loop3A_398, %parallel_loop3A_388 : vector<16xf32>
        %parallel_loop3A_400 = arith.index_cast %parallel_loop3A_182 : i32 to index
        %parallel_loop3A_401 = arith.constant 336 : index
        %parallel_loop3A_402 = tpu.vector_load %arg10[%parallel_loop3A_400, %parallel_loop3A_401] {strides = array<i32>} : memref<32x512xf32, #tpu.memory_space<vmem>>, vector<16xf32>,
        tpu.vector_store %arg10[%parallel_loop3A_400, %parallel_loop3A_401], %parallel_loop3A_399 {strides = array<i32>} : memref<32x512xf32, #tpu.memory_space<vmem>>, vector<16xf32>,
        %parallel_loop3A_403 = arith.index_cast %parallel_loop3A_182 : i32 to index
        %parallel_loop3A_404 = arith.constant 176 : index
        %parallel_loop3A_405 = tpu.vector_load %arg14[%parallel_loop3A_403, %parallel_loop3A_404] {strides = array<i32>} : memref<32x256xi32, #tpu.memory_space<vmem>>, vector<16xi32>,
        %parallel_loop3A_406 = vector.bitcast %parallel_loop3A_405 : vector<16xi32> to vector<32xbf16>
        %parallel_loop3A_407 = tpu.unpack_subelements %parallel_loop3A_406, 0 {pack_format = #tpu.pack_format<interleaved>} : vector<32xbf16> -> vector<16xf32>
        %parallel_loop3A_408 = tpu.unpack_subelements %parallel_loop3A_406, 1 {pack_format = #tpu.pack_format<interleaved>} : vector<32xbf16> -> vector<16xf32>
        %parallel_loop3A_409 = arith.index_cast %parallel_loop3A_182 : i32 to index
        %parallel_loop3A_410 = arith.constant 352 : index
        %parallel_loop3A_411 = tpu.vector_load %arg10[%parallel_loop3A_409, %parallel_loop3A_410] {strides = array<i32>} : memref<32x512xf32, #tpu.memory_space<vmem>>, vector<16xf32>,
        %parallel_loop3A_412 = arith.addf %parallel_loop3A_411, %parallel_loop3A_407 : vector<16xf32>
        %parallel_loop3A_413 = arith.index_cast %parallel_loop3A_182 : i32 to index
        %parallel_loop3A_414 = arith.constant 352 : index
        %parallel_loop3A_415 = tpu.vector_load %arg10[%parallel_loop3A_413, %parallel_loop3A_414] {strides = array<i32>} : memref<32x512xf32, #tpu.memory_space<vmem>>, vector<16xf32>,
        tpu.vector_store %arg10[%parallel_loop3A_413, %parallel_loop3A_414], %parallel_loop3A_412 {strides = array<i32>} : memref<32x512xf32, #tpu.memory_space<vmem>>, vector<16xf32>,
        %parallel_loop3A_416 = arith.index_cast %parallel_loop3A_182 : i32 to index
        %parallel_loop3A_417 = arith.constant 368 : index
        %parallel_loop3A_418 = tpu.vector_load %arg10[%parallel_loop3A_416, %parallel_loop3A_417] {strides = array<i32>} : memref<32x512xf32, #tpu.memory_space<vmem>>, vector<16xf32>,
        %parallel_loop3A_419 = arith.addf %parallel_loop3A_418, %parallel_loop3A_408 : vector<16xf32>
        %parallel_loop3A_420 = arith.index_cast %parallel_loop3A_182 : i32 to index
        %parallel_loop3A_421 = arith.constant 368 : index
        %parallel_loop3A_422 = tpu.vector_load %arg10[%parallel_loop3A_420, %parallel_loop3A_421] {strides = array<i32>} : memref<32x512xf32, #tpu.memory_space<vmem>>, vector<16xf32>,
        tpu.vector_store %arg10[%parallel_loop3A_420, %parallel_loop3A_421], %parallel_loop3A_419 {strides = array<i32>} : memref<32x512xf32, #tpu.memory_space<vmem>>, vector<16xf32>,
        %parallel_loop3A_423 = arith.index_cast %parallel_loop3A_182 : i32 to index
        %parallel_loop3A_424 = arith.constant 192 : index
        %parallel_loop3A_425 = tpu.vector_load %arg14[%parallel_loop3A_423, %parallel_loop3A_424] {strides = array<i32>} : memref<32x256xi32, #tpu.memory_space<vmem>>, vector<16xi32>,
        %parallel_loop3A_426 = vector.bitcast %parallel_loop3A_425 : vector<16xi32> to vector<32xbf16>
        %parallel_loop3A_427 = tpu.unpack_subelements %parallel_loop3A_426, 0 {pack_format = #tpu.pack_format<interleaved>} : vector<32xbf16> -> vector<16xf32>
        %parallel_loop3A_428 = tpu.unpack_subelements %parallel_loop3A_426, 1 {pack_format = #tpu.pack_format<interleaved>} : vector<32xbf16> -> vector<16xf32>
        %parallel_loop3A_429 = arith.index_cast %parallel_loop3A_182 : i32 to index
        %parallel_loop3A_430 = arith.constant 384 : index
        %parallel_loop3A_431 = tpu.vector_load %arg10[%parallel_loop3A_429, %parallel_loop3A_430] {strides = array<i32>} : memref<32x512xf32, #tpu.memory_space<vmem>>, vector<16xf32>,
        %parallel_loop3A_432 = arith.addf %parallel_loop3A_431, %parallel_loop3A_427 : vector<16xf32>
        %parallel_loop3A_433 = arith.index_cast %parallel_loop3A_182 : i32 to index
        %parallel_loop3A_434 = arith.constant 384 : index
        %parallel_loop3A_435 = tpu.vector_load %arg10[%parallel_loop3A_433, %parallel_loop3A_434] {strides = array<i32>} : memref<32x512xf32, #tpu.memory_space<vmem>>, vector<16xf32>,
        tpu.vector_store %arg10[%parallel_loop3A_433, %parallel_loop3A_434], %parallel_loop3A_432 {strides = array<i32>} : memref<32x512xf32, #tpu.memory_space<vmem>>, vector<16xf32>,
        %parallel_loop3A_436 = arith.index_cast %parallel_loop3A_182 : i32 to index
        %parallel_loop3A_437 = arith.constant 400 : index
        %parallel_loop3A_438 = tpu.vector_load %arg10[%parallel_loop3A_436, %parallel_loop3A_437] {strides = array<i32>} : memref<32x512xf32, #tpu.memory_space<vmem>>, vector<16xf32>,
        %parallel_loop3A_439 = arith.addf %parallel_loop3A_438, %parallel_loop3A_428 : vector<16xf32>
        %parallel_loop3A_440 = arith.index_cast %parallel_loop3A_182 : i32 to index
        %parallel_loop3A_441 = arith.constant 400 : index
        %parallel_loop3A_442 = tpu.vector_load %arg10[%parallel_loop3A_440, %parallel_loop3A_441] {strides = array<i32>} : memref<32x512xf32, #tpu.memory_space<vmem>>, vector<16xf32>,
        tpu.vector_store %arg10[%parallel_loop3A_440, %parallel_loop3A_441], %parallel_loop3A_439 {strides = array<i32>} : memref<32x512xf32, #tpu.memory_space<vmem>>, vector<16xf32>,
        %parallel_loop3A_443 = arith.index_cast %parallel_loop3A_182 : i32 to index
        %parallel_loop3A_444 = arith.constant 208 : index
        %parallel_loop3A_445 = tpu.vector_load %arg14[%parallel_loop3A_443, %parallel_loop3A_444] {strides = array<i32>} : memref<32x256xi32, #tpu.memory_space<vmem>>, vector<16xi32>,
        %parallel_loop3A_446 = vector.bitcast %parallel_loop3A_445 : vector<16xi32> to vector<32xbf16>
        %parallel_loop3A_447 = tpu.unpack_subelements %parallel_loop3A_446, 0 {pack_format = #tpu.pack_format<interleaved>} : vector<32xbf16> -> vector<16xf32>
        %parallel_loop3A_448 = tpu.unpack_subelements %parallel_loop3A_446, 1 {pack_format = #tpu.pack_format<interleaved>} : vector<32xbf16> -> vector<16xf32>
        %parallel_loop3A_449 = arith.index_cast %parallel_loop3A_182 : i32 to index
        %parallel_loop3A_450 = arith.constant 416 : index
        %parallel_loop3A_451 = tpu.vector_load %arg10[%parallel_loop3A_449, %parallel_loop3A_450] {strides = array<i32>} : memref<32x512xf32, #tpu.memory_space<vmem>>, vector<16xf32>,
        %parallel_loop3A_452 = arith.addf %parallel_loop3A_451, %parallel_loop3A_447 : vector<16xf32>
        %parallel_loop3A_453 = arith.index_cast %parallel_loop3A_182 : i32 to index
        %parallel_loop3A_454 = arith.constant 416 : index
        %parallel_loop3A_455 = tpu.vector_load %arg10[%parallel_loop3A_453, %parallel_loop3A_454] {strides = array<i32>} : memref<32x512xf32, #tpu.memory_space<vmem>>, vector<16xf32>,
        tpu.vector_store %arg10[%parallel_loop3A_453, %parallel_loop3A_454], %parallel_loop3A_452 {strides = array<i32>} : memref<32x512xf32, #tpu.memory_space<vmem>>, vector<16xf32>,
        %parallel_loop3A_456 = arith.index_cast %parallel_loop3A_182 : i32 to index
        %parallel_loop3A_457 = arith.constant 432 : index
        %parallel_loop3A_458 = tpu.vector_load %arg10[%parallel_loop3A_456, %parallel_loop3A_457] {strides = array<i32>} : memref<32x512xf32, #tpu.memory_space<vmem>>, vector<16xf32>,
        %parallel_loop3A_459 = arith.addf %parallel_loop3A_458, %parallel_loop3A_448 : vector<16xf32>
        %parallel_loop3A_460 = arith.index_cast %parallel_loop3A_182 : i32 to index
        %parallel_loop3A_461 = arith.constant 432 : index
        %parallel_loop3A_462 = tpu.vector_load %arg10[%parallel_loop3A_460, %parallel_loop3A_461] {strides = array<i32>} : memref<32x512xf32, #tpu.memory_space<vmem>>, vector<16xf32>,
        tpu.vector_store %arg10[%parallel_loop3A_460, %parallel_loop3A_461], %parallel_loop3A_459 {strides = array<i32>} : memref<32x512xf32, #tpu.memory_space<vmem>>, vector<16xf32>,
        %parallel_loop3A_463 = arith.index_cast %parallel_loop3A_182 : i32 to index
        %parallel_loop3A_464 = arith.constant 224 : index
        %parallel_loop3A_465 = tpu.vector_load %arg14[%parallel_loop3A_463, %parallel_loop3A_464] {strides = array<i32>} : memref<32x256xi32, #tpu.memory_space<vmem>>, vector<16xi32>,
        %parallel_loop3A_466 = vector.bitcast %parallel_loop3A_465 : vector<16xi32> to vector<32xbf16>
        %parallel_loop3A_467 = tpu.unpack_subelements %parallel_loop3A_466, 0 {pack_format = #tpu.pack_format<interleaved>} : vector<32xbf16> -> vector<16xf32>
        %parallel_loop3A_468 = tpu.unpack_subelements %parallel_loop3A_466, 1 {pack_format = #tpu.pack_format<interleaved>} : vector<32xbf16> -> vector<16xf32>
        %parallel_loop3A_469 = arith.index_cast %parallel_loop3A_182 : i32 to index
        %parallel_loop3A_470 = arith.constant 448 : index
        %parallel_loop3A_471 = tpu.vector_load %arg10[%parallel_loop3A_469, %parallel_loop3A_470] {strides = array<i32>} : memref<32x512xf32, #tpu.memory_space<vmem>>, vector<16xf32>,
        %parallel_loop3A_472 = arith.addf %parallel_loop3A_471, %parallel_loop3A_467 : vector<16xf32>
        %parallel_loop3A_473 = arith.index_cast %parallel_loop3A_182 : i32 to index
        %parallel_loop3A_474 = arith.constant 448 : index
        %parallel_loop3A_475 = tpu.vector_load %arg10[%parallel_loop3A_473, %parallel_loop3A_474] {strides = array<i32>} : memref<32x512xf32, #tpu.memory_space<vmem>>, vector<16xf32>,
        tpu.vector_store %arg10[%parallel_loop3A_473, %parallel_loop3A_474], %parallel_loop3A_472 {strides = array<i32>} : memref<32x512xf32, #tpu.memory_space<vmem>>, vector<16xf32>,
        %parallel_loop3A_476 = arith.index_cast %parallel_loop3A_182 : i32 to index
        %parallel_loop3A_477 = arith.constant 464 : index
        %parallel_loop3A_478 = tpu.vector_load %arg10[%parallel_loop3A_476, %parallel_loop3A_477] {strides = array<i32>} : memref<32x512xf32, #tpu.memory_space<vmem>>, vector<16xf32>,
        %parallel_loop3A_479 = arith.addf %parallel_loop3A_478, %parallel_loop3A_468 : vector<16xf32>
        %parallel_loop3A_480 = arith.index_cast %parallel_loop3A_182 : i32 to index
        %parallel_loop3A_481 = arith.constant 464 : index
        %parallel_loop3A_482 = tpu.vector_load %arg10[%parallel_loop3A_480, %parallel_loop3A_481] {strides = array<i32>} : memref<32x512xf32, #tpu.memory_space<vmem>>, vector<16xf32>,
        tpu.vector_store %arg10[%parallel_loop3A_480, %parallel_loop3A_481], %parallel_loop3A_479 {strides = array<i32>} : memref<32x512xf32, #tpu.memory_space<vmem>>, vector<16xf32>,
        %parallel_loop3A_483 = arith.index_cast %parallel_loop3A_182 : i32 to index
        %parallel_loop3A_484 = arith.constant 240 : index
        %parallel_loop3A_485 = tpu.vector_load %arg14[%parallel_loop3A_483, %parallel_loop3A_484] {strides = array<i32>} : memref<32x256xi32, #tpu.memory_space<vmem>>, vector<16xi32>,
        %parallel_loop3A_486 = vector.bitcast %parallel_loop3A_485 : vector<16xi32> to vector<32xbf16>
        %parallel_loop3A_487 = tpu.unpack_subelements %parallel_loop3A_486, 0 {pack_format = #tpu.pack_format<interleaved>} : vector<32xbf16> -> vector<16xf32>
        %parallel_loop3A_488 = tpu.unpack_subelements %parallel_loop3A_486, 1 {pack_format = #tpu.pack_format<interleaved>} : vector<32xbf16> -> vector<16xf32>
        %parallel_loop3A_489 = arith.index_cast %parallel_loop3A_182 : i32 to index
        %parallel_loop3A_490 = arith.constant 480 : index
        %parallel_loop3A_491 = tpu.vector_load %arg10[%parallel_loop3A_489, %parallel_loop3A_490] {strides = array<i32>} : memref<32x512xf32, #tpu.memory_space<vmem>>, vector<16xf32>,
        %parallel_loop3A_492 = arith.addf %parallel_loop3A_491, %parallel_loop3A_487 : vector<16xf32>
        %parallel_loop3A_493 = arith.index_cast %parallel_loop3A_182 : i32 to index
        %parallel_loop3A_494 = arith.constant 480 : index
        %parallel_loop3A_495 = tpu.vector_load %arg10[%parallel_loop3A_493, %parallel_loop3A_494] {strides = array<i32>} : memref<32x512xf32, #tpu.memory_space<vmem>>, vector<16xf32>,
        tpu.vector_store %arg10[%parallel_loop3A_493, %parallel_loop3A_494], %parallel_loop3A_492 {strides = array<i32>} : memref<32x512xf32, #tpu.memory_space<vmem>>, vector<16xf32>,
        %parallel_loop3A_496 = arith.index_cast %parallel_loop3A_182 : i32 to index
        %parallel_loop3A_497 = arith.constant 496 : index
        %parallel_loop3A_498 = tpu.vector_load %arg10[%parallel_loop3A_496, %parallel_loop3A_497] {strides = array<i32>} : memref<32x512xf32, #tpu.memory_space<vmem>>, vector<16xf32>,
        %parallel_loop3A_499 = arith.addf %parallel_loop3A_498, %parallel_loop3A_488 : vector<16xf32>
        %parallel_loop3A_500 = arith.index_cast %parallel_loop3A_182 : i32 to index
        %parallel_loop3A_501 = arith.constant 496 : index
        %parallel_loop3A_502 = tpu.vector_load %arg10[%parallel_loop3A_500, %parallel_loop3A_501] {strides = array<i32>} : memref<32x512xf32, #tpu.memory_space<vmem>>, vector<16xf32>,
        tpu.vector_store %arg10[%parallel_loop3A_500, %parallel_loop3A_501], %parallel_loop3A_499 {strides = array<i32>} : memref<32x512xf32, #tpu.memory_space<vmem>>, vector<16xf32>,
      } {sc.loop_unroll_factor = 2 : i64, sc.parallel_access}
      %mul3A_91 = arith.constant 32 : i32
      %mul3A_92 = arith.muli %add3A_77, %mul3A_91 : i32
      %add3A_93 = arith.addi %mul3A_2, %mul3A_92 : i32
      %dma_start3A_94 = arith.constant 0 : i32
      %dma_start3A_95 = tpu.memref_slice %arg6[%add3A_93, %dma_start3A_94] : memref<204800x512xf32, #tpu.memory_space<hbm>> -> memref<32x512xf32, #tpu.memory_space<hbm>>
      %dma_start3A_96 = arith.constant 0 : i32
      %dma_start3A_97 = tpu.memref_slice %arg6[%add3A_93, %dma_start3A_96] : memref<204800x512xf32, #tpu.memory_space<hbm>> -> memref<32x512xf32, #tpu.memory_space<hbm>>
      tpu.enqueue_dma source(%arg10 : memref<32x512xf32, #tpu.memory_space<vmem>>) target(%dma_start3A_97 : memref<32x512xf32, #tpu.memory_space<hbm>>) target_semaphore(%arg22 : memref<!tpu.dma_semaphore, #tpu.memory_space<semaphore_mem>>)
      %ge3A_98 = arith.constant 1 : i32
      %ge3A_99 = arith.cmpi sge, %scan3A_34, %ge3A_98 : i32
      %convert_element_type3A_100 = arith.extui %ge3A_99 : i1 to i32
      %cond3A_101 = arith.constant 0 : i32
      %cond3A_102 = arith.cmpi ne, %convert_element_type3A_100, %cond3A_101 : i32
      scf.if %cond3A_102 {
        %dma_wait3A_182 = arith.constant 0 : i32
        %dma_wait3A_183 = tpu.memref_slice %arg6[%mul3A_2, %dma_wait3A_182] : memref<204800x512xf32, #tpu.memory_space<hbm>> -> memref<32x512xf32, #tpu.memory_space<hbm>>
        %dma_wait3A_184 = arith.constant 0 : i32
        %dma_wait3A_185 = tpu.memref_slice %arg6[%mul3A_2, %dma_wait3A_184] : memref<204800x512xf32, #tpu.memory_space<hbm>> -> memref<32x512xf32, #tpu.memory_space<hbm>>
        tpu.wait_dma2 semaphore(%arg24 : memref<!tpu.dma_semaphore, #tpu.memory_space<semaphore_mem>>) src(%arg12 : memref<32x512xf32, #tpu.memory_space<vmem>>) dst(%dma_wait3A_185 : memref<32x512xf32, #tpu.memory_space<hbm>>)
      } else {
      }
      %add3A_103 = arith.constant 2 : i32
      %add3A_104 = arith.addi %add3A_77, %add3A_103 : i32
      %mul3A_105 = arith.constant 32 : i32
      %mul3A_106 = arith.muli %add3A_104, %mul3A_105 : i32
      %mul3A_107 = arith.constant 32 : i32
      %mul3A_108 = arith.muli %add3A_104, %mul3A_107 : i32
      %dma_start3A_109 = tpu.memref_slice %arg7[%mul3A_106] : memref<6400xi32, #tpu.memory_space<vmem>> -> memref<32xi32, #tpu.memory_space<vmem>>
      %dma_start3A_110 = arith.constant 0 : i32
      %dma_start3A_111 = arith.constant 0 : i32
      %dma_start3A_112 = tpu.memref_slice %arg4[%dma_start3A_110, %dma_start3A_111] : memref<32000x512xf32, #tpu.memory_space<hbm>> -> memref<32000x512xf32, #tpu.memory_space<hbm>>
      tpu.enqueue_indirect_dma source(%dma_start3A_112 : memref<32000x512xf32, #tpu.memory_space<hbm>>) target(%arg12 : memref<32x512xf32, #tpu.memory_space<vmem>>) offsets(%dma_start3A_109 : memref<32xi32, #tpu.memory_space<vmem>>) semaphore(%arg20 : memref<!tpu.dma_semaphore, #tpu.memory_space<semaphore_mem>>)
      %dma_start3A_113 = tpu.memref_slice %arg8[%mul3A_108] : memref<6400xi32, #tpu.memory_space<vmem>> -> memref<32xi32, #tpu.memory_space<vmem>>
      %dma_start3A_114 = arith.constant 0 : i32
      %dma_start3A_115 = arith.constant 0 : i32
      %dma_start3A_116 = tpu.memref_slice %arg5[%dma_start3A_114, %dma_start3A_115] : memref<600x256xi32, #tpu.memory_space<hbm>> -> memref<600x256xi32, #tpu.memory_space<hbm>>
      tpu.enqueue_indirect_dma source(%dma_start3A_116 : memref<600x256xi32, #tpu.memory_space<hbm>>) target(%arg16 : memref<32x256xi32, #tpu.memory_space<vmem>>) offsets(%dma_start3A_113 : memref<32xi32, #tpu.memory_space<vmem>>) semaphore(%arg20 : memref<!tpu.dma_semaphore, #tpu.memory_space<semaphore_mem>>)
      %mul3A_117 = arith.constant 4 : i32
      %mul3A_118 = arith.muli %mul3A_117, %scan3A_34 : i32
      %add3A_119 = arith.constant 2 : i32
      %add3A_120 = arith.addi %mul3A_118, %add3A_119 : i32
      %dma_wait3A_121 = arith.constant 0 : i32
      %dma_wait3A_122 = tpu.memref_slice %arg7[%dma_wait3A_121] : memref<6400xi32, #tpu.memory_space<vmem>> -> memref<32xi32, #tpu.memory_space<vmem>>
      %dma_wait3A_123 = arith.constant 0 : i32
      %dma_wait3A_124 = arith.constant 0 : i32
      %dma_wait3A_125 = tpu.memref_slice %arg4[%dma_wait3A_123, %dma_wait3A_124] : memref<32000x512xf32, #tpu.memory_space<hbm>> -> memref<32000x512xf32, #tpu.memory_space<hbm>>
      tpu.wait_indirect_dma semaphore(%arg19 : memref<!tpu.dma_semaphore, #tpu.memory_space<semaphore_mem>>) src(%dma_wait3A_125 : memref<32000x512xf32, #tpu.memory_space<hbm>>) dst(%arg11 : memref<32x512xf32, #tpu.memory_space<vmem>>)
      %dma_wait3A_126 = arith.constant 0 : i32
      %dma_wait3A_127 = tpu.memref_slice %arg8[%dma_wait3A_126] : memref<6400xi32, #tpu.memory_space<vmem>> -> memref<32xi32, #tpu.memory_space<vmem>>
      %dma_wait3A_128 = arith.constant 0 : i32
      %dma_wait3A_129 = arith.constant 0 : i32
      %dma_wait3A_130 = tpu.memref_slice %arg5[%dma_wait3A_128, %dma_wait3A_129] : memref<600x256xi32, #tpu.memory_space<hbm>> -> memref<600x256xi32, #tpu.memory_space<hbm>>
      tpu.wait_indirect_dma semaphore(%arg19 : memref<!tpu.dma_semaphore, #tpu.memory_space<semaphore_mem>>) src(%dma_wait3A_130 : memref<600x256xi32, #tpu.memory_space<hbm>>) dst(%arg15 : memref<32x256xi32, #tpu.memory_space<vmem>>)
      %parallel_loop3A_131 = arith.constant 0 : i32
      %parallel_loop3A_132 = arith.constant 32 : i32
      %parallel_loop3A_133 = arith.constant 1 : i32
      scf.for %parallel_loop3A_182 = %parallel_loop3A_131 to %parallel_loop3A_132 step %parallel_loop3A_133  : i32 {
        %parallel_loop3A_183 = arith.index_cast %parallel_loop3A_182 : i32 to index
        %parallel_loop3A_184 = arith.constant 0 : index
        %parallel_loop3A_185 = tpu.vector_load %arg15[%parallel_loop3A_183, %parallel_loop3A_184] {strides = array<i32>} : memref<32x256xi32, #tpu.memory_space<vmem>>, vector<16xi32>,
        %parallel_loop3A_186 = vector.bitcast %parallel_loop3A_185 : vector<16xi32> to vector<32xbf16>
        %parallel_loop3A_187 = tpu.unpack_subelements %parallel_loop3A_186, 0 {pack_format = #tpu.pack_format<interleaved>} : vector<32xbf16> -> vector<16xf32>
        %parallel_loop3A_188 = tpu.unpack_subelements %parallel_loop3A_186, 1 {pack_format = #tpu.pack_format<interleaved>} : vector<32xbf16> -> vector<16xf32>
        %parallel_loop3A_189 = arith.index_cast %parallel_loop3A_182 : i32 to index
        %parallel_loop3A_190 = arith.constant 0 : index
        %parallel_loop3A_191 = tpu.vector_load %arg11[%parallel_loop3A_189, %parallel_loop3A_190] {strides = array<i32>} : memref<32x512xf32, #tpu.memory_space<vmem>>, vector<16xf32>,
        %parallel_loop3A_192 = arith.addf %parallel_loop3A_191, %parallel_loop3A_187 : vector<16xf32>
        %parallel_loop3A_193 = arith.index_cast %parallel_loop3A_182 : i32 to index
        %parallel_loop3A_194 = arith.constant 0 : index
        %parallel_loop3A_195 = tpu.vector_load %arg11[%parallel_loop3A_193, %parallel_loop3A_194] {strides = array<i32>} : memref<32x512xf32, #tpu.memory_space<vmem>>, vector<16xf32>,
        tpu.vector_store %arg11[%parallel_loop3A_193, %parallel_loop3A_194], %parallel_loop3A_192 {strides = array<i32>} : memref<32x512xf32, #tpu.memory_space<vmem>>, vector<16xf32>,
        %parallel_loop3A_196 = arith.index_cast %parallel_loop3A_182 : i32 to index
        %parallel_loop3A_197 = arith.constant 16 : index
        %parallel_loop3A_198 = tpu.vector_load %arg11[%parallel_loop3A_196, %parallel_loop3A_197] {strides = array<i32>} : memref<32x512xf32, #tpu.memory_space<vmem>>, vector<16xf32>,
        %parallel_loop3A_199 = arith.addf %parallel_loop3A_198, %parallel_loop3A_188 : vector<16xf32>
        %parallel_loop3A_200 = arith.index_cast %parallel_loop3A_182 : i32 to index
        %parallel_loop3A_201 = arith.constant 16 : index
        %parallel_loop3A_202 = tpu.vector_load %arg11[%parallel_loop3A_200, %parallel_loop3A_201] {strides = array<i32>} : memref<32x512xf32, #tpu.memory_space<vmem>>, vector<16xf32>,
        tpu.vector_store %arg11[%parallel_loop3A_200, %parallel_loop3A_201], %parallel_loop3A_199 {strides = array<i32>} : memref<32x512xf32, #tpu.memory_space<vmem>>, vector<16xf32>,
        %parallel_loop3A_203 = arith.index_cast %parallel_loop3A_182 : i32 to index
        %parallel_loop3A_204 = arith.constant 16 : index
        %parallel_loop3A_205 = tpu.vector_load %arg15[%parallel_loop3A_203, %parallel_loop3A_204] {strides = array<i32>} : memref<32x256xi32, #tpu.memory_space<vmem>>, vector<16xi32>,
        %parallel_loop3A_206 = vector.bitcast %parallel_loop3A_205 : vector<16xi32> to vector<32xbf16>
        %parallel_loop3A_207 = tpu.unpack_subelements %parallel_loop3A_206, 0 {pack_format = #tpu.pack_format<interleaved>} : vector<32xbf16> -> vector<16xf32>
        %parallel_loop3A_208 = tpu.unpack_subelements %parallel_loop3A_206, 1 {pack_format = #tpu.pack_format<interleaved>} : vector<32xbf16> -> vector<16xf32>
        %parallel_loop3A_209 = arith.index_cast %parallel_loop3A_182 : i32 to index
        %parallel_loop3A_210 = arith.constant 32 : index
        %parallel_loop3A_211 = tpu.vector_load %arg11[%parallel_loop3A_209, %parallel_loop3A_210] {strides = array<i32>} : memref<32x512xf32, #tpu.memory_space<vmem>>, vector<16xf32>,
        %parallel_loop3A_212 = arith.addf %parallel_loop3A_211, %parallel_loop3A_207 : vector<16xf32>
        %parallel_loop3A_213 = arith.index_cast %parallel_loop3A_182 : i32 to index
        %parallel_loop3A_214 = arith.constant 32 : index
        %parallel_loop3A_215 = tpu.vector_load %arg11[%parallel_loop3A_213, %parallel_loop3A_214] {strides = array<i32>} : memref<32x512xf32, #tpu.memory_space<vmem>>, vector<16xf32>,
        tpu.vector_store %arg11[%parallel_loop3A_213, %parallel_loop3A_214], %parallel_loop3A_212 {strides = array<i32>} : memref<32x512xf32, #tpu.memory_space<vmem>>, vector<16xf32>,
        %parallel_loop3A_216 = arith.index_cast %parallel_loop3A_182 : i32 to index
        %parallel_loop3A_217 = arith.constant 48 : index
        %parallel_loop3A_218 = tpu.vector_load %arg11[%parallel_loop3A_216, %parallel_loop3A_217] {strides = array<i32>} : memref<32x512xf32, #tpu.memory_space<vmem>>, vector<16xf32>,
        %parallel_loop3A_219 = arith.addf %parallel_loop3A_218, %parallel_loop3A_208 : vector<16xf32>
        %parallel_loop3A_220 = arith.index_cast %parallel_loop3A_182 : i32 to index
        %parallel_loop3A_221 = arith.constant 48 : index
        %parallel_loop3A_222 = tpu.vector_load %arg11[%parallel_loop3A_220, %parallel_loop3A_221] {strides = array<i32>} : memref<32x512xf32, #tpu.memory_space<vmem>>, vector<16xf32>,
        tpu.vector_store %arg11[%parallel_loop3A_220, %parallel_loop3A_221], %parallel_loop3A_219 {strides = array<i32>} : memref<32x512xf32, #tpu.memory_space<vmem>>, vector<16xf32>,
        %parallel_loop3A_223 = arith.index_cast %parallel_loop3A_182 : i32 to index
        %parallel_loop3A_224 = arith.constant 32 : index
        %parallel_loop3A_225 = tpu.vector_load %arg15[%parallel_loop3A_223, %parallel_loop3A_224] {strides = array<i32>} : memref<32x256xi32, #tpu.memory_space<vmem>>, vector<16xi32>,
        %parallel_loop3A_226 = vector.bitcast %parallel_loop3A_225 : vector<16xi32> to vector<32xbf16>
        %parallel_loop3A_227 = tpu.unpack_subelements %parallel_loop3A_226, 0 {pack_format = #tpu.pack_format<interleaved>} : vector<32xbf16> -> vector<16xf32>
        %parallel_loop3A_228 = tpu.unpack_subelements %parallel_loop3A_226, 1 {pack_format = #tpu.pack_format<interleaved>} : vector<32xbf16> -> vector<16xf32>
        %parallel_loop3A_229 = arith.index_cast %parallel_loop3A_182 : i32 to index
        %parallel_loop3A_230 = arith.constant 64 : index
        %parallel_loop3A_231 = tpu.vector_load %arg11[%parallel_loop3A_229, %parallel_loop3A_230] {strides = array<i32>} : memref<32x512xf32, #tpu.memory_space<vmem>>, vector<16xf32>,
        %parallel_loop3A_232 = arith.addf %parallel_loop3A_231, %parallel_loop3A_227 : vector<16xf32>
        %parallel_loop3A_233 = arith.index_cast %parallel_loop3A_182 : i32 to index
        %parallel_loop3A_234 = arith.constant 64 : index
        %parallel_loop3A_235 = tpu.vector_load %arg11[%parallel_loop3A_233, %parallel_loop3A_234] {strides = array<i32>} : memref<32x512xf32, #tpu.memory_space<vmem>>, vector<16xf32>,
        tpu.vector_store %arg11[%parallel_loop3A_233, %parallel_loop3A_234], %parallel_loop3A_232 {strides = array<i32>} : memref<32x512xf32, #tpu.memory_space<vmem>>, vector<16xf32>,
        %parallel_loop3A_236 = arith.index_cast %parallel_loop3A_182 : i32 to index
        %parallel_loop3A_237 = arith.constant 80 : index
        %parallel_loop3A_238 = tpu.vector_load %arg11[%parallel_loop3A_236, %parallel_loop3A_237] {strides = array<i32>} : memref<32x512xf32, #tpu.memory_space<vmem>>, vector<16xf32>,
        %parallel_loop3A_239 = arith.addf %parallel_loop3A_238, %parallel_loop3A_228 : vector<16xf32>
        %parallel_loop3A_240 = arith.index_cast %parallel_loop3A_182 : i32 to index
        %parallel_loop3A_241 = arith.constant 80 : index
        %parallel_loop3A_242 = tpu.vector_load %arg11[%parallel_loop3A_240, %parallel_loop3A_241] {strides = array<i32>} : memref<32x512xf32, #tpu.memory_space<vmem>>, vector<16xf32>,
        tpu.vector_store %arg11[%parallel_loop3A_240, %parallel_loop3A_241], %parallel_loop3A_239 {strides = array<i32>} : memref<32x512xf32, #tpu.memory_space<vmem>>, vector<16xf32>,
        %parallel_loop3A_243 = arith.index_cast %parallel_loop3A_182 : i32 to index
        %parallel_loop3A_244 = arith.constant 48 : index
        %parallel_loop3A_245 = tpu.vector_load %arg15[%parallel_loop3A_243, %parallel_loop3A_244] {strides = array<i32>} : memref<32x256xi32, #tpu.memory_space<vmem>>, vector<16xi32>,
        %parallel_loop3A_246 = vector.bitcast %parallel_loop3A_245 : vector<16xi32> to vector<32xbf16>
        %parallel_loop3A_247 = tpu.unpack_subelements %parallel_loop3A_246, 0 {pack_format = #tpu.pack_format<interleaved>} : vector<32xbf16> -> vector<16xf32>
        %parallel_loop3A_248 = tpu.unpack_subelements %parallel_loop3A_246, 1 {pack_format = #tpu.pack_format<interleaved>} : vector<32xbf16> -> vector<16xf32>
        %parallel_loop3A_249 = arith.index_cast %parallel_loop3A_182 : i32 to index
        %parallel_loop3A_250 = arith.constant 96 : index
        %parallel_loop3A_251 = tpu.vector_load %arg11[%parallel_loop3A_249, %parallel_loop3A_250] {strides = array<i32>} : memref<32x512xf32, #tpu.memory_space<vmem>>, vector<16xf32>,
        %parallel_loop3A_252 = arith.addf %parallel_loop3A_251, %parallel_loop3A_247 : vector<16xf32>
        %parallel_loop3A_253 = arith.index_cast %parallel_loop3A_182 : i32 to index
        %parallel_loop3A_254 = arith.constant 96 : index
        %parallel_loop3A_255 = tpu.vector_load %arg11[%parallel_loop3A_253, %parallel_loop3A_254] {strides = array<i32>} : memref<32x512xf32, #tpu.memory_space<vmem>>, vector<16xf32>,
        tpu.vector_store %arg11[%parallel_loop3A_253, %parallel_loop3A_254], %parallel_loop3A_252 {strides = array<i32>} : memref<32x512xf32, #tpu.memory_space<vmem>>, vector<16xf32>,
        %parallel_loop3A_256 = arith.index_cast %parallel_loop3A_182 : i32 to index
        %parallel_loop3A_257 = arith.constant 112 : index
        %parallel_loop3A_258 = tpu.vector_load %arg11[%parallel_loop3A_256, %parallel_loop3A_257] {strides = array<i32>} : memref<32x512xf32, #tpu.memory_space<vmem>>, vector<16xf32>,
        %parallel_loop3A_259 = arith.addf %parallel_loop3A_258, %parallel_loop3A_248 : vector<16xf32>
        %parallel_loop3A_260 = arith.index_cast %parallel_loop3A_182 : i32 to index
        %parallel_loop3A_261 = arith.constant 112 : index
        %parallel_loop3A_262 = tpu.vector_load %arg11[%parallel_loop3A_260, %parallel_loop3A_261] {strides = array<i32>} : memref<32x512xf32, #tpu.memory_space<vmem>>, vector<16xf32>,
        tpu.vector_store %arg11[%parallel_loop3A_260, %parallel_loop3A_261], %parallel_loop3A_259 {strides = array<i32>} : memref<32x512xf32, #tpu.memory_space<vmem>>, vector<16xf32>,
        %parallel_loop3A_263 = arith.index_cast %parallel_loop3A_182 : i32 to index
        %parallel_loop3A_264 = arith.constant 64 : index
        %parallel_loop3A_265 = tpu.vector_load %arg15[%parallel_loop3A_263, %parallel_loop3A_264] {strides = array<i32>} : memref<32x256xi32, #tpu.memory_space<vmem>>, vector<16xi32>,
        %parallel_loop3A_266 = vector.bitcast %parallel_loop3A_265 : vector<16xi32> to vector<32xbf16>
        %parallel_loop3A_267 = tpu.unpack_subelements %parallel_loop3A_266, 0 {pack_format = #tpu.pack_format<interleaved>} : vector<32xbf16> -> vector<16xf32>
        %parallel_loop3A_268 = tpu.unpack_subelements %parallel_loop3A_266, 1 {pack_format = #tpu.pack_format<interleaved>} : vector<32xbf16> -> vector<16xf32>
        %parallel_loop3A_269 = arith.index_cast %parallel_loop3A_182 : i32 to index
        %parallel_loop3A_270 = arith.constant 128 : index
        %parallel_loop3A_271 = tpu.vector_load %arg11[%parallel_loop3A_269, %parallel_loop3A_270] {strides = array<i32>} : memref<32x512xf32, #tpu.memory_space<vmem>>, vector<16xf32>,
        %parallel_loop3A_272 = arith.addf %parallel_loop3A_271, %parallel_loop3A_267 : vector<16xf32>
        %parallel_loop3A_273 = arith.index_cast %parallel_loop3A_182 : i32 to index
        %parallel_loop3A_274 = arith.constant 128 : index
        %parallel_loop3A_275 = tpu.vector_load %arg11[%parallel_loop3A_273, %parallel_loop3A_274] {strides = array<i32>} : memref<32x512xf32, #tpu.memory_space<vmem>>, vector<16xf32>,
        tpu.vector_store %arg11[%parallel_loop3A_273, %parallel_loop3A_274], %parallel_loop3A_272 {strides = array<i32>} : memref<32x512xf32, #tpu.memory_space<vmem>>, vector<16xf32>,
        %parallel_loop3A_276 = arith.index_cast %parallel_loop3A_182 : i32 to index
        %parallel_loop3A_277 = arith.constant 144 : index
        %parallel_loop3A_278 = tpu.vector_load %arg11[%parallel_loop3A_276, %parallel_loop3A_277] {strides = array<i32>} : memref<32x512xf32, #tpu.memory_space<vmem>>, vector<16xf32>,
        %parallel_loop3A_279 = arith.addf %parallel_loop3A_278, %parallel_loop3A_268 : vector<16xf32>
        %parallel_loop3A_280 = arith.index_cast %parallel_loop3A_182 : i32 to index
        %parallel_loop3A_281 = arith.constant 144 : index
        %parallel_loop3A_282 = tpu.vector_load %arg11[%parallel_loop3A_280, %parallel_loop3A_281] {strides = array<i32>} : memref<32x512xf32, #tpu.memory_space<vmem>>, vector<16xf32>,
        tpu.vector_store %arg11[%parallel_loop3A_280, %parallel_loop3A_281], %parallel_loop3A_279 {strides = array<i32>} : memref<32x512xf32, #tpu.memory_space<vmem>>, vector<16xf32>,
        %parallel_loop3A_283 = arith.index_cast %parallel_loop3A_182 : i32 to index
        %parallel_loop3A_284 = arith.constant 80 : index
        %parallel_loop3A_285 = tpu.vector_load %arg15[%parallel_loop3A_283, %parallel_loop3A_284] {strides = array<i32>} : memref<32x256xi32, #tpu.memory_space<vmem>>, vector<16xi32>,
        %parallel_loop3A_286 = vector.bitcast %parallel_loop3A_285 : vector<16xi32> to vector<32xbf16>
        %parallel_loop3A_287 = tpu.unpack_subelements %parallel_loop3A_286, 0 {pack_format = #tpu.pack_format<interleaved>} : vector<32xbf16> -> vector<16xf32>
        %parallel_loop3A_288 = tpu.unpack_subelements %parallel_loop3A_286, 1 {pack_format = #tpu.pack_format<interleaved>} : vector<32xbf16> -> vector<16xf32>
        %parallel_loop3A_289 = arith.index_cast %parallel_loop3A_182 : i32 to index
        %parallel_loop3A_290 = arith.constant 160 : index
        %parallel_loop3A_291 = tpu.vector_load %arg11[%parallel_loop3A_289, %parallel_loop3A_290] {strides = array<i32>} : memref<32x512xf32, #tpu.memory_space<vmem>>, vector<16xf32>,
        %parallel_loop3A_292 = arith.addf %parallel_loop3A_291, %parallel_loop3A_287 : vector<16xf32>
        %parallel_loop3A_293 = arith.index_cast %parallel_loop3A_182 : i32 to index
        %parallel_loop3A_294 = arith.constant 160 : index
        %parallel_loop3A_295 = tpu.vector_load %arg11[%parallel_loop3A_293, %parallel_loop3A_294] {strides = array<i32>} : memref<32x512xf32, #tpu.memory_space<vmem>>, vector<16xf32>,
        tpu.vector_store %arg11[%parallel_loop3A_293, %parallel_loop3A_294], %parallel_loop3A_292 {strides = array<i32>} : memref<32x512xf32, #tpu.memory_space<vmem>>, vector<16xf32>,
        %parallel_loop3A_296 = arith.index_cast %parallel_loop3A_182 : i32 to index
        %parallel_loop3A_297 = arith.constant 176 : index
        %parallel_loop3A_298 = tpu.vector_load %arg11[%parallel_loop3A_296, %parallel_loop3A_297] {strides = array<i32>} : memref<32x512xf32, #tpu.memory_space<vmem>>, vector<16xf32>,
        %parallel_loop3A_299 = arith.addf %parallel_loop3A_298, %parallel_loop3A_288 : vector<16xf32>
        %parallel_loop3A_300 = arith.index_cast %parallel_loop3A_182 : i32 to index
        %parallel_loop3A_301 = arith.constant 176 : index
        %parallel_loop3A_302 = tpu.vector_load %arg11[%parallel_loop3A_300, %parallel_loop3A_301] {strides = array<i32>} : memref<32x512xf32, #tpu.memory_space<vmem>>, vector<16xf32>,
        tpu.vector_store %arg11[%parallel_loop3A_300, %parallel_loop3A_301], %parallel_loop3A_299 {strides = array<i32>} : memref<32x512xf32, #tpu.memory_space<vmem>>, vector<16xf32>,
        %parallel_loop3A_303 = arith.index_cast %parallel_loop3A_182 : i32 to index
        %parallel_loop3A_304 = arith.constant 96 : index
        %parallel_loop3A_305 = tpu.vector_load %arg15[%parallel_loop3A_303, %parallel_loop3A_304] {strides = array<i32>} : memref<32x256xi32, #tpu.memory_space<vmem>>, vector<16xi32>,
        %parallel_loop3A_306 = vector.bitcast %parallel_loop3A_305 : vector<16xi32> to vector<32xbf16>
        %parallel_loop3A_307 = tpu.unpack_subelements %parallel_loop3A_306, 0 {pack_format = #tpu.pack_format<interleaved>} : vector<32xbf16> -> vector<16xf32>
        %parallel_loop3A_308 = tpu.unpack_subelements %parallel_loop3A_306, 1 {pack_format = #tpu.pack_format<interleaved>} : vector<32xbf16> -> vector<16xf32>
        %parallel_loop3A_309 = arith.index_cast %parallel_loop3A_182 : i32 to index
        %parallel_loop3A_310 = arith.constant 192 : index
        %parallel_loop3A_311 = tpu.vector_load %arg11[%parallel_loop3A_309, %parallel_loop3A_310] {strides = array<i32>} : memref<32x512xf32, #tpu.memory_space<vmem>>, vector<16xf32>,
        %parallel_loop3A_312 = arith.addf %parallel_loop3A_311, %parallel_loop3A_307 : vector<16xf32>
        %parallel_loop3A_313 = arith.index_cast %parallel_loop3A_182 : i32 to index
        %parallel_loop3A_314 = arith.constant 192 : index
        %parallel_loop3A_315 = tpu.vector_load %arg11[%parallel_loop3A_313, %parallel_loop3A_314] {strides = array<i32>} : memref<32x512xf32, #tpu.memory_space<vmem>>, vector<16xf32>,
        tpu.vector_store %arg11[%parallel_loop3A_313, %parallel_loop3A_314], %parallel_loop3A_312 {strides = array<i32>} : memref<32x512xf32, #tpu.memory_space<vmem>>, vector<16xf32>,
        %parallel_loop3A_316 = arith.index_cast %parallel_loop3A_182 : i32 to index
        %parallel_loop3A_317 = arith.constant 208 : index
        %parallel_loop3A_318 = tpu.vector_load %arg11[%parallel_loop3A_316, %parallel_loop3A_317] {strides = array<i32>} : memref<32x512xf32, #tpu.memory_space<vmem>>, vector<16xf32>,
        %parallel_loop3A_319 = arith.addf %parallel_loop3A_318, %parallel_loop3A_308 : vector<16xf32>
        %parallel_loop3A_320 = arith.index_cast %parallel_loop3A_182 : i32 to index
        %parallel_loop3A_321 = arith.constant 208 : index
        %parallel_loop3A_322 = tpu.vector_load %arg11[%parallel_loop3A_320, %parallel_loop3A_321] {strides = array<i32>} : memref<32x512xf32, #tpu.memory_space<vmem>>, vector<16xf32>,
        tpu.vector_store %arg11[%parallel_loop3A_320, %parallel_loop3A_321], %parallel_loop3A_319 {strides = array<i32>} : memref<32x512xf32, #tpu.memory_space<vmem>>, vector<16xf32>,
        %parallel_loop3A_323 = arith.index_cast %parallel_loop3A_182 : i32 to index
        %parallel_loop3A_324 = arith.constant 112 : index
        %parallel_loop3A_325 = tpu.vector_load %arg15[%parallel_loop3A_323, %parallel_loop3A_324] {strides = array<i32>} : memref<32x256xi32, #tpu.memory_space<vmem>>, vector<16xi32>,
        %parallel_loop3A_326 = vector.bitcast %parallel_loop3A_325 : vector<16xi32> to vector<32xbf16>
        %parallel_loop3A_327 = tpu.unpack_subelements %parallel_loop3A_326, 0 {pack_format = #tpu.pack_format<interleaved>} : vector<32xbf16> -> vector<16xf32>
        %parallel_loop3A_328 = tpu.unpack_subelements %parallel_loop3A_326, 1 {pack_format = #tpu.pack_format<interleaved>} : vector<32xbf16> -> vector<16xf32>
        %parallel_loop3A_329 = arith.index_cast %parallel_loop3A_182 : i32 to index
        %parallel_loop3A_330 = arith.constant 224 : index
        %parallel_loop3A_331 = tpu.vector_load %arg11[%parallel_loop3A_329, %parallel_loop3A_330] {strides = array<i32>} : memref<32x512xf32, #tpu.memory_space<vmem>>, vector<16xf32>,
        %parallel_loop3A_332 = arith.addf %parallel_loop3A_331, %parallel_loop3A_327 : vector<16xf32>
        %parallel_loop3A_333 = arith.index_cast %parallel_loop3A_182 : i32 to index
        %parallel_loop3A_334 = arith.constant 224 : index
        %parallel_loop3A_335 = tpu.vector_load %arg11[%parallel_loop3A_333, %parallel_loop3A_334] {strides = array<i32>} : memref<32x512xf32, #tpu.memory_space<vmem>>, vector<16xf32>,
        tpu.vector_store %arg11[%parallel_loop3A_333, %parallel_loop3A_334], %parallel_loop3A_332 {strides = array<i32>} : memref<32x512xf32, #tpu.memory_space<vmem>>, vector<16xf32>,
        %parallel_loop3A_336 = arith.index_cast %parallel_loop3A_182 : i32 to index
        %parallel_loop3A_337 = arith.constant 240 : index
        %parallel_loop3A_338 = tpu.vector_load %arg11[%parallel_loop3A_336, %parallel_loop3A_337] {strides = array<i32>} : memref<32x512xf32, #tpu.memory_space<vmem>>, vector<16xf32>,
        %parallel_loop3A_339 = arith.addf %parallel_loop3A_338, %parallel_loop3A_328 : vector<16xf32>
        %parallel_loop3A_340 = arith.index_cast %parallel_loop3A_182 : i32 to index
        %parallel_loop3A_341 = arith.constant 240 : index
        %parallel_loop3A_342 = tpu.vector_load %arg11[%parallel_loop3A_340, %parallel_loop3A_341] {strides = array<i32>} : memref<32x512xf32, #tpu.memory_space<vmem>>, vector<16xf32>,
        tpu.vector_store %arg11[%parallel_loop3A_340, %parallel_loop3A_341], %parallel_loop3A_339 {strides = array<i32>} : memref<32x512xf32, #tpu.memory_space<vmem>>, vector<16xf32>,
        %parallel_loop3A_343 = arith.index_cast %parallel_loop3A_182 : i32 to index
        %parallel_loop3A_344 = arith.constant 128 : index
        %parallel_loop3A_345 = tpu.vector_load %arg15[%parallel_loop3A_343, %parallel_loop3A_344] {strides = array<i32>} : memref<32x256xi32, #tpu.memory_space<vmem>>, vector<16xi32>,
        %parallel_loop3A_346 = vector.bitcast %parallel_loop3A_345 : vector<16xi32> to vector<32xbf16>
        %parallel_loop3A_347 = tpu.unpack_subelements %parallel_loop3A_346, 0 {pack_format = #tpu.pack_format<interleaved>} : vector<32xbf16> -> vector<16xf32>
        %parallel_loop3A_348 = tpu.unpack_subelements %parallel_loop3A_346, 1 {pack_format = #tpu.pack_format<interleaved>} : vector<32xbf16> -> vector<16xf32>
        %parallel_loop3A_349 = arith.index_cast %parallel_loop3A_182 : i32 to index
        %parallel_loop3A_350 = arith.constant 256 : index
        %parallel_loop3A_351 = tpu.vector_load %arg11[%parallel_loop3A_349, %parallel_loop3A_350] {strides = array<i32>} : memref<32x512xf32, #tpu.memory_space<vmem>>, vector<16xf32>,
        %parallel_loop3A_352 = arith.addf %parallel_loop3A_351, %parallel_loop3A_347 : vector<16xf32>
        %parallel_loop3A_353 = arith.index_cast %parallel_loop3A_182 : i32 to index
        %parallel_loop3A_354 = arith.constant 256 : index
        %parallel_loop3A_355 = tpu.vector_load %arg11[%parallel_loop3A_353, %parallel_loop3A_354] {strides = array<i32>} : memref<32x512xf32, #tpu.memory_space<vmem>>, vector<16xf32>,
        tpu.vector_store %arg11[%parallel_loop3A_353, %parallel_loop3A_354], %parallel_loop3A_352 {strides = array<i32>} : memref<32x512xf32, #tpu.memory_space<vmem>>, vector<16xf32>,
        %parallel_loop3A_356 = arith.index_cast %parallel_loop3A_182 : i32 to index
        %parallel_loop3A_357 = arith.constant 272 : index
        %parallel_loop3A_358 = tpu.vector_load %arg11[%parallel_loop3A_356, %parallel_loop3A_357] {strides = array<i32>} : memref<32x512xf32, #tpu.memory_space<vmem>>, vector<16xf32>,
        %parallel_loop3A_359 = arith.addf %parallel_loop3A_358, %parallel_loop3A_348 : vector<16xf32>
        %parallel_loop3A_360 = arith.index_cast %parallel_loop3A_182 : i32 to index
        %parallel_loop3A_361 = arith.constant 272 : index
        %parallel_loop3A_362 = tpu.vector_load %arg11[%parallel_loop3A_360, %parallel_loop3A_361] {strides = array<i32>} : memref<32x512xf32, #tpu.memory_space<vmem>>, vector<16xf32>,
        tpu.vector_store %arg11[%parallel_loop3A_360, %parallel_loop3A_361], %parallel_loop3A_359 {strides = array<i32>} : memref<32x512xf32, #tpu.memory_space<vmem>>, vector<16xf32>,
        %parallel_loop3A_363 = arith.index_cast %parallel_loop3A_182 : i32 to index
        %parallel_loop3A_364 = arith.constant 144 : index
        %parallel_loop3A_365 = tpu.vector_load %arg15[%parallel_loop3A_363, %parallel_loop3A_364] {strides = array<i32>} : memref<32x256xi32, #tpu.memory_space<vmem>>, vector<16xi32>,
        %parallel_loop3A_366 = vector.bitcast %parallel_loop3A_365 : vector<16xi32> to vector<32xbf16>
        %parallel_loop3A_367 = tpu.unpack_subelements %parallel_loop3A_366, 0 {pack_format = #tpu.pack_format<interleaved>} : vector<32xbf16> -> vector<16xf32>
        %parallel_loop3A_368 = tpu.unpack_subelements %parallel_loop3A_366, 1 {pack_format = #tpu.pack_format<interleaved>} : vector<32xbf16> -> vector<16xf32>
        %parallel_loop3A_369 = arith.index_cast %parallel_loop3A_182 : i32 to index
        %parallel_loop3A_370 = arith.constant 288 : index
        %parallel_loop3A_371 = tpu.vector_load %arg11[%parallel_loop3A_369, %parallel_loop3A_370] {strides = array<i32>} : memref<32x512xf32, #tpu.memory_space<vmem>>, vector<16xf32>,
        %parallel_loop3A_372 = arith.addf %parallel_loop3A_371, %parallel_loop3A_367 : vector<16xf32>
        %parallel_loop3A_373 = arith.index_cast %parallel_loop3A_182 : i32 to index
        %parallel_loop3A_374 = arith.constant 288 : index
        %parallel_loop3A_375 = tpu.vector_load %arg11[%parallel_loop3A_373, %parallel_loop3A_374] {strides = array<i32>} : memref<32x512xf32, #tpu.memory_space<vmem>>, vector<16xf32>,
        tpu.vector_store %arg11[%parallel_loop3A_373, %parallel_loop3A_374], %parallel_loop3A_372 {strides = array<i32>} : memref<32x512xf32, #tpu.memory_space<vmem>>, vector<16xf32>,
        %parallel_loop3A_376 = arith.index_cast %parallel_loop3A_182 : i32 to index
        %parallel_loop3A_377 = arith.constant 304 : index
        %parallel_loop3A_378 = tpu.vector_load %arg11[%parallel_loop3A_376, %parallel_loop3A_377] {strides = array<i32>} : memref<32x512xf32, #tpu.memory_space<vmem>>, vector<16xf32>,
        %parallel_loop3A_379 = arith.addf %parallel_loop3A_378, %parallel_loop3A_368 : vector<16xf32>
        %parallel_loop3A_380 = arith.index_cast %parallel_loop3A_182 : i32 to index
        %parallel_loop3A_381 = arith.constant 304 : index
        %parallel_loop3A_382 = tpu.vector_load %arg11[%parallel_loop3A_380, %parallel_loop3A_381] {strides = array<i32>} : memref<32x512xf32, #tpu.memory_space<vmem>>, vector<16xf32>,
        tpu.vector_store %arg11[%parallel_loop3A_380, %parallel_loop3A_381], %parallel_loop3A_379 {strides = array<i32>} : memref<32x512xf32, #tpu.memory_space<vmem>>, vector<16xf32>,
        %parallel_loop3A_383 = arith.index_cast %parallel_loop3A_182 : i32 to index
        %parallel_loop3A_384 = arith.constant 160 : index
        %parallel_loop3A_385 = tpu.vector_load %arg15[%parallel_loop3A_383, %parallel_loop3A_384] {strides = array<i32>} : memref<32x256xi32, #tpu.memory_space<vmem>>, vector<16xi32>,
        %parallel_loop3A_386 = vector.bitcast %parallel_loop3A_385 : vector<16xi32> to vector<32xbf16>
        %parallel_loop3A_387 = tpu.unpack_subelements %parallel_loop3A_386, 0 {pack_format = #tpu.pack_format<interleaved>} : vector<32xbf16> -> vector<16xf32>
        %parallel_loop3A_388 = tpu.unpack_subelements %parallel_loop3A_386, 1 {pack_format = #tpu.pack_format<interleaved>} : vector<32xbf16> -> vector<16xf32>
        %parallel_loop3A_389 = arith.index_cast %parallel_loop3A_182 : i32 to index
        %parallel_loop3A_390 = arith.constant 320 : index
        %parallel_loop3A_391 = tpu.vector_load %arg11[%parallel_loop3A_389, %parallel_loop3A_390] {strides = array<i32>} : memref<32x512xf32, #tpu.memory_space<vmem>>, vector<16xf32>,
        %parallel_loop3A_392 = arith.addf %parallel_loop3A_391, %parallel_loop3A_387 : vector<16xf32>
        %parallel_loop3A_393 = arith.index_cast %parallel_loop3A_182 : i32 to index
        %parallel_loop3A_394 = arith.constant 320 : index
        %parallel_loop3A_395 = tpu.vector_load %arg11[%parallel_loop3A_393, %parallel_loop3A_394] {strides = array<i32>} : memref<32x512xf32, #tpu.memory_space<vmem>>, vector<16xf32>,
        tpu.vector_store %arg11[%parallel_loop3A_393, %parallel_loop3A_394], %parallel_loop3A_392 {strides = array<i32>} : memref<32x512xf32, #tpu.memory_space<vmem>>, vector<16xf32>,
        %parallel_loop3A_396 = arith.index_cast %parallel_loop3A_182 : i32 to index
        %parallel_loop3A_397 = arith.constant 336 : index
        %parallel_loop3A_398 = tpu.vector_load %arg11[%parallel_loop3A_396, %parallel_loop3A_397] {strides = array<i32>} : memref<32x512xf32, #tpu.memory_space<vmem>>, vector<16xf32>,
        %parallel_loop3A_399 = arith.addf %parallel_loop3A_398, %parallel_loop3A_388 : vector<16xf32>
        %parallel_loop3A_400 = arith.index_cast %parallel_loop3A_182 : i32 to index
        %parallel_loop3A_401 = arith.constant 336 : index
        %parallel_loop3A_402 = tpu.vector_load %arg11[%parallel_loop3A_400, %parallel_loop3A_401] {strides = array<i32>} : memref<32x512xf32, #tpu.memory_space<vmem>>, vector<16xf32>,
        tpu.vector_store %arg11[%parallel_loop3A_400, %parallel_loop3A_401], %parallel_loop3A_399 {strides = array<i32>} : memref<32x512xf32, #tpu.memory_space<vmem>>, vector<16xf32>,
        %parallel_loop3A_403 = arith.index_cast %parallel_loop3A_182 : i32 to index
        %parallel_loop3A_404 = arith.constant 176 : index
        %parallel_loop3A_405 = tpu.vector_load %arg15[%parallel_loop3A_403, %parallel_loop3A_404] {strides = array<i32>} : memref<32x256xi32, #tpu.memory_space<vmem>>, vector<16xi32>,
        %parallel_loop3A_406 = vector.bitcast %parallel_loop3A_405 : vector<16xi32> to vector<32xbf16>
        %parallel_loop3A_407 = tpu.unpack_subelements %parallel_loop3A_406, 0 {pack_format = #tpu.pack_format<interleaved>} : vector<32xbf16> -> vector<16xf32>
        %parallel_loop3A_408 = tpu.unpack_subelements %parallel_loop3A_406, 1 {pack_format = #tpu.pack_format<interleaved>} : vector<32xbf16> -> vector<16xf32>
        %parallel_loop3A_409 = arith.index_cast %parallel_loop3A_182 : i32 to index
        %parallel_loop3A_410 = arith.constant 352 : index
        %parallel_loop3A_411 = tpu.vector_load %arg11[%parallel_loop3A_409, %parallel_loop3A_410] {strides = array<i32>} : memref<32x512xf32, #tpu.memory_space<vmem>>, vector<16xf32>,
        %parallel_loop3A_412 = arith.addf %parallel_loop3A_411, %parallel_loop3A_407 : vector<16xf32>
        %parallel_loop3A_413 = arith.index_cast %parallel_loop3A_182 : i32 to index
        %parallel_loop3A_414 = arith.constant 352 : index
        %parallel_loop3A_415 = tpu.vector_load %arg11[%parallel_loop3A_413, %parallel_loop3A_414] {strides = array<i32>} : memref<32x512xf32, #tpu.memory_space<vmem>>, vector<16xf32>,
        tpu.vector_store %arg11[%parallel_loop3A_413, %parallel_loop3A_414], %parallel_loop3A_412 {strides = array<i32>} : memref<32x512xf32, #tpu.memory_space<vmem>>, vector<16xf32>,
        %parallel_loop3A_416 = arith.index_cast %parallel_loop3A_182 : i32 to index
        %parallel_loop3A_417 = arith.constant 368 : index
        %parallel_loop3A_418 = tpu.vector_load %arg11[%parallel_loop3A_416, %parallel_loop3A_417] {strides = array<i32>} : memref<32x512xf32, #tpu.memory_space<vmem>>, vector<16xf32>,
        %parallel_loop3A_419 = arith.addf %parallel_loop3A_418, %parallel_loop3A_408 : vector<16xf32>
        %parallel_loop3A_420 = arith.index_cast %parallel_loop3A_182 : i32 to index
        %parallel_loop3A_421 = arith.constant 368 : index
        %parallel_loop3A_422 = tpu.vector_load %arg11[%parallel_loop3A_420, %parallel_loop3A_421] {strides = array<i32>} : memref<32x512xf32, #tpu.memory_space<vmem>>, vector<16xf32>,
        tpu.vector_store %arg11[%parallel_loop3A_420, %parallel_loop3A_421], %parallel_loop3A_419 {strides = array<i32>} : memref<32x512xf32, #tpu.memory_space<vmem>>, vector<16xf32>,
        %parallel_loop3A_423 = arith.index_cast %parallel_loop3A_182 : i32 to index
        %parallel_loop3A_424 = arith.constant 192 : index
        %parallel_loop3A_425 = tpu.vector_load %arg15[%parallel_loop3A_423, %parallel_loop3A_424] {strides = array<i32>} : memref<32x256xi32, #tpu.memory_space<vmem>>, vector<16xi32>,
        %parallel_loop3A_426 = vector.bitcast %parallel_loop3A_425 : vector<16xi32> to vector<32xbf16>
        %parallel_loop3A_427 = tpu.unpack_subelements %parallel_loop3A_426, 0 {pack_format = #tpu.pack_format<interleaved>} : vector<32xbf16> -> vector<16xf32>
        %parallel_loop3A_428 = tpu.unpack_subelements %parallel_loop3A_426, 1 {pack_format = #tpu.pack_format<interleaved>} : vector<32xbf16> -> vector<16xf32>
        %parallel_loop3A_429 = arith.index_cast %parallel_loop3A_182 : i32 to index
        %parallel_loop3A_430 = arith.constant 384 : index
        %parallel_loop3A_431 = tpu.vector_load %arg11[%parallel_loop3A_429, %parallel_loop3A_430] {strides = array<i32>} : memref<32x512xf32, #tpu.memory_space<vmem>>, vector<16xf32>,
        %parallel_loop3A_432 = arith.addf %parallel_loop3A_431, %parallel_loop3A_427 : vector<16xf32>
        %parallel_loop3A_433 = arith.index_cast %parallel_loop3A_182 : i32 to index
        %parallel_loop3A_434 = arith.constant 384 : index
        %parallel_loop3A_435 = tpu.vector_load %arg11[%parallel_loop3A_433, %parallel_loop3A_434] {strides = array<i32>} : memref<32x512xf32, #tpu.memory_space<vmem>>, vector<16xf32>,
        tpu.vector_store %arg11[%parallel_loop3A_433, %parallel_loop3A_434], %parallel_loop3A_432 {strides = array<i32>} : memref<32x512xf32, #tpu.memory_space<vmem>>, vector<16xf32>,
        %parallel_loop3A_436 = arith.index_cast %parallel_loop3A_182 : i32 to index
        %parallel_loop3A_437 = arith.constant 400 : index
        %parallel_loop3A_438 = tpu.vector_load %arg11[%parallel_loop3A_436, %parallel_loop3A_437] {strides = array<i32>} : memref<32x512xf32, #tpu.memory_space<vmem>>, vector<16xf32>,
        %parallel_loop3A_439 = arith.addf %parallel_loop3A_438, %parallel_loop3A_428 : vector<16xf32>
        %parallel_loop3A_440 = arith.index_cast %parallel_loop3A_182 : i32 to index
        %parallel_loop3A_441 = arith.constant 400 : index
        %parallel_loop3A_442 = tpu.vector_load %arg11[%parallel_loop3A_440, %parallel_loop3A_441] {strides = array<i32>} : memref<32x512xf32, #tpu.memory_space<vmem>>, vector<16xf32>,
        tpu.vector_store %arg11[%parallel_loop3A_440, %parallel_loop3A_441], %parallel_loop3A_439 {strides = array<i32>} : memref<32x512xf32, #tpu.memory_space<vmem>>, vector<16xf32>,
        %parallel_loop3A_443 = arith.index_cast %parallel_loop3A_182 : i32 to index
        %parallel_loop3A_444 = arith.constant 208 : index
        %parallel_loop3A_445 = tpu.vector_load %arg15[%parallel_loop3A_443, %parallel_loop3A_444] {strides = array<i32>} : memref<32x256xi32, #tpu.memory_space<vmem>>, vector<16xi32>,
        %parallel_loop3A_446 = vector.bitcast %parallel_loop3A_445 : vector<16xi32> to vector<32xbf16>
        %parallel_loop3A_447 = tpu.unpack_subelements %parallel_loop3A_446, 0 {pack_format = #tpu.pack_format<interleaved>} : vector<32xbf16> -> vector<16xf32>
        %parallel_loop3A_448 = tpu.unpack_subelements %parallel_loop3A_446, 1 {pack_format = #tpu.pack_format<interleaved>} : vector<32xbf16> -> vector<16xf32>
        %parallel_loop3A_449 = arith.index_cast %parallel_loop3A_182 : i32 to index
        %parallel_loop3A_450 = arith.constant 416 : index
        %parallel_loop3A_451 = tpu.vector_load %arg11[%parallel_loop3A_449, %parallel_loop3A_450] {strides = array<i32>} : memref<32x512xf32, #tpu.memory_space<vmem>>, vector<16xf32>,
        %parallel_loop3A_452 = arith.addf %parallel_loop3A_451, %parallel_loop3A_447 : vector<16xf32>
        %parallel_loop3A_453 = arith.index_cast %parallel_loop3A_182 : i32 to index
        %parallel_loop3A_454 = arith.constant 416 : index
        %parallel_loop3A_455 = tpu.vector_load %arg11[%parallel_loop3A_453, %parallel_loop3A_454] {strides = array<i32>} : memref<32x512xf32, #tpu.memory_space<vmem>>, vector<16xf32>,
        tpu.vector_store %arg11[%parallel_loop3A_453, %parallel_loop3A_454], %parallel_loop3A_452 {strides = array<i32>} : memref<32x512xf32, #tpu.memory_space<vmem>>, vector<16xf32>,
        %parallel_loop3A_456 = arith.index_cast %parallel_loop3A_182 : i32 to index
        %parallel_loop3A_457 = arith.constant 432 : index
        %parallel_loop3A_458 = tpu.vector_load %arg11[%parallel_loop3A_456, %parallel_loop3A_457] {strides = array<i32>} : memref<32x512xf32, #tpu.memory_space<vmem>>, vector<16xf32>,
        %parallel_loop3A_459 = arith.addf %parallel_loop3A_458, %parallel_loop3A_448 : vector<16xf32>
        %parallel_loop3A_460 = arith.index_cast %parallel_loop3A_182 : i32 to index
        %parallel_loop3A_461 = arith.constant 432 : index
        %parallel_loop3A_462 = tpu.vector_load %arg11[%parallel_loop3A_460, %parallel_loop3A_461] {strides = array<i32>} : memref<32x512xf32, #tpu.memory_space<vmem>>, vector<16xf32>,
        tpu.vector_store %arg11[%parallel_loop3A_460, %parallel_loop3A_461], %parallel_loop3A_459 {strides = array<i32>} : memref<32x512xf32, #tpu.memory_space<vmem>>, vector<16xf32>,
        %parallel_loop3A_463 = arith.index_cast %parallel_loop3A_182 : i32 to index
        %parallel_loop3A_464 = arith.constant 224 : index
        %parallel_loop3A_465 = tpu.vector_load %arg15[%parallel_loop3A_463, %parallel_loop3A_464] {strides = array<i32>} : memref<32x256xi32, #tpu.memory_space<vmem>>, vector<16xi32>,
        %parallel_loop3A_466 = vector.bitcast %parallel_loop3A_465 : vector<16xi32> to vector<32xbf16>
        %parallel_loop3A_467 = tpu.unpack_subelements %parallel_loop3A_466, 0 {pack_format = #tpu.pack_format<interleaved>} : vector<32xbf16> -> vector<16xf32>
        %parallel_loop3A_468 = tpu.unpack_subelements %parallel_loop3A_466, 1 {pack_format = #tpu.pack_format<interleaved>} : vector<32xbf16> -> vector<16xf32>
        %parallel_loop3A_469 = arith.index_cast %parallel_loop3A_182 : i32 to index
        %parallel_loop3A_470 = arith.constant 448 : index
        %parallel_loop3A_471 = tpu.vector_load %arg11[%parallel_loop3A_469, %parallel_loop3A_470] {strides = array<i32>} : memref<32x512xf32, #tpu.memory_space<vmem>>, vector<16xf32>,
        %parallel_loop3A_472 = arith.addf %parallel_loop3A_471, %parallel_loop3A_467 : vector<16xf32>
        %parallel_loop3A_473 = arith.index_cast %parallel_loop3A_182 : i32 to index
        %parallel_loop3A_474 = arith.constant 448 : index
        %parallel_loop3A_475 = tpu.vector_load %arg11[%parallel_loop3A_473, %parallel_loop3A_474] {strides = array<i32>} : memref<32x512xf32, #tpu.memory_space<vmem>>, vector<16xf32>,
        tpu.vector_store %arg11[%parallel_loop3A_473, %parallel_loop3A_474], %parallel_loop3A_472 {strides = array<i32>} : memref<32x512xf32, #tpu.memory_space<vmem>>, vector<16xf32>,
        %parallel_loop3A_476 = arith.index_cast %parallel_loop3A_182 : i32 to index
        %parallel_loop3A_477 = arith.constant 464 : index
        %parallel_loop3A_478 = tpu.vector_load %arg11[%parallel_loop3A_476, %parallel_loop3A_477] {strides = array<i32>} : memref<32x512xf32, #tpu.memory_space<vmem>>, vector<16xf32>,
        %parallel_loop3A_479 = arith.addf %parallel_loop3A_478, %parallel_loop3A_468 : vector<16xf32>
        %parallel_loop3A_480 = arith.index_cast %parallel_loop3A_182 : i32 to index
        %parallel_loop3A_481 = arith.constant 464 : index
        %parallel_loop3A_482 = tpu.vector_load %arg11[%parallel_loop3A_480, %parallel_loop3A_481] {strides = array<i32>} : memref<32x512xf32, #tpu.memory_space<vmem>>, vector<16xf32>,
        tpu.vector_store %arg11[%parallel_loop3A_480, %parallel_loop3A_481], %parallel_loop3A_479 {strides = array<i32>} : memref<32x512xf32, #tpu.memory_space<vmem>>, vector<16xf32>,
        %parallel_loop3A_483 = arith.index_cast %parallel_loop3A_182 : i32 to index
        %parallel_loop3A_484 = arith.constant 240 : index
        %parallel_loop3A_485 = tpu.vector_load %arg15[%parallel_loop3A_483, %parallel_loop3A_484] {strides = array<i32>} : memref<32x256xi32, #tpu.memory_space<vmem>>, vector<16xi32>,
        %parallel_loop3A_486 = vector.bitcast %parallel_loop3A_485 : vector<16xi32> to vector<32xbf16>
        %parallel_loop3A_487 = tpu.unpack_subelements %parallel_loop3A_486, 0 {pack_format = #tpu.pack_format<interleaved>} : vector<32xbf16> -> vector<16xf32>
        %parallel_loop3A_488 = tpu.unpack_subelements %parallel_loop3A_486, 1 {pack_format = #tpu.pack_format<interleaved>} : vector<32xbf16> -> vector<16xf32>
        %parallel_loop3A_489 = arith.index_cast %parallel_loop3A_182 : i32 to index
        %parallel_loop3A_490 = arith.constant 480 : index
        %parallel_loop3A_491 = tpu.vector_load %arg11[%parallel_loop3A_489, %parallel_loop3A_490] {strides = array<i32>} : memref<32x512xf32, #tpu.memory_space<vmem>>, vector<16xf32>,
        %parallel_loop3A_492 = arith.addf %parallel_loop3A_491, %parallel_loop3A_487 : vector<16xf32>
        %parallel_loop3A_493 = arith.index_cast %parallel_loop3A_182 : i32 to index
        %parallel_loop3A_494 = arith.constant 480 : index
        %parallel_loop3A_495 = tpu.vector_load %arg11[%parallel_loop3A_493, %parallel_loop3A_494] {strides = array<i32>} : memref<32x512xf32, #tpu.memory_space<vmem>>, vector<16xf32>,
        tpu.vector_store %arg11[%parallel_loop3A_493, %parallel_loop3A_494], %parallel_loop3A_492 {strides = array<i32>} : memref<32x512xf32, #tpu.memory_space<vmem>>, vector<16xf32>,
        %parallel_loop3A_496 = arith.index_cast %parallel_loop3A_182 : i32 to index
        %parallel_loop3A_497 = arith.constant 496 : index
        %parallel_loop3A_498 = tpu.vector_load %arg11[%parallel_loop3A_496, %parallel_loop3A_497] {strides = array<i32>} : memref<32x512xf32, #tpu.memory_space<vmem>>, vector<16xf32>,
        %parallel_loop3A_499 = arith.addf %parallel_loop3A_498, %parallel_loop3A_488 : vector<16xf32>
        %parallel_loop3A_500 = arith.index_cast %parallel_loop3A_182 : i32 to index
        %parallel_loop3A_501 = arith.constant 496 : index
        %parallel_loop3A_502 = tpu.vector_load %arg11[%parallel_loop3A_500, %parallel_loop3A_501] {strides = array<i32>} : memref<32x512xf32, #tpu.memory_space<vmem>>, vector<16xf32>,
        tpu.vector_store %arg11[%parallel_loop3A_500, %parallel_loop3A_501], %parallel_loop3A_499 {strides = array<i32>} : memref<32x512xf32, #tpu.memory_space<vmem>>, vector<16xf32>,
      } {sc.loop_unroll_factor = 2 : i64, sc.parallel_access}
      %mul3A_134 = arith.constant 32 : i32
      %mul3A_135 = arith.muli %add3A_120, %mul3A_134 : i32
      %add3A_136 = arith.addi %mul3A_2, %mul3A_135 : i32
      %dma_start3A_137 = arith.constant 0 : i32
      %dma_start3A_138 = tpu.memref_slice %arg6[%add3A_136, %dma_start3A_137] : memref<204800x512xf32, #tpu.memory_space<hbm>> -> memref<32x512xf32, #tpu.memory_space<hbm>>
      %dma_start3A_139 = arith.constant 0 : i32
      %dma_start3A_140 = tpu.memref_slice %arg6[%add3A_136, %dma_start3A_139] : memref<204800x512xf32, #tpu.memory_space<hbm>> -> memref<32x512xf32, #tpu.memory_space<hbm>>
      tpu.enqueue_dma source(%arg11 : memref<32x512xf32, #tpu.memory_space<vmem>>) target(%dma_start3A_140 : memref<32x512xf32, #tpu.memory_space<hbm>>) target_semaphore(%arg23 : memref<!tpu.dma_semaphore, #tpu.memory_space<semaphore_mem>>)
      %dma_wait3A_141 = arith.constant 0 : i32
      %dma_wait3A_142 = tpu.memref_slice %arg6[%mul3A_2, %dma_wait3A_141] : memref<204800x512xf32, #tpu.memory_space<hbm>> -> memref<32x512xf32, #tpu.memory_space<hbm>>
      %dma_wait3A_143 = arith.constant 0 : i32
      %dma_wait3A_144 = tpu.memref_slice %arg6[%mul3A_2, %dma_wait3A_143] : memref<204800x512xf32, #tpu.memory_space<hbm>> -> memref<32x512xf32, #tpu.memory_space<hbm>>
      tpu.wait_dma2 semaphore(%arg21 : memref<!tpu.dma_semaphore, #tpu.memory_space<semaphore_mem>>) src(%arg9 : memref<32x512xf32, #tpu.memory_space<vmem>>) dst(%dma_wait3A_144 : memref<32x512xf32, #tpu.memory_space<hbm>>)
      %lt3A = arith.constant 49 : i32
      %lt3A_145 = arith.cmpi slt, %scan3A_34, %lt3A : i32
      %convert_element_type3A_146 = arith.extui %lt3A_145 : i1 to i32
      %cond3A_147 = arith.constant 0 : i32
      %cond3A_148 = arith.cmpi ne, %convert_element_type3A_146, %cond3A_147 : i32
      scf.if %cond3A_148 {
        %add3A_182 = arith.constant 2 : i32
        %add3A_183 = arith.addi %add3A_120, %add3A_182 : i32
        %mul3A_184 = arith.constant 32 : i32
        %mul3A_185 = arith.muli %add3A_183, %mul3A_184 : i32
        %mul3A_186 = arith.constant 32 : i32
        %mul3A_187 = arith.muli %add3A_183, %mul3A_186 : i32
        %dma_start3A_188 = tpu.memref_slice %arg7[%mul3A_185] : memref<6400xi32, #tpu.memory_space<vmem>> -> memref<32xi32, #tpu.memory_space<vmem>>
        %dma_start3A_189 = arith.constant 0 : i32
        %dma_start3A_190 = arith.constant 0 : i32
        %dma_start3A_191 = tpu.memref_slice %arg4[%dma_start3A_189, %dma_start3A_190] : memref<32000x512xf32, #tpu.memory_space<hbm>> -> memref<32000x512xf32, #tpu.memory_space<hbm>>
        tpu.enqueue_indirect_dma source(%dma_start3A_191 : memref<32000x512xf32, #tpu.memory_space<hbm>>) target(%arg9 : memref<32x512xf32, #tpu.memory_space<vmem>>) offsets(%dma_start3A_188 : memref<32xi32, #tpu.memory_space<vmem>>) semaphore(%arg17 : memref<!tpu.dma_semaphore, #tpu.memory_space<semaphore_mem>>)
        %dma_start3A_192 = tpu.memref_slice %arg8[%mul3A_187] : memref<6400xi32, #tpu.memory_space<vmem>> -> memref<32xi32, #tpu.memory_space<vmem>>
        %dma_start3A_193 = arith.constant 0 : i32
        %dma_start3A_194 = arith.constant 0 : i32
        %dma_start3A_195 = tpu.memref_slice %arg5[%dma_start3A_193, %dma_start3A_194] : memref<600x256xi32, #tpu.memory_space<hbm>> -> memref<600x256xi32, #tpu.memory_space<hbm>>
        tpu.enqueue_indirect_dma source(%dma_start3A_195 : memref<600x256xi32, #tpu.memory_space<hbm>>) target(%arg13 : memref<32x256xi32, #tpu.memory_space<vmem>>) offsets(%dma_start3A_192 : memref<32xi32, #tpu.memory_space<vmem>>) semaphore(%arg17 : memref<!tpu.dma_semaphore, #tpu.memory_space<semaphore_mem>>)
      } else {
      }
      %mul3A_149 = arith.constant 4 : i32
      %mul3A_150 = arith.muli %mul3A_149, %scan3A_34 : i32
      %add3A_151 = arith.constant 3 : i32
      %add3A_152 = arith.addi %mul3A_150, %add3A_151 : i32
      %dma_wait3A_153 = arith.constant 0 : i32
      %dma_wait3A_154 = tpu.memref_slice %arg7[%dma_wait3A_153] : memref<6400xi32, #tpu.memory_space<vmem>> -> memref<32xi32, #tpu.memory_space<vmem>>
      %dma_wait3A_155 = arith.constant 0 : i32
      %dma_wait3A_156 = arith.constant 0 : i32
      %dma_wait3A_157 = tpu.memref_slice %arg4[%dma_wait3A_155, %dma_wait3A_156] : memref<32000x512xf32, #tpu.memory_space<hbm>> -> memref<32000x512xf32, #tpu.memory_space<hbm>>
      tpu.wait_indirect_dma semaphore(%arg20 : memref<!tpu.dma_semaphore, #tpu.memory_space<semaphore_mem>>) src(%dma_wait3A_157 : memref<32000x512xf32, #tpu.memory_space<hbm>>) dst(%arg12 : memref<32x512xf32, #tpu.memory_space<vmem>>)
      %dma_wait3A_158 = arith.constant 0 : i32
      %dma_wait3A_159 = tpu.memref_slice %arg8[%dma_wait3A_158] : memref<6400xi32, #tpu.memory_space<vmem>> -> memref<32xi32, #tpu.memory_space<vmem>>
      %dma_wait3A_160 = arith.constant 0 : i32
      %dma_wait3A_161 = arith.constant 0 : i32
      %dma_wait3A_162 = tpu.memref_slice %arg5[%dma_wait3A_160, %dma_wait3A_161] : memref<600x256xi32, #tpu.memory_space<hbm>> -> memref<600x256xi32, #tpu.memory_space<hbm>>
      tpu.wait_indirect_dma semaphore(%arg20 : memref<!tpu.dma_semaphore, #tpu.memory_space<semaphore_mem>>) src(%dma_wait3A_162 : memref<600x256xi32, #tpu.memory_space<hbm>>) dst(%arg16 : memref<32x256xi32, #tpu.memory_space<vmem>>)
      %parallel_loop3A_163 = arith.constant 0 : i32
      %parallel_loop3A_164 = arith.constant 32 : i32
      %parallel_loop3A_165 = arith.constant 1 : i32
      scf.for %parallel_loop3A_182 = %parallel_loop3A_163 to %parallel_loop3A_164 step %parallel_loop3A_165  : i32 {
        %parallel_loop3A_183 = arith.index_cast %parallel_loop3A_182 : i32 to index
        %parallel_loop3A_184 = arith.constant 0 : index
        %parallel_loop3A_185 = tpu.vector_load %arg16[%parallel_loop3A_183, %parallel_loop3A_184] {strides = array<i32>} : memref<32x256xi32, #tpu.memory_space<vmem>>, vector<16xi32>,
        %parallel_loop3A_186 = vector.bitcast %parallel_loop3A_185 : vector<16xi32> to vector<32xbf16>
        %parallel_loop3A_187 = tpu.unpack_subelements %parallel_loop3A_186, 0 {pack_format = #tpu.pack_format<interleaved>} : vector<32xbf16> -> vector<16xf32>
        %parallel_loop3A_188 = tpu.unpack_subelements %parallel_loop3A_186, 1 {pack_format = #tpu.pack_format<interleaved>} : vector<32xbf16> -> vector<16xf32>
        %parallel_loop3A_189 = arith.index_cast %parallel_loop3A_182 : i32 to index
        %parallel_loop3A_190 = arith.constant 0 : index
        %parallel_loop3A_191 = tpu.vector_load %arg12[%parallel_loop3A_189, %parallel_loop3A_190] {strides = array<i32>} : memref<32x512xf32, #tpu.memory_space<vmem>>, vector<16xf32>,
        %parallel_loop3A_192 = arith.addf %parallel_loop3A_191, %parallel_loop3A_187 : vector<16xf32>
        %parallel_loop3A_193 = arith.index_cast %parallel_loop3A_182 : i32 to index
        %parallel_loop3A_194 = arith.constant 0 : index
        %parallel_loop3A_195 = tpu.vector_load %arg12[%parallel_loop3A_193, %parallel_loop3A_194] {strides = array<i32>} : memref<32x512xf32, #tpu.memory_space<vmem>>, vector<16xf32>,
        tpu.vector_store %arg12[%parallel_loop3A_193, %parallel_loop3A_194], %parallel_loop3A_192 {strides = array<i32>} : memref<32x512xf32, #tpu.memory_space<vmem>>, vector<16xf32>,
        %parallel_loop3A_196 = arith.index_cast %parallel_loop3A_182 : i32 to index
        %parallel_loop3A_197 = arith.constant 16 : index
        %parallel_loop3A_198 = tpu.vector_load %arg12[%parallel_loop3A_196, %parallel_loop3A_197] {strides = array<i32>} : memref<32x512xf32, #tpu.memory_space<vmem>>, vector<16xf32>,
        %parallel_loop3A_199 = arith.addf %parallel_loop3A_198, %parallel_loop3A_188 : vector<16xf32>
        %parallel_loop3A_200 = arith.index_cast %parallel_loop3A_182 : i32 to index
        %parallel_loop3A_201 = arith.constant 16 : index
        %parallel_loop3A_202 = tpu.vector_load %arg12[%parallel_loop3A_200, %parallel_loop3A_201] {strides = array<i32>} : memref<32x512xf32, #tpu.memory_space<vmem>>, vector<16xf32>,
        tpu.vector_store %arg12[%parallel_loop3A_200, %parallel_loop3A_201], %parallel_loop3A_199 {strides = array<i32>} : memref<32x512xf32, #tpu.memory_space<vmem>>, vector<16xf32>,
        %parallel_loop3A_203 = arith.index_cast %parallel_loop3A_182 : i32 to index
        %parallel_loop3A_204 = arith.constant 16 : index
        %parallel_loop3A_205 = tpu.vector_load %arg16[%parallel_loop3A_203, %parallel_loop3A_204] {strides = array<i32>} : memref<32x256xi32, #tpu.memory_space<vmem>>, vector<16xi32>,
        %parallel_loop3A_206 = vector.bitcast %parallel_loop3A_205 : vector<16xi32> to vector<32xbf16>
        %parallel_loop3A_207 = tpu.unpack_subelements %parallel_loop3A_206, 0 {pack_format = #tpu.pack_format<interleaved>} : vector<32xbf16> -> vector<16xf32>
        %parallel_loop3A_208 = tpu.unpack_subelements %parallel_loop3A_206, 1 {pack_format = #tpu.pack_format<interleaved>} : vector<32xbf16> -> vector<16xf32>
        %parallel_loop3A_209 = arith.index_cast %parallel_loop3A_182 : i32 to index
        %parallel_loop3A_210 = arith.constant 32 : index
        %parallel_loop3A_211 = tpu.vector_load %arg12[%parallel_loop3A_209, %parallel_loop3A_210] {strides = array<i32>} : memref<32x512xf32, #tpu.memory_space<vmem>>, vector<16xf32>,
        %parallel_loop3A_212 = arith.addf %parallel_loop3A_211, %parallel_loop3A_207 : vector<16xf32>
        %parallel_loop3A_213 = arith.index_cast %parallel_loop3A_182 : i32 to index
        %parallel_loop3A_214 = arith.constant 32 : index
        %parallel_loop3A_215 = tpu.vector_load %arg12[%parallel_loop3A_213, %parallel_loop3A_214] {strides = array<i32>} : memref<32x512xf32, #tpu.memory_space<vmem>>, vector<16xf32>,
        tpu.vector_store %arg12[%parallel_loop3A_213, %parallel_loop3A_214], %parallel_loop3A_212 {strides = array<i32>} : memref<32x512xf32, #tpu.memory_space<vmem>>, vector<16xf32>,
        %parallel_loop3A_216 = arith.index_cast %parallel_loop3A_182 : i32 to index
        %parallel_loop3A_217 = arith.constant 48 : index
        %parallel_loop3A_218 = tpu.vector_load %arg12[%parallel_loop3A_216, %parallel_loop3A_217] {strides = array<i32>} : memref<32x512xf32, #tpu.memory_space<vmem>>, vector<16xf32>,
        %parallel_loop3A_219 = arith.addf %parallel_loop3A_218, %parallel_loop3A_208 : vector<16xf32>
        %parallel_loop3A_220 = arith.index_cast %parallel_loop3A_182 : i32 to index
        %parallel_loop3A_221 = arith.constant 48 : index
        %parallel_loop3A_222 = tpu.vector_load %arg12[%parallel_loop3A_220, %parallel_loop3A_221] {strides = array<i32>} : memref<32x512xf32, #tpu.memory_space<vmem>>, vector<16xf32>,
        tpu.vector_store %arg12[%parallel_loop3A_220, %parallel_loop3A_221], %parallel_loop3A_219 {strides = array<i32>} : memref<32x512xf32, #tpu.memory_space<vmem>>, vector<16xf32>,
        %parallel_loop3A_223 = arith.index_cast %parallel_loop3A_182 : i32 to index
        %parallel_loop3A_224 = arith.constant 32 : index
        %parallel_loop3A_225 = tpu.vector_load %arg16[%parallel_loop3A_223, %parallel_loop3A_224] {strides = array<i32>} : memref<32x256xi32, #tpu.memory_space<vmem>>, vector<16xi32>,
        %parallel_loop3A_226 = vector.bitcast %parallel_loop3A_225 : vector<16xi32> to vector<32xbf16>
        %parallel_loop3A_227 = tpu.unpack_subelements %parallel_loop3A_226, 0 {pack_format = #tpu.pack_format<interleaved>} : vector<32xbf16> -> vector<16xf32>
        %parallel_loop3A_228 = tpu.unpack_subelements %parallel_loop3A_226, 1 {pack_format = #tpu.pack_format<interleaved>} : vector<32xbf16> -> vector<16xf32>
        %parallel_loop3A_229 = arith.index_cast %parallel_loop3A_182 : i32 to index
        %parallel_loop3A_230 = arith.constant 64 : index
        %parallel_loop3A_231 = tpu.vector_load %arg12[%parallel_loop3A_229, %parallel_loop3A_230] {strides = array<i32>} : memref<32x512xf32, #tpu.memory_space<vmem>>, vector<16xf32>,
        %parallel_loop3A_232 = arith.addf %parallel_loop3A_231, %parallel_loop3A_227 : vector<16xf32>
        %parallel_loop3A_233 = arith.index_cast %parallel_loop3A_182 : i32 to index
        %parallel_loop3A_234 = arith.constant 64 : index
        %parallel_loop3A_235 = tpu.vector_load %arg12[%parallel_loop3A_233, %parallel_loop3A_234] {strides = array<i32>} : memref<32x512xf32, #tpu.memory_space<vmem>>, vector<16xf32>,
        tpu.vector_store %arg12[%parallel_loop3A_233, %parallel_loop3A_234], %parallel_loop3A_232 {strides = array<i32>} : memref<32x512xf32, #tpu.memory_space<vmem>>, vector<16xf32>,
        %parallel_loop3A_236 = arith.index_cast %parallel_loop3A_182 : i32 to index
        %parallel_loop3A_237 = arith.constant 80 : index
        %parallel_loop3A_238 = tpu.vector_load %arg12[%parallel_loop3A_236, %parallel_loop3A_237] {strides = array<i32>} : memref<32x512xf32, #tpu.memory_space<vmem>>, vector<16xf32>,
        %parallel_loop3A_239 = arith.addf %parallel_loop3A_238, %parallel_loop3A_228 : vector<16xf32>
        %parallel_loop3A_240 = arith.index_cast %parallel_loop3A_182 : i32 to index
        %parallel_loop3A_241 = arith.constant 80 : index
        %parallel_loop3A_242 = tpu.vector_load %arg12[%parallel_loop3A_240, %parallel_loop3A_241] {strides = array<i32>} : memref<32x512xf32, #tpu.memory_space<vmem>>, vector<16xf32>,
        tpu.vector_store %arg12[%parallel_loop3A_240, %parallel_loop3A_241], %parallel_loop3A_239 {strides = array<i32>} : memref<32x512xf32, #tpu.memory_space<vmem>>, vector<16xf32>,
        %parallel_loop3A_243 = arith.index_cast %parallel_loop3A_182 : i32 to index
        %parallel_loop3A_244 = arith.constant 48 : index
        %parallel_loop3A_245 = tpu.vector_load %arg16[%parallel_loop3A_243, %parallel_loop3A_244] {strides = array<i32>} : memref<32x256xi32, #tpu.memory_space<vmem>>, vector<16xi32>,
        %parallel_loop3A_246 = vector.bitcast %parallel_loop3A_245 : vector<16xi32> to vector<32xbf16>
        %parallel_loop3A_247 = tpu.unpack_subelements %parallel_loop3A_246, 0 {pack_format = #tpu.pack_format<interleaved>} : vector<32xbf16> -> vector<16xf32>
        %parallel_loop3A_248 = tpu.unpack_subelements %parallel_loop3A_246, 1 {pack_format = #tpu.pack_format<interleaved>} : vector<32xbf16> -> vector<16xf32>
        %parallel_loop3A_249 = arith.index_cast %parallel_loop3A_182 : i32 to index
        %parallel_loop3A_250 = arith.constant 96 : index
        %parallel_loop3A_251 = tpu.vector_load %arg12[%parallel_loop3A_249, %parallel_loop3A_250] {strides = array<i32>} : memref<32x512xf32, #tpu.memory_space<vmem>>, vector<16xf32>,
        %parallel_loop3A_252 = arith.addf %parallel_loop3A_251, %parallel_loop3A_247 : vector<16xf32>
        %parallel_loop3A_253 = arith.index_cast %parallel_loop3A_182 : i32 to index
        %parallel_loop3A_254 = arith.constant 96 : index
        %parallel_loop3A_255 = tpu.vector_load %arg12[%parallel_loop3A_253, %parallel_loop3A_254] {strides = array<i32>} : memref<32x512xf32, #tpu.memory_space<vmem>>, vector<16xf32>,
        tpu.vector_store %arg12[%parallel_loop3A_253, %parallel_loop3A_254], %parallel_loop3A_252 {strides = array<i32>} : memref<32x512xf32, #tpu.memory_space<vmem>>, vector<16xf32>,
        %parallel_loop3A_256 = arith.index_cast %parallel_loop3A_182 : i32 to index
        %parallel_loop3A_257 = arith.constant 112 : index
        %parallel_loop3A_258 = tpu.vector_load %arg12[%parallel_loop3A_256, %parallel_loop3A_257] {strides = array<i32>} : memref<32x512xf32, #tpu.memory_space<vmem>>, vector<16xf32>,
        %parallel_loop3A_259 = arith.addf %parallel_loop3A_258, %parallel_loop3A_248 : vector<16xf32>
        %parallel_loop3A_260 = arith.index_cast %parallel_loop3A_182 : i32 to index
        %parallel_loop3A_261 = arith.constant 112 : index
        %parallel_loop3A_262 = tpu.vector_load %arg12[%parallel_loop3A_260, %parallel_loop3A_261] {strides = array<i32>} : memref<32x512xf32, #tpu.memory_space<vmem>>, vector<16xf32>,
        tpu.vector_store %arg12[%parallel_loop3A_260, %parallel_loop3A_261], %parallel_loop3A_259 {strides = array<i32>} : memref<32x512xf32, #tpu.memory_space<vmem>>, vector<16xf32>,
        %parallel_loop3A_263 = arith.index_cast %parallel_loop3A_182 : i32 to index
        %parallel_loop3A_264 = arith.constant 64 : index
        %parallel_loop3A_265 = tpu.vector_load %arg16[%parallel_loop3A_263, %parallel_loop3A_264] {strides = array<i32>} : memref<32x256xi32, #tpu.memory_space<vmem>>, vector<16xi32>,
        %parallel_loop3A_266 = vector.bitcast %parallel_loop3A_265 : vector<16xi32> to vector<32xbf16>
        %parallel_loop3A_267 = tpu.unpack_subelements %parallel_loop3A_266, 0 {pack_format = #tpu.pack_format<interleaved>} : vector<32xbf16> -> vector<16xf32>
        %parallel_loop3A_268 = tpu.unpack_subelements %parallel_loop3A_266, 1 {pack_format = #tpu.pack_format<interleaved>} : vector<32xbf16> -> vector<16xf32>
        %parallel_loop3A_269 = arith.index_cast %parallel_loop3A_182 : i32 to index
        %parallel_loop3A_270 = arith.constant 128 : index
        %parallel_loop3A_271 = tpu.vector_load %arg12[%parallel_loop3A_269, %parallel_loop3A_270] {strides = array<i32>} : memref<32x512xf32, #tpu.memory_space<vmem>>, vector<16xf32>,
        %parallel_loop3A_272 = arith.addf %parallel_loop3A_271, %parallel_loop3A_267 : vector<16xf32>
        %parallel_loop3A_273 = arith.index_cast %parallel_loop3A_182 : i32 to index
        %parallel_loop3A_274 = arith.constant 128 : index
        %parallel_loop3A_275 = tpu.vector_load %arg12[%parallel_loop3A_273, %parallel_loop3A_274] {strides = array<i32>} : memref<32x512xf32, #tpu.memory_space<vmem>>, vector<16xf32>,
        tpu.vector_store %arg12[%parallel_loop3A_273, %parallel_loop3A_274], %parallel_loop3A_272 {strides = array<i32>} : memref<32x512xf32, #tpu.memory_space<vmem>>, vector<16xf32>,
        %parallel_loop3A_276 = arith.index_cast %parallel_loop3A_182 : i32 to index
        %parallel_loop3A_277 = arith.constant 144 : index
        %parallel_loop3A_278 = tpu.vector_load %arg12[%parallel_loop3A_276, %parallel_loop3A_277] {strides = array<i32>} : memref<32x512xf32, #tpu.memory_space<vmem>>, vector<16xf32>,
        %parallel_loop3A_279 = arith.addf %parallel_loop3A_278, %parallel_loop3A_268 : vector<16xf32>
        %parallel_loop3A_280 = arith.index_cast %parallel_loop3A_182 : i32 to index
        %parallel_loop3A_281 = arith.constant 144 : index
        %parallel_loop3A_282 = tpu.vector_load %arg12[%parallel_loop3A_280, %parallel_loop3A_281] {strides = array<i32>} : memref<32x512xf32, #tpu.memory_space<vmem>>, vector<16xf32>,
        tpu.vector_store %arg12[%parallel_loop3A_280, %parallel_loop3A_281], %parallel_loop3A_279 {strides = array<i32>} : memref<32x512xf32, #tpu.memory_space<vmem>>, vector<16xf32>,
        %parallel_loop3A_283 = arith.index_cast %parallel_loop3A_182 : i32 to index
        %parallel_loop3A_284 = arith.constant 80 : index
        %parallel_loop3A_285 = tpu.vector_load %arg16[%parallel_loop3A_283, %parallel_loop3A_284] {strides = array<i32>} : memref<32x256xi32, #tpu.memory_space<vmem>>, vector<16xi32>,
        %parallel_loop3A_286 = vector.bitcast %parallel_loop3A_285 : vector<16xi32> to vector<32xbf16>
        %parallel_loop3A_287 = tpu.unpack_subelements %parallel_loop3A_286, 0 {pack_format = #tpu.pack_format<interleaved>} : vector<32xbf16> -> vector<16xf32>
        %parallel_loop3A_288 = tpu.unpack_subelements %parallel_loop3A_286, 1 {pack_format = #tpu.pack_format<interleaved>} : vector<32xbf16> -> vector<16xf32>
        %parallel_loop3A_289 = arith.index_cast %parallel_loop3A_182 : i32 to index
        %parallel_loop3A_290 = arith.constant 160 : index
        %parallel_loop3A_291 = tpu.vector_load %arg12[%parallel_loop3A_289, %parallel_loop3A_290] {strides = array<i32>} : memref<32x512xf32, #tpu.memory_space<vmem>>, vector<16xf32>,
        %parallel_loop3A_292 = arith.addf %parallel_loop3A_291, %parallel_loop3A_287 : vector<16xf32>
        %parallel_loop3A_293 = arith.index_cast %parallel_loop3A_182 : i32 to index
        %parallel_loop3A_294 = arith.constant 160 : index
        %parallel_loop3A_295 = tpu.vector_load %arg12[%parallel_loop3A_293, %parallel_loop3A_294] {strides = array<i32>} : memref<32x512xf32, #tpu.memory_space<vmem>>, vector<16xf32>,
        tpu.vector_store %arg12[%parallel_loop3A_293, %parallel_loop3A_294], %parallel_loop3A_292 {strides = array<i32>} : memref<32x512xf32, #tpu.memory_space<vmem>>, vector<16xf32>,
        %parallel_loop3A_296 = arith.index_cast %parallel_loop3A_182 : i32 to index
        %parallel_loop3A_297 = arith.constant 176 : index
        %parallel_loop3A_298 = tpu.vector_load %arg12[%parallel_loop3A_296, %parallel_loop3A_297] {strides = array<i32>} : memref<32x512xf32, #tpu.memory_space<vmem>>, vector<16xf32>,
        %parallel_loop3A_299 = arith.addf %parallel_loop3A_298, %parallel_loop3A_288 : vector<16xf32>
        %parallel_loop3A_300 = arith.index_cast %parallel_loop3A_182 : i32 to index
        %parallel_loop3A_301 = arith.constant 176 : index
        %parallel_loop3A_302 = tpu.vector_load %arg12[%parallel_loop3A_300, %parallel_loop3A_301] {strides = array<i32>} : memref<32x512xf32, #tpu.memory_space<vmem>>, vector<16xf32>,
        tpu.vector_store %arg12[%parallel_loop3A_300, %parallel_loop3A_301], %parallel_loop3A_299 {strides = array<i32>} : memref<32x512xf32, #tpu.memory_space<vmem>>, vector<16xf32>,
        %parallel_loop3A_303 = arith.index_cast %parallel_loop3A_182 : i32 to index
        %parallel_loop3A_304 = arith.constant 96 : index
        %parallel_loop3A_305 = tpu.vector_load %arg16[%parallel_loop3A_303, %parallel_loop3A_304] {strides = array<i32>} : memref<32x256xi32, #tpu.memory_space<vmem>>, vector<16xi32>,
        %parallel_loop3A_306 = vector.bitcast %parallel_loop3A_305 : vector<16xi32> to vector<32xbf16>
        %parallel_loop3A_307 = tpu.unpack_subelements %parallel_loop3A_306, 0 {pack_format = #tpu.pack_format<interleaved>} : vector<32xbf16> -> vector<16xf32>
        %parallel_loop3A_308 = tpu.unpack_subelements %parallel_loop3A_306, 1 {pack_format = #tpu.pack_format<interleaved>} : vector<32xbf16> -> vector<16xf32>
        %parallel_loop3A_309 = arith.index_cast %parallel_loop3A_182 : i32 to index
        %parallel_loop3A_310 = arith.constant 192 : index
        %parallel_loop3A_311 = tpu.vector_load %arg12[%parallel_loop3A_309, %parallel_loop3A_310] {strides = array<i32>} : memref<32x512xf32, #tpu.memory_space<vmem>>, vector<16xf32>,
        %parallel_loop3A_312 = arith.addf %parallel_loop3A_311, %parallel_loop3A_307 : vector<16xf32>
        %parallel_loop3A_313 = arith.index_cast %parallel_loop3A_182 : i32 to index
        %parallel_loop3A_314 = arith.constant 192 : index
        %parallel_loop3A_315 = tpu.vector_load %arg12[%parallel_loop3A_313, %parallel_loop3A_314] {strides = array<i32>} : memref<32x512xf32, #tpu.memory_space<vmem>>, vector<16xf32>,
        tpu.vector_store %arg12[%parallel_loop3A_313, %parallel_loop3A_314], %parallel_loop3A_312 {strides = array<i32>} : memref<32x512xf32, #tpu.memory_space<vmem>>, vector<16xf32>,
        %parallel_loop3A_316 = arith.index_cast %parallel_loop3A_182 : i32 to index
        %parallel_loop3A_317 = arith.constant 208 : index
        %parallel_loop3A_318 = tpu.vector_load %arg12[%parallel_loop3A_316, %parallel_loop3A_317] {strides = array<i32>} : memref<32x512xf32, #tpu.memory_space<vmem>>, vector<16xf32>,
        %parallel_loop3A_319 = arith.addf %parallel_loop3A_318, %parallel_loop3A_308 : vector<16xf32>
        %parallel_loop3A_320 = arith.index_cast %parallel_loop3A_182 : i32 to index
        %parallel_loop3A_321 = arith.constant 208 : index
        %parallel_loop3A_322 = tpu.vector_load %arg12[%parallel_loop3A_320, %parallel_loop3A_321] {strides = array<i32>} : memref<32x512xf32, #tpu.memory_space<vmem>>, vector<16xf32>,
        tpu.vector_store %arg12[%parallel_loop3A_320, %parallel_loop3A_321], %parallel_loop3A_319 {strides = array<i32>} : memref<32x512xf32, #tpu.memory_space<vmem>>, vector<16xf32>,
        %parallel_loop3A_323 = arith.index_cast %parallel_loop3A_182 : i32 to index
        %parallel_loop3A_324 = arith.constant 112 : index
        %parallel_loop3A_325 = tpu.vector_load %arg16[%parallel_loop3A_323, %parallel_loop3A_324] {strides = array<i32>} : memref<32x256xi32, #tpu.memory_space<vmem>>, vector<16xi32>,
        %parallel_loop3A_326 = vector.bitcast %parallel_loop3A_325 : vector<16xi32> to vector<32xbf16>
        %parallel_loop3A_327 = tpu.unpack_subelements %parallel_loop3A_326, 0 {pack_format = #tpu.pack_format<interleaved>} : vector<32xbf16> -> vector<16xf32>
        %parallel_loop3A_328 = tpu.unpack_subelements %parallel_loop3A_326, 1 {pack_format = #tpu.pack_format<interleaved>} : vector<32xbf16> -> vector<16xf32>
        %parallel_loop3A_329 = arith.index_cast %parallel_loop3A_182 : i32 to index
        %parallel_loop3A_330 = arith.constant 224 : index
        %parallel_loop3A_331 = tpu.vector_load %arg12[%parallel_loop3A_329, %parallel_loop3A_330] {strides = array<i32>} : memref<32x512xf32, #tpu.memory_space<vmem>>, vector<16xf32>,
        %parallel_loop3A_332 = arith.addf %parallel_loop3A_331, %parallel_loop3A_327 : vector<16xf32>
        %parallel_loop3A_333 = arith.index_cast %parallel_loop3A_182 : i32 to index
        %parallel_loop3A_334 = arith.constant 224 : index
        %parallel_loop3A_335 = tpu.vector_load %arg12[%parallel_loop3A_333, %parallel_loop3A_334] {strides = array<i32>} : memref<32x512xf32, #tpu.memory_space<vmem>>, vector<16xf32>,
        tpu.vector_store %arg12[%parallel_loop3A_333, %parallel_loop3A_334], %parallel_loop3A_332 {strides = array<i32>} : memref<32x512xf32, #tpu.memory_space<vmem>>, vector<16xf32>,
        %parallel_loop3A_336 = arith.index_cast %parallel_loop3A_182 : i32 to index
        %parallel_loop3A_337 = arith.constant 240 : index
        %parallel_loop3A_338 = tpu.vector_load %arg12[%parallel_loop3A_336, %parallel_loop3A_337] {strides = array<i32>} : memref<32x512xf32, #tpu.memory_space<vmem>>, vector<16xf32>,
        %parallel_loop3A_339 = arith.addf %parallel_loop3A_338, %parallel_loop3A_328 : vector<16xf32>
        %parallel_loop3A_340 = arith.index_cast %parallel_loop3A_182 : i32 to index
        %parallel_loop3A_341 = arith.constant 240 : index
        %parallel_loop3A_342 = tpu.vector_load %arg12[%parallel_loop3A_340, %parallel_loop3A_341] {strides = array<i32>} : memref<32x512xf32, #tpu.memory_space<vmem>>, vector<16xf32>,
        tpu.vector_store %arg12[%parallel_loop3A_340, %parallel_loop3A_341], %parallel_loop3A_339 {strides = array<i32>} : memref<32x512xf32, #tpu.memory_space<vmem>>, vector<16xf32>,
        %parallel_loop3A_343 = arith.index_cast %parallel_loop3A_182 : i32 to index
        %parallel_loop3A_344 = arith.constant 128 : index
        %parallel_loop3A_345 = tpu.vector_load %arg16[%parallel_loop3A_343, %parallel_loop3A_344] {strides = array<i32>} : memref<32x256xi32, #tpu.memory_space<vmem>>, vector<16xi32>,
        %parallel_loop3A_346 = vector.bitcast %parallel_loop3A_345 : vector<16xi32> to vector<32xbf16>
        %parallel_loop3A_347 = tpu.unpack_subelements %parallel_loop3A_346, 0 {pack_format = #tpu.pack_format<interleaved>} : vector<32xbf16> -> vector<16xf32>
        %parallel_loop3A_348 = tpu.unpack_subelements %parallel_loop3A_346, 1 {pack_format = #tpu.pack_format<interleaved>} : vector<32xbf16> -> vector<16xf32>
        %parallel_loop3A_349 = arith.index_cast %parallel_loop3A_182 : i32 to index
        %parallel_loop3A_350 = arith.constant 256 : index
        %parallel_loop3A_351 = tpu.vector_load %arg12[%parallel_loop3A_349, %parallel_loop3A_350] {strides = array<i32>} : memref<32x512xf32, #tpu.memory_space<vmem>>, vector<16xf32>,
        %parallel_loop3A_352 = arith.addf %parallel_loop3A_351, %parallel_loop3A_347 : vector<16xf32>
        %parallel_loop3A_353 = arith.index_cast %parallel_loop3A_182 : i32 to index
        %parallel_loop3A_354 = arith.constant 256 : index
        %parallel_loop3A_355 = tpu.vector_load %arg12[%parallel_loop3A_353, %parallel_loop3A_354] {strides = array<i32>} : memref<32x512xf32, #tpu.memory_space<vmem>>, vector<16xf32>,
        tpu.vector_store %arg12[%parallel_loop3A_353, %parallel_loop3A_354], %parallel_loop3A_352 {strides = array<i32>} : memref<32x512xf32, #tpu.memory_space<vmem>>, vector<16xf32>,
        %parallel_loop3A_356 = arith.index_cast %parallel_loop3A_182 : i32 to index
        %parallel_loop3A_357 = arith.constant 272 : index
        %parallel_loop3A_358 = tpu.vector_load %arg12[%parallel_loop3A_356, %parallel_loop3A_357] {strides = array<i32>} : memref<32x512xf32, #tpu.memory_space<vmem>>, vector<16xf32>,
        %parallel_loop3A_359 = arith.addf %parallel_loop3A_358, %parallel_loop3A_348 : vector<16xf32>
        %parallel_loop3A_360 = arith.index_cast %parallel_loop3A_182 : i32 to index
        %parallel_loop3A_361 = arith.constant 272 : index
        %parallel_loop3A_362 = tpu.vector_load %arg12[%parallel_loop3A_360, %parallel_loop3A_361] {strides = array<i32>} : memref<32x512xf32, #tpu.memory_space<vmem>>, vector<16xf32>,
        tpu.vector_store %arg12[%parallel_loop3A_360, %parallel_loop3A_361], %parallel_loop3A_359 {strides = array<i32>} : memref<32x512xf32, #tpu.memory_space<vmem>>, vector<16xf32>,
        %parallel_loop3A_363 = arith.index_cast %parallel_loop3A_182 : i32 to index
        %parallel_loop3A_364 = arith.constant 144 : index
        %parallel_loop3A_365 = tpu.vector_load %arg16[%parallel_loop3A_363, %parallel_loop3A_364] {strides = array<i32>} : memref<32x256xi32, #tpu.memory_space<vmem>>, vector<16xi32>,
        %parallel_loop3A_366 = vector.bitcast %parallel_loop3A_365 : vector<16xi32> to vector<32xbf16>
        %parallel_loop3A_367 = tpu.unpack_subelements %parallel_loop3A_366, 0 {pack_format = #tpu.pack_format<interleaved>} : vector<32xbf16> -> vector<16xf32>
        %parallel_loop3A_368 = tpu.unpack_subelements %parallel_loop3A_366, 1 {pack_format = #tpu.pack_format<interleaved>} : vector<32xbf16> -> vector<16xf32>
        %parallel_loop3A_369 = arith.index_cast %parallel_loop3A_182 : i32 to index
        %parallel_loop3A_370 = arith.constant 288 : index
        %parallel_loop3A_371 = tpu.vector_load %arg12[%parallel_loop3A_369, %parallel_loop3A_370] {strides = array<i32>} : memref<32x512xf32, #tpu.memory_space<vmem>>, vector<16xf32>,
        %parallel_loop3A_372 = arith.addf %parallel_loop3A_371, %parallel_loop3A_367 : vector<16xf32>
        %parallel_loop3A_373 = arith.index_cast %parallel_loop3A_182 : i32 to index
        %parallel_loop3A_374 = arith.constant 288 : index
        %parallel_loop3A_375 = tpu.vector_load %arg12[%parallel_loop3A_373, %parallel_loop3A_374] {strides = array<i32>} : memref<32x512xf32, #tpu.memory_space<vmem>>, vector<16xf32>,
        tpu.vector_store %arg12[%parallel_loop3A_373, %parallel_loop3A_374], %parallel_loop3A_372 {strides = array<i32>} : memref<32x512xf32, #tpu.memory_space<vmem>>, vector<16xf32>,
        %parallel_loop3A_376 = arith.index_cast %parallel_loop3A_182 : i32 to index
        %parallel_loop3A_377 = arith.constant 304 : index
        %parallel_loop3A_378 = tpu.vector_load %arg12[%parallel_loop3A_376, %parallel_loop3A_377] {strides = array<i32>} : memref<32x512xf32, #tpu.memory_space<vmem>>, vector<16xf32>,
        %parallel_loop3A_379 = arith.addf %parallel_loop3A_378, %parallel_loop3A_368 : vector<16xf32>
        %parallel_loop3A_380 = arith.index_cast %parallel_loop3A_182 : i32 to index
        %parallel_loop3A_381 = arith.constant 304 : index
        %parallel_loop3A_382 = tpu.vector_load %arg12[%parallel_loop3A_380, %parallel_loop3A_381] {strides = array<i32>} : memref<32x512xf32, #tpu.memory_space<vmem>>, vector<16xf32>,
        tpu.vector_store %arg12[%parallel_loop3A_380, %parallel_loop3A_381], %parallel_loop3A_379 {strides = array<i32>} : memref<32x512xf32, #tpu.memory_space<vmem>>, vector<16xf32>,
        %parallel_loop3A_383 = arith.index_cast %parallel_loop3A_182 : i32 to index
        %parallel_loop3A_384 = arith.constant 160 : index
        %parallel_loop3A_385 = tpu.vector_load %arg16[%parallel_loop3A_383, %parallel_loop3A_384] {strides = array<i32>} : memref<32x256xi32, #tpu.memory_space<vmem>>, vector<16xi32>,
        %parallel_loop3A_386 = vector.bitcast %parallel_loop3A_385 : vector<16xi32> to vector<32xbf16>
        %parallel_loop3A_387 = tpu.unpack_subelements %parallel_loop3A_386, 0 {pack_format = #tpu.pack_format<interleaved>} : vector<32xbf16> -> vector<16xf32>
        %parallel_loop3A_388 = tpu.unpack_subelements %parallel_loop3A_386, 1 {pack_format = #tpu.pack_format<interleaved>} : vector<32xbf16> -> vector<16xf32>
        %parallel_loop3A_389 = arith.index_cast %parallel_loop3A_182 : i32 to index
        %parallel_loop3A_390 = arith.constant 320 : index
        %parallel_loop3A_391 = tpu.vector_load %arg12[%parallel_loop3A_389, %parallel_loop3A_390] {strides = array<i32>} : memref<32x512xf32, #tpu.memory_space<vmem>>, vector<16xf32>,
        %parallel_loop3A_392 = arith.addf %parallel_loop3A_391, %parallel_loop3A_387 : vector<16xf32>
        %parallel_loop3A_393 = arith.index_cast %parallel_loop3A_182 : i32 to index
        %parallel_loop3A_394 = arith.constant 320 : index
        %parallel_loop3A_395 = tpu.vector_load %arg12[%parallel_loop3A_393, %parallel_loop3A_394] {strides = array<i32>} : memref<32x512xf32, #tpu.memory_space<vmem>>, vector<16xf32>,
        tpu.vector_store %arg12[%parallel_loop3A_393, %parallel_loop3A_394], %parallel_loop3A_392 {strides = array<i32>} : memref<32x512xf32, #tpu.memory_space<vmem>>, vector<16xf32>,
        %parallel_loop3A_396 = arith.index_cast %parallel_loop3A_182 : i32 to index
        %parallel_loop3A_397 = arith.constant 336 : index
        %parallel_loop3A_398 = tpu.vector_load %arg12[%parallel_loop3A_396, %parallel_loop3A_397] {strides = array<i32>} : memref<32x512xf32, #tpu.memory_space<vmem>>, vector<16xf32>,
        %parallel_loop3A_399 = arith.addf %parallel_loop3A_398, %parallel_loop3A_388 : vector<16xf32>
        %parallel_loop3A_400 = arith.index_cast %parallel_loop3A_182 : i32 to index
        %parallel_loop3A_401 = arith.constant 336 : index
        %parallel_loop3A_402 = tpu.vector_load %arg12[%parallel_loop3A_400, %parallel_loop3A_401] {strides = array<i32>} : memref<32x512xf32, #tpu.memory_space<vmem>>, vector<16xf32>,
        tpu.vector_store %arg12[%parallel_loop3A_400, %parallel_loop3A_401], %parallel_loop3A_399 {strides = array<i32>} : memref<32x512xf32, #tpu.memory_space<vmem>>, vector<16xf32>,
        %parallel_loop3A_403 = arith.index_cast %parallel_loop3A_182 : i32 to index
        %parallel_loop3A_404 = arith.constant 176 : index
        %parallel_loop3A_405 = tpu.vector_load %arg16[%parallel_loop3A_403, %parallel_loop3A_404] {strides = array<i32>} : memref<32x256xi32, #tpu.memory_space<vmem>>, vector<16xi32>,
        %parallel_loop3A_406 = vector.bitcast %parallel_loop3A_405 : vector<16xi32> to vector<32xbf16>
        %parallel_loop3A_407 = tpu.unpack_subelements %parallel_loop3A_406, 0 {pack_format = #tpu.pack_format<interleaved>} : vector<32xbf16> -> vector<16xf32>
        %parallel_loop3A_408 = tpu.unpack_subelements %parallel_loop3A_406, 1 {pack_format = #tpu.pack_format<interleaved>} : vector<32xbf16> -> vector<16xf32>
        %parallel_loop3A_409 = arith.index_cast %parallel_loop3A_182 : i32 to index
        %parallel_loop3A_410 = arith.constant 352 : index
        %parallel_loop3A_411 = tpu.vector_load %arg12[%parallel_loop3A_409, %parallel_loop3A_410] {strides = array<i32>} : memref<32x512xf32, #tpu.memory_space<vmem>>, vector<16xf32>,
        %parallel_loop3A_412 = arith.addf %parallel_loop3A_411, %parallel_loop3A_407 : vector<16xf32>
        %parallel_loop3A_413 = arith.index_cast %parallel_loop3A_182 : i32 to index
        %parallel_loop3A_414 = arith.constant 352 : index
        %parallel_loop3A_415 = tpu.vector_load %arg12[%parallel_loop3A_413, %parallel_loop3A_414] {strides = array<i32>} : memref<32x512xf32, #tpu.memory_space<vmem>>, vector<16xf32>,
        tpu.vector_store %arg12[%parallel_loop3A_413, %parallel_loop3A_414], %parallel_loop3A_412 {strides = array<i32>} : memref<32x512xf32, #tpu.memory_space<vmem>>, vector<16xf32>,
        %parallel_loop3A_416 = arith.index_cast %parallel_loop3A_182 : i32 to index
        %parallel_loop3A_417 = arith.constant 368 : index
        %parallel_loop3A_418 = tpu.vector_load %arg12[%parallel_loop3A_416, %parallel_loop3A_417] {strides = array<i32>} : memref<32x512xf32, #tpu.memory_space<vmem>>, vector<16xf32>,
        %parallel_loop3A_419 = arith.addf %parallel_loop3A_418, %parallel_loop3A_408 : vector<16xf32>
        %parallel_loop3A_420 = arith.index_cast %parallel_loop3A_182 : i32 to index
        %parallel_loop3A_421 = arith.constant 368 : index
        %parallel_loop3A_422 = tpu.vector_load %arg12[%parallel_loop3A_420, %parallel_loop3A_421] {strides = array<i32>} : memref<32x512xf32, #tpu.memory_space<vmem>>, vector<16xf32>,
        tpu.vector_store %arg12[%parallel_loop3A_420, %parallel_loop3A_421], %parallel_loop3A_419 {strides = array<i32>} : memref<32x512xf32, #tpu.memory_space<vmem>>, vector<16xf32>,
        %parallel_loop3A_423 = arith.index_cast %parallel_loop3A_182 : i32 to index
        %parallel_loop3A_424 = arith.constant 192 : index
        %parallel_loop3A_425 = tpu.vector_load %arg16[%parallel_loop3A_423, %parallel_loop3A_424] {strides = array<i32>} : memref<32x256xi32, #tpu.memory_space<vmem>>, vector<16xi32>,
        %parallel_loop3A_426 = vector.bitcast %parallel_loop3A_425 : vector<16xi32> to vector<32xbf16>
        %parallel_loop3A_427 = tpu.unpack_subelements %parallel_loop3A_426, 0 {pack_format = #tpu.pack_format<interleaved>} : vector<32xbf16> -> vector<16xf32>
        %parallel_loop3A_428 = tpu.unpack_subelements %parallel_loop3A_426, 1 {pack_format = #tpu.pack_format<interleaved>} : vector<32xbf16> -> vector<16xf32>
        %parallel_loop3A_429 = arith.index_cast %parallel_loop3A_182 : i32 to index
        %parallel_loop3A_430 = arith.constant 384 : index
        %parallel_loop3A_431 = tpu.vector_load %arg12[%parallel_loop3A_429, %parallel_loop3A_430] {strides = array<i32>} : memref<32x512xf32, #tpu.memory_space<vmem>>, vector<16xf32>,
        %parallel_loop3A_432 = arith.addf %parallel_loop3A_431, %parallel_loop3A_427 : vector<16xf32>
        %parallel_loop3A_433 = arith.index_cast %parallel_loop3A_182 : i32 to index
        %parallel_loop3A_434 = arith.constant 384 : index
        %parallel_loop3A_435 = tpu.vector_load %arg12[%parallel_loop3A_433, %parallel_loop3A_434] {strides = array<i32>} : memref<32x512xf32, #tpu.memory_space<vmem>>, vector<16xf32>,
        tpu.vector_store %arg12[%parallel_loop3A_433, %parallel_loop3A_434], %parallel_loop3A_432 {strides = array<i32>} : memref<32x512xf32, #tpu.memory_space<vmem>>, vector<16xf32>,
        %parallel_loop3A_436 = arith.index_cast %parallel_loop3A_182 : i32 to index
        %parallel_loop3A_437 = arith.constant 400 : index
        %parallel_loop3A_438 = tpu.vector_load %arg12[%parallel_loop3A_436, %parallel_loop3A_437] {strides = array<i32>} : memref<32x512xf32, #tpu.memory_space<vmem>>, vector<16xf32>,
        %parallel_loop3A_439 = arith.addf %parallel_loop3A_438, %parallel_loop3A_428 : vector<16xf32>
        %parallel_loop3A_440 = arith.index_cast %parallel_loop3A_182 : i32 to index
        %parallel_loop3A_441 = arith.constant 400 : index
        %parallel_loop3A_442 = tpu.vector_load %arg12[%parallel_loop3A_440, %parallel_loop3A_441] {strides = array<i32>} : memref<32x512xf32, #tpu.memory_space<vmem>>, vector<16xf32>,
        tpu.vector_store %arg12[%parallel_loop3A_440, %parallel_loop3A_441], %parallel_loop3A_439 {strides = array<i32>} : memref<32x512xf32, #tpu.memory_space<vmem>>, vector<16xf32>,
        %parallel_loop3A_443 = arith.index_cast %parallel_loop3A_182 : i32 to index
        %parallel_loop3A_444 = arith.constant 208 : index
        %parallel_loop3A_445 = tpu.vector_load %arg16[%parallel_loop3A_443, %parallel_loop3A_444] {strides = array<i32>} : memref<32x256xi32, #tpu.memory_space<vmem>>, vector<16xi32>,
        %parallel_loop3A_446 = vector.bitcast %parallel_loop3A_445 : vector<16xi32> to vector<32xbf16>
        %parallel_loop3A_447 = tpu.unpack_subelements %parallel_loop3A_446, 0 {pack_format = #tpu.pack_format<interleaved>} : vector<32xbf16> -> vector<16xf32>
        %parallel_loop3A_448 = tpu.unpack_subelements %parallel_loop3A_446, 1 {pack_format = #tpu.pack_format<interleaved>} : vector<32xbf16> -> vector<16xf32>
        %parallel_loop3A_449 = arith.index_cast %parallel_loop3A_182 : i32 to index
        %parallel_loop3A_450 = arith.constant 416 : index
        %parallel_loop3A_451 = tpu.vector_load %arg12[%parallel_loop3A_449, %parallel_loop3A_450] {strides = array<i32>} : memref<32x512xf32, #tpu.memory_space<vmem>>, vector<16xf32>,
        %parallel_loop3A_452 = arith.addf %parallel_loop3A_451, %parallel_loop3A_447 : vector<16xf32>
        %parallel_loop3A_453 = arith.index_cast %parallel_loop3A_182 : i32 to index
        %parallel_loop3A_454 = arith.constant 416 : index
        %parallel_loop3A_455 = tpu.vector_load %arg12[%parallel_loop3A_453, %parallel_loop3A_454] {strides = array<i32>} : memref<32x512xf32, #tpu.memory_space<vmem>>, vector<16xf32>,
        tpu.vector_store %arg12[%parallel_loop3A_453, %parallel_loop3A_454], %parallel_loop3A_452 {strides = array<i32>} : memref<32x512xf32, #tpu.memory_space<vmem>>, vector<16xf32>,
        %parallel_loop3A_456 = arith.index_cast %parallel_loop3A_182 : i32 to index
        %parallel_loop3A_457 = arith.constant 432 : index
        %parallel_loop3A_458 = tpu.vector_load %arg12[%parallel_loop3A_456, %parallel_loop3A_457] {strides = array<i32>} : memref<32x512xf32, #tpu.memory_space<vmem>>, vector<16xf32>,
        %parallel_loop3A_459 = arith.addf %parallel_loop3A_458, %parallel_loop3A_448 : vector<16xf32>
        %parallel_loop3A_460 = arith.index_cast %parallel_loop3A_182 : i32 to index
        %parallel_loop3A_461 = arith.constant 432 : index
        %parallel_loop3A_462 = tpu.vector_load %arg12[%parallel_loop3A_460, %parallel_loop3A_461] {strides = array<i32>} : memref<32x512xf32, #tpu.memory_space<vmem>>, vector<16xf32>,
        tpu.vector_store %arg12[%parallel_loop3A_460, %parallel_loop3A_461], %parallel_loop3A_459 {strides = array<i32>} : memref<32x512xf32, #tpu.memory_space<vmem>>, vector<16xf32>,
        %parallel_loop3A_463 = arith.index_cast %parallel_loop3A_182 : i32 to index
        %parallel_loop3A_464 = arith.constant 224 : index
        %parallel_loop3A_465 = tpu.vector_load %arg16[%parallel_loop3A_463, %parallel_loop3A_464] {strides = array<i32>} : memref<32x256xi32, #tpu.memory_space<vmem>>, vector<16xi32>,
        %parallel_loop3A_466 = vector.bitcast %parallel_loop3A_465 : vector<16xi32> to vector<32xbf16>
        %parallel_loop3A_467 = tpu.unpack_subelements %parallel_loop3A_466, 0 {pack_format = #tpu.pack_format<interleaved>} : vector<32xbf16> -> vector<16xf32>
        %parallel_loop3A_468 = tpu.unpack_subelements %parallel_loop3A_466, 1 {pack_format = #tpu.pack_format<interleaved>} : vector<32xbf16> -> vector<16xf32>
        %parallel_loop3A_469 = arith.index_cast %parallel_loop3A_182 : i32 to index
        %parallel_loop3A_470 = arith.constant 448 : index
        %parallel_loop3A_471 = tpu.vector_load %arg12[%parallel_loop3A_469, %parallel_loop3A_470] {strides = array<i32>} : memref<32x512xf32, #tpu.memory_space<vmem>>, vector<16xf32>,
        %parallel_loop3A_472 = arith.addf %parallel_loop3A_471, %parallel_loop3A_467 : vector<16xf32>
        %parallel_loop3A_473 = arith.index_cast %parallel_loop3A_182 : i32 to index
        %parallel_loop3A_474 = arith.constant 448 : index
        %parallel_loop3A_475 = tpu.vector_load %arg12[%parallel_loop3A_473, %parallel_loop3A_474] {strides = array<i32>} : memref<32x512xf32, #tpu.memory_space<vmem>>, vector<16xf32>,
        tpu.vector_store %arg12[%parallel_loop3A_473, %parallel_loop3A_474], %parallel_loop3A_472 {strides = array<i32>} : memref<32x512xf32, #tpu.memory_space<vmem>>, vector<16xf32>,
        %parallel_loop3A_476 = arith.index_cast %parallel_loop3A_182 : i32 to index
        %parallel_loop3A_477 = arith.constant 464 : index
        %parallel_loop3A_478 = tpu.vector_load %arg12[%parallel_loop3A_476, %parallel_loop3A_477] {strides = array<i32>} : memref<32x512xf32, #tpu.memory_space<vmem>>, vector<16xf32>,
        %parallel_loop3A_479 = arith.addf %parallel_loop3A_478, %parallel_loop3A_468 : vector<16xf32>
        %parallel_loop3A_480 = arith.index_cast %parallel_loop3A_182 : i32 to index
        %parallel_loop3A_481 = arith.constant 464 : index
        %parallel_loop3A_482 = tpu.vector_load %arg12[%parallel_loop3A_480, %parallel_loop3A_481] {strides = array<i32>} : memref<32x512xf32, #tpu.memory_space<vmem>>, vector<16xf32>,
        tpu.vector_store %arg12[%parallel_loop3A_480, %parallel_loop3A_481], %parallel_loop3A_479 {strides = array<i32>} : memref<32x512xf32, #tpu.memory_space<vmem>>, vector<16xf32>,
        %parallel_loop3A_483 = arith.index_cast %parallel_loop3A_182 : i32 to index
        %parallel_loop3A_484 = arith.constant 240 : index
        %parallel_loop3A_485 = tpu.vector_load %arg16[%parallel_loop3A_483, %parallel_loop3A_484] {strides = array<i32>} : memref<32x256xi32, #tpu.memory_space<vmem>>, vector<16xi32>,
        %parallel_loop3A_486 = vector.bitcast %parallel_loop3A_485 : vector<16xi32> to vector<32xbf16>
        %parallel_loop3A_487 = tpu.unpack_subelements %parallel_loop3A_486, 0 {pack_format = #tpu.pack_format<interleaved>} : vector<32xbf16> -> vector<16xf32>
        %parallel_loop3A_488 = tpu.unpack_subelements %parallel_loop3A_486, 1 {pack_format = #tpu.pack_format<interleaved>} : vector<32xbf16> -> vector<16xf32>
        %parallel_loop3A_489 = arith.index_cast %parallel_loop3A_182 : i32 to index
        %parallel_loop3A_490 = arith.constant 480 : index
        %parallel_loop3A_491 = tpu.vector_load %arg12[%parallel_loop3A_489, %parallel_loop3A_490] {strides = array<i32>} : memref<32x512xf32, #tpu.memory_space<vmem>>, vector<16xf32>,
        %parallel_loop3A_492 = arith.addf %parallel_loop3A_491, %parallel_loop3A_487 : vector<16xf32>
        %parallel_loop3A_493 = arith.index_cast %parallel_loop3A_182 : i32 to index
        %parallel_loop3A_494 = arith.constant 480 : index
        %parallel_loop3A_495 = tpu.vector_load %arg12[%parallel_loop3A_493, %parallel_loop3A_494] {strides = array<i32>} : memref<32x512xf32, #tpu.memory_space<vmem>>, vector<16xf32>,
        tpu.vector_store %arg12[%parallel_loop3A_493, %parallel_loop3A_494], %parallel_loop3A_492 {strides = array<i32>} : memref<32x512xf32, #tpu.memory_space<vmem>>, vector<16xf32>,
        %parallel_loop3A_496 = arith.index_cast %parallel_loop3A_182 : i32 to index
        %parallel_loop3A_497 = arith.constant 496 : index
        %parallel_loop3A_498 = tpu.vector_load %arg12[%parallel_loop3A_496, %parallel_loop3A_497] {strides = array<i32>} : memref<32x512xf32, #tpu.memory_space<vmem>>, vector<16xf32>,
        %parallel_loop3A_499 = arith.addf %parallel_loop3A_498, %parallel_loop3A_488 : vector<16xf32>
        %parallel_loop3A_500 = arith.index_cast %parallel_loop3A_182 : i32 to index
        %parallel_loop3A_501 = arith.constant 496 : index
        %parallel_loop3A_502 = tpu.vector_load %arg12[%parallel_loop3A_500, %parallel_loop3A_501] {strides = array<i32>} : memref<32x512xf32, #tpu.memory_space<vmem>>, vector<16xf32>,
        tpu.vector_store %arg12[%parallel_loop3A_500, %parallel_loop3A_501], %parallel_loop3A_499 {strides = array<i32>} : memref<32x512xf32, #tpu.memory_space<vmem>>, vector<16xf32>,
      } {sc.loop_unroll_factor = 2 : i64, sc.parallel_access}
      %mul3A_166 = arith.constant 32 : i32
      %mul3A_167 = arith.muli %add3A_152, %mul3A_166 : i32
      %add3A_168 = arith.addi %mul3A_2, %mul3A_167 : i32
      %dma_start3A_169 = arith.constant 0 : i32
      %dma_start3A_170 = tpu.memref_slice %arg6[%add3A_168, %dma_start3A_169] : memref<204800x512xf32, #tpu.memory_space<hbm>> -> memref<32x512xf32, #tpu.memory_space<hbm>>
      %dma_start3A_171 = arith.constant 0 : i32
      %dma_start3A_172 = tpu.memref_slice %arg6[%add3A_168, %dma_start3A_171] : memref<204800x512xf32, #tpu.memory_space<hbm>> -> memref<32x512xf32, #tpu.memory_space<hbm>>
      tpu.enqueue_dma source(%arg12 : memref<32x512xf32, #tpu.memory_space<vmem>>) target(%dma_start3A_172 : memref<32x512xf32, #tpu.memory_space<hbm>>) target_semaphore(%arg24 : memref<!tpu.dma_semaphore, #tpu.memory_space<semaphore_mem>>)
      %dma_wait3A_173 = arith.constant 0 : i32
      %dma_wait3A_174 = tpu.memref_slice %arg6[%mul3A_2, %dma_wait3A_173] : memref<204800x512xf32, #tpu.memory_space<hbm>> -> memref<32x512xf32, #tpu.memory_space<hbm>>
      %dma_wait3A_175 = arith.constant 0 : i32
      %dma_wait3A_176 = tpu.memref_slice %arg6[%mul3A_2, %dma_wait3A_175] : memref<204800x512xf32, #tpu.memory_space<hbm>> -> memref<32x512xf32, #tpu.memory_space<hbm>>
      tpu.wait_dma2 semaphore(%arg22 : memref<!tpu.dma_semaphore, #tpu.memory_space<semaphore_mem>>) src(%arg10 : memref<32x512xf32, #tpu.memory_space<vmem>>) dst(%dma_wait3A_176 : memref<32x512xf32, #tpu.memory_space<hbm>>)
      %lt3A_177 = arith.constant 49 : i32
      %lt3A_178 = arith.cmpi slt, %scan3A_34, %lt3A_177 : i32
      %convert_element_type3A_179 = arith.extui %lt3A_178 : i1 to i32
      %cond3A_180 = arith.constant 0 : i32
      %cond3A_181 = arith.cmpi ne, %convert_element_type3A_179, %cond3A_180 : i32
      scf.if %cond3A_181 {
        %add3A_182 = arith.constant 2 : i32
        %add3A_183 = arith.addi %add3A_152, %add3A_182 : i32
        %mul3A_184 = arith.constant 32 : i32
        %mul3A_185 = arith.muli %add3A_183, %mul3A_184 : i32
        %mul3A_186 = arith.constant 32 : i32
        %mul3A_187 = arith.muli %add3A_183, %mul3A_186 : i32
        %dma_start3A_188 = tpu.memref_slice %arg7[%mul3A_185] : memref<6400xi32, #tpu.memory_space<vmem>> -> memref<32xi32, #tpu.memory_space<vmem>>
        %dma_start3A_189 = arith.constant 0 : i32
        %dma_start3A_190 = arith.constant 0 : i32
        %dma_start3A_191 = tpu.memref_slice %arg4[%dma_start3A_189, %dma_start3A_190] : memref<32000x512xf32, #tpu.memory_space<hbm>> -> memref<32000x512xf32, #tpu.memory_space<hbm>>
        tpu.enqueue_indirect_dma source(%dma_start3A_191 : memref<32000x512xf32, #tpu.memory_space<hbm>>) target(%arg10 : memref<32x512xf32, #tpu.memory_space<vmem>>) offsets(%dma_start3A_188 : memref<32xi32, #tpu.memory_space<vmem>>) semaphore(%arg18 : memref<!tpu.dma_semaphore, #tpu.memory_space<semaphore_mem>>)
        %dma_start3A_192 = tpu.memref_slice %arg8[%mul3A_187] : memref<6400xi32, #tpu.memory_space<vmem>> -> memref<32xi32, #tpu.memory_space<vmem>>
        %dma_start3A_193 = arith.constant 0 : i32
        %dma_start3A_194 = arith.constant 0 : i32
        %dma_start3A_195 = tpu.memref_slice %arg5[%dma_start3A_193, %dma_start3A_194] : memref<600x256xi32, #tpu.memory_space<hbm>> -> memref<600x256xi32, #tpu.memory_space<hbm>>
        tpu.enqueue_indirect_dma source(%dma_start3A_195 : memref<600x256xi32, #tpu.memory_space<hbm>>) target(%arg14 : memref<32x256xi32, #tpu.memory_space<vmem>>) offsets(%dma_start3A_192 : memref<32xi32, #tpu.memory_space<vmem>>) semaphore(%arg18 : memref<!tpu.dma_semaphore, #tpu.memory_space<semaphore_mem>>)
      } else {
      }
    }
    %scan3A_26 = arith.constant 50 : i32
    %dma_wait3A = arith.constant 0 : i32
    %dma_wait3A_27 = tpu.memref_slice %arg6[%mul3A_2, %dma_wait3A] : memref<204800x512xf32, #tpu.memory_space<hbm>> -> memref<32x512xf32, #tpu.memory_space<hbm>>
    %dma_wait3A_28 = arith.constant 0 : i32
    %dma_wait3A_29 = tpu.memref_slice %arg6[%mul3A_2, %dma_wait3A_28] : memref<204800x512xf32, #tpu.memory_space<hbm>> -> memref<32x512xf32, #tpu.memory_space<hbm>>
    tpu.wait_dma2 semaphore(%arg23 : memref<!tpu.dma_semaphore, #tpu.memory_space<semaphore_mem>>) src(%arg11 : memref<32x512xf32, #tpu.memory_space<vmem>>) dst(%dma_wait3A_29 : memref<32x512xf32, #tpu.memory_space<hbm>>)
    %dma_wait3A_30 = arith.constant 0 : i32
    %dma_wait3A_31 = tpu.memref_slice %arg6[%mul3A_2, %dma_wait3A_30] : memref<204800x512xf32, #tpu.memory_space<hbm>> -> memref<32x512xf32, #tpu.memory_space<hbm>>
    %dma_wait3A_32 = arith.constant 0 : i32
    %dma_wait3A_33 = tpu.memref_slice %arg6[%mul3A_2, %dma_wait3A_32] : memref<204800x512xf32, #tpu.memory_space<hbm>> -> memref<32x512xf32, #tpu.memory_space<hbm>>
    tpu.wait_dma2 semaphore(%arg24 : memref<!tpu.dma_semaphore, #tpu.memory_space<semaphore_mem>>) src(%arg12 : memref<32x512xf32, #tpu.memory_space<vmem>>) dst(%dma_wait3A_33 : memref<32x512xf32, #tpu.memory_space<hbm>>)
    return
  }
}

</mosaic_0001>

<sc_bundles>
// kernel: kernel.3.cloned.1.call-start
scs
__scs_entry_jumppad:
0x0: {  	(pc) =	sbr.rel $0x88, $3  }
0x1: {  	(tag) =	ssettag $0x0;
	lr =	simm.s32 $0x1  }
0x2: {  	[smem:$0x3F9D] =	sst lr;
	_ =	strace $0xD0000000  }
0x3: {  	_ = 	snop  }
0x4: {  	_ = 	snop  }
0x5: {  	_ = 	snop  }
0x6: {  	_ = 	snop  }
0x7: {  	_ = 	snop  }
__scs_overlays_trampoline_lowered:
0x8: {  	[smem:$0x3FAC] =	sst s0  }
0x9: {  	[smem:$0x3FAD] =	sst s1  }
0xa: {  	[smem:$0x3FAE] =	sst s2  }
0xb: {  	[smem:$0x3FAF] =	sst s3  }
0xc: {  	[smem:$0x3FB0] =	sst s4  }
0xd: {  	[smem:$0x3FB1] =	sst s5  }
0xe: {  	[smem:$0x3FB2] =	sst s6  }
0xf: {  	[smem:$0x3FB3] =	sst s7  }
0x10: {  	[smem:$0x3FB4] =	sst s8  }
0x11: {  	[smem:$0x3FB5] =	sst s9;
	s0 =	simm.s32 @!p0 $0x0  }
0x12: {  	s1 =	sld [smem:$0x3F9B];
	s0 =	simm.s32 @p0 $0x1  }
0x13: {  	[smem:$0x3FB6] =	sst s0;
	s0 =	simm.s32 @!p1 $0x0  }
0x14: {  	s2 =	sld [smem:$0x3F9A];
	s0 =	simm.s32 @p1 $0x1  }
0x15: {  	[smem:$0x3FB7] =	sst s0;
	s0 =	simm.s32 @!p2 $0x0  }
0x16: {  	s3 =	sld [smem:$0x3FDB];
	s0 =	simm.s32 @p2 $0x1  }
0x17: {  	s4 =	simm.s32 $0x1BF5;
	[smem:$0x3FB9] =	sst s0  }
0x18: {  	s0 =	sld [smem:$0x3F9C];
	_ =	swait.ge [sflag:s4], $0x0  }
0x19: {  	s7 =	sld [smem:$0x3F9D]  }
0x1a: {  	s8 =	sadd.s32 $0xFFFFE003, lr  }
0x1b: {  	s9 =	sadd.s32 $0xFFFFFEF7, lr;
	s5 =	simm.s32 $0xFFFFFFFF;
	p2 =	slt.u32 s8, $0xFFFFF086  }
0x1c: {  	p1 =	slt.u32 s9, $0xF7A;
	s5 =	simm.s32 @!p2 $0x0  }
0x1d: {  	s5 =	simm.s32 @p1 $0x1;
	p0 =	seq.s32 s7, s2  }
0x1e: {  	s7 =	smul.u32 @!p0 $0xF7A, s2;
	p2 =	seq.s32 @!p0 s5, $0x0  }
0x1f: {  	s9 =	smul.u32 $0xF7A, s1;
	s8 =	simm.s32 @!p0 $0x1BF5;
	p2 =	por !p2, p0  }
0x20: {  	[sflag:s8] =	ssyncset.s32 @!p0 $0xFFFFF086;
	s6 =	sadd.s32 @!p0 s3, s7;
	s7 =	simm.s32 @!p0 $0x108  }
0x21: {  	s3 =	sadd.s32 s3, s9;
	s6 =	sadd.s32 @!p0 $0x88, s6;
	s7 =	simm.s32 @p2 $0x1082  }
0x22: {  	[simem:s7], [sflag:s8] =	dma.local @!p0 [hbm:s6], $0xF7A  }
0x23: {  	s9 =	sor.u32 $0xD0000000, s2;
	s6 =	simm.s32 $0x108;
	_ =	swait.ge @!p0 [sflag:s8], $0x0  }
0x24: {  	s3 =	sadd.s32 $0x88, s3;
	s6 =	simm.s32 @!p1 $0x1082;
	[sflag:s4] =	ssyncset.s32 $0xFFFFF086  }
0x25: {  	[simem:s6], [sflag:s4] =	dma.local [hbm:s3], $0xF7A  }
0x26: {  	[smem:$0x3F9D] =	sst s1;
	(tag) =	ssettag s2;
	_ =	strace s9  }
0x27: {  	s1 =	sld [smem:$0x3FAD]  }
0x28: {  	s2 =	sld [smem:$0x3FAE]  }
0x29: {  	s4 =	sld [smem:$0x3FB0]  }
0x2a: {  	p0 =	seq.s32 s5, $0x0;
	s5 =	sld [smem:$0x3FB1]  }
0x2b: {  	s6 =	sld [smem:$0x3FB2]  }
0x2c: {  	s7 =	sld [smem:$0x3FB3]  }
0x2d: {  	s3 =	simm.s32 $0x108;
	s8 =	sld [smem:$0x3FB4]  }
0x2e: {  	s3 =	simm.s32 @!p0 $0x1082;
	s9 =	sld [smem:$0x3FB5]  }
0x2f: {  	lr =	sadd.s32 s0, s3;
	s0 =	sld [smem:$0x3FAC]  }
0x30: {  	s3 =	sld [smem:$0x3FAF]  }
0x31: {  	[smem:$0x3FB8] =	sst s10  }
0x32: {  	s10 =	sld [smem:$0x3FB6];
	_ =	sdelay $0x3  }
0x33: {  	p0 =	seq.s32 s10, $0x1;
	s10 =	sld [smem:$0x3FB8];
	_ =	sdelay $0x3  }
0x34: {  	[smem:$0x3FB8] =	sst s10  }
0x35: {  	s10 =	sld [smem:$0x3FB7];
	_ =	sdelay $0x3  }
0x36: {  	p1 =	seq.s32 s10, $0x1;
	s10 =	sld [smem:$0x3FB8];
	_ =	sdelay $0x3  }
0x37: {  	[smem:$0x3FB8] =	sst s10  }
0x38: {  	s10 =	sld [smem:$0x3FB9]  }
0x39: {  	_ = 	snop;
	(pc) =	sbr.ind lr, $3  }
0x3a: {  	_ = 	snop  }
0x3b: {  	_ = 	snop  }
0x3c: {  	p2 =	seq.s32 s10, $0x1;
	s10 =	sld [smem:$0x3FB8]  }
0x3d: {  	_ =	shalt  }
0x3e: {  	_ =	shalt  }
0x3f: {  	_ =	shalt  }
0x40: {  	_ =	shalt  }
0x41: {  	_ =	shalt  }
0x42: {  	_ =	shalt  }
0x43: {  	_ =	shalt  }
0x44: {  	_ =	shalt  }
0x45: {  	_ =	shalt  }
0x46: {  	_ =	shalt  }
0x47: {  	_ =	shalt  }
0x48: {  	_ =	shalt  }
0x49: {  	_ =	shalt  }
0x4a: {  	_ =	shalt  }
0x4b: {  	_ =	shalt  }
0x4c: {  	_ =	shalt  }
0x4d: {  	_ =	shalt  }
0x4e: {  	_ =	shalt  }
0x4f: {  	_ =	shalt  }
0x50: {  	_ =	shalt  }
0x51: {  	_ =	shalt  }
0x52: {  	_ =	shalt  }
0x53: {  	_ =	shalt  }
0x54: {  	_ =	shalt  }
0x55: {  	_ =	shalt  }
0x56: {  	_ =	shalt  }
0x57: {  	_ =	shalt  }
0x58: {  	_ =	shalt  }
0x59: {  	_ =	shalt  }
0x5a: {  	_ =	shalt  }
0x5b: {  	_ =	shalt  }
0x5c: {  	_ =	shalt  }
0x5d: {  	_ =	shalt  }
0x5e: {  	_ =	shalt  }
0x5f: {  	_ =	shalt  }
0x60: {  	_ =	shalt  }
0x61: {  	_ =	shalt  }
0x62: {  	_ =	shalt  }
0x63: {  	_ =	shalt  }
0x64: {  	_ =	shalt  }
0x65: {  	_ =	shalt  }
0x66: {  	_ =	shalt  }
0x67: {  	_ =	shalt  }
0x68: {  	_ =	shalt  }
0x69: {  	_ =	shalt  }
0x6a: {  	_ =	shalt  }
0x6b: {  	_ =	shalt  }
0x6c: {  	_ =	shalt  }
0x6d: {  	_ =	shalt  }
0x6e: {  	_ =	shalt  }
0x6f: {  	_ =	shalt  }
0x70: {  	_ =	shalt  }
0x71: {  	_ =	shalt  }
0x72: {  	_ =	shalt  }
0x73: {  	_ =	shalt  }
0x74: {  	_ =	shalt  }
0x75: {  	_ =	shalt  }
0x76: {  	_ =	shalt  }
0x77: {  	_ =	shalt  }
0x78: {  	_ =	shalt  }
0x79: {  	_ =	shalt  }
0x7a: {  	_ =	shalt  }
0x7b: {  	_ =	shalt  }
0x7c: {  	_ =	shalt  }
0x7d: {  	_ =	shalt  }
0x7e: {  	_ =	shalt  }
0x7f: {  	_ =	shalt  }
0x80: {  	_ =	shalt  }
0x81: {  	_ =	shalt  }
0x82: {  	_ =	shalt  }
0x83: {  	_ =	shalt  }
0x84: {  	_ =	shalt  }
0x85: {  	_ =	shalt  }
0x86: {  	_ =	shalt  }
0x87: {  	_ =	shalt  }
.Lfunc_end0:
.L_simem_size_0:
called_computation_lowered:
.L_overlay_start_0:
0x88: {  	s2 =	sld [smem:$0x3FD9]  }
0x89: {  	s3 =	sld [smem:$0x3FFE];
	_ =	sdelay $0x1  }
0x8a: {  	s1 =	srdreg.scid  }
0x8b: {  	s0 =	sand.u32 $0x1, s1  }
0x8c: {  	s17 =	sshll.u32 s0, $0xA;
	s2 =	sadd.s32 s3, s2  }
0x8d: {  	s2 =	sadd.s32 s2, s17  }
0x8e: {  	[smem:$0x3FC4] =	sst s2  }
0x8f: {  	_ = 	snop  }
0x90: {  	s2 =	sld [smem:$0x3FC7]  }
0x91: {  	s18 =	sld [smem:$0x3FD0];
	(tm) =	ssettm $0x1  }
0x92: {  	s4 =	sld [smem:$0x3FFB];
	_ =	sdelay $0x3  }
0x93: {  	_ =	strace s4  }
0x94: {  	s4 =	sld [smem:$0x3FFC];
	_ =	sdelay $0x3  }
0x95: {  	_ =	strace s4  }
0x96: {  	s4 =	sld [smem:$0x3FFD];
	_ =	sdelay $0x3  }
0x97: {  	_ =	strace s4  }
0x98: {  	_ =	strace $0x8FFFFFFF  }
0x99: {  	s19 =	sld [smem:$0x3FDB];
	_ =	sdelay $0x1  }
0x9a: {  	s5 =	simm.s32 $_scs_section_size  }
0x9b: {  	s6 =	simm.s32 $_size__tile_overlayer_lowered;
	s7 =	simm.s32 $_tile_overlayer_lowered  }
0x9c: {  	s22 =	simm.s32 $0x1BFF;
	s21 =	sshll.u32 s7, $0x1;
	s4 =	sadd.s32 s5, s19  }
0x9d: {  	s8 =	simm.s32 $0x0;
	s20 =	sshll.u32 s6, $0x1;
	s6 =	sadd.s32 s21, s4  }
0x9e: {  	[timem:s8], [sflag:s22] =	dma.local [hbm:s6], s20  }
0x9f: {  	_ =	swait.ge [sflag:s22], s20  }
0xa0: {  	s5 =	ssub.s32 $0x0, s20;
	[sflag:s22] =	ssyncset.done $0x0  }
0xa1: {  	[sflag:s22] =	ssyncadd.s32 s5;
	_ =	sdelay $0x1  }
0xa2: {  	s23 =	simm.s32 $0x1B8B  }
0xa3: {  	_ =	swait.ge [sflag:s23], $0x1  }
0xa4: {  	[sflag:s23] =	ssyncset.done $0x0  }
0xa5: {  	s25 =	simm.s32 $0x1B8E;
	s24 =	sld [smem:$0x3FFE];
	[sflag:s23] =	ssyncadd.s32 $0xFFFFFFFF  }
0xa6: {  	s26 =	simm.s32 $execute0_lowered;
	[smem:$0x3FD2] =	sst s25  }
0xa7: {  	s6 =	sshll.u32 s26, $0x1;
	_ =	strace $0x80000046;
	[dreg:$0x1] =	wrdreg $0xFFFFFFFF  }
0xa8: {  	s28 =	simm.s32 $_size_execute0_lowered;
	s4 =	sadd.s32 s4, s6;
	[dreg:$0x0] =	wrdreg $0x0  }
0xa9: {  	s6 =	sshll.u32 s28, $0x1;
	[dreg:$0x2] =	wrdreg s4  }
0xaa: {  	[dreg:$0x3] =	wrdreg s6  }
0xab: {  	[dreg:$0x4] =	wrdreg $0xC0  }
0xac: {  	_ =	task [dreg:s8], $0x5FFFF  }
0xad: {  	[dreg:$0x1] =	wrdreg $0xFFFFFFFF  }
0xae: {  	[dreg:$0x0] =	wrdreg $0x60  }
0xaf: {  	[dreg:$0x2] =	wrdreg s24  }
0xb0: {  	[dreg:$0x3] =	wrdreg s2  }
0xb1: {  	[dreg:$0x4] =	wrdreg s18  }
0xb2: {  	[dreg:$0x5] =	wrdreg $0x9  }
0xb3: {  	_ =	task.clear_ibuf [dreg:s8], $0x6FFFF;
	_ =	strace $0x90000046  }
0xb4: {  	s29 =	simm.s32 $0x9;
	_ =	strace $0x80000048  }
0xb5: {  	_ =	swait.ge [sflag:s29], $0x1  }
0xb6: {  	[sflag:s29] =	ssyncadd.s32 $0xFFFFFFFF  }
0xb7: {  	_ =	strace $0x90000048  }
0xb8: {  	_ =	sfence  }
0xb9: {  	s30 =	sld [smem:$0x0];
	_ =	sdelay $0x2  }
0xba: {  	s31 =	sshll.u32 s1, $0xD;
	s1 =	sshrl.u32 s1, $0x2  }
0xbb: {  	s3 =	sand.u32 $0x4000, s31;
	s1 =	sadd.s32 s1, s30  }
0xbc: {  	s0 =	sor.u32 s3, s0;
	s1 =	sshll.u32 s1, $0x11  }
0xbd: {  	s0 =	sor.u32 s1, s0  }
0xbe: {  	s0 =	sadd.s32 $0x8F2B, s0  }
0xbf: {  	[sflag:s0] =	ssyncadd.remote.s32 $0x1  }
0xc0: {  	_ =	sfence.sel $0xFFFF  }
0xc1: {  	[dreg:$0x0] =	wrdreg $0xFFFFFFFF;
	(pc) =	sbr.abs _section_cstart, $3  }
0xc2: {  	[dreg:$0x1] =	wrdreg $0xFFFFFFFF  }
0xc3: {  	_ =	task.clear_ibuf [dreg:s8], $0x2FFFF;
	_ =	strace $0x9FFFFFFF  }
0xc4: {  	(tm) =	ssettm $0x7FFFFFFF  }
0xc5: {  	_ =	shalt  }
tec
execute0_lowered:
.L_overlay_start_1:
0x0: {  	(tag) =	ssettag $0x1  }
0x1: {  	s0 =	rddreg [dreg:$0x0]  }
0x2: {  	s1 =	srdreg.scid;
	s3 =	stileid.u32  }
0x3: {  	s2 =	rddreg [dreg:$0x1];
	s1 =	sand.u32 $0x1, s1;
	s4 =	sshll.u32 s3, $0x1  }
0x4: {  	s29 =	simm.s32 $0x7200;
	s17 =	simm.s32 $0x1;
	s7 =	sor.u32 s1, s4  }
0x5: {  	s24 =	simm.s32 $0x3;
	s3 =	rddreg [dreg:$0x2];
	s5 =	smul.u32 $0x1900, s7  }
0x6: {  	s4 =	simm.s32 $0x0;
	s1 =	ssub.s32 $0x2, s1;
	s30 =	smul.u32 $0x320000, s7  }
0x7: {  	s9 =	sadd.s32 $0x100, s2;
	[smem:$0x7FF] =	sst s4;
	s25 =	sshrl.u32 s1, $0x1  }
0x8: {  	_ =	strace $0x80000047;
	s6 =	sshrl.u32 s5, $0x3;
	[dreg:$0x6] =	wrdreg s30  }
.Ltmp0:
0x9: {  	s31 =	sor.u32 $0x20, s5;
	s8 =	sadd.s32 s6, s0;
	(pc) =	sbr.rel .LBB2_1-.Ltmp0, $4  }
0xa: {  	s6 =	sadd.s32 $0x6A00, s0;
	[dreg:$0x7] =	wrdreg s31;
	s26 =	sadd.s32 $0xB600, s8  }
0xb: {  	v2 =	vlaneseq.u32;
	s0 =	ssub.s32 s1, s25;
	s28 =	sadd.s32 $0x600, s8;
	[dreg:$0x4] =	wrdreg s26  }
0xc: {  	vm0 =	vmmov $0xffff;
	v1 =	vshrl.u32 v2, $0x3;
	s1 =	simm.s32 $0x2;
	s0 =	smax.u32 s0, $0x1;
	[dreg:$0x5] =	wrdreg s28  }
0xd: {  	v0 =	vand.u32 $0x7, v2;
	v2 =	vor.u32 $0x8, v2;
	v1 =	vmul.u32 $0x8, v1;
	s8 =	simm.s32 $0x0;
	[dreg:$0x8] =	wrdreg s0;
	s26 =	simm.s32 $0x4  }
.LBB2_14:
0xe: {  	s0 =	simm.s32 $0x7  }
0xf: {  	_ =	swait.ge [sflag:s0], $0x4000  }
0x10: {  	[sflag:s0] =	ssyncset.done $0x0  }
0x11: {  	s7 =	simm.s32 $0x8;
	[sflag:s0] =	ssyncadd.s32 $0xFFFFC000  }
0x12: {  	_ =	swait.ge [sflag:s7], $0x4000  }
0x13: {  	s8 =	rddreg [dreg:$0x9]  }
0x14: {  	s31 =	rddreg [dreg:$0x8];
	s8 =	sadd.s32 $0x1, s8  }
0x15: {  	p0 =	sne.s32 s8, s31  }
.Ltmp1:
0x16: {  	_ = 	snop;
	(pc) =	sbr.rel @!p0 .LBB2_15-.Ltmp1, $3  }
0x17: {  	_ =	sdelay $0x1  }
0x18: {  	[sflag:s7] =	ssyncset.done $0x0  }
0x19: {  	[sflag:s7] =	ssyncadd.s32 $0xFFFFC000  }
.LBB2_1:
0x1a: {  	[dreg:$0x9] =	wrdreg s8  }
0x1b: {  	s0 =	rddreg [dreg:$0x4];
	s7 =	simm.s32 $0x9  }
0x1c: {  	[tilespmem:s4], [sflag:$0x9] =	stream.linear.gather [hbm4b:s0+s4], $0x1900, $0x38;
	[tilespmem:$0x1B200] =	vst v63  }
0x1d: {  	_ =	swait.ge [sflag:s7], $0x1900  }
0x1e: {  	[sflag:s7] =	ssyncset.done $0x0  }
0x1f: {  	s21 =	simm.s32 $0x1900;
	s20 =	rddreg [dreg:$0x5];
	[sflag:s7] =	ssyncadd.s32 $0xFFFFE700  }
0x20: {  	[tilespmem:s21], [sflag:$0x9] =	stream.linear.gather [hbm4b:s20+s4], $0x1900, $0x38;
	[tilespmem:$0x1B200] =	vst v63  }
0x21: {  	_ =	swait.ge [sflag:s7], $0x1900  }
0x22: {  	[sflag:s7] =	ssyncset.done $0x0  }
0x23: {  	[sflag:s7] =	ssyncadd.s32 $0xFFFFE700  }
0x24: {  	v3 =	vld [tilespmem:$0x0];
	_ =	sdelay $0x4  }
0x25: {  	v4 =	vshll.u32 v3, $0x2  }
0x26: {  	v3 =	vand.u32 $0x7, v3;
	v4 =	vand.u32 $0xFFFFFFE0, v4  }
0x27: {  	v3 =	vor.u32 v3, v4  }
0x28: {  	v4 =	vperm.xlane v3, v0;
	_ =	sdelay $0x1  }
0x29: {  	v4 =	vadd.s32 v1, v4;
	_ =	sdelay $0x1  }
0x2a: {  	v3 =	vperm.xlane v3, v2;
	_ =	sdelay $0x1  }
0x2b: {  	s22 =	simm.s32 $0x3200;
	v3 =	vadd.s32 v1, v3  }
0x2c: {  	[tilespmem:s22], [sflag:$0x1] =	stream.indirect_vreg.gather [hbm4b:s2+s4], $0x80, v4, vm0, $0xb8;
	[tilespmem:$0x1B200] =	vst v63  }
0x2d: {  	s23 =	simm.s32 $0x3A00  }
0x2e: {  	[tilespmem:s23], [sflag:$0x1] =	stream.indirect_vreg.gather [hbm4b:s9+s4], $0x80, v4, vm0, $0xb8;
	[tilespmem:$0x1B200] =	vst v63  }
0x2f: {  	s25 =	simm.s32 $0x4200  }
0x30: {  	[tilespmem:s25], [sflag:$0x1] =	stream.indirect_vreg.gather [hbm4b:s2+s4], $0x80, v3, vm0, $0xb8;
	[tilespmem:$0x1B200] =	vst v63  }
0x31: {  	s28 =	simm.s32 $0x4A00  }
0x32: {  	[tilespmem:s28], [sflag:$0x1] =	stream.indirect_vreg.gather [hbm4b:s9+s4], $0x80, v3, vm0, $0xb8;
	[tilespmem:$0x1B200] =	vst v63  }
0x33: {  	v3 =	vld [tilespmem:$0x10];
	_ =	sdelay $0x4  }
0x34: {  	v57 =	vshll.u32 v3, $0x2  }
0x35: {  	v3 =	vand.u32 $0x7, v3;
	v4 =	vand.u32 $0xFFFFFFE0, v57  }
0x36: {  	v3 =	vor.u32 v3, v4  }
0x37: {  	v4 =	vperm.xlane v3, v0;
	_ =	sdelay $0x1  }
0x38: {  	v4 =	vadd.s32 v1, v4;
	_ =	sdelay $0x1  }
0x39: {  	v3 =	vperm.xlane v3, v2;
	_ =	sdelay $0x1  }
0x3a: {  	s31 =	simm.s32 $0x5200;
	v3 =	vadd.s32 v1, v3  }
0x3b: {  	[tilespmem:s31], [sflag:$0x1] =	stream.indirect_vreg.gather [hbm4b:s2+s4], $0x80, v4, vm0, $0xb8;
	[tilespmem:$0x1B200] =	vst v63  }
0x3c: {  	s7 =	simm.s32 $0x5A00  }
0x3d: {  	[tilespmem:s7], [sflag:$0x1] =	stream.indirect_vreg.gather [hbm4b:s9+s4], $0x80, v4, vm0, $0xb8;
	[tilespmem:$0x1B200] =	vst v63  }
0x3e: {  	s8 =	simm.s32 $0x6200  }
0x3f: {  	[tilespmem:s8], [sflag:$0x1] =	stream.indirect_vreg.gather [hbm4b:s2+s4], $0x80, v3, vm0, $0xb8;
	[tilespmem:$0x1B200] =	vst v63  }
0x40: {  	s10 =	simm.s32 $0x6A00  }
0x41: {  	[tilespmem:s10], [sflag:$0x1] =	stream.indirect_vreg.gather [hbm4b:s9+s4], $0x80, v3, vm0, $0xb8;
	[tilespmem:$0x1B200] =	vst v63  }
0x42: {  	v3 =	vld [tilespmem:$0x1900];
	_ =	sdelay $0x4  }
0x43: {  	v58 =	vshll.u32 v3, $0x1  }
0x44: {  	v3 =	vand.u32 $0x7, v3;
	v4 =	vand.u32 $0xFFFFFFF0, v58  }
0x45: {  	v3 =	vor.u32 v3, v4  }
0x46: {  	v4 =	vperm.xlane v3, v0;
	_ =	sdelay $0x1  }
0x47: {  	v3 =	vperm.xlane v3, v2;
	v4 =	vadd.s32 v1, v4;
	_ =	sdelay $0x1  }
0x48: {  	v3 =	vadd.s32 v1, v3;
	_ =	sdelay $0x1  }
0x49: {  	s11 =	simm.s32 $0x13200  }
0x4a: {  	[tilespmem:s11], [sflag:$0x1] =	stream.indirect_vreg.gather [hbm4b:s6+s4], $0x80, v4, vm0, $0xb8;
	[tilespmem:$0x1B200] =	vst v63  }
0x4b: {  	s12 =	simm.s32 $0x13A00  }
0x4c: {  	[tilespmem:s12], [sflag:$0x1] =	stream.indirect_vreg.gather [hbm4b:s6+s4], $0x80, v3, vm0, $0xb8;
	[tilespmem:$0x1B200] =	vst v63  }
0x4d: {  	v3 =	vld [tilespmem:$0x1910];
	_ =	sdelay $0x4  }
0x4e: {  	v59 =	vshll.u32 v3, $0x1  }
0x4f: {  	v3 =	vand.u32 $0x7, v3;
	v4 =	vand.u32 $0xFFFFFFF0, v59  }
0x50: {  	v3 =	vor.u32 v3, v4  }
0x51: {  	v4 =	vperm.xlane v3, v0;
	_ =	sdelay $0x1  }
0x52: {  	v3 =	vperm.xlane v3, v2;
	v4 =	vadd.s32 v1, v4;
	_ =	sdelay $0x1  }
0x53: {  	v3 =	vadd.s32 v1, v3;
	_ =	sdelay $0x1  }
0x54: {  	s13 =	simm.s32 $0x14200  }
0x55: {  	[tilespmem:s13], [sflag:$0x1] =	stream.indirect_vreg.gather [hbm4b:s6+s4], $0x80, v4, vm0, $0xb8;
	[tilespmem:$0x1B200] =	vst v63  }
0x56: {  	s14 =	simm.s32 $0x14A00  }
0x57: {  	[tilespmem:s14], [sflag:$0x1] =	stream.indirect_vreg.gather [hbm4b:s6+s4], $0x80, v3, vm0, $0xb8;
	[tilespmem:$0x1B200] =	vst v63  }
0x58: {  	v3 =	vld [tilespmem:$0x20];
	_ =	sdelay $0x4  }
0x59: {  	v60 =	vshll.u32 v3, $0x2  }
0x5a: {  	v3 =	vand.u32 $0x7, v3;
	v4 =	vand.u32 $0xFFFFFFE0, v60  }
0x5b: {  	v3 =	vor.u32 v3, v4  }
0x5c: {  	v4 =	vperm.xlane v3, v0;
	_ =	sdelay $0x1  }
0x5d: {  	v4 =	vadd.s32 v1, v4;
	_ =	sdelay $0x1  }
0x5e: {  	v3 =	vperm.xlane v3, v2;
	_ =	sdelay $0x1  }
0x5f: {  	v3 =	vadd.s32 v1, v3  }
0x60: {  	[tilespmem:s29], [sflag:$0x2] =	stream.indirect_vreg.gather [hbm4b:s2+s4], $0x80, v4, vm0, $0xb8;
	[tilespmem:$0x1B200] =	vst v63  }
0x61: {  	s15 =	simm.s32 $0x7A00  }
0x62: {  	[tilespmem:s15], [sflag:$0x2] =	stream.indirect_vreg.gather [hbm4b:s9+s4], $0x80, v4, vm0, $0xb8;
	[tilespmem:$0x1B200] =	vst v63  }
0x63: {  	s16 =	simm.s32 $0x8200  }
0x64: {  	[tilespmem:s16], [sflag:$0x2] =	stream.indirect_vreg.gather [hbm4b:s2+s4], $0x80, v3, vm0, $0xb8;
	[tilespmem:$0x1B200] =	vst v63  }
0x65: {  	s18 =	simm.s32 $0x8A00  }
0x66: {  	[tilespmem:s18], [sflag:$0x2] =	stream.indirect_vreg.gather [hbm4b:s9+s4], $0x80, v3, vm0, $0xb8;
	[tilespmem:$0x1B200] =	vst v63  }
0x67: {  	v3 =	vld [tilespmem:$0x30];
	_ =	sdelay $0x4  }
0x68: {  	v61 =	vshll.u32 v3, $0x2  }
0x69: {  	v3 =	vand.u32 $0x7, v3;
	v4 =	vand.u32 $0xFFFFFFE0, v61  }
0x6a: {  	v3 =	vor.u32 v3, v4  }
0x6b: {  	v4 =	vperm.xlane v3, v0;
	_ =	sdelay $0x1  }
0x6c: {  	v4 =	vadd.s32 v1, v4;
	_ =	sdelay $0x1  }
0x6d: {  	v3 =	vperm.xlane v3, v2;
	_ =	sdelay $0x1  }
0x6e: {  	s19 =	simm.s32 $0x9200;
	v3 =	vadd.s32 v1, v3  }
0x6f: {  	[tilespmem:s19], [sflag:$0x2] =	stream.indirect_vreg.gather [hbm4b:s2+s4], $0x80, v4, vm0, $0xb8;
	[tilespmem:$0x1B200] =	vst v63  }
0x70: {  	s20 =	simm.s32 $0x9A00  }
0x71: {  	[tilespmem:s20], [sflag:$0x2] =	stream.indirect_vreg.gather [hbm4b:s9+s4], $0x80, v4, vm0, $0xb8;
	[tilespmem:$0x1B200] =	vst v63  }
0x72: {  	s21 =	simm.s32 $0xA200  }
0x73: {  	[tilespmem:s21], [sflag:$0x2] =	stream.indirect_vreg.gather [hbm4b:s2+s4], $0x80, v3, vm0, $0xb8;
	[tilespmem:$0x1B200] =	vst v63  }
0x74: {  	s22 =	simm.s32 $0xAA00  }
0x75: {  	[tilespmem:s22], [sflag:$0x2] =	stream.indirect_vreg.gather [hbm4b:s9+s4], $0x80, v3, vm0, $0xb8;
	[tilespmem:$0x1B200] =	vst v63  }
0x76: {  	v3 =	vld [tilespmem:$0x1920];
	_ =	sdelay $0x4  }
0x77: {  	v62 =	vshll.u32 v3, $0x1  }
0x78: {  	v3 =	vand.u32 $0x7, v3;
	v4 =	vand.u32 $0xFFFFFFF0, v62  }
0x79: {  	v3 =	vor.u32 v3, v4  }
0x7a: {  	v4 =	vperm.xlane v3, v0;
	_ =	sdelay $0x1  }
0x7b: {  	v3 =	vperm.xlane v3, v2;
	v4 =	vadd.s32 v1, v4;
	_ =	sdelay $0x1  }
0x7c: {  	v3 =	vadd.s32 v1, v3;
	_ =	sdelay $0x1  }
0x7d: {  	s23 =	simm.s32 $0x15200  }
0x7e: {  	[tilespmem:s23], [sflag:$0x2] =	stream.indirect_vreg.gather [hbm4b:s6+s4], $0x80, v4, vm0, $0xb8;
	[tilespmem:$0x1B200] =	vst v63  }
0x7f: {  	s25 =	simm.s32 $0x15A00  }
0x80: {  	[tilespmem:s25], [sflag:$0x2] =	stream.indirect_vreg.gather [hbm4b:s6+s4], $0x80, v3, vm0, $0xb8;
	[tilespmem:$0x1B200] =	vst v63  }
0x81: {  	v3 =	vld [tilespmem:$0x1930];
	_ =	sdelay $0x4  }
0x82: {  	v63 =	vshll.u32 v3, $0x1  }
0x83: {  	v3 =	vand.u32 $0x7, v3;
	v4 =	vand.u32 $0xFFFFFFF0, v63  }
0x84: {  	v3 =	vor.u32 v3, v4  }
0x85: {  	v4 =	vperm.xlane v3, v0;
	_ =	sdelay $0x1  }
0x86: {  	v3 =	vperm.xlane v3, v2;
	v4 =	vadd.s32 v1, v4;
	_ =	sdelay $0x1  }
0x87: {  	v3 =	vadd.s32 v1, v3;
	_ =	sdelay $0x1  }
0x88: {  	s28 =	simm.s32 $0x16200  }
0x89: {  	[tilespmem:s28], [sflag:$0x2] =	stream.indirect_vreg.gather [hbm4b:s6+s4], $0x80, v4, vm0, $0xb8;
	[tilespmem:$0x1B200] =	vst v63  }
0x8a: {  	s30 =	simm.s32 $0x0;
	s31 =	simm.s32 $0x16A00  }
0x8b: {  	[tilespmem:s31], [sflag:$0x2] =	stream.indirect_vreg.gather [hbm4b:s6+s4], $0x80, v3, vm0, $0xb8;
	[tilespmem:$0x1B200] =	vst v63  }
.LBB2_2:
0x8c: {  	_ =	swait.ge [sflag:s17], $0x4000  }
0x8d: {  	s7 =	simm.s32 $0x0;
	s8 =	simm.s32 $0x0;
	[sflag:s17] =	ssyncset.done $0x0  }
0x8e: {  	s10 =	simm.s32 $0x0;
	s7 =	sand.u32 $0x300, s7;
	[sflag:s17] =	ssyncadd.s32 $0xFFFFC000  }
0x8f: {  	s8 =	sand.u32 $0x3FFFF800, s8;
	s10 =	sand.u32 $0x3FFFF000, s10;
	_ =	swait.ge [sflag:s17], $0x2000  }
0x90: {  	s8 =	sadd.s32 $0x13200, s8;
	s11 =	sor.u32 $0x80, s7;
	[sflag:s17] =	ssyncset.done $0x0  }
0x91: {  	s10 =	sadd.s32 $0x3200, s10;
	s13 =	sadd.s32 s11, s8;
	[sflag:s17] =	ssyncadd.s32 $0xFFFFE000  }
0x92: {  	s19 =	sadd.s32 s11, s10;
	v3 =	vld [tilespmem:s13+$0x0]  }
0x93: {  	v4 =	vld [tilespmem:s19+$0x0]  }
0x94: {  	v5 =	vld [tilespmem:s19+$0x10];
	_ =	sdelay $0x2  }
0x95: {  	s16 =	sadd.s32 s7, s8;
	v6 =	vunpack.i.l.bf16.f32 v3  }
0x96: {  	s7 =	sadd.s32 s7, s10;
	v7 =	vld [tilespmem:s16+$0x0];
	v3 =	vunpack.i.u.bf16.f32 v3;
	v4 =	vadd.f32 v4, v6  }
0x97: {  	v6 =	vld [tilespmem:s7+$0x0];
	v3 =	vadd.f32 v5, v3  }
0x98: {  	v5 =	vld [tilespmem:s7+$0x10];
	[tilespmem:s19+$0x0] =	vst v4  }
0x99: {  	[tilespmem:s19+$0x10] =	vst v3  }
0x9a: {  	v3 =	vld [tilespmem:s13+$0x10]  }
0x9b: {  	v9 =	vld [tilespmem:s19+$0x20];
	v8 =	vunpack.i.l.bf16.f32 v7  }
0x9c: {  	v7 =	vunpack.i.u.bf16.f32 v7;
	v6 =	vadd.f32 v6, v8;
	v8 =	vld [tilespmem:s19+$0x30]  }
0x9d: {  	v5 =	vadd.f32 v5, v7;
	_ =	sdelay $0x1  }
0x9e: {  	[tilespmem:s7+$0x10] =	vst v5;
	v5 =	vunpack.i.l.bf16.f32 v3  }
0x9f: {  	[tilespmem:s7+$0x0] =	vst v6;
	v3 =	vunpack.i.u.bf16.f32 v3;
	v5 =	vadd.f32 v9, v5  }
0xa0: {  	v6 =	vld [tilespmem:s16+$0x10];
	v3 =	vadd.f32 v8, v3  }
0xa1: {  	v4 =	vld [tilespmem:s7+$0x20];
	[tilespmem:s19+$0x20] =	vst v5  }
0xa2: {  	v7 =	vld [tilespmem:s7+$0x30];
	[tilespmem:s19+$0x30] =	vst v3  }
0xa3: {  	v3 =	vld [tilespmem:s13+$0x20]  }
0xa4: {  	v9 =	vld [tilespmem:s19+$0x40]  }
0xa5: {  	v11 =	vld [tilespmem:s19+$0x50];
	v10 =	vunpack.i.l.bf16.f32 v6  }
0xa6: {  	v6 =	vunpack.i.u.bf16.f32 v6;
	v4 =	vadd.f32 v4, v10  }
0xa7: {  	v6 =	vadd.f32 v7, v6  }
0xa8: {  	[tilespmem:s7+$0x20] =	vst v4;
	v4 =	vunpack.i.l.bf16.f32 v3  }
0xa9: {  	[tilespmem:s7+$0x30] =	vst v6;
	v3 =	vunpack.i.u.bf16.f32 v3;
	v4 =	vadd.f32 v9, v4  }
0xaa: {  	v6 =	vld [tilespmem:s16+$0x20];
	v3 =	vadd.f32 v11, v3  }
0xab: {  	v8 =	vld [tilespmem:s7+$0x40];
	[tilespmem:s19+$0x40] =	vst v4  }
0xac: {  	v5 =	vld [tilespmem:s7+$0x50];
	[tilespmem:s19+$0x50] =	vst v3  }
0xad: {  	v3 =	vld [tilespmem:s13+$0x30]  }
0xae: {  	v4 =	vld [tilespmem:s19+$0x60]  }
0xaf: {  	v12 =	vld [tilespmem:s19+$0x70];
	v11 =	vunpack.i.l.bf16.f32 v6  }
0xb0: {  	v6 =	vunpack.i.u.bf16.f32 v6;
	v8 =	vadd.f32 v8, v11  }
0xb1: {  	v5 =	vadd.f32 v5, v6  }
0xb2: {  	[tilespmem:s7+$0x40] =	vst v8;
	v8 =	vunpack.i.l.bf16.f32 v3  }
0xb3: {  	[tilespmem:s7+$0x50] =	vst v5;
	v3 =	vunpack.i.u.bf16.f32 v3;
	v4 =	vadd.f32 v4, v8  }
0xb4: {  	v5 =	vld [tilespmem:s16+$0x30];
	v3 =	vadd.f32 v12, v3  }
0xb5: {  	v7 =	vld [tilespmem:s7+$0x60];
	[tilespmem:s19+$0x60] =	vst v4  }
0xb6: {  	v9 =	vld [tilespmem:s7+$0x70];
	[tilespmem:s19+$0x70] =	vst v3  }
0xb7: {  	v3 =	vld [tilespmem:s13+$0x40]  }
0xb8: {  	v4 =	vld [tilespmem:s19+$0x400]  }
0xb9: {  	v13 =	vld [tilespmem:s19+$0x410];
	v11 =	vunpack.i.l.bf16.f32 v5  }
0xba: {  	v5 =	vunpack.i.u.bf16.f32 v5;
	v7 =	vadd.f32 v7, v11  }
0xbb: {  	v14 =	vld [tilespmem:s7+$0x450];
	v5 =	vadd.f32 v9, v5  }
0xbc: {  	v15 =	vld [tilespmem:s19+$0x430];
	[tilespmem:s7+$0x60] =	vst v7;
	v7 =	vunpack.i.l.bf16.f32 v3  }
0xbd: {  	v10 =	vld [tilespmem:s7+$0x400];
	[tilespmem:s7+$0x70] =	vst v5;
	v3 =	vunpack.i.u.bf16.f32 v3;
	v4 =	vadd.f32 v4, v7  }
0xbe: {  	v5 =	vld [tilespmem:s16+$0x40];
	v3 =	vadd.f32 v13, v3  }
0xbf: {  	v6 =	vld [tilespmem:s7+$0x410];
	[tilespmem:s19+$0x400] =	vst v4  }
0xc0: {  	v8 =	vld [tilespmem:s7+$0x420];
	[tilespmem:s19+$0x410] =	vst v3  }
0xc1: {  	v7 =	vld [tilespmem:s13+$0x50]  }
0xc2: {  	v13 =	vld [tilespmem:s19+$0x420]  }
0xc3: {  	v12 =	vld [tilespmem:s7+$0x430];
	v3 =	vunpack.i.l.bf16.f32 v5;
	v5 =	vunpack.i.u.bf16.f32 v5  }
0xc4: {  	v9 =	vld [tilespmem:s7+$0x440];
	v5 =	vadd.f32 v6, v5  }
0xc5: {  	v11 =	vld [tilespmem:s7+$0x800];
	v10 =	vadd.f32 v10, v3  }
0xc6: {  	v4 =	vld [tilespmem:s7+$0x460];
	[tilespmem:s7+$0x410] =	vst v5;
	v5 =	vunpack.i.l.bf16.f32 v7  }
0xc7: {  	v3 =	vld [tilespmem:s7+$0x470];
	[tilespmem:s7+$0x400] =	vst v10;
	v6 =	vunpack.i.u.bf16.f32 v7;
	v5 =	vadd.f32 v13, v5  }
0xc8: {  	v7 =	vld [tilespmem:s16+$0x50];
	v6 =	vadd.f32 v15, v6  }
0xc9: {  	v13 =	vld [tilespmem:s7+$0x810];
	[tilespmem:s19+$0x420] =	vst v5  }
0xca: {  	[tilespmem:s19+$0x430] =	vst v6  }
0xcb: {  	v5 =	vld [tilespmem:s13+$0x60]  }
0xcc: {  	v6 =	vld [tilespmem:s19+$0x440]  }
0xcd: {  	v10 =	vld [tilespmem:s19+$0x450];
	_ =	sdelay $0x2  }
0xce: {  	v15 =	vunpack.i.l.bf16.f32 v5  }
0xcf: {  	v5 =	vunpack.i.u.bf16.f32 v5;
	v6 =	vadd.f32 v6, v15  }
0xd0: {  	v5 =	vadd.f32 v10, v5  }
0xd1: {  	[tilespmem:s19+$0x440] =	vst v6  }
0xd2: {  	v20 =	vld [tilespmem:s7+$0x820];
	[tilespmem:s19+$0x450] =	vst v5  }
0xd3: {  	v6 =	vld [tilespmem:s13+$0x70]  }
0xd4: {  	v10 =	vld [tilespmem:s19+$0x460];
	v5 =	vunpack.i.l.bf16.f32 v7  }
0xd5: {  	s21 =	simm.s32 $0x200;
	s22 =	simm.s32 $0x100;
	v5 =	vadd.f32 v8, v5;
	v8 =	vld [tilespmem:s19+$0x470]  }
0xd6: {  	s23 =	simm.s32 $0x400;
	s14 =	sand.u32 $0x300, s22;
	s8 =	sand.u32 $0x3FFFF800, s21;
	v21 =	vld [tilespmem:s7+$0x830];
	v7 =	vunpack.i.u.bf16.f32 v7  }
0xd7: {  	s12 =	sor.u32 $0x80, s14;
	s10 =	sand.u32 $0x3FFFF000, s23;
	s8 =	sadd.s32 $0x13200, s8;
	v16 =	vld [tilespmem:s19+$0x800];
	v7 =	vadd.f32 v12, v7  }
0xd8: {  	s15 =	sadd.s32 $0x3200, s10;
	s25 =	sadd.s32 s12, s8;
	v17 =	vld [tilespmem:s19+$0x810];
	v12 =	vunpack.i.l.bf16.f32 v6  }
0xd9: {  	s10 =	sadd.s32 s12, s15;
	v18 =	vld [tilespmem:s25+$0x0];
	[tilespmem:s7+$0x430] =	vst v7;
	v6 =	vunpack.i.u.bf16.f32 v6;
	v7 =	vadd.f32 v10, v12  }
0xda: {  	v19 =	vld [tilespmem:s10+$0x0];
	[tilespmem:s7+$0x420] =	vst v5;
	v8 =	vadd.f32 v8, v6  }
0xdb: {  	v23 =	vld [tilespmem:s10+$0x10];
	[tilespmem:s19+$0x460] =	vst v7  }
0xdc: {  	v10 =	vld [tilespmem:s16+$0x60];
	[tilespmem:s19+$0x470] =	vst v8  }
0xdd: {  	v15 =	vld [tilespmem:s13+$0x400]  }
0xde: {  	s12 =	sadd.s32 s14, s8;
	s8 =	sadd.s32 s14, s15;
	v26 =	vld [tilespmem:s10+$0x30]  }
0xdf: {  	v27 =	vld [tilespmem:s8+$0x0]  }
0xe0: {  	v28 =	vld [tilespmem:s8+$0x30]  }
0xe1: {  	v29 =	vld [tilespmem:s8+$0x50];
	v12 =	vunpack.i.l.bf16.f32 v10;
	v10 =	vunpack.i.u.bf16.f32 v10  }
0xe2: {  	v31 =	vld [tilespmem:s8+$0x420];
	v10 =	vadd.f32 v14, v10;
	v14 =	vunpack.i.l.bf16.f32 v15  }
0xe3: {  	v32 =	vld [tilespmem:s8+$0x430];
	v15 =	vunpack.i.u.bf16.f32 v15;
	v14 =	vadd.f32 v16, v14  }
0xe4: {  	v33 =	vld [tilespmem:s8+$0x440];
	[tilespmem:s7+$0x450] =	vst v10;
	v10 =	vadd.f32 v17, v15  }
0xe5: {  	v35 =	vld [tilespmem:s8+$0x450];
	[tilespmem:s19+$0x800] =	vst v14  }
0xe6: {  	v36 =	vld [tilespmem:s8+$0x460];
	[tilespmem:s19+$0x810] =	vst v10  }
0xe7: {  	v15 =	vld [tilespmem:s13+$0x410]  }
0xe8: {  	v16 =	vld [tilespmem:s19+$0x820]  }
0xe9: {  	v17 =	vld [tilespmem:s19+$0x830]  }
0xea: {  	v54 =	vld [tilespmem:s10+$0x800]  }
0xeb: {  	v59 =	vld [tilespmem:s10+$0x820]  }
0xec: {  	v60 =	vld [tilespmem:s10+$0x830];
	v22 =	vunpack.i.l.bf16.f32 v15  }
0xed: {  	v5 =	vld [tilespmem:s7+$0x840];
	v24 =	vunpack.i.u.bf16.f32 v15;
	v22 =	vadd.f32 v16, v22  }
0xee: {  	v6 =	vld [tilespmem:s7+$0x850];
	v17 =	vadd.f32 v17, v24  }
0xef: {  	v7 =	vld [tilespmem:s7+$0x860];
	[tilespmem:s19+$0x820] =	vst v22;
	v22 =	vunpack.i.l.bf16.f32 v18  }
0xf0: {  	v8 =	vld [tilespmem:s7+$0x870];
	[tilespmem:s19+$0x830] =	vst v17;
	v17 =	vunpack.i.u.bf16.f32 v18;
	v18 =	vadd.f32 v19, v22  }
0xf1: {  	v19 =	vld [tilespmem:s13+$0x420];
	v17 =	vadd.f32 v23, v17  }
0xf2: {  	v22 =	vld [tilespmem:s19+$0x840];
	[tilespmem:s10+$0x0] =	vst v18  }
0xf3: {  	v18 =	vld [tilespmem:s19+$0x850];
	[tilespmem:s10+$0x10] =	vst v17  }
0xf4: {  	v12 =	vadd.f32 v9, v12;
	v17 =	vld [tilespmem:s25+$0x10]  }
0xf5: {  	v23 =	vld [tilespmem:s10+$0x20]  }
0xf6: {  	v9 =	vld [tilespmem:s7+$0xC00];
	[tilespmem:s7+$0x440] =	vst v12;
	v25 =	vunpack.i.l.bf16.f32 v19  }
0xf7: {  	v14 =	vld [tilespmem:s16+$0x70];
	v19 =	vunpack.i.u.bf16.f32 v19;
	v22 =	vadd.f32 v22, v25  }
0xf8: {  	v24 =	vld [tilespmem:s12+$0x0];
	v18 =	vadd.f32 v18, v19  }
0xf9: {  	v12 =	vld [tilespmem:s7+$0xC10];
	[tilespmem:s19+$0x840] =	vst v22;
	v22 =	vunpack.i.l.bf16.f32 v17  }
0xfa: {  	v25 =	vld [tilespmem:s8+$0x10];
	v17 =	vunpack.i.u.bf16.f32 v17;
	[tilespmem:s19+$0x850] =	vst v18;
	v18 =	vadd.f32 v23, v22  }
0xfb: {  	v17 =	vadd.f32 v26, v17;
	v26 =	vld [tilespmem:s19+$0x860]  }
0xfc: {  	v23 =	vunpack.i.l.bf16.f32 v14;
	v22 =	vld [tilespmem:s13+$0x430];
	[tilespmem:s10+$0x20] =	vst v18  }
0xfd: {  	v4 =	vadd.f32 v4, v23;
	v23 =	vld [tilespmem:s19+$0x870];
	v18 =	vunpack.i.l.bf16.f32 v24;
	[tilespmem:s10+$0x30] =	vst v17  }
0xfe: {  	v17 =	vunpack.i.u.bf16.f32 v24;
	v18 =	vadd.f32 v27, v18;
	v24 =	vld [tilespmem:s25+$0x20]  }
0xff: {  	[tilespmem:s7+$0x460] =	vst v4;
	v4 =	vadd.f32 v25, v17;
	v25 =	vld [tilespmem:s10+$0x40]  }
0x100: {  	[tilespmem:s8+$0x0] =	vst v18;
	v18 =	vld [tilespmem:s10+$0x50]  }
0x101: {  	v10 =	vld [tilespmem:s7+$0xC20];
	[tilespmem:s8+$0x10] =	vst v4;
	v4 =	vunpack.i.l.bf16.f32 v22  }
0x102: {  	v27 =	vld [tilespmem:s12+$0x10];
	v22 =	vunpack.i.u.bf16.f32 v22;
	v4 =	vadd.f32 v26, v4  }
0x103: {  	v19 =	vld [tilespmem:s8+$0x20];
	v22 =	vadd.f32 v23, v22;
	v23 =	vunpack.i.l.bf16.f32 v24  }
0x104: {  	v15 =	vld [tilespmem:s7+$0xC30];
	[tilespmem:s19+$0x860] =	vst v4;
	v4 =	vunpack.i.u.bf16.f32 v24;
	v23 =	vadd.f32 v25, v23  }
0x105: {  	v16 =	vld [tilespmem:s7+$0xC40];
	[tilespmem:s19+$0x870] =	vst v22;
	v4 =	vadd.f32 v18, v4  }
0x106: {  	v39 =	vld [tilespmem:s10+$0x840];
	v14 =	vunpack.i.u.bf16.f32 v14;
	[tilespmem:s10+$0x40] =	vst v23  }
0x107: {  	v3 =	vadd.f32 v3, v14;
	v14 =	vld [tilespmem:s10+$0x70];
	v22 =	vunpack.i.l.bf16.f32 v27;
	[tilespmem:s10+$0x50] =	vst v4  }
0x108: {  	v4 =	vunpack.i.u.bf16.f32 v27;
	v19 =	vadd.f32 v19, v22;
	v22 =	vld [tilespmem:s25+$0x30]  }
0x109: {  	v25 =	vld [tilespmem:s10+$0x60];
	v4 =	vadd.f32 v28, v4  }
0x10a: {  	v18 =	vld [tilespmem:s13+$0x440];
	[tilespmem:s8+$0x20] =	vst v19  }
0x10b: {  	[tilespmem:s8+$0x30] =	vst v4;
	v4 =	vld [tilespmem:s19+$0xC10]  }
0x10c: {  	v19 =	vld [tilespmem:s12+$0x20]  }
0x10d: {  	v26 =	vld [tilespmem:s8+$0x40];
	v28 =	vunpack.i.l.bf16.f32 v22  }
0x10e: {  	v44 =	vld [tilespmem:s10+$0x850];
	v22 =	vunpack.i.u.bf16.f32 v22;
	v25 =	vadd.f32 v25, v28  }
0x10f: {  	v17 =	vld [tilespmem:s7+$0xC50];
	[tilespmem:s7+$0x470] =	vst v3;
	v14 =	vadd.f32 v14, v22  }
0x110: {  	v23 =	vld [tilespmem:s19+$0xC00];
	v30 =	vunpack.i.l.bf16.f32 v18;
	v18 =	vunpack.i.u.bf16.f32 v18;
	[tilespmem:s10+$0x60] =	vst v25  }
0x111: {  	v3 =	vld [tilespmem:s7+$0xC60];
	v4 =	vadd.f32 v4, v18;
	v18 =	vunpack.i.l.bf16.f32 v19;
	[tilespmem:s10+$0x70] =	vst v14  }
0x112: {  	v14 =	vunpack.i.u.bf16.f32 v19;
	v18 =	vadd.f32 v26, v18;
	v19 =	vld [tilespmem:s25+$0x40]  }
0x113: {  	v14 =	vadd.f32 v29, v14;
	[tilespmem:s19+$0xC10] =	vst v4;
	v4 =	vld [tilespmem:s10+$0x400]  }
0x114: {  	[tilespmem:s8+$0x40] =	vst v18;
	v18 =	vld [tilespmem:s10+$0x410]  }
0x115: {  	v24 =	vld [tilespmem:s8+$0x60];
	v23 =	vadd.f32 v23, v30;
	[tilespmem:s8+$0x50] =	vst v14  }
0x116: {  	v14 =	vld [tilespmem:s12+$0x30]  }
0x117: {  	[tilespmem:s19+$0xC00] =	vst v23;
	v28 =	vld [tilespmem:s8+$0x70];
	v29 =	vunpack.i.l.bf16.f32 v19  }
0x118: {  	v23 =	vld [tilespmem:s13+$0x450];
	v19 =	vunpack.i.u.bf16.f32 v19;
	v4 =	vadd.f32 v4, v29  }
0x119: {  	v26 =	vld [tilespmem:s19+$0xC20];
	v18 =	vadd.f32 v18, v19  }
0x11a: {  	v30 =	vld [tilespmem:s19+$0xC30];
	[tilespmem:s10+$0x400] =	vst v4  }
0x11b: {  	v27 =	vld [tilespmem:s16+$0x400];
	v4 =	vunpack.i.l.bf16.f32 v14;
	[tilespmem:s10+$0x410] =	vst v18  }
0x11c: {  	v14 =	vunpack.i.u.bf16.f32 v14;
	v4 =	vadd.f32 v24, v4;
	v18 =	vld [tilespmem:s25+$0x50]  }
0x11d: {  	v19 =	vunpack.i.l.bf16.f32 v23;
	v14 =	vadd.f32 v28, v14;
	v24 =	vld [tilespmem:s10+$0x420]  }
0x11e: {  	v23 =	vunpack.i.u.bf16.f32 v23;
	v19 =	vadd.f32 v26, v19;
	v26 =	vld [tilespmem:s10+$0x430];
	[tilespmem:s8+$0x60] =	vst v4  }
0x11f: {  	v22 =	vld [tilespmem:s8+$0x400];
	v23 =	vadd.f32 v30, v23;
	[tilespmem:s8+$0x70] =	vst v14  }
0x120: {  	v14 =	vld [tilespmem:s12+$0x40]  }
0x121: {  	v25 =	vld [tilespmem:s8+$0x410];
	[tilespmem:s19+$0xC30] =	vst v23;
	v23 =	vunpack.i.l.bf16.f32 v18  }
0x122: {  	v29 =	vld [tilespmem:s8+$0x810];
	v18 =	vunpack.i.u.bf16.f32 v18;
	v23 =	vadd.f32 v24, v23  }
0x123: {  	v30 =	vld [tilespmem:s8+$0x800];
	[tilespmem:s19+$0xC20] =	vst v19;
	v18 =	vadd.f32 v26, v18  }
0x124: {  	v28 =	vld [tilespmem:s8+$0x470];
	[tilespmem:s10+$0x420] =	vst v23  }
0x125: {  	v19 =	vld [tilespmem:s19+$0xC60];
	v23 =	vunpack.i.l.bf16.f32 v14;
	[tilespmem:s10+$0x430] =	vst v18  }
0x126: {  	v14 =	vunpack.i.u.bf16.f32 v14;
	v18 =	vadd.f32 v22, v23;
	v22 =	vld [tilespmem:s25+$0x60]  }
0x127: {  	v14 =	vadd.f32 v25, v14;
	v23 =	vld [tilespmem:s10+$0x440]  }
0x128: {  	v24 =	vunpack.i.l.bf16.f32 v27;
	[tilespmem:s8+$0x400] =	vst v18;
	v18 =	vld [tilespmem:s10+$0x450]  }
0x129: {  	v4 =	vld [tilespmem:s7+$0xC70];
	v11 =	vadd.f32 v11, v24;
	v25 =	vunpack.i.u.bf16.f32 v27;
	[tilespmem:s8+$0x410] =	vst v14  }
0x12a: {  	v13 =	vadd.f32 v13, v25;
	v24 =	vld [tilespmem:s12+$0x50]  }
0x12b: {  	v34 =	vld [tilespmem:s13+$0x460];
	[tilespmem:s7+$0x800] =	vst v11;
	v11 =	vunpack.i.l.bf16.f32 v22  }
0x12c: {  	v26 =	vld [tilespmem:s8+$0x850];
	[tilespmem:s7+$0x810] =	vst v13;
	v13 =	vunpack.i.u.bf16.f32 v22;
	v11 =	vadd.f32 v23, v11  }
0x12d: {  	v27 =	vld [tilespmem:s19+$0xC40];
	v13 =	vadd.f32 v18, v13  }
0x12e: {  	v25 =	vld [tilespmem:s10+$0x470];
	[tilespmem:s10+$0x440] =	vst v11  }
0x12f: {  	v14 =	vld [tilespmem:s8+$0x820];
	v18 =	vunpack.i.l.bf16.f32 v24;
	[tilespmem:s10+$0x450] =	vst v13  }
0x130: {  	v13 =	vadd.f32 v31, v18;
	v18 =	vld [tilespmem:s25+$0x70]  }
0x131: {  	v23 =	vunpack.i.u.bf16.f32 v24;
	v24 =	vld [tilespmem:s10+$0x460]  }
0x132: {  	v22 =	vld [tilespmem:s16+$0x410];
	v23 =	vadd.f32 v32, v23  }
0x133: {  	v11 =	vld [tilespmem:s8+$0x830];
	[tilespmem:s8+$0x420] =	vst v13  }
0x134: {  	v31 =	vld [tilespmem:s19+$0xC50];
	[tilespmem:s8+$0x430] =	vst v23  }
0x135: {  	v23 =	vld [tilespmem:s12+$0x60];
	v53 =	vunpack.i.l.bf16.f32 v18  }
0x136: {  	v13 =	vld [tilespmem:s8+$0x840];
	v18 =	vunpack.i.u.bf16.f32 v18;
	v32 =	vadd.f32 v24, v53  }
0x137: {  	v37 =	vunpack.i.l.bf16.f32 v34;
	v24 =	vld [tilespmem:s8+$0x860];
	v38 =	vadd.f32 v25, v18  }
0x138: {  	v27 =	vadd.f32 v27, v37;
	v25 =	vunpack.i.l.bf16.f32 v22;
	v18 =	vld [tilespmem:s8+$0x870];
	[tilespmem:s10+$0x460] =	vst v32  }
0x139: {  	v22 =	vunpack.i.u.bf16.f32 v22;
	v20 =	vadd.f32 v20, v25;
	v25 =	vld [tilespmem:s8+$0xC00];
	[tilespmem:s10+$0x470] =	vst v38  }
0x13a: {  	[tilespmem:s19+$0xC40] =	vst v27;
	v27 =	vunpack.i.u.bf16.f32 v34;
	v21 =	vadd.f32 v21, v22;
	v22 =	vunpack.i.l.bf16.f32 v23;
	v32 =	vld [tilespmem:s25+$0x400]  }
0x13b: {  	[tilespmem:s7+$0x820] =	vst v20;
	v20 =	vadd.f32 v33, v22;
	v22 =	vadd.f32 v31, v27;
	v31 =	vld [tilespmem:s10+$0x810]  }
0x13c: {  	v27 =	vld [tilespmem:s8+$0xC10]  }
0x13d: {  	[tilespmem:s7+$0x830] =	vst v21;
	v21 =	vunpack.i.u.bf16.f32 v23;
	v23 =	vld [tilespmem:s19+$0xC70]  }
0x13e: {  	v38 =	vld [tilespmem:s10+$0xC60];
	v21 =	vadd.f32 v35, v21;
	[tilespmem:s8+$0x440] =	vst v20  }
0x13f: {  	s28 =	simm.s32 $0x400;
	s31 =	simm.s32 $0x200;
	v55 =	vld [tilespmem:s16+$0x420];
	[tilespmem:s19+$0xC50] =	vst v22;
	v20 =	vunpack.i.l.bf16.f32 v32  }
0x140: {  	s0 =	sand.u32 $0x300, s31;
	v22 =	vld [tilespmem:s13+$0x470];
	[tilespmem:s8+$0x450] =	vst v21;
	s13 =	sand.u32 $0x3FFFF800, s28;
	v21 =	vunpack.i.u.bf16.f32 v32;
	v20 =	vadd.f32 v54, v20  }
0x141: {  	s18 =	sor.u32 $0x80, s0;
	s21 =	simm.s32 $0x800;
	v56 =	vld [tilespmem:s12+$0x70];
	s13 =	sadd.s32 $0x13200, s13;
	v31 =	vadd.f32 v31, v21  }
0x142: {  	s14 =	sand.u32 $0x3FFFF000, s21;
	s23 =	sadd.s32 s18, s13;
	v21 =	vld [tilespmem:s8+$0xC20];
	[tilespmem:s10+$0x800] =	vst v20  }
0x143: {  	s20 =	sadd.s32 $0x3200, s14;
	v61 =	vld [tilespmem:s23+$0x0];
	[tilespmem:s10+$0x810] =	vst v31  }
0x144: {  	s18 =	sadd.s32 s18, s20;
	v58 =	vld [tilespmem:s25+$0x410]  }
0x145: {  	v62 =	vld [tilespmem:s18+$0x0];
	v31 =	vunpack.i.u.bf16.f32 v55  }
0x146: {  	s14 =	sadd.s32 s0, s13;
	s13 =	sadd.s32 s0, s20;
	v63 =	vld [tilespmem:s18+$0x10];
	v6 =	vadd.f32 v6, v31;
	v31 =	vunpack.i.l.bf16.f32 v56  }
0x147: {  	v40 =	vld [tilespmem:s13+$0x0];
	v31 =	vadd.f32 v36, v31  }
0x148: {  	v45 =	vld [tilespmem:s13+$0x10]  }
0x149: {  	v46 =	vld [tilespmem:s13+$0x20];
	[tilespmem:s8+$0x460] =	vst v31;
	v31 =	vunpack.i.l.bf16.f32 v58  }
0x14a: {  	v48 =	vld [tilespmem:s18+$0x20];
	v32 =	vunpack.i.u.bf16.f32 v58;
	v31 =	vadd.f32 v59, v31  }
0x14b: {  	v42 =	vld [tilespmem:s18+$0x30];
	v32 =	vadd.f32 v60, v32  }
0x14c: {  	v57 =	vunpack.i.l.bf16.f32 v55;
	[tilespmem:s10+$0x820] =	vst v31;
	v31 =	vld [tilespmem:s14+$0x0]  }
0x14d: {  	v51 =	vld [tilespmem:s13+$0x30];
	v5 =	vadd.f32 v5, v57;
	v43 =	vunpack.i.l.bf16.f32 v61;
	[tilespmem:s10+$0x830] =	vst v32  }
0x14e: {  	v37 =	vunpack.i.u.bf16.f32 v61;
	v33 =	vadd.f32 v62, v43;
	v32 =	vld [tilespmem:s25+$0x420]  }
0x14f: {  	v57 =	vld [tilespmem:s13+$0x40];
	[tilespmem:s7+$0x840] =	vst v5;
	v34 =	vadd.f32 v63, v37  }
0x150: {  	v20 =	vld [tilespmem:s8+$0xC30];
	v52 =	vunpack.i.u.bf16.f32 v56;
	[tilespmem:s18+$0x0] =	vst v33  }
0x151: {  	v55 =	vld [tilespmem:s10+$0x860];
	v28 =	vadd.f32 v28, v52;
	[tilespmem:s18+$0x10] =	vst v34;
	v49 =	vunpack.i.l.bf16.f32 v31  }
0x152: {  	[tilespmem:s7+$0x850] =	vst v6;
	v41 =	vld [tilespmem:s23+$0x10];
	v31 =	vunpack.i.u.bf16.f32 v31;
	v50 =	vadd.f32 v40, v49  }
0x153: {  	v5 =	vld [tilespmem:s8+$0xC40];
	[tilespmem:s8+$0x470] =	vst v28;
	v47 =	vunpack.i.l.bf16.f32 v32;
	v31 =	vadd.f32 v45, v31  }
0x154: {  	v56 =	vld [tilespmem:s10+$0x870];
	v32 =	vunpack.i.u.bf16.f32 v32;
	v34 =	vadd.f32 v39, v47;
	[tilespmem:s13+$0x0] =	vst v50  }
0x155: {  	v6 =	vld [tilespmem:s8+$0xC50];
	v32 =	vadd.f32 v44, v32;
	[tilespmem:s13+$0x10] =	vst v31  }
0x156: {  	v61 =	vld [tilespmem:s18+$0x50];
	[tilespmem:s10+$0x840] =	vst v34  }
0x157: {  	v54 =	vunpack.i.l.bf16.f32 v41;
	[tilespmem:s10+$0x850] =	vst v32;
	v28 =	vld [tilespmem:s14+$0x10]  }
0x158: {  	v31 =	vunpack.i.u.bf16.f32 v41;
	v32 =	vadd.f32 v48, v54;
	v53 =	vld [tilespmem:s25+$0x430]  }
0x159: {  	v36 =	vld [tilespmem:s16+$0x430];
	v31 =	vadd.f32 v42, v31  }
0x15a: {  	v62 =	vld [tilespmem:s13+$0x50];
	[tilespmem:s18+$0x20] =	vst v32  }
0x15b: {  	v63 =	vld [tilespmem:s13+$0x60];
	[tilespmem:s18+$0x30] =	vst v31  }
0x15c: {  	v58 =	vld [tilespmem:s23+$0x20];
	v60 =	vunpack.i.l.bf16.f32 v28;
	v28 =	vunpack.i.u.bf16.f32 v28  }
0x15d: {  	v43 =	vld [tilespmem:s10+$0xC30];
	v31 =	vunpack.i.l.bf16.f32 v53;
	v28 =	vadd.f32 v51, v28  }
0x15e: {  	v59 =	vld [tilespmem:s18+$0x40];
	v35 =	vunpack.i.u.bf16.f32 v53;
	v31 =	vadd.f32 v55, v31  }
0x15f: {  	v37 =	vld [tilespmem:s13+$0x810];
	v35 =	vadd.f32 v56, v35;
	[tilespmem:s13+$0x30] =	vst v28  }
0x160: {  	v45 =	vld [tilespmem:s10+$0xC00];
	[tilespmem:s10+$0x860] =	vst v31;
	v31 =	vadd.f32 v46, v60  }
0x161: {  	v49 =	vld [tilespmem:s18+$0x60];
	v28 =	vunpack.i.u.bf16.f32 v58;
	[tilespmem:s10+$0x870] =	vst v35  }
0x162: {  	v28 =	vadd.f32 v61, v28;
	v35 =	vld [tilespmem:s25+$0x440];
	[tilespmem:s13+$0x20] =	vst v31;
	v31 =	vunpack.i.l.bf16.f32 v58  }
0x163: {  	v31 =	vadd.f32 v59, v31;
	v46 =	vld [tilespmem:s14+$0x20]  }
0x164: {  	v40 =	vld [tilespmem:s13+$0x440];
	[tilespmem:s18+$0x50] =	vst v28  }
0x165: {  	v39 =	vld [tilespmem:s12+$0x400];
	[tilespmem:s18+$0x40] =	vst v31;
	v31 =	vunpack.i.l.bf16.f32 v36  }
0x166: {  	v28 =	vunpack.i.u.bf16.f32 v36;
	v7 =	vadd.f32 v7, v31;
	v31 =	vld [tilespmem:s23+$0x30]  }
0x167: {  	v47 =	vld [tilespmem:s10+$0xC10];
	v8 =	vadd.f32 v8, v28;
	v28 =	vunpack.i.l.bf16.f32 v35  }
0x168: {  	v50 =	vld [tilespmem:s18+$0x70];
	[tilespmem:s7+$0x860] =	vst v7;
	v7 =	vadd.f32 v45, v28;
	v28 =	vunpack.i.l.bf16.f32 v46  }
0x169: {  	v44 =	vld [tilespmem:s13+$0x450];
	[tilespmem:s7+$0x870] =	vst v8;
	v8 =	vunpack.i.u.bf16.f32 v46;
	v28 =	vadd.f32 v57, v28  }
0x16a: {  	v48 =	vld [tilespmem:s13+$0x70];
	v8 =	vadd.f32 v62, v8  }
0x16b: {  	v42 =	vld [tilespmem:s13+$0x430];
	[tilespmem:s13+$0x40] =	vst v28;
	v28 =	vunpack.i.l.bf16.f32 v31  }
0x16c: {  	v34 =	vld [tilespmem:s13+$0x830];
	[tilespmem:s13+$0x50] =	vst v8;
	v8 =	vunpack.i.u.bf16.f32 v31;
	v28 =	vadd.f32 v49, v28  }
0x16d: {  	v31 =	vld [tilespmem:s14+$0x30];
	v8 =	vadd.f32 v50, v8  }
0x16e: {  	v51 =	vld [tilespmem:s13+$0x400];
	[tilespmem:s18+$0x60] =	vst v28  }
0x16f: {  	v53 =	vld [tilespmem:s13+$0x410];
	[tilespmem:s18+$0x70] =	vst v8  }
0x170: {  	v52 =	vunpack.i.u.bf16.f32 v35;
	v8 =	vld [tilespmem:s23+$0x40]  }
0x171: {  	v32 =	vadd.f32 v47, v52;
	v28 =	vld [tilespmem:s18+$0x400]  }
0x172: {  	v55 =	vld [tilespmem:s18+$0x410];
	v54 =	vunpack.i.l.bf16.f32 v31  }
0x173: {  	v56 =	vld [tilespmem:s10+$0xC20];
	[tilespmem:s10+$0xC10] =	vst v32;
	v31 =	vunpack.i.u.bf16.f32 v31;
	v33 =	vadd.f32 v63, v54  }
0x174: {  	v61 =	vld [tilespmem:s18+$0x430];
	[tilespmem:s10+$0xC00] =	vst v7;
	v31 =	vadd.f32 v48, v31  }
0x175: {  	v32 =	vld [tilespmem:s25+$0x450];
	[tilespmem:s13+$0x60] =	vst v33;
	v57 =	vunpack.i.l.bf16.f32 v8  }
0x176: {  	v59 =	vld [tilespmem:s18+$0x420];
	[tilespmem:s13+$0x70] =	vst v31;
	v8 =	vunpack.i.u.bf16.f32 v8;
	v28 =	vadd.f32 v28, v57  }
0x177: {  	v31 =	vld [tilespmem:s14+$0x40];
	v58 =	vadd.f32 v55, v8  }
0x178: {  	v36 =	vld [tilespmem:s13+$0x420];
	[tilespmem:s18+$0x400] =	vst v28  }
0x179: {  	v47 =	vld [tilespmem:s18+$0x440];
	[tilespmem:s18+$0x410] =	vst v58  }
0x17a: {  	v28 =	vunpack.i.l.bf16.f32 v32;
	v33 =	vld [tilespmem:s23+$0x50]  }
0x17b: {  	v45 =	vld [tilespmem:s13+$0x460];
	v32 =	vunpack.i.u.bf16.f32 v32;
	v28 =	vadd.f32 v56, v28  }
0x17c: {  	v46 =	vld [tilespmem:s13+$0x470];
	v32 =	vadd.f32 v43, v32;
	v60 =	vunpack.i.l.bf16.f32 v31  }
0x17d: {  	v35 =	vld [tilespmem:s16+$0x440];
	[tilespmem:s10+$0xC20] =	vst v28;
	v28 =	vunpack.i.u.bf16.f32 v31;
	v31 =	vadd.f32 v51, v60  }
0x17e: {  	v7 =	vld [tilespmem:s8+$0xC60];
	[tilespmem:s10+$0xC30] =	vst v32;
	v28 =	vadd.f32 v53, v28  }
0x17f: {  	v63 =	vld [tilespmem:s10+$0xC40];
	[tilespmem:s13+$0x400] =	vst v31;
	v31 =	vunpack.i.l.bf16.f32 v33  }
0x180: {  	v48 =	vld [tilespmem:s18+$0x450];
	[tilespmem:s13+$0x410] =	vst v28;
	v28 =	vunpack.i.u.bf16.f32 v33;
	v31 =	vadd.f32 v59, v31  }
0x181: {  	v62 =	vld [tilespmem:s25+$0x460];
	v33 =	vadd.f32 v61, v28  }
0x182: {  	v52 =	vld [tilespmem:s14+$0x50];
	[tilespmem:s18+$0x420] =	vst v31  }
0x183: {  	v8 =	vld [tilespmem:s8+$0xC70];
	[tilespmem:s18+$0x430] =	vst v33  }
0x184: {  	v31 =	vunpack.i.l.bf16.f32 v39;
	v53 =	vld [tilespmem:s23+$0x60]  }
0x185: {  	v54 =	vunpack.i.u.bf16.f32 v39;
	v55 =	vld [tilespmem:s10+$0xC50];
	v30 =	vadd.f32 v30, v31  }
0x186: {  	v29 =	vadd.f32 v29, v54;
	v32 =	vld [tilespmem:s13+$0x850];
	v58 =	vunpack.i.l.bf16.f32 v62  }
0x187: {  	v28 =	vld [tilespmem:s13+$0x800];
	v59 =	vadd.f32 v63, v58;
	[tilespmem:s8+$0x800] =	vst v30;
	v30 =	vunpack.i.u.bf16.f32 v52  }
0x188: {  	[tilespmem:s8+$0x810] =	vst v29;
	v33 =	vld [tilespmem:s13+$0x820];
	v31 =	vunpack.i.l.bf16.f32 v52;
	v30 =	vadd.f32 v42, v30  }
0x189: {  	v58 =	vld [tilespmem:s18+$0x800];
	[tilespmem:s10+$0xC40] =	vst v59;
	v31 =	vadd.f32 v36, v31;
	v29 =	vunpack.i.l.bf16.f32 v53  }
0x18a: {  	v59 =	vld [tilespmem:s18+$0x810];
	[tilespmem:s13+$0x430] =	vst v30;
	v30 =	vunpack.i.u.bf16.f32 v53;
	v29 =	vadd.f32 v47, v29  }
0x18b: {  	v56 =	vld [tilespmem:s12+$0x410];
	[tilespmem:s13+$0x420] =	vst v31;
	v30 =	vadd.f32 v48, v30  }
0x18c: {  	v57 =	vld [tilespmem:s14+$0x60];
	[tilespmem:s18+$0x440] =	vst v29  }
0x18d: {  	v31 =	vld [tilespmem:s13+$0x840];
	[tilespmem:s18+$0x450] =	vst v30  }
0x18e: {  	v60 =	vld [tilespmem:s23+$0x70]  }
0x18f: {  	v30 =	vunpack.i.u.bf16.f32 v62;
	v62 =	vld [tilespmem:s18+$0x460]  }
0x190: {  	s22 =	simm.s32 $0x600;
	s11 =	simm.s32 $0x300;
	v48 =	vld [tilespmem:s18+$0x470];
	v61 =	vunpack.i.l.bf16.f32 v56;
	v30 =	vadd.f32 v55, v30  }
0x191: {  	s21 =	sand.u32 $0x300, s11;
	s15 =	sand.u32 $0x3FFFF800, s22;
	v29 =	vld [tilespmem:s13+$0x860];
	v49 =	vunpack.i.u.bf16.f32 v56;
	v14 =	vadd.f32 v14, v61;
	v63 =	vunpack.i.l.bf16.f32 v57  }
0x192: {  	s22 =	sadd.s32 $0x13200, s15;
	s31 =	sor.u32 $0x80, s21;
	v39 =	vadd.f32 v11, v49;
	v11 =	vld [tilespmem:s13+$0xC00];
	[tilespmem:s10+$0xC50] =	vst v30;
	v36 =	vadd.f32 v40, v63  }
0x193: {  	s15 =	sadd.s32 s31, s22;
	s22 =	sadd.s32 s21, s22;
	v55 =	vunpack.i.l.bf16.f32 v35;
	v49 =	vld [tilespmem:s18+$0x820];
	[tilespmem:s8+$0x820] =	vst v14;
	v51 =	vunpack.i.l.bf16.f32 v60  }
0x194: {  	v9 =	vadd.f32 v9, v55;
	v55 =	vld [tilespmem:s22+$0x0];
	[tilespmem:s13+$0x440] =	vst v36;
	v52 =	vunpack.i.u.bf16.f32 v60;
	v36 =	vadd.f32 v62, v51  }
0x195: {  	v30 =	vld [tilespmem:s13+$0x870];
	[tilespmem:s8+$0x830] =	vst v39;
	v54 =	vadd.f32 v48, v52  }
0x196: {  	v14 =	vunpack.i.u.bf16.f32 v57;
	v53 =	vld [tilespmem:s12+$0x420];
	[tilespmem:s18+$0x460] =	vst v36  }
0x197: {  	v35 =	vunpack.i.u.bf16.f32 v35;
	v50 =	vadd.f32 v44, v14;
	v14 =	vld [tilespmem:s13+$0xC10];
	[tilespmem:s18+$0x470] =	vst v54  }
0x198: {  	v12 =	vadd.f32 v12, v35;
	v57 =	vld [tilespmem:s23+$0x400]  }
0x199: {  	v39 =	vld [tilespmem:s25+$0x470];
	[tilespmem:s7+$0xC00] =	vst v9  }
0x19a: {  	[tilespmem:s7+$0xC10] =	vst v12;
	v12 =	vld [tilespmem:s13+$0xC20]  }
0x19b: {  	s25 =	simm.s32 $0xC00;
	v60 =	vld [tilespmem:s16+$0x450];
	v41 =	vunpack.i.u.bf16.f32 v53  }
0x19c: {  	s28 =	sand.u32 $0x3FFFF000, s25;
	[tilespmem:s13+$0x450] =	vst v50;
	v50 =	vld [tilespmem:s18+$0x830];
	v26 =	vadd.f32 v26, v41  }
0x19d: {  	s28 =	sadd.s32 $0x3200, s28;
	v56 =	vld [tilespmem:s14+$0x70];
	v63 =	vunpack.i.l.bf16.f32 v57  }
0x19e: {  	v52 =	vld [tilespmem:s15+$0x0];
	s20 =	sadd.s32 s31, s28;
	[tilespmem:s8+$0x850] =	vst v26;
	v26 =	vunpack.i.u.bf16.f32 v57;
	v40 =	vadd.f32 v58, v63  }
0x19f: {  	v9 =	vunpack.i.l.bf16.f32 v53;
	v53 =	vld [tilespmem:s20+$0x0];
	v26 =	vadd.f32 v59, v26  }
0x1a0: {  	v54 =	vld [tilespmem:s20+$0x10];
	[tilespmem:s18+$0x800] =	vst v40  }
0x1a1: {  	v9 =	vadd.f32 v13, v9;
	v13 =	vld [tilespmem:s13+$0xC30];
	[tilespmem:s18+$0x810] =	vst v26  }
0x1a2: {  	v48 =	vld [tilespmem:s23+$0x410]  }
0x1a3: {  	v41 =	vld [tilespmem:s10+$0xC70]  }
0x1a4: {  	[tilespmem:s8+$0x840] =	vst v9;
	v9 =	vld [tilespmem:s13+$0xC40]  }
0x1a5: {  	s21 =	sadd.s32 s21, s28;
	v61 =	vunpack.i.l.bf16.f32 v56;
	v36 =	vunpack.i.u.bf16.f32 v56;
	v35 =	vld [tilespmem:s12+$0x430]  }
0x1a6: {  	v62 =	vadd.f32 v45, v61;
	v45 =	vunpack.i.l.bf16.f32 v60;
	v36 =	vadd.f32 v46, v36;
	v46 =	vld [tilespmem:s21+$0x30]  }
0x1a7: {  	v56 =	vunpack.i.l.bf16.f32 v52;
	v47 =	vadd.f32 v10, v45;
	v10 =	vld [tilespmem:s13+$0xC50];
	v51 =	vunpack.i.l.bf16.f32 v48  }
0x1a8: {  	v44 =	vadd.f32 v53, v56;
	v56 =	vld [tilespmem:s18+$0x860];
	[tilespmem:s13+$0x460] =	vst v62;
	v42 =	vunpack.i.u.bf16.f32 v48;
	v43 =	vadd.f32 v49, v51  }
0x1a9: {  	[tilespmem:s13+$0x470] =	vst v36;
	v57 =	vld [tilespmem:s18+$0x840];
	v36 =	vadd.f32 v50, v42  }
0x1aa: {  	v62 =	vld [tilespmem:s20+$0x20];
	[tilespmem:s18+$0x820] =	vst v43  }
0x1ab: {  	v59 =	vld [tilespmem:s21+$0x0];
	[tilespmem:s18+$0x830] =	vst v36  }
0x1ac: {  	v36 =	vld [tilespmem:s23+$0x420]  }
0x1ad: {  	v58 =	vld [tilespmem:s18+$0x850]  }
0x1ae: {  	v45 =	vunpack.i.u.bf16.f32 v52;
	[tilespmem:s20+$0x0] =	vst v44;
	v44 =	vld [tilespmem:s21+$0x20]  }
0x1af: {  	v26 =	vunpack.i.u.bf16.f32 v60;
	v60 =	vld [tilespmem:s21+$0x10];
	v42 =	vadd.f32 v54, v45  }
0x1b0: {  	[tilespmem:s7+$0xC20] =	vst v47;
	v63 =	vunpack.i.l.bf16.f32 v55;
	v47 =	vld [tilespmem:s21+$0x60];
	v15 =	vadd.f32 v15, v26  }
0x1b1: {  	v26 =	vld [tilespmem:s14+$0x400];
	v52 =	vadd.f32 v59, v63;
	[tilespmem:s20+$0x10] =	vst v42;
	v61 =	vunpack.i.l.bf16.f32 v36  }
0x1b2: {  	[tilespmem:s7+$0xC30] =	vst v15;
	v49 =	vld [tilespmem:s15+$0x10];
	v36 =	vunpack.i.u.bf16.f32 v36;
	v42 =	vadd.f32 v57, v61  }
0x1b3: {  	v15 =	vld [tilespmem:s13+$0xC60];
	[tilespmem:s21+$0x0] =	vst v52;
	v51 =	vunpack.i.u.bf16.f32 v55;
	v36 =	vadd.f32 v58, v36  }
0x1b4: {  	v50 =	vld [tilespmem:s20+$0x30];
	v53 =	vadd.f32 v60, v51;
	[tilespmem:s18+$0x840] =	vst v42  }
0x1b5: {  	v40 =	vld [tilespmem:s16+$0x460];
	[tilespmem:s18+$0x850] =	vst v36  }
0x1b6: {  	[tilespmem:s21+$0x10] =	vst v53;
	v54 =	vld [tilespmem:s23+$0x430]  }
0x1b7: {  	v59 =	vld [tilespmem:s22+$0x10];
	v55 =	vunpack.i.l.bf16.f32 v49  }
0x1b8: {  	v57 =	vunpack.i.u.bf16.f32 v49;
	v43 =	vadd.f32 v62, v55;
	v58 =	vld [tilespmem:s18+$0x870]  }
0x1b9: {  	v52 =	vld [tilespmem:s20+$0x70];
	v36 =	vadd.f32 v50, v57  }
0x1ba: {  	v48 =	vld [tilespmem:s21+$0x410];
	[tilespmem:s20+$0x20] =	vst v43  }
0x1bb: {  	v51 =	vld [tilespmem:s20+$0x50];
	[tilespmem:s20+$0x30] =	vst v36;
	v60 =	vunpack.i.l.bf16.f32 v54  }
0x1bc: {  	v61 =	vld [tilespmem:s15+$0x20];
	v42 =	vunpack.i.u.bf16.f32 v54;
	v36 =	vadd.f32 v56, v60  }
0x1bd: {  	v62 =	vld [tilespmem:s20+$0x40];
	v63 =	vunpack.i.l.bf16.f32 v59;
	v42 =	vadd.f32 v58, v42  }
0x1be: {  	v49 =	vld [tilespmem:s21+$0x40];
	v44 =	vadd.f32 v44, v63;
	v54 =	vunpack.i.u.bf16.f32 v59;
	[tilespmem:s18+$0x860] =	vst v36  }
0x1bf: {  	v56 =	vld [tilespmem:s18+$0xC00];
	[tilespmem:s18+$0x870] =	vst v42;
	v36 =	vadd.f32 v46, v54  }
0x1c0: {  	[tilespmem:s21+$0x20] =	vst v44;
	v42 =	vld [tilespmem:s23+$0x440]  }
0x1c1: {  	v58 =	vld [tilespmem:s18+$0xC10];
	v55 =	vunpack.i.l.bf16.f32 v61;
	[tilespmem:s21+$0x30] =	vst v36  }
0x1c2: {  	v57 =	vunpack.i.u.bf16.f32 v61;
	v44 =	vadd.f32 v62, v55;
	v59 =	vld [tilespmem:s22+$0x20]  }
0x1c3: {  	v43 =	vld [tilespmem:s21+$0x50];
	v36 =	vadd.f32 v51, v57  }
0x1c4: {  	v50 =	vld [tilespmem:s21+$0x70];
	[tilespmem:s20+$0x40] =	vst v44  }
0x1c5: {  	v62 =	vld [tilespmem:s20+$0x60];
	[tilespmem:s20+$0x50] =	vst v36;
	v60 =	vunpack.i.l.bf16.f32 v42  }
0x1c6: {  	v61 =	vld [tilespmem:s15+$0x30];
	v42 =	vunpack.i.u.bf16.f32 v42;
	v36 =	vadd.f32 v56, v60  }
0x1c7: {  	v54 =	vld [tilespmem:s20+$0x400];
	v42 =	vadd.f32 v58, v42;
	v63 =	vunpack.i.l.bf16.f32 v59  }
0x1c8: {  	v44 =	vld [tilespmem:s21+$0x400];
	v56 =	vunpack.i.u.bf16.f32 v59;
	[tilespmem:s18+$0xC00] =	vst v36;
	v45 =	vadd.f32 v49, v63  }
0x1c9: {  	v58 =	vld [tilespmem:s18+$0xC20];
	[tilespmem:s18+$0xC10] =	vst v42;
	v36 =	vadd.f32 v43, v56  }
0x1ca: {  	v42 =	vld [tilespmem:s23+$0x450];
	[tilespmem:s21+$0x40] =	vst v45  }
0x1cb: {  	v60 =	vld [tilespmem:s18+$0xC30];
	v57 =	vunpack.i.l.bf16.f32 v61;
	[tilespmem:s21+$0x50] =	vst v36  }
0x1cc: {  	v59 =	vunpack.i.u.bf16.f32 v61;
	v43 =	vadd.f32 v62, v57;
	v61 =	vld [tilespmem:s22+$0x30]  }
0x1cd: {  	v51 =	vld [tilespmem:s21+$0x420];
	v36 =	vadd.f32 v52, v59  }
0x1ce: {  	v53 =	vunpack.i.l.bf16.f32 v35;
	v56 =	vld [tilespmem:s20+$0x410];
	[tilespmem:s20+$0x60] =	vst v43  }
0x1cf: {  	v24 =	vadd.f32 v24, v53;
	v59 =	vld [tilespmem:s18+$0xC50];
	[tilespmem:s20+$0x70] =	vst v36;
	v62 =	vunpack.i.l.bf16.f32 v42  }
0x1d0: {  	v63 =	vld [tilespmem:s15+$0x40];
	v42 =	vunpack.i.u.bf16.f32 v42;
	v36 =	vadd.f32 v58, v62  }
0x1d1: {  	[tilespmem:s8+$0x860] =	vst v24;
	v52 =	vld [tilespmem:s21+$0x460];
	v42 =	vadd.f32 v60, v42;
	v55 =	vunpack.i.l.bf16.f32 v61  }
0x1d2: {  	v43 =	vld [tilespmem:s21+$0x430];
	v49 =	vunpack.i.u.bf16.f32 v61;
	[tilespmem:s18+$0xC20] =	vst v36;
	v45 =	vadd.f32 v47, v55  }
0x1d3: {  	v35 =	vunpack.i.u.bf16.f32 v35;
	v58 =	vld [tilespmem:s18+$0xC40];
	[tilespmem:s18+$0xC30] =	vst v42;
	v24 =	vadd.f32 v50, v49  }
0x1d4: {  	v18 =	vadd.f32 v18, v35;
	v42 =	vld [tilespmem:s23+$0x460];
	[tilespmem:s21+$0x60] =	vst v45  }
0x1d5: {  	v61 =	vld [tilespmem:s20+$0x420];
	v57 =	vunpack.i.l.bf16.f32 v63;
	[tilespmem:s21+$0x70] =	vst v24  }
0x1d6: {  	[tilespmem:s8+$0x870] =	vst v18;
	v24 =	vunpack.i.u.bf16.f32 v63;
	v35 =	vadd.f32 v54, v57;
	v18 =	vld [tilespmem:s22+$0x40]  }
0x1d7: {  	v47 =	vld [tilespmem:s21+$0x440];
	v24 =	vadd.f32 v56, v24  }
0x1d8: {  	v49 =	vld [tilespmem:s12+$0x440];
	[tilespmem:s20+$0x400] =	vst v35  }
0x1d9: {  	v50 =	vld [tilespmem:s21+$0x450];
	[tilespmem:s20+$0x410] =	vst v24;
	v24 =	vunpack.i.l.bf16.f32 v42  }
0x1da: {  	v35 =	vld [tilespmem:s15+$0x50];
	v24 =	vadd.f32 v58, v24  }
0x1db: {  	v63 =	vld [tilespmem:s20+$0x430];
	v62 =	vunpack.i.l.bf16.f32 v18  }
0x1dc: {  	v45 =	vld [tilespmem:s21+$0x470];
	v18 =	vunpack.i.u.bf16.f32 v18;
	[tilespmem:s18+$0xC40] =	vst v24;
	v24 =	vadd.f32 v44, v62  }
0x1dd: {  	v57 =	vld [tilespmem:s20+$0x440];
	v54 =	vadd.f32 v48, v18  }
0x1de: {  	v60 =	vunpack.i.u.bf16.f32 v42;
	v58 =	vld [tilespmem:s20+$0x450];
	[tilespmem:s21+$0x400] =	vst v24  }
0x1df: {  	v36 =	vadd.f32 v59, v60;
	v18 =	vld [tilespmem:s13+$0xC70];
	v24 =	vunpack.i.l.bf16.f32 v35;
	[tilespmem:s21+$0x410] =	vst v54  }
0x1e0: {  	v35 =	vunpack.i.u.bf16.f32 v35;
	v24 =	vadd.f32 v61, v24;
	v55 =	vld [tilespmem:s22+$0x50]  }
0x1e1: {  	[tilespmem:s18+$0xC50] =	vst v36;
	v36 =	vld [tilespmem:s21+$0x810];
	v56 =	vadd.f32 v63, v35  }
0x1e2: {  	v48 =	vld [tilespmem:s23+$0x470];
	[tilespmem:s20+$0x420] =	vst v24;
	v24 =	vunpack.i.l.bf16.f32 v26;
	v26 =	vunpack.i.u.bf16.f32 v26  }
0x1e3: {  	v35 =	vld [tilespmem:s21+$0x800];
	[tilespmem:s20+$0x430] =	vst v56;
	v24 =	vadd.f32 v28, v24;
	v28 =	vadd.f32 v37, v26  }
0x1e4: {  	v44 =	vld [tilespmem:s15+$0x60]  }
0x1e5: {  	v26 =	vunpack.i.l.bf16.f32 v55;
	[tilespmem:s13+$0x810] =	vst v28;
	v28 =	vld [tilespmem:s21+$0x830]  }
0x1e6: {  	v59 =	vunpack.i.u.bf16.f32 v22;
	[tilespmem:s13+$0x800] =	vst v24;
	v42 =	vunpack.i.u.bf16.f32 v55;
	v55 =	vld [tilespmem:s20+$0x460];
	v24 =	vadd.f32 v51, v26  }
0x1e7: {  	v23 =	vadd.f32 v23, v59;
	v26 =	vld [tilespmem:s21+$0x820]  }
0x1e8: {  	v42 =	vadd.f32 v43, v42;
	v60 =	vld [tilespmem:s14+$0x410];
	[tilespmem:s21+$0x420] =	vst v24;
	v24 =	vunpack.i.l.bf16.f32 v22  }
0x1e9: {  	[tilespmem:s19+$0xC70] =	vst v23;
	v43 =	vld [tilespmem:s18+$0xC70];
	v23 =	vunpack.i.u.bf16.f32 v44;
	v19 =	vadd.f32 v19, v24  }
0x1ea: {  	v22 =	vld [tilespmem:s21+$0x840];
	[tilespmem:s21+$0x430] =	vst v42;
	v24 =	vunpack.i.l.bf16.f32 v44;
	v23 =	vadd.f32 v58, v23  }
0x1eb: {  	v62 =	vld [tilespmem:s22+$0x60];
	v61 =	vadd.f32 v57, v24;
	[tilespmem:s19+$0xC60] =	vst v19;
	v19 =	vunpack.i.u.bf16.f32 v39  }
0x1ec: {  	v58 =	vld [tilespmem:s20+$0x470];
	v39 =	vunpack.i.l.bf16.f32 v39;
	[tilespmem:s20+$0x450] =	vst v23;
	v63 =	vadd.f32 v41, v19  }
0x1ed: {  	v24 =	vld [tilespmem:s21+$0x850];
	v46 =	vunpack.i.l.bf16.f32 v60;
	[tilespmem:s20+$0x440] =	vst v61;
	v38 =	vadd.f32 v38, v39  }
0x1ee: {  	v23 =	vld [tilespmem:s21+$0x870];
	v53 =	vunpack.i.u.bf16.f32 v60;
	v33 =	vadd.f32 v33, v46;
	[tilespmem:s10+$0xC70] =	vst v63  }
0x1ef: {  	v60 =	vunpack.i.u.bf16.f32 v49;
	v34 =	vadd.f32 v34, v53;
	v54 =	vld [tilespmem:s15+$0x70];
	[tilespmem:s10+$0xC60] =	vst v38  }
0x1f0: {  	v19 =	vld [tilespmem:s21+$0x860];
	v42 =	vadd.f32 v27, v60;
	v56 =	vunpack.i.l.bf16.f32 v62;
	[tilespmem:s13+$0x820] =	vst v33  }
0x1f1: {  	v27 =	vld [tilespmem:s21+$0xC10];
	[tilespmem:s13+$0x830] =	vst v34;
	v59 =	vunpack.i.u.bf16.f32 v62;
	v38 =	vadd.f32 v47, v56  }
0x1f2: {  	v57 =	vunpack.i.l.bf16.f32 v49;
	[tilespmem:s8+$0xC10] =	vst v42;
	v34 =	vadd.f32 v50, v59;
	v61 =	vld [tilespmem:s14+$0x420]  }
0x1f3: {  	v53 =	vld [tilespmem:s20+$0x800];
	v33 =	vadd.f32 v25, v57;
	v62 =	vunpack.i.l.bf16.f32 v40;
	[tilespmem:s21+$0x440] =	vst v38  }
0x1f4: {  	v25 =	vld [tilespmem:s21+$0xC00];
	v16 =	vadd.f32 v16, v62;
	[tilespmem:s21+$0x450] =	vst v34;
	v44 =	vunpack.i.l.bf16.f32 v54  }
0x1f5: {  	[tilespmem:s8+$0xC00] =	vst v33;
	v39 =	vunpack.i.u.bf16.f32 v54;
	v46 =	vld [tilespmem:s22+$0x70];
	v34 =	vadd.f32 v55, v44  }
0x1f6: {  	[tilespmem:s7+$0xC40] =	vst v16;
	v16 =	vunpack.i.u.bf16.f32 v40;
	v47 =	vld [tilespmem:s12+$0x450];
	v39 =	vadd.f32 v58, v39  }
0x1f7: {  	v63 =	vld [tilespmem:s18+$0xC60];
	v49 =	vadd.f32 v17, v16;
	v51 =	vunpack.i.l.bf16.f32 v61;
	[tilespmem:s20+$0x460] =	vst v34  }
0x1f8: {  	v17 =	vld [tilespmem:s21+$0xC20];
	v38 =	vunpack.i.u.bf16.f32 v61;
	[tilespmem:s20+$0x470] =	vst v39;
	v31 =	vadd.f32 v31, v51  }
0x1f9: {  	v16 =	vunpack.i.u.bf16.f32 v48;
	[tilespmem:s7+$0xC50] =	vst v49;
	v32 =	vadd.f32 v32, v38;
	v39 =	vld [tilespmem:s15+$0x400]  }
0x1fa: {  	v50 =	vadd.f32 v43, v16;
	v16 =	vld [tilespmem:s21+$0xC30];
	v54 =	vunpack.i.l.bf16.f32 v46;
	[tilespmem:s13+$0x840] =	vst v31  }
0x1fb: {  	v55 =	vld [tilespmem:s20+$0x810];
	v31 =	vunpack.i.l.bf16.f32 v47;
	[tilespmem:s13+$0x850] =	vst v32;
	v38 =	vadd.f32 v52, v54  }
0x1fc: {  	[tilespmem:s18+$0xC70] =	vst v50;
	v56 =	vunpack.i.u.bf16.f32 v46;
	v31 =	vadd.f32 v21, v31;
	v58 =	vld [tilespmem:s14+$0x430]  }
0x1fd: {  	v57 =	vunpack.i.u.bf16.f32 v47;
	v21 =	vld [tilespmem:s21+$0xC40];
	v32 =	vadd.f32 v45, v56;
	[tilespmem:s21+$0x460] =	vst v38  }
0x1fe: {  	v37 =	vadd.f32 v20, v57;
	[tilespmem:s8+$0xC20] =	vst v31;
	v31 =	vld [tilespmem:s21+$0xC50];
	v20 =	vunpack.i.l.bf16.f32 v39  }
0x1ff: {  	[tilespmem:s21+$0x470] =	vst v32;
	v59 =	vunpack.i.u.bf16.f32 v39;
	v34 =	vadd.f32 v53, v20;
	v20 =	vld [tilespmem:s16+$0x470]  }
0x200: {  	v60 =	vunpack.i.l.bf16.f32 v48;
	[tilespmem:s8+$0xC30] =	vst v37;
	v38 =	vld [tilespmem:s22+$0x400];
	v41 =	vadd.f32 v55, v59  }
0x201: {  	v61 =	vadd.f32 v63, v60;
	v33 =	vld [tilespmem:s12+$0x460];
	v63 =	vunpack.i.l.bf16.f32 v58;
	[tilespmem:s20+$0x800] =	vst v34  }
0x202: {  	v32 =	vld [tilespmem:s21+$0xC60];
	v62 =	vunpack.i.u.bf16.f32 v58;
	[tilespmem:s20+$0x810] =	vst v41;
	v37 =	vadd.f32 v29, v63  }
0x203: {  	s10 =	simm.s32 $0x6;
	[tilespmem:s18+$0xC60] =	vst v61;
	v34 =	vadd.f32 v30, v62;
	v30 =	vld [tilespmem:s15+$0x410]  }
.LBB2_3:
0x204: {  	s10 =	sadd.s32 $0x2, s10;
	v29 =	vld [tilespmem:s20+$0x820];
	[tilespmem:s13+$0x860] =	vst v37;
	v37 =	vunpack.i.u.bf16.f32 v20;
	v20 =	vunpack.i.l.bf16.f32 v20  }
0x205: {  	s11 =	sadd.s32 $0x100, s11;
	s16 =	sshll.u32 s10, $0x8;
	p0 =	slt.u32 s10, $0x1E;
	v39 =	vunpack.i.u.bf16.f32 v38;
	v38 =	vunpack.i.l.bf16.f32 v38;
	v40 =	vld [tilespmem:s20+$0x830];
	[tilespmem:s13+$0x870] =	vst v34;
	v20 =	vadd.f32 v3, v20;
	v3 =	vmovc v7;
	v7 =	vmovc v15  }
0x206: {  	s18 =	sand.u32 $0x300, s11;
	s19 =	sshll.u32 s10, $0x9;
	s16 =	sand.u32 $0x3FFFF800, s16;
	v41 =	vadd.f32 v35, v38;
	v34 =	vadd.f32 v36, v39;
	v35 =	vld [tilespmem:s14+$0x440];
	v36 =	vunpack.i.u.bf16.f32 v33  }
0x207: {  	v37 =	vadd.f32 v4, v37;
	v4 =	vmovc v8;
	s19 =	sand.u32 $0x3FFFF000, s19;
	s28 =	sor.u32 $0x80, s18;
	v33 =	vunpack.i.l.bf16.f32 v33;
	s23 =	sadd.s32 $0x13200, s16;
	v38 =	vld [tilespmem:s21+$0xC70];
	v36 =	vadd.f32 v6, v36;
	[tilespmem:s7+$0xC60] =	vst v20  }
0x208: {  	v8 =	vmovc v18;
	s31 =	sadd.s32 $0x3200, s19;
	v33 =	vadd.f32 v5, v33;
	v5 =	vmovc v9;
	v9 =	vmov v21;
	s16 =	sadd.s32 s18, s23;
	s19 =	sadd.s32 s28, s23;
	[tilespmem:s21+$0x800] =	vst v41;
	v39 =	vunpack.i.l.bf16.f32 v30;
	v20 =	vld [tilespmem:s20+$0xC60]  }
0x209: {  	v6 =	vmovc v10;
	v10 =	vmovc v31;
	v15 =	vmov v32;
	s23 =	sadd.s32 s18, s31;
	s18 =	sadd.s32 s28, s31;
	v18 =	vunpack.i.u.bf16.f32 v30;
	v21 =	vld [tilespmem:s19+$0x0];
	[tilespmem:s21+$0x810] =	vst v34;
	v29 =	vadd.f32 v29, v39  }
0x20a: {  	v30 =	vld [tilespmem:s18+$0x0];
	v34 =	vadd.f32 v40, v18;
	[tilespmem:s8+$0xC40] =	vst v33  }
0x20b: {  	v31 =	vld [tilespmem:s18+$0x10];
	[tilespmem:s20+$0x820] =	vst v29;
	v29 =	vunpack.i.u.bf16.f32 v35;
	v32 =	vunpack.i.l.bf16.f32 v35  }
0x20c: {  	v33 =	vld [tilespmem:s16+$0x0];
	[tilespmem:s20+$0x830] =	vst v34;
	v32 =	vadd.f32 v11, v32;
	v29 =	vadd.f32 v14, v29;
	v18 =	vmovc v38;
	v11 =	vmov v25  }
0x20d: {  	v14 =	vmov v27;
	v25 =	vld [tilespmem:s15+$0x420];
	[tilespmem:s8+$0xC50] =	vst v36  }
0x20e: {  	v27 =	vunpack.i.l.bf16.f32 v21;
	v34 =	vld [tilespmem:s20+$0x840];
	[tilespmem:s13+$0xC00] =	vst v32  }
0x20f: {  	v21 =	vunpack.i.u.bf16.f32 v21;
	v27 =	vadd.f32 v30, v27;
	v30 =	vld [tilespmem:s20+$0x850];
	[tilespmem:s13+$0xC10] =	vst v29  }
0x210: {  	v29 =	vld [tilespmem:s23+$0x0];
	v21 =	vadd.f32 v31, v21;
	[tilespmem:s7+$0xC70] =	vst v37;
	s7 =	smov.u32 s8;
	s8 =	smov.u32 s13;
	s13 =	smov.u32 s21  }
0x211: {  	s21 =	smov.u32 s23;
	v31 =	vunpack.i.u.bf16.f32 v33;
	v32 =	vunpack.i.l.bf16.f32 v33;
	v33 =	vld [tilespmem:s23+$0x10];
	[tilespmem:s18+$0x0] =	vst v27  }
0x212: {  	v27 =	vld [tilespmem:s21+$0x20];
	[tilespmem:s18+$0x10] =	vst v21;
	v21 =	vunpack.i.l.bf16.f32 v25  }
0x213: {  	v25 =	vunpack.i.u.bf16.f32 v25;
	v35 =	vld [tilespmem:s19+$0x10];
	v21 =	vadd.f32 v34, v21  }
0x214: {  	v34 =	vld [tilespmem:s18+$0x20];
	v25 =	vadd.f32 v30, v25  }
0x215: {  	v29 =	vadd.f32 v29, v32;
	v30 =	vld [tilespmem:s18+$0x30];
	[tilespmem:s20+$0x840] =	vst v21  }
0x216: {  	v21 =	vadd.f32 v33, v31;
	v31 =	vld [tilespmem:s21+$0x30];
	[tilespmem:s20+$0x850] =	vst v25  }
0x217: {  	[tilespmem:s21+$0x0] =	vst v29;
	v25 =	vld [tilespmem:s15+$0x430]  }
0x218: {  	[tilespmem:s21+$0x10] =	vst v21;
	v21 =	vunpack.i.l.bf16.f32 v35;
	v29 =	vld [tilespmem:s20+$0x860]  }
0x219: {  	v32 =	vunpack.i.u.bf16.f32 v35;
	v21 =	vadd.f32 v34, v21;
	v33 =	vld [tilespmem:s20+$0x870]  }
0x21a: {  	v34 =	vld [tilespmem:s16+$0x10];
	v30 =	vadd.f32 v30, v32  }
0x21b: {  	v32 =	vld [tilespmem:s21+$0x40];
	[tilespmem:s18+$0x20] =	vst v21  }
0x21c: {  	v21 =	vld [tilespmem:s21+$0x50];
	[tilespmem:s18+$0x30] =	vst v30;
	v30 =	vunpack.i.l.bf16.f32 v25  }
0x21d: {  	v25 =	vunpack.i.u.bf16.f32 v25;
	v35 =	vld [tilespmem:s19+$0x20];
	v29 =	vadd.f32 v29, v30  }
0x21e: {  	v30 =	vld [tilespmem:s18+$0x40];
	v25 =	vadd.f32 v33, v25  }
0x21f: {  	v33 =	vunpack.i.u.bf16.f32 v34;
	v34 =	vunpack.i.l.bf16.f32 v34;
	v36 =	vld [tilespmem:s18+$0x50];
	[tilespmem:s20+$0x860] =	vst v29  }
0x220: {  	v27 =	vadd.f32 v27, v34;
	v29 =	vadd.f32 v31, v33;
	v31 =	vld [tilespmem:s21+$0x60];
	[tilespmem:s20+$0x870] =	vst v25  }
0x221: {  	v25 =	vld [tilespmem:s15+$0x440]  }
0x222: {  	[tilespmem:s21+$0x20] =	vst v27;
	v27 =	vunpack.i.l.bf16.f32 v35;
	v33 =	vld [tilespmem:s20+$0xC00]  }
0x223: {  	[tilespmem:s21+$0x30] =	vst v29;
	v29 =	vunpack.i.u.bf16.f32 v35;
	v27 =	vadd.f32 v30, v27;
	v30 =	vld [tilespmem:s20+$0xC10]  }
0x224: {  	v34 =	vld [tilespmem:s16+$0x20];
	v29 =	vadd.f32 v36, v29  }
0x225: {  	v35 =	vld [tilespmem:s21+$0x70];
	[tilespmem:s18+$0x40] =	vst v27  }
0x226: {  	v27 =	vld [tilespmem:s21+$0x400];
	[tilespmem:s18+$0x50] =	vst v29;
	v29 =	vunpack.i.l.bf16.f32 v25  }
0x227: {  	v25 =	vunpack.i.u.bf16.f32 v25;
	v36 =	vld [tilespmem:s19+$0x30];
	v29 =	vadd.f32 v33, v29  }
0x228: {  	v33 =	vld [tilespmem:s18+$0x60];
	v25 =	vadd.f32 v30, v25  }
0x229: {  	v30 =	vunpack.i.u.bf16.f32 v34;
	v34 =	vunpack.i.l.bf16.f32 v34;
	v37 =	vld [tilespmem:s18+$0x70];
	[tilespmem:s20+$0xC00] =	vst v29  }
0x22a: {  	v29 =	vadd.f32 v32, v34;
	v21 =	vadd.f32 v21, v30;
	v30 =	vld [tilespmem:s21+$0x410];
	[tilespmem:s20+$0xC10] =	vst v25  }
0x22b: {  	v25 =	vld [tilespmem:s15+$0x450]  }
0x22c: {  	[tilespmem:s21+$0x40] =	vst v29;
	v29 =	vunpack.i.l.bf16.f32 v36;
	v32 =	vld [tilespmem:s20+$0xC20]  }
0x22d: {  	[tilespmem:s21+$0x50] =	vst v21;
	v21 =	vunpack.i.u.bf16.f32 v36;
	v29 =	vadd.f32 v33, v29;
	v33 =	vld [tilespmem:s20+$0xC30]  }
0x22e: {  	v34 =	vld [tilespmem:s16+$0x30];
	v21 =	vadd.f32 v37, v21  }
0x22f: {  	v37 =	vld [tilespmem:s21+$0x420];
	[tilespmem:s18+$0x60] =	vst v29  }
0x230: {  	v29 =	vld [tilespmem:s21+$0x430];
	[tilespmem:s18+$0x70] =	vst v21;
	v21 =	vunpack.i.l.bf16.f32 v25  }
0x231: {  	v25 =	vunpack.i.u.bf16.f32 v25;
	v36 =	vld [tilespmem:s19+$0x40];
	v21 =	vadd.f32 v32, v21  }
0x232: {  	v32 =	vld [tilespmem:s18+$0x400];
	v25 =	vadd.f32 v33, v25  }
0x233: {  	v33 =	vunpack.i.u.bf16.f32 v34;
	v34 =	vunpack.i.l.bf16.f32 v34;
	v38 =	vld [tilespmem:s18+$0x410];
	[tilespmem:s20+$0xC20] =	vst v21  }
0x234: {  	v21 =	vadd.f32 v31, v34;
	v31 =	vadd.f32 v35, v33;
	v33 =	vld [tilespmem:s21+$0x440];
	[tilespmem:s20+$0xC30] =	vst v25  }
0x235: {  	v25 =	vld [tilespmem:s15+$0x460]  }
0x236: {  	[tilespmem:s21+$0x60] =	vst v21;
	v21 =	vunpack.i.l.bf16.f32 v36;
	v34 =	vld [tilespmem:s20+$0xC40]  }
0x237: {  	[tilespmem:s21+$0x70] =	vst v31;
	v31 =	vunpack.i.u.bf16.f32 v36;
	v21 =	vadd.f32 v32, v21;
	v32 =	vld [tilespmem:s20+$0xC50]  }
0x238: {  	v35 =	vld [tilespmem:s16+$0x40];
	v31 =	vadd.f32 v38, v31  }
0x239: {  	v38 =	vld [tilespmem:s21+$0x450];
	[tilespmem:s18+$0x400] =	vst v21  }
0x23a: {  	v21 =	vld [tilespmem:s21+$0x460];
	[tilespmem:s18+$0x410] =	vst v31;
	v31 =	vunpack.i.l.bf16.f32 v25  }
0x23b: {  	v25 =	vunpack.i.u.bf16.f32 v25;
	v36 =	vld [tilespmem:s19+$0x50];
	v31 =	vadd.f32 v34, v31  }
0x23c: {  	v34 =	vld [tilespmem:s18+$0x420];
	v25 =	vadd.f32 v32, v25  }
0x23d: {  	v32 =	vunpack.i.u.bf16.f32 v35;
	v35 =	vunpack.i.l.bf16.f32 v35;
	v39 =	vld [tilespmem:s18+$0x430];
	[tilespmem:s20+$0xC40] =	vst v31  }
0x23e: {  	v27 =	vadd.f32 v27, v35;
	v30 =	vadd.f32 v30, v32;
	v31 =	vld [tilespmem:s21+$0x470];
	[tilespmem:s20+$0xC50] =	vst v25  }
0x23f: {  	v25 =	vld [tilespmem:s15+$0x470];
	s15 =	smov.u32 s19  }
0x240: {  	[tilespmem:s21+$0x400] =	vst v27;
	v27 =	vunpack.i.l.bf16.f32 v36;
	v32 =	vld [tilespmem:s20+$0xC70]  }
0x241: {  	[tilespmem:s21+$0x410] =	vst v30;
	v35 =	vld [tilespmem:s21+$0x800];
	v30 =	vunpack.i.u.bf16.f32 v36;
	v27 =	vadd.f32 v34, v27  }
0x242: {  	v34 =	vld [tilespmem:s16+$0x50];
	v30 =	vadd.f32 v39, v30  }
0x243: {  	v36 =	vld [tilespmem:s21+$0x810];
	[tilespmem:s18+$0x420] =	vst v27  }
0x244: {  	[tilespmem:s18+$0x430] =	vst v30;
	v27 =	vld [tilespmem:s22+$0x410];
	v30 =	vunpack.i.u.bf16.f32 v25;
	v25 =	vunpack.i.l.bf16.f32 v25  }
0x245: {  	v39 =	vld [tilespmem:s15+$0x60];
	v20 =	vadd.f32 v20, v25;
	v25 =	vadd.f32 v32, v30  }
0x246: {  	v30 =	vld [tilespmem:s18+$0x440]  }
0x247: {  	v32 =	vunpack.i.u.bf16.f32 v34;
	v34 =	vunpack.i.l.bf16.f32 v34;
	v40 =	vld [tilespmem:s18+$0x450];
	[tilespmem:s20+$0xC70] =	vst v25  }
0x248: {  	v25 =	vadd.f32 v37, v34;
	v29 =	vadd.f32 v29, v32;
	v32 =	vld [tilespmem:s21+$0x820];
	[tilespmem:s20+$0xC60] =	vst v20;
	s20 =	smov.u32 s18  }
0x249: {  	v20 =	vld [tilespmem:s21+$0x830];
	v34 =	vunpack.i.u.bf16.f32 v27;
	v27 =	vunpack.i.l.bf16.f32 v27  }
0x24a: {  	[tilespmem:s21+$0x420] =	vst v25;
	v37 =	vld [tilespmem:s21+$0x840];
	v25 =	vunpack.i.l.bf16.f32 v39;
	v41 =	vadd.f32 v26, v27;
	v27 =	vadd.f32 v28, v34  }
0x24b: {  	v28 =	vunpack.i.u.bf16.f32 v39;
	[tilespmem:s21+$0x430] =	vst v29;
	v29 =	vld [tilespmem:s21+$0x850];
	v25 =	vadd.f32 v30, v25  }
0x24c: {  	v30 =	vld [tilespmem:s16+$0x60];
	v34 =	vadd.f32 v40, v28;
	[tilespmem:s13+$0x820] =	vst v41  }
0x24d: {  	v39 =	vld [tilespmem:s21+$0x860];
	[tilespmem:s20+$0x440] =	vst v25;
	v26 =	vmov v32  }
0x24e: {  	v40 =	vld [tilespmem:s21+$0x870];
	[tilespmem:s20+$0x450] =	vst v34;
	v28 =	vmov v20  }
0x24f: {  	v20 =	vld [tilespmem:s15+$0x70];
	[tilespmem:s13+$0x830] =	vst v27  }
0x250: {  	v32 =	vld [tilespmem:s20+$0x460]  }
0x251: {  	v25 =	vunpack.i.u.bf16.f32 v30;
	v27 =	vunpack.i.l.bf16.f32 v30;
	v30 =	vld [tilespmem:s20+$0x470]  }
0x252: {  	v27 =	vadd.f32 v33, v27;
	v33 =	vadd.f32 v38, v25;
	v34 =	vld [tilespmem:s22+$0x420]  }
0x253: {  	v25 =	vld [tilespmem:s21+$0xC00]  }
0x254: {  	[tilespmem:s21+$0x440] =	vst v27;
	v27 =	vld [tilespmem:s21+$0xC10];
	v38 =	vunpack.i.l.bf16.f32 v20  }
0x255: {  	v20 =	vunpack.i.u.bf16.f32 v20;
	[tilespmem:s21+$0x450] =	vst v33;
	v32 =	vadd.f32 v32, v38;
	v33 =	vld [tilespmem:s14+$0x450]  }
0x256: {  	v38 =	vld [tilespmem:s16+$0x70];
	v20 =	vadd.f32 v30, v20  }
0x257: {  	v30 =	vld [tilespmem:s21+$0xC20];
	[tilespmem:s20+$0x460] =	vst v32;
	v32 =	vunpack.i.u.bf16.f32 v34;
	v34 =	vunpack.i.l.bf16.f32 v34  }
0x258: {  	v41 =	vld [tilespmem:s21+$0xC30];
	[tilespmem:s20+$0x470] =	vst v20;
	v20 =	vadd.f32 v22, v34;
	v32 =	vadd.f32 v24, v32;
	v22 =	vmovc v37;
	v24 =	vmov v29  }
0x259: {  	v29 =	vld [tilespmem:s15+$0x400]  }
0x25a: {  	v34 =	vld [tilespmem:s20+$0x800];
	[tilespmem:s13+$0x840] =	vst v20;
	v20 =	vunpack.i.u.bf16.f32 v33;
	v33 =	vunpack.i.l.bf16.f32 v33  }
0x25b: {  	v37 =	vunpack.i.u.bf16.f32 v38;
	v38 =	vunpack.i.l.bf16.f32 v38;
	v42 =	vld [tilespmem:s20+$0x810];
	[tilespmem:s13+$0x850] =	vst v32;
	v32 =	vadd.f32 v12, v33;
	v12 =	vmovc v17  }
0x25c: {  	v33 =	vadd.f32 v21, v38;
	v37 =	vadd.f32 v31, v37;
	v43 =	vld [tilespmem:s22+$0x430];
	v17 =	vmov v30  }
0x25d: {  	v30 =	vadd.f32 v13, v20;
	v13 =	vmov v16;
	v21 =	vld [tilespmem:s21+$0xC40];
	[tilespmem:s8+$0xC20] =	vst v32;
	v16 =	vmov v41  }
0x25e: {  	[tilespmem:s21+$0x460] =	vst v33;
	v31 =	vld [tilespmem:s21+$0xC50];
	v20 =	vunpack.i.l.bf16.f32 v29  }
.Ltmp2:
0x25f: {  	v29 =	vunpack.i.u.bf16.f32 v29;
	[tilespmem:s21+$0x470] =	vst v37;
	v32 =	vadd.f32 v34, v20;
	v20 =	vld [tilespmem:s12+$0x470];
	s12 =	smov.u32 s14;
	s14 =	smov.u32 s22;
	(pc) =	sbr.rel @p0 .LBB2_3-.Ltmp2, $4  }
0x260: {  	s22 =	smov.u32 s16;
	v38 =	vld [tilespmem:s16+$0x400];
	v29 =	vadd.f32 v42, v29;
	[tilespmem:s8+$0xC30] =	vst v30  }
0x261: {  	[tilespmem:s20+$0x800] =	vst v32;
	v30 =	vunpack.i.u.bf16.f32 v43;
	v34 =	vunpack.i.l.bf16.f32 v43;
	v33 =	vld [tilespmem:s12+$0x460]  }
0x262: {  	v32 =	vld [tilespmem:s21+$0xC60];
	[tilespmem:s20+$0x810] =	vst v29;
	v37 =	vadd.f32 v19, v34;
	v34 =	vadd.f32 v23, v30;
	v19 =	vmovc v39;
	v23 =	vmov v40  }
0x263: {  	v30 =	vld [tilespmem:s15+$0x410]  }
0x264: {  	v39 =	vld [tilespmem:s20+$0x820]  }
0x265: {  	v40 =	vld [tilespmem:s20+$0x830];
	v29 =	vunpack.i.l.bf16.f32 v38  }
0x266: {  	v50 =	vunpack.i.u.bf16.f32 v38;
	v35 =	vadd.f32 v35, v29  }
0x267: {  	v36 =	vadd.f32 v36, v50  }
0x268: {  	[tilespmem:s21+$0x800] =	vst v35;
	v51 =	vunpack.i.l.bf16.f32 v30  }
0x269: {  	[tilespmem:s21+$0x810] =	vst v36;
	v52 =	vunpack.i.u.bf16.f32 v30;
	v35 =	vadd.f32 v39, v51  }
0x26a: {  	v53 =	vld [tilespmem:s22+$0x410];
	v36 =	vadd.f32 v40, v52  }
0x26b: {  	[tilespmem:s20+$0x820] =	vst v35  }
0x26c: {  	[tilespmem:s20+$0x830] =	vst v36  }
0x26d: {  	v35 =	vld [tilespmem:s15+$0x420]  }
0x26e: {  	v54 =	vld [tilespmem:s20+$0x840]  }
0x26f: {  	v56 =	vld [tilespmem:s20+$0x850];
	v55 =	vunpack.i.l.bf16.f32 v53  }
0x270: {  	v38 =	vunpack.i.u.bf16.f32 v53;
	v26 =	vadd.f32 v26, v55  }
0x271: {  	v28 =	vadd.f32 v28, v38  }
0x272: {  	[tilespmem:s21+$0x820] =	vst v26;
	v26 =	vunpack.i.l.bf16.f32 v35  }
0x273: {  	[tilespmem:s21+$0x830] =	vst v28;
	v28 =	vunpack.i.u.bf16.f32 v35;
	v26 =	vadd.f32 v54, v26  }
0x274: {  	v57 =	vld [tilespmem:s22+$0x420];
	v28 =	vadd.f32 v56, v28  }
0x275: {  	[tilespmem:s20+$0x840] =	vst v26  }
0x276: {  	[tilespmem:s20+$0x850] =	vst v28  }
0x277: {  	v26 =	vld [tilespmem:s15+$0x430]  }
0x278: {  	v28 =	vld [tilespmem:s20+$0x860]  }
0x279: {  	v59 =	vld [tilespmem:s20+$0x870];
	v58 =	vunpack.i.l.bf16.f32 v57  }
0x27a: {  	v35 =	vunpack.i.u.bf16.f32 v57;
	v22 =	vadd.f32 v22, v58  }
0x27b: {  	v24 =	vadd.f32 v24, v35  }
0x27c: {  	[tilespmem:s21+$0x840] =	vst v22;
	v22 =	vunpack.i.l.bf16.f32 v26  }
0x27d: {  	[tilespmem:s21+$0x850] =	vst v24;
	v24 =	vunpack.i.u.bf16.f32 v26;
	v22 =	vadd.f32 v28, v22  }
0x27e: {  	v26 =	vld [tilespmem:s22+$0x430];
	v24 =	vadd.f32 v59, v24  }
0x27f: {  	[tilespmem:s20+$0x860] =	vst v22  }
0x280: {  	[tilespmem:s20+$0x870] =	vst v24  }
0x281: {  	v22 =	vld [tilespmem:s15+$0x440]  }
0x282: {  	v24 =	vld [tilespmem:s20+$0xC00]  }
0x283: {  	[tilespmem:s13+$0x860] =	vst v37;
	v60 =	vld [tilespmem:s20+$0xC10];
	v28 =	vunpack.i.l.bf16.f32 v26  }
0x284: {  	[tilespmem:s13+$0x870] =	vst v34;
	v26 =	vunpack.i.u.bf16.f32 v26;
	v19 =	vadd.f32 v19, v28  }
0x285: {  	v23 =	vadd.f32 v23, v26;
	v26 =	vld [tilespmem:s14+$0x440]  }
0x286: {  	[tilespmem:s21+$0x860] =	vst v19;
	v19 =	vunpack.i.l.bf16.f32 v22  }
0x287: {  	[tilespmem:s21+$0x870] =	vst v23;
	v22 =	vunpack.i.u.bf16.f32 v22;
	v19 =	vadd.f32 v24, v19  }
0x288: {  	v23 =	vld [tilespmem:s22+$0x440];
	v22 =	vadd.f32 v60, v22  }
0x289: {  	[tilespmem:s20+$0xC00] =	vst v19  }
0x28a: {  	v19 =	vunpack.i.l.bf16.f32 v26;
	[tilespmem:s20+$0xC10] =	vst v22  }
0x28b: {  	v22 =	vunpack.i.u.bf16.f32 v26;
	v11 =	vadd.f32 v11, v19;
	v19 =	vld [tilespmem:s15+$0x450]  }
0x28c: {  	v14 =	vadd.f32 v14, v22;
	v22 =	vld [tilespmem:s20+$0xC20]  }
0x28d: {  	v24 =	vunpack.i.l.bf16.f32 v23;
	[tilespmem:s13+$0xC00] =	vst v11;
	v11 =	vld [tilespmem:s20+$0xC30]  }
0x28e: {  	v23 =	vunpack.i.u.bf16.f32 v23;
	[tilespmem:s13+$0xC10] =	vst v14;
	v24 =	vadd.f32 v25, v24  }
0x28f: {  	v14 =	vadd.f32 v27, v23;
	v23 =	vld [tilespmem:s14+$0x450]  }
0x290: {  	[tilespmem:s21+$0xC00] =	vst v24;
	v24 =	vunpack.i.l.bf16.f32 v19  }
0x291: {  	[tilespmem:s21+$0xC10] =	vst v14;
	v14 =	vunpack.i.u.bf16.f32 v19;
	v19 =	vadd.f32 v22, v24  }
0x292: {  	v22 =	vld [tilespmem:s22+$0x450];
	v11 =	vadd.f32 v11, v14  }
0x293: {  	[tilespmem:s20+$0xC20] =	vst v19  }
0x294: {  	v19 =	vunpack.i.u.bf16.f32 v23;
	[tilespmem:s20+$0xC30] =	vst v11  }
0x295: {  	v11 =	vunpack.i.l.bf16.f32 v23;
	v13 =	vadd.f32 v13, v19;
	v14 =	vld [tilespmem:s15+$0x460]  }
0x296: {  	v11 =	vadd.f32 v12, v11;
	v12 =	vld [tilespmem:s20+$0xC40]  }
0x297: {  	v23 =	vld [tilespmem:s20+$0xC50];
	v19 =	vunpack.i.l.bf16.f32 v22;
	[tilespmem:s13+$0xC30] =	vst v13  }
0x298: {  	[tilespmem:s13+$0xC20] =	vst v11;
	v11 =	vunpack.i.u.bf16.f32 v22;
	v17 =	vadd.f32 v17, v19  }
0x299: {  	v11 =	vadd.f32 v16, v11;
	v13 =	vld [tilespmem:s14+$0x460]  }
0x29a: {  	[tilespmem:s21+$0xC20] =	vst v17;
	v16 =	vunpack.i.l.bf16.f32 v14  }
0x29b: {  	[tilespmem:s21+$0xC30] =	vst v11;
	v11 =	vunpack.i.u.bf16.f32 v14;
	v12 =	vadd.f32 v12, v16  }
0x29c: {  	v14 =	vld [tilespmem:s22+$0x460];
	v16 =	vunpack.i.l.bf16.f32 v33;
	v11 =	vadd.f32 v23, v11  }
0x29d: {  	v17 =	vunpack.i.u.bf16.f32 v33;
	v5 =	vadd.f32 v5, v16;
	[tilespmem:s20+$0xC40] =	vst v12  }
0x29e: {  	v30 =	vld [tilespmem:s20+$0xC60];
	v6 =	vadd.f32 v6, v17;
	[tilespmem:s20+$0xC50] =	vst v11;
	v11 =	vunpack.i.l.bf16.f32 v13  }
0x29f: {  	v12 =	vunpack.i.u.bf16.f32 v13;
	[tilespmem:s8+$0xC40] =	vst v5;
	v5 =	vld [tilespmem:s15+$0x470];
	v9 =	vadd.f32 v9, v11  }
0x2a0: {  	[tilespmem:s8+$0xC50] =	vst v6;
	v6 =	vld [tilespmem:s20+$0xC70];
	v13 =	vunpack.i.l.bf16.f32 v20;
	v10 =	vadd.f32 v10, v12  }
0x2a1: {  	v3 =	vadd.f32 v3, v13;
	v12 =	vld [tilespmem:s12+$0x470];
	v11 =	vunpack.i.l.bf16.f32 v14;
	[tilespmem:s13+$0xC40] =	vst v9  }
0x2a2: {  	v9 =	vunpack.i.u.bf16.f32 v14;
	[tilespmem:s13+$0xC50] =	vst v10;
	v11 =	vadd.f32 v21, v11  }
0x2a3: {  	v10 =	vunpack.i.u.bf16.f32 v20;
	[tilespmem:s7+$0xC60] =	vst v3;
	v9 =	vadd.f32 v31, v9;
	v13 =	vld [tilespmem:s14+$0x470]  }
0x2a4: {  	v4 =	vadd.f32 v4, v10;
	[tilespmem:s21+$0xC40] =	vst v11;
	v10 =	vunpack.i.u.bf16.f32 v5  }
0x2a5: {  	[tilespmem:s21+$0xC50] =	vst v9;
	v3 =	vunpack.i.l.bf16.f32 v5;
	v5 =	vadd.f32 v6, v10  }
0x2a6: {  	[tilespmem:s7+$0xC70] =	vst v4;
	v3 =	vadd.f32 v30, v3;
	v4 =	vunpack.i.l.bf16.f32 v12  }
0x2a7: {  	v6 =	vld [tilespmem:s22+$0x470];
	v4 =	vadd.f32 v7, v4;
	[tilespmem:s20+$0xC70] =	vst v5;
	v5 =	vunpack.i.u.bf16.f32 v12  }
0x2a8: {  	[tilespmem:s20+$0xC60] =	vst v3;
	v3 =	vadd.f32 v8, v5;
	v5 =	vunpack.i.l.bf16.f32 v13  }
0x2a9: {  	v29 =	vld [tilespmem:s21+$0xC70];
	[tilespmem:s8+$0xC60] =	vst v4;
	v4 =	vunpack.i.u.bf16.f32 v13;
	v5 =	vadd.f32 v15, v5  }
0x2aa: {  	[tilespmem:s8+$0xC70] =	vst v3;
	v3 =	vadd.f32 v18, v4  }
0x2ab: {  	[tilespmem:s13+$0xC60] =	vst v5  }
0x2ac: {  	v4 =	vunpack.i.l.bf16.f32 v6;
	[tilespmem:s13+$0xC70] =	vst v3  }
0x2ad: {  	s14 =	sshll.u32 s30, $0x10;
	v5 =	vunpack.i.u.bf16.f32 v6;
	v4 =	vadd.f32 v32, v4;
	s0 =	rddreg [dreg:$0x6]  }
0x2ae: {  	v3 =	vadd.f32 v29, v5;
	s7 =	sadd.s32 s0, s14  }
0x2af: {  	[tilespmem:s21+$0xC60] =	vst v4;
	s7 =	sshrl.u32 s7, $0x3  }
0x2b0: {  	p0 =	seq.s32 s30, $0x0;
	s15 =	simm.s32 $0x3200;
	[tilespmem:s21+$0xC70] =	vst v3;
	s7 =	sadd.s32 s3, s7  }
0x2b1: {  	[hbm4b:s7+s4] =	stream.linear.scatter [tilespmem:s15], [sflag:$0x5], $0x4000, $0x38;
	[tilespmem:$0x1B200] =	vst v63  }
0x2b2: {  	s7 =	simm.s32 @!p0 $0x7  }
0x2b3: {  	_ =	swait.ge @!p0 [sflag:s7], $0x4000  }
0x2b4: {  	s31 =	sshll.u32 s30, $0x7;
	[sflag:s7] =	ssyncset.done @!p0 $0x0  }
0x2b5: {  	[sflag:s7] =	ssyncadd.s32 @!p0 $0xFFFFC000;
	s7 =	sor.u32 $0x40, s31  }
0x2b6: {  	v3 =	vld [tilespmem:s7+$0x0];
	_ =	sdelay $0x4  }
0x2b7: {  	v4 =	vshll.u32 v3, $0x2  }
0x2b8: {  	v3 =	vand.u32 $0x7, v3;
	v4 =	vand.u32 $0xFFFFFFE0, v4  }
0x2b9: {  	v3 =	vor.u32 v3, v4  }
0x2ba: {  	v4 =	vperm.xlane v3, v0;
	_ =	sdelay $0x1  }
0x2bb: {  	v4 =	vadd.s32 v1, v4;
	_ =	sdelay $0x1  }
0x2bc: {  	v3 =	vperm.xlane v3, v2;
	_ =	sdelay $0x1  }
0x2bd: {  	s16 =	simm.s32 $0x0;
	s18 =	simm.s32 $0xB200;
	v3 =	vadd.s32 v1, v3  }
0x2be: {  	[tilespmem:s18], [sflag:$0x3] =	stream.indirect_vreg.gather [hbm4b:s2+s16], $0x80, v4, vm0, $0xb8;
	[tilespmem:$0x1B200] =	vst v63  }
0x2bf: {  	s19 =	simm.s32 $0xBA00  }
0x2c0: {  	[tilespmem:s19], [sflag:$0x3] =	stream.indirect_vreg.gather [hbm4b:s9+s16], $0x80, v4, vm0, $0xb8;
	[tilespmem:$0x1B200] =	vst v63  }
0x2c1: {  	s20 =	simm.s32 $0xC200  }
0x2c2: {  	[tilespmem:s20], [sflag:$0x3] =	stream.indirect_vreg.gather [hbm4b:s2+s16], $0x80, v3, vm0, $0xb8;
	[tilespmem:$0x1B200] =	vst v63  }
0x2c3: {  	s21 =	simm.s32 $0xCA00  }
0x2c4: {  	[tilespmem:s21], [sflag:$0x3] =	stream.indirect_vreg.gather [hbm4b:s9+s16], $0x80, v3, vm0, $0xb8;
	[tilespmem:$0x1B200] =	vst v63  }
0x2c5: {  	v3 =	vld [tilespmem:s31+$0x50];
	_ =	sdelay $0x4  }
0x2c6: {  	v4 =	vshll.u32 v3, $0x2  }
0x2c7: {  	v3 =	vand.u32 $0x7, v3;
	v4 =	vand.u32 $0xFFFFFFE0, v4  }
0x2c8: {  	v3 =	vor.u32 v3, v4  }
0x2c9: {  	v4 =	vperm.xlane v3, v0;
	_ =	sdelay $0x1  }
0x2ca: {  	v4 =	vadd.s32 v1, v4;
	_ =	sdelay $0x1  }
0x2cb: {  	v3 =	vperm.xlane v3, v2;
	_ =	sdelay $0x1  }
0x2cc: {  	s22 =	simm.s32 $0xD200;
	v3 =	vadd.s32 v1, v3  }
0x2cd: {  	[tilespmem:s22], [sflag:$0x3] =	stream.indirect_vreg.gather [hbm4b:s2+s16], $0x80, v4, vm0, $0xb8;
	[tilespmem:$0x1B200] =	vst v63  }
0x2ce: {  	s23 =	simm.s32 $0xDA00  }
0x2cf: {  	[tilespmem:s23], [sflag:$0x3] =	stream.indirect_vreg.gather [hbm4b:s9+s16], $0x80, v4, vm0, $0xb8;
	[tilespmem:$0x1B200] =	vst v63  }
0x2d0: {  	s25 =	simm.s32 $0xE200  }
0x2d1: {  	[tilespmem:s25], [sflag:$0x3] =	stream.indirect_vreg.gather [hbm4b:s2+s16], $0x80, v3, vm0, $0xb8;
	[tilespmem:$0x1B200] =	vst v63  }
0x2d2: {  	s28 =	simm.s32 $0xEA00  }
0x2d3: {  	[tilespmem:s28], [sflag:$0x3] =	stream.indirect_vreg.gather [hbm4b:s9+s16], $0x80, v3, vm0, $0xb8;
	[tilespmem:$0x1B200] =	vst v63  }
0x2d4: {  	v3 =	vld [tilespmem:s31+$0x1940];
	_ =	sdelay $0x4  }
0x2d5: {  	v4 =	vshll.u32 v3, $0x1  }
0x2d6: {  	v3 =	vand.u32 $0x7, v3;
	v4 =	vand.u32 $0xFFFFFFF0, v4  }
0x2d7: {  	v3 =	vor.u32 v3, v4  }
0x2d8: {  	v4 =	vperm.xlane v3, v0;
	_ =	sdelay $0x1  }
0x2d9: {  	v3 =	vperm.xlane v3, v2;
	v4 =	vadd.s32 v1, v4;
	_ =	sdelay $0x1  }
0x2da: {  	v3 =	vadd.s32 v1, v3;
	_ =	sdelay $0x1  }
0x2db: {  	s10 =	simm.s32 $0x17200  }
0x2dc: {  	[tilespmem:s10], [sflag:$0x3] =	stream.indirect_vreg.gather [hbm4b:s6+s16], $0x80, v4, vm0, $0xb8;
	[tilespmem:$0x1B200] =	vst v63  }
0x2dd: {  	s11 =	simm.s32 $0x17A00  }
0x2de: {  	[tilespmem:s11], [sflag:$0x3] =	stream.indirect_vreg.gather [hbm4b:s6+s16], $0x80, v3, vm0, $0xb8;
	[tilespmem:$0x1B200] =	vst v63  }
0x2df: {  	v3 =	vld [tilespmem:s31+$0x1950];
	_ =	sdelay $0x4  }
0x2e0: {  	v4 =	vshll.u32 v3, $0x1  }
0x2e1: {  	v3 =	vand.u32 $0x7, v3;
	v4 =	vand.u32 $0xFFFFFFF0, v4  }
0x2e2: {  	v3 =	vor.u32 v3, v4  }
0x2e3: {  	v4 =	vperm.xlane v3, v0;
	_ =	sdelay $0x1  }
0x2e4: {  	v3 =	vperm.xlane v3, v2;
	v4 =	vadd.s32 v1, v4;
	_ =	sdelay $0x1  }
0x2e5: {  	v3 =	vadd.s32 v1, v3;
	_ =	sdelay $0x1  }
0x2e6: {  	s12 =	simm.s32 $0x18200  }
0x2e7: {  	[tilespmem:s12], [sflag:$0x3] =	stream.indirect_vreg.gather [hbm4b:s6+s16], $0x80, v4, vm0, $0xb8;
	[tilespmem:$0x1B200] =	vst v63  }
0x2e8: {  	s13 =	simm.s32 $0x18A00  }
0x2e9: {  	[tilespmem:s13], [sflag:$0x3] =	stream.indirect_vreg.gather [hbm4b:s6+s16], $0x80, v3, vm0, $0xb8;
	[tilespmem:$0x1B200] =	vst v63  }
0x2ea: {  	_ =	swait.ge [sflag:s1], $0x4000  }
0x2eb: {  	s8 =	sand.u32 $0x300, s16;
	[sflag:s1] =	ssyncset.done $0x0  }
0x2ec: {  	s14 =	sor.u32 $0x80, s8;
	s10 =	simm.s32 $0x0;
	[sflag:s1] =	ssyncadd.s32 $0xFFFFC000  }
0x2ed: {  	s10 =	sand.u32 $0x3FFFF800, s10;
	s11 =	simm.s32 $0x0;
	_ =	swait.ge [sflag:s1], $0x2000  }
0x2ee: {  	s10 =	sadd.s32 $0x15200, s10;
	s11 =	sand.u32 $0x3FFFF000, s11;
	[sflag:s1] =	ssyncset.done $0x0  }
0x2ef: {  	s11 =	sadd.s32 $0x7200, s11;
	s13 =	sadd.s32 s14, s10;
	[sflag:s1] =	ssyncadd.s32 $0xFFFFE000  }
0x2f0: {  	s20 =	sadd.s32 s14, s11;
	v3 =	vld [tilespmem:s13+$0x0]  }
0x2f1: {  	v4 =	vld [tilespmem:s20+$0x0]  }
0x2f2: {  	v5 =	vld [tilespmem:s20+$0x10];
	_ =	sdelay $0x2  }
0x2f3: {  	s19 =	sadd.s32 s8, s10;
	v6 =	vunpack.i.l.bf16.f32 v3  }
0x2f4: {  	s14 =	sadd.s32 s8, s11;
	v7 =	vld [tilespmem:s19+$0x0];
	v3 =	vunpack.i.u.bf16.f32 v3;
	v4 =	vadd.f32 v4, v6  }
0x2f5: {  	v6 =	vld [tilespmem:s14+$0x0];
	v3 =	vadd.f32 v5, v3  }
0x2f6: {  	v5 =	vld [tilespmem:s14+$0x10];
	[tilespmem:s20+$0x0] =	vst v4  }
0x2f7: {  	[tilespmem:s20+$0x10] =	vst v3  }
0x2f8: {  	v3 =	vld [tilespmem:s13+$0x10]  }
0x2f9: {  	v9 =	vld [tilespmem:s20+$0x20];
	v8 =	vunpack.i.l.bf16.f32 v7  }
0x2fa: {  	v7 =	vunpack.i.u.bf16.f32 v7;
	v6 =	vadd.f32 v6, v8;
	v8 =	vld [tilespmem:s20+$0x30]  }
0x2fb: {  	v5 =	vadd.f32 v5, v7;
	_ =	sdelay $0x1  }
0x2fc: {  	[tilespmem:s14+$0x10] =	vst v5;
	v5 =	vunpack.i.l.bf16.f32 v3  }
0x2fd: {  	[tilespmem:s14+$0x0] =	vst v6;
	v3 =	vunpack.i.u.bf16.f32 v3;
	v5 =	vadd.f32 v9, v5  }
0x2fe: {  	v6 =	vld [tilespmem:s19+$0x10];
	v3 =	vadd.f32 v8, v3  }
0x2ff: {  	v4 =	vld [tilespmem:s14+$0x20];
	[tilespmem:s20+$0x20] =	vst v5  }
0x300: {  	v7 =	vld [tilespmem:s14+$0x30];
	[tilespmem:s20+$0x30] =	vst v3  }
0x301: {  	v3 =	vld [tilespmem:s13+$0x20]  }
0x302: {  	v9 =	vld [tilespmem:s20+$0x40]  }
0x303: {  	v11 =	vld [tilespmem:s20+$0x50];
	v10 =	vunpack.i.l.bf16.f32 v6  }
0x304: {  	v6 =	vunpack.i.u.bf16.f32 v6;
	v4 =	vadd.f32 v4, v10  }
0x305: {  	v6 =	vadd.f32 v7, v6  }
0x306: {  	[tilespmem:s14+$0x20] =	vst v4;
	v4 =	vunpack.i.l.bf16.f32 v3  }
0x307: {  	[tilespmem:s14+$0x30] =	vst v6;
	v3 =	vunpack.i.u.bf16.f32 v3;
	v4 =	vadd.f32 v9, v4  }
0x308: {  	v6 =	vld [tilespmem:s19+$0x20];
	v3 =	vadd.f32 v11, v3  }
0x309: {  	v8 =	vld [tilespmem:s14+$0x40];
	[tilespmem:s20+$0x40] =	vst v4  }
0x30a: {  	v5 =	vld [tilespmem:s14+$0x50];
	[tilespmem:s20+$0x50] =	vst v3  }
0x30b: {  	v3 =	vld [tilespmem:s13+$0x30]  }
0x30c: {  	v10 =	vld [tilespmem:s20+$0x60]  }
0x30d: {  	v12 =	vld [tilespmem:s20+$0x70];
	v11 =	vunpack.i.l.bf16.f32 v6  }
0x30e: {  	v6 =	vunpack.i.u.bf16.f32 v6;
	v8 =	vadd.f32 v8, v11  }
0x30f: {  	v5 =	vadd.f32 v5, v6  }
0x310: {  	[tilespmem:s14+$0x40] =	vst v8;
	v8 =	vunpack.i.l.bf16.f32 v3  }
0x311: {  	[tilespmem:s14+$0x50] =	vst v5;
	v3 =	vunpack.i.u.bf16.f32 v3;
	v5 =	vadd.f32 v10, v8  }
0x312: {  	v8 =	vld [tilespmem:s19+$0x30];
	v3 =	vadd.f32 v12, v3  }
0x313: {  	v7 =	vld [tilespmem:s14+$0x60];
	[tilespmem:s20+$0x60] =	vst v5  }
0x314: {  	v9 =	vld [tilespmem:s14+$0x70];
	[tilespmem:s20+$0x70] =	vst v3  }
0x315: {  	v3 =	vld [tilespmem:s13+$0x40]  }
0x316: {  	v11 =	vld [tilespmem:s20+$0x400]  }
0x317: {  	v13 =	vld [tilespmem:s20+$0x410];
	v12 =	vunpack.i.l.bf16.f32 v8  }
0x318: {  	v8 =	vunpack.i.u.bf16.f32 v8;
	v7 =	vadd.f32 v7, v12  }
0x319: {  	v17 =	vld [tilespmem:s14+$0x460];
	v8 =	vadd.f32 v9, v8  }
0x31a: {  	v20 =	vld [tilespmem:s14+$0x470];
	[tilespmem:s14+$0x60] =	vst v7;
	v7 =	vunpack.i.l.bf16.f32 v3  }
0x31b: {  	v14 =	vld [tilespmem:s14+$0x800];
	[tilespmem:s14+$0x70] =	vst v8;
	v3 =	vunpack.i.u.bf16.f32 v3;
	v7 =	vadd.f32 v11, v7  }
0x31c: {  	v8 =	vld [tilespmem:s19+$0x40];
	v3 =	vadd.f32 v13, v3  }
0x31d: {  	v4 =	vld [tilespmem:s14+$0x400];
	[tilespmem:s20+$0x400] =	vst v7  }
0x31e: {  	v6 =	vld [tilespmem:s14+$0x410];
	[tilespmem:s20+$0x410] =	vst v3  }
0x31f: {  	v3 =	vld [tilespmem:s13+$0x50]  }
0x320: {  	v7 =	vld [tilespmem:s20+$0x420]  }
0x321: {  	v13 =	vld [tilespmem:s20+$0x430];
	v11 =	vunpack.i.l.bf16.f32 v8  }
0x322: {  	v10 =	vld [tilespmem:s14+$0x420];
	v8 =	vunpack.i.u.bf16.f32 v8;
	v4 =	vadd.f32 v4, v11  }
0x323: {  	v5 =	vld [tilespmem:s14+$0x430];
	v6 =	vadd.f32 v6, v8  }
0x324: {  	v9 =	vld [tilespmem:s14+$0x440];
	[tilespmem:s14+$0x400] =	vst v4;
	v4 =	vunpack.i.l.bf16.f32 v3  }
0x325: {  	v12 =	vld [tilespmem:s14+$0x450];
	[tilespmem:s14+$0x410] =	vst v6;
	v3 =	vunpack.i.u.bf16.f32 v3;
	v4 =	vadd.f32 v7, v4  }
0x326: {  	v7 =	vld [tilespmem:s19+$0x50];
	v3 =	vadd.f32 v13, v3  }
0x327: {  	v16 =	vld [tilespmem:s14+$0x810];
	[tilespmem:s20+$0x420] =	vst v4  }
0x328: {  	[tilespmem:s20+$0x430] =	vst v3  }
0x329: {  	v3 =	vld [tilespmem:s13+$0x60]  }
0x32a: {  	v4 =	vld [tilespmem:s20+$0x440]  }
0x32b: {  	v8 =	vld [tilespmem:s20+$0x450];
	v6 =	vunpack.i.l.bf16.f32 v7  }
0x32c: {  	v15 =	vld [tilespmem:s14+$0x850];
	v11 =	vunpack.i.u.bf16.f32 v7;
	v10 =	vadd.f32 v10, v6  }
0x32d: {  	v18 =	vld [tilespmem:s20+$0x470];
	v11 =	vadd.f32 v5, v11  }
0x32e: {  	v21 =	vld [tilespmem:s20+$0x810];
	[tilespmem:s14+$0x420] =	vst v10;
	v10 =	vunpack.i.l.bf16.f32 v3  }
0x32f: {  	v19 =	vld [tilespmem:s14+$0xC30];
	[tilespmem:s14+$0x430] =	vst v11;
	v3 =	vunpack.i.u.bf16.f32 v3;
	v4 =	vadd.f32 v4, v10  }
0x330: {  	v10 =	vld [tilespmem:s19+$0x60];
	v3 =	vadd.f32 v8, v3  }
0x331: {  	s15 =	simm.s32 $0x200;
	s16 =	simm.s32 $0x100;
	v22 =	vld [tilespmem:s20+$0x820];
	[tilespmem:s20+$0x440] =	vst v4  }
0x332: {  	s8 =	sand.u32 $0x3FFFF800, s15;
	s18 =	sand.u32 $0x300, s16;
	v23 =	vld [tilespmem:s20+$0x830];
	[tilespmem:s20+$0x450] =	vst v3  }
0x333: {  	s21 =	simm.s32 $0x400;
	s8 =	sadd.s32 $0x15200, s8;
	s22 =	sor.u32 $0x80, s18;
	v3 =	vld [tilespmem:s13+$0x70]  }
0x334: {  	s10 =	sand.u32 $0x3FFFF000, s21;
	s11 =	sadd.s32 s22, s8;
	v4 =	vld [tilespmem:s20+$0x460]  }
0x335: {  	s16 =	sadd.s32 $0x7200, s10;
	v25 =	vld [tilespmem:s11+$0x0];
	v13 =	vunpack.i.l.bf16.f32 v10  }
0x336: {  	s12 =	sadd.s32 s18, s8;
	s8 =	sadd.s32 s18, s16;
	v27 =	vld [tilespmem:s20+$0x840];
	v10 =	vunpack.i.u.bf16.f32 v10;
	v9 =	vadd.f32 v9, v13  }
0x337: {  	s10 =	sadd.s32 s22, s16;
	v28 =	vld [tilespmem:s8+$0x0];
	v10 =	vadd.f32 v12, v10  }
0x338: {  	v30 =	vld [tilespmem:s10+$0x30];
	[tilespmem:s14+$0x440] =	vst v9;
	v9 =	vunpack.i.l.bf16.f32 v3  }
0x339: {  	v31 =	vld [tilespmem:s10+$0x50];
	[tilespmem:s14+$0x450] =	vst v10;
	v3 =	vunpack.i.u.bf16.f32 v3;
	v4 =	vadd.f32 v4, v9  }
0x33a: {  	v9 =	vld [tilespmem:s19+$0x70];
	v3 =	vadd.f32 v18, v3  }
0x33b: {  	v62 =	vld [tilespmem:s10+$0x70];
	[tilespmem:s20+$0x460] =	vst v4  }
0x33c: {  	v63 =	vld [tilespmem:s8+$0x410];
	[tilespmem:s20+$0x470] =	vst v3  }
0x33d: {  	v3 =	vld [tilespmem:s13+$0x400]  }
0x33e: {  	s25 =	simm.s32 $0x200;
	s28 =	simm.s32 $0x800;
	v4 =	vld [tilespmem:s20+$0x800]  }
0x33f: {  	s23 =	simm.s32 $0x400;
	s18 =	sand.u32 $0x300, s25;
	s22 =	sand.u32 $0x3FFFF000, s28;
	v40 =	vld [tilespmem:s8+$0x420];
	v10 =	vunpack.i.l.bf16.f32 v9  }
0x340: {  	s15 =	sand.u32 $0x3FFFF800, s23;
	s23 =	sor.u32 $0x80, s18;
	s21 =	sadd.s32 $0x7200, s22;
	v41 =	vld [tilespmem:s10+$0x400];
	v17 =	vadd.f32 v17, v10  }
0x341: {  	s28 =	sadd.s32 s23, s21;
	v42 =	vld [tilespmem:s10+$0x410]  }
0x342: {  	v43 =	vld [tilespmem:s28+$0x50];
	[tilespmem:s14+$0x460] =	vst v17;
	v17 =	vunpack.i.l.bf16.f32 v3  }
0x343: {  	v44 =	vld [tilespmem:s8+$0x450];
	v3 =	vunpack.i.u.bf16.f32 v3;
	v4 =	vadd.f32 v4, v17  }
0x344: {  	v45 =	vld [tilespmem:s8+$0x460];
	v9 =	vunpack.i.u.bf16.f32 v9;
	v3 =	vadd.f32 v21, v3  }
0x345: {  	v46 =	vld [tilespmem:s8+$0x470];
	v20 =	vadd.f32 v20, v9;
	[tilespmem:s20+$0x800] =	vst v4  }
0x346: {  	v47 =	vld [tilespmem:s10+$0x440];
	[tilespmem:s20+$0x810] =	vst v3  }
0x347: {  	[tilespmem:s14+$0x470] =	vst v20;
	v20 =	vld [tilespmem:s13+$0x410]  }
0x348: {  	v48 =	vld [tilespmem:s10+$0x450]  }
0x349: {  	v50 =	vld [tilespmem:s28+$0x420]  }
0x34a: {  	v51 =	vld [tilespmem:s28+$0x430]  }
0x34b: {  	v52 =	vld [tilespmem:s10+$0x460]  }
0x34c: {  	v7 =	vld [tilespmem:s14+$0x830];
	v24 =	vunpack.i.l.bf16.f32 v20  }
0x34d: {  	v6 =	vld [tilespmem:s14+$0x820];
	v20 =	vunpack.i.u.bf16.f32 v20;
	v22 =	vadd.f32 v22, v24  }
0x34e: {  	v24 =	vld [tilespmem:s10+$0x0];
	v20 =	vadd.f32 v23, v20  }
0x34f: {  	v23 =	vld [tilespmem:s10+$0x10];
	[tilespmem:s20+$0x820] =	vst v22  }
0x350: {  	v5 =	vld [tilespmem:s14+$0x840];
	[tilespmem:s20+$0x830] =	vst v20  }
0x351: {  	v20 =	vld [tilespmem:s13+$0x420]  }
0x352: {  	v26 =	vunpack.i.l.bf16.f32 v25;
	v11 =	vld [tilespmem:s14+$0x860]  }
0x353: {  	v25 =	vunpack.i.u.bf16.f32 v25;
	v24 =	vadd.f32 v24, v26;
	v26 =	vld [tilespmem:s20+$0x850]  }
0x354: {  	v22 =	vld [tilespmem:s12+$0x0];
	v23 =	vadd.f32 v23, v25  }
0x355: {  	v8 =	vld [tilespmem:s14+$0x870];
	[tilespmem:s10+$0x0] =	vst v24  }
0x356: {  	v25 =	vld [tilespmem:s8+$0x10];
	[tilespmem:s10+$0x10] =	vst v23;
	v23 =	vunpack.i.l.bf16.f32 v20  }
0x357: {  	v29 =	vld [tilespmem:s11+$0x10];
	v20 =	vunpack.i.u.bf16.f32 v20;
	v23 =	vadd.f32 v27, v23  }
0x358: {  	v27 =	vld [tilespmem:s10+$0x20];
	v20 =	vadd.f32 v26, v20  }
0x359: {  	v13 =	vld [tilespmem:s14+$0xC00];
	v26 =	vunpack.i.l.bf16.f32 v22;
	[tilespmem:s20+$0x840] =	vst v23  }
0x35a: {  	v12 =	vld [tilespmem:s14+$0xC10];
	v22 =	vunpack.i.u.bf16.f32 v22;
	v23 =	vadd.f32 v28, v26;
	[tilespmem:s20+$0x850] =	vst v20  }
0x35b: {  	v20 =	vadd.f32 v25, v22;
	v22 =	vld [tilespmem:s13+$0x430]  }
0x35c: {  	v25 =	vld [tilespmem:s20+$0x860];
	[tilespmem:s8+$0x0] =	vst v23;
	v23 =	vunpack.i.l.bf16.f32 v29  }
0x35d: {  	[tilespmem:s8+$0x10] =	vst v20;
	v20 =	vunpack.i.u.bf16.f32 v29;
	v23 =	vadd.f32 v27, v23;
	v27 =	vld [tilespmem:s20+$0x870]  }
0x35e: {  	v28 =	vld [tilespmem:s12+$0x10];
	v20 =	vadd.f32 v30, v20  }
0x35f: {  	v24 =	vld [tilespmem:s8+$0x20];
	[tilespmem:s10+$0x20] =	vst v23  }
0x360: {  	v26 =	vld [tilespmem:s8+$0x30];
	[tilespmem:s10+$0x30] =	vst v20;
	v20 =	vunpack.i.l.bf16.f32 v22  }
0x361: {  	v30 =	vld [tilespmem:s11+$0x20];
	v22 =	vunpack.i.u.bf16.f32 v22;
	v20 =	vadd.f32 v25, v20  }
0x362: {  	v25 =	vld [tilespmem:s10+$0x40];
	v22 =	vadd.f32 v27, v22  }
0x363: {  	v18 =	vld [tilespmem:s14+$0xC20];
	v27 =	vunpack.i.l.bf16.f32 v28;
	[tilespmem:s20+$0x860] =	vst v20  }
0x364: {  	v10 =	vld [tilespmem:s14+$0xC40];
	v20 =	vunpack.i.u.bf16.f32 v28;
	v24 =	vadd.f32 v24, v27;
	[tilespmem:s20+$0x870] =	vst v22  }
0x365: {  	v20 =	vadd.f32 v26, v20;
	v22 =	vld [tilespmem:s13+$0x440]  }
0x366: {  	v26 =	vld [tilespmem:s20+$0xC00];
	[tilespmem:s8+$0x20] =	vst v24;
	v24 =	vunpack.i.l.bf16.f32 v30  }
0x367: {  	[tilespmem:s8+$0x30] =	vst v20;
	v20 =	vunpack.i.u.bf16.f32 v30;
	v24 =	vadd.f32 v25, v24;
	v25 =	vld [tilespmem:s20+$0xC10]  }
0x368: {  	v29 =	vld [tilespmem:s8+$0x40];
	v20 =	vadd.f32 v31, v20  }
0x369: {  	v28 =	vld [tilespmem:s12+$0x20];
	[tilespmem:s10+$0x40] =	vst v24  }
0x36a: {  	s0 =	sadd.s32 $0x15200, s15;
	v23 =	vld [tilespmem:s8+$0x50];
	[tilespmem:s10+$0x50] =	vst v20;
	v61 =	vunpack.i.l.bf16.f32 v22  }
0x36b: {  	s15 =	sadd.s32 s23, s0;
	v22 =	vunpack.i.u.bf16.f32 v22;
	v20 =	vld [tilespmem:s11+$0x30];
	v26 =	vadd.f32 v26, v61  }
0x36c: {  	v22 =	vadd.f32 v25, v22;
	v25 =	vld [tilespmem:s15+$0x0]  }
0x36d: {  	[tilespmem:s20+$0xC00] =	vst v26;
	v26 =	vld [tilespmem:s28+$0x0]  }
0x36e: {  	v36 =	vunpack.i.l.bf16.f32 v28;
	[tilespmem:s20+$0xC10] =	vst v22;
	v22 =	vld [tilespmem:s28+$0x10]  }
0x36f: {  	v27 =	vld [tilespmem:s8+$0x60];
	v28 =	vunpack.i.u.bf16.f32 v28;
	v29 =	vadd.f32 v29, v36  }
0x370: {  	v31 =	vld [tilespmem:s10+$0x60];
	v23 =	vadd.f32 v23, v28;
	v37 =	vunpack.i.l.bf16.f32 v20;
	v20 =	vunpack.i.u.bf16.f32 v20  }
0x371: {  	v28 =	vld [tilespmem:s13+$0x450];
	[tilespmem:s8+$0x40] =	vst v29;
	v20 =	vadd.f32 v62, v20;
	v38 =	vunpack.i.l.bf16.f32 v25  }
0x372: {  	v29 =	vld [tilespmem:s20+$0xC20];
	[tilespmem:s8+$0x50] =	vst v23;
	v25 =	vunpack.i.u.bf16.f32 v25;
	v26 =	vadd.f32 v26, v38  }
0x373: {  	v23 =	vld [tilespmem:s20+$0xC30];
	[tilespmem:s10+$0x70] =	vst v20;
	v20 =	vadd.f32 v22, v25  }
0x374: {  	v39 =	vld [tilespmem:s12+$0x30];
	[tilespmem:s28+$0x0] =	vst v26  }
0x375: {  	v30 =	vld [tilespmem:s8+$0x70];
	v31 =	vadd.f32 v31, v37;
	[tilespmem:s28+$0x10] =	vst v20  }
0x376: {  	v20 =	vld [tilespmem:s15+$0x10]  }
0x377: {  	[tilespmem:s10+$0x60] =	vst v31;
	v31 =	vld [tilespmem:s28+$0x20];
	v26 =	vunpack.i.l.bf16.f32 v28  }
0x378: {  	v28 =	vunpack.i.u.bf16.f32 v28;
	v26 =	vadd.f32 v29, v26;
	v29 =	vld [tilespmem:s28+$0x30]  }
0x379: {  	v9 =	vld [tilespmem:s14+$0xC50];
	v23 =	vadd.f32 v23, v28;
	v28 =	vunpack.i.l.bf16.f32 v39  }
0x37a: {  	v21 =	vld [tilespmem:s19+$0x400];
	v33 =	vunpack.i.u.bf16.f32 v39;
	[tilespmem:s20+$0xC20] =	vst v26;
	v26 =	vadd.f32 v27, v28  }
0x37b: {  	v25 =	vld [tilespmem:s11+$0x40];
	v27 =	vadd.f32 v30, v33;
	[tilespmem:s20+$0xC30] =	vst v23;
	v23 =	vunpack.i.l.bf16.f32 v20  }
0x37c: {  	v17 =	vld [tilespmem:s20+$0xC60];
	[tilespmem:s8+$0x60] =	vst v26;
	v20 =	vunpack.i.u.bf16.f32 v20;
	v23 =	vadd.f32 v31, v23  }
0x37d: {  	v30 =	vld [tilespmem:s13+$0x460];
	[tilespmem:s8+$0x70] =	vst v27;
	v20 =	vadd.f32 v29, v20  }
0x37e: {  	v26 =	vld [tilespmem:s20+$0xC40];
	[tilespmem:s28+$0x20] =	vst v23  }
0x37f: {  	v27 =	vld [tilespmem:s20+$0xC50];
	[tilespmem:s28+$0x30] =	vst v20  }
0x380: {  	v20 =	vunpack.i.l.bf16.f32 v25;
	v29 =	vld [tilespmem:s15+$0x20]  }
0x381: {  	v31 =	vld [tilespmem:s28+$0x40];
	v25 =	vunpack.i.u.bf16.f32 v25;
	v20 =	vadd.f32 v41, v20  }
0x382: {  	v3 =	vld [tilespmem:s14+$0xC60];
	v25 =	vadd.f32 v42, v25  }
0x383: {  	v23 =	vld [tilespmem:s12+$0x40];
	[tilespmem:s10+$0x400] =	vst v20;
	v20 =	vunpack.i.l.bf16.f32 v30  }
0x384: {  	v24 =	vld [tilespmem:s8+$0x400];
	[tilespmem:s10+$0x410] =	vst v25;
	v25 =	vunpack.i.u.bf16.f32 v30;
	v20 =	vadd.f32 v26, v20  }
0x385: {  	v4 =	vld [tilespmem:s14+$0xC70];
	v25 =	vadd.f32 v27, v25;
	v27 =	vunpack.i.l.bf16.f32 v29  }
0x386: {  	v58 =	vld [tilespmem:s10+$0x800];
	[tilespmem:s20+$0xC40] =	vst v20;
	v20 =	vunpack.i.u.bf16.f32 v29;
	v27 =	vadd.f32 v31, v27  }
0x387: {  	v26 =	vld [tilespmem:s11+$0x50];
	[tilespmem:s20+$0xC50] =	vst v25;
	v25 =	vadd.f32 v43, v20  }
0x388: {  	v30 =	vld [tilespmem:s10+$0x420];
	v20 =	vunpack.i.l.bf16.f32 v23;
	[tilespmem:s28+$0x40] =	vst v27  }
0x389: {  	v29 =	vld [tilespmem:s10+$0x430];
	v23 =	vunpack.i.u.bf16.f32 v23;
	v24 =	vadd.f32 v24, v20;
	[tilespmem:s28+$0x50] =	vst v25  }
0x38a: {  	v23 =	vadd.f32 v63, v23;
	v25 =	vunpack.i.l.bf16.f32 v21;
	v27 =	vld [tilespmem:s15+$0x30]  }
0x38b: {  	v21 =	vunpack.i.u.bf16.f32 v21;
	v14 =	vadd.f32 v14, v25;
	[tilespmem:s8+$0x400] =	vst v24;
	v24 =	vld [tilespmem:s28+$0x60]  }
0x38c: {  	v16 =	vadd.f32 v16, v21;
	v21 =	vunpack.i.l.bf16.f32 v26;
	[tilespmem:s8+$0x410] =	vst v23;
	v23 =	vld [tilespmem:s28+$0x70]  }
0x38d: {  	v59 =	vld [tilespmem:s10+$0x810];
	v21 =	vadd.f32 v30, v21;
	[tilespmem:s14+$0x800] =	vst v14;
	v14 =	vunpack.i.u.bf16.f32 v26  }
0x38e: {  	v22 =	vld [tilespmem:s8+$0x430];
	v14 =	vadd.f32 v29, v14  }
0x38f: {  	v28 =	vld [tilespmem:s8+$0x440];
	[tilespmem:s10+$0x420] =	vst v21;
	v21 =	vunpack.i.l.bf16.f32 v27  }
0x390: {  	v41 =	vld [tilespmem:s28+$0x470];
	[tilespmem:s10+$0x430] =	vst v14;
	v14 =	vunpack.i.u.bf16.f32 v27;
	v21 =	vadd.f32 v24, v21  }
0x391: {  	v31 =	vld [tilespmem:s8+$0x800];
	[tilespmem:s14+$0x810] =	vst v16;
	v14 =	vadd.f32 v23, v14  }
0x392: {  	v16 =	vld [tilespmem:s12+$0x50];
	[tilespmem:s28+$0x60] =	vst v21  }
0x393: {  	v20 =	vld [tilespmem:s13+$0x470];
	[tilespmem:s28+$0x70] =	vst v14  }
0x394: {  	v21 =	vld [tilespmem:s15+$0x40]  }
0x395: {  	v23 =	vld [tilespmem:s28+$0x400]  }
0x396: {  	v27 =	vld [tilespmem:s28+$0x410]  }
0x397: {  	v30 =	vld [tilespmem:s8+$0x810];
	v14 =	vunpack.i.l.bf16.f32 v16  }
0x398: {  	v26 =	vld [tilespmem:s11+$0x60];
	v16 =	vunpack.i.u.bf16.f32 v16;
	v14 =	vadd.f32 v40, v14  }
0x399: {  	v25 =	vld [tilespmem:s19+$0x410];
	v16 =	vadd.f32 v22, v16;
	v22 =	vunpack.i.l.bf16.f32 v21  }
0x39a: {  	v29 =	vld [tilespmem:s8+$0x820];
	[tilespmem:s8+$0x420] =	vst v14;
	v21 =	vunpack.i.u.bf16.f32 v21;
	v23 =	vadd.f32 v23, v22  }
0x39b: {  	v24 =	vld [tilespmem:s8+$0x830];
	[tilespmem:s8+$0x430] =	vst v16;
	v21 =	vadd.f32 v27, v21  }
0x39c: {  	v40 =	vld [tilespmem:s28+$0x460];
	[tilespmem:s28+$0x400] =	vst v23  }
0x39d: {  	v49 =	vld [tilespmem:s12+$0x60];
	v27 =	vunpack.i.l.bf16.f32 v26;
	v26 =	vunpack.i.u.bf16.f32 v26;
	[tilespmem:s28+$0x410] =	vst v21  }
0x39e: {  	v27 =	vadd.f32 v47, v27;
	v21 =	vadd.f32 v48, v26;
	v26 =	vld [tilespmem:s15+$0x50]  }
0x39f: {  	v14 =	vld [tilespmem:s8+$0x840]  }
0x3a0: {  	v16 =	vld [tilespmem:s8+$0x850];
	[tilespmem:s10+$0x440] =	vst v27;
	v27 =	vunpack.i.l.bf16.f32 v25  }
0x3a1: {  	v22 =	vld [tilespmem:s8+$0x860];
	[tilespmem:s10+$0x450] =	vst v21;
	v21 =	vunpack.i.u.bf16.f32 v25;
	v6 =	vadd.f32 v6, v27  }
0x3a2: {  	v25 =	vld [tilespmem:s11+$0x70];
	v7 =	vadd.f32 v7, v21;
	v21 =	vunpack.i.l.bf16.f32 v49  }
0x3a3: {  	v23 =	vld [tilespmem:s8+$0x870];
	[tilespmem:s14+$0x820] =	vst v6;
	v28 =	vadd.f32 v28, v21;
	v21 =	vunpack.i.l.bf16.f32 v26  }
0x3a4: {  	v6 =	vld [tilespmem:s10+$0x470];
	[tilespmem:s14+$0x830] =	vst v7;
	v7 =	vunpack.i.u.bf16.f32 v26;
	v26 =	vadd.f32 v50, v21  }
0x3a5: {  	v27 =	vld [tilespmem:s8+$0xC00];
	[tilespmem:s8+$0x440] =	vst v28;
	v7 =	vadd.f32 v51, v7  }
0x3a6: {  	v53 =	vld [tilespmem:s19+$0x420];
	[tilespmem:s28+$0x420] =	vst v26  }
0x3a7: {  	v28 =	vunpack.i.u.bf16.f32 v49;
	v49 =	vld [tilespmem:s28+$0x800];
	v54 =	vunpack.i.l.bf16.f32 v25;
	[tilespmem:s28+$0x430] =	vst v7  }
0x3a8: {  	v7 =	vunpack.i.u.bf16.f32 v25;
	v25 =	vadd.f32 v52, v54;
	v55 =	vld [tilespmem:s15+$0x60]  }
0x3a9: {  	v6 =	vadd.f32 v6, v7;
	v7 =	vld [tilespmem:s28+$0x440]  }
0x3aa: {  	v26 =	vadd.f32 v44, v28;
	[tilespmem:s10+$0x460] =	vst v25;
	v25 =	vld [tilespmem:s28+$0x450]  }
0x3ab: {  	v21 =	vld [tilespmem:s20+$0xC70]  }
0x3ac: {  	s16 =	sadd.s32 s18, s0;
	v50 =	vld [tilespmem:s28+$0x810];
	[tilespmem:s8+$0x450] =	vst v26  }
0x3ad: {  	v51 =	vld [tilespmem:s16+$0x0];
	[tilespmem:s10+$0x470] =	vst v6;
	v6 =	vunpack.i.l.bf16.f32 v55  }
0x3ae: {  	v56 =	vld [tilespmem:s12+$0x70];
	v35 =	vunpack.i.u.bf16.f32 v55;
	v6 =	vadd.f32 v7, v6  }
0x3af: {  	v57 =	vld [tilespmem:s11+$0x400];
	v7 =	vadd.f32 v25, v35  }
0x3b0: {  	v28 =	vld [tilespmem:s8+$0xC10];
	[tilespmem:s28+$0x440] =	vst v6  }
0x3b1: {  	v44 =	vld [tilespmem:s10+$0x820];
	[tilespmem:s28+$0x450] =	vst v7  }
0x3b2: {  	v34 =	vunpack.i.u.bf16.f32 v53;
	v62 =	vld [tilespmem:s15+$0x70]  }
0x3b3: {  	v52 =	vld [tilespmem:s10+$0x840];
	v15 =	vadd.f32 v15, v34;
	v60 =	vunpack.i.l.bf16.f32 v56  }
0x3b4: {  	v54 =	vld [tilespmem:s10+$0x850];
	v33 =	vadd.f32 v45, v60;
	v61 =	vunpack.i.l.bf16.f32 v57  }
0x3b5: {  	s13 =	sadd.s32 s18, s21;
	v26 =	vld [tilespmem:s8+$0xC20];
	[tilespmem:s14+$0x850] =	vst v15;
	v7 =	vunpack.i.u.bf16.f32 v57;
	v35 =	vadd.f32 v58, v61  }
0x3b6: {  	v55 =	vld [tilespmem:s13+$0x0];
	v63 =	vadd.f32 v59, v7;
	v7 =	vunpack.i.l.bf16.f32 v53;
	[tilespmem:s8+$0x460] =	vst v33  }
0x3b7: {  	v25 =	vld [tilespmem:s8+$0xC30];
	v5 =	vadd.f32 v5, v7;
	[tilespmem:s10+$0x800] =	vst v35;
	v45 =	vunpack.i.l.bf16.f32 v62  }
0x3b8: {  	v42 =	vunpack.i.u.bf16.f32 v56;
	v56 =	vld [tilespmem:s13+$0x10];
	[tilespmem:s10+$0x810] =	vst v63;
	v15 =	vunpack.i.u.bf16.f32 v62;
	v33 =	vadd.f32 v40, v45  }
0x3b9: {  	v6 =	vld [tilespmem:s8+$0xC40];
	[tilespmem:s14+$0x840] =	vst v5;
	v35 =	vadd.f32 v41, v15  }
0x3ba: {  	v43 =	vld [tilespmem:s11+$0x410];
	[tilespmem:s28+$0x460] =	vst v33  }
0x3bb: {  	v5 =	vadd.f32 v46, v42;
	v46 =	vld [tilespmem:s10+$0x830];
	[tilespmem:s28+$0x470] =	vst v35  }
0x3bc: {  	v48 =	vld [tilespmem:s15+$0x400]  }
0x3bd: {  	v60 =	vld [tilespmem:s28+$0x820]  }
0x3be: {  	v36 =	vunpack.i.u.bf16.f32 v51;
	v61 =	vunpack.i.l.bf16.f32 v51;
	v51 =	vld [tilespmem:s13+$0x40]  }
0x3bf: {  	v7 =	vld [tilespmem:s8+$0xC50];
	v47 =	vunpack.i.l.bf16.f32 v43  }
0x3c0: {  	v39 =	vadd.f32 v55, v61;
	v61 =	vld [tilespmem:s10+$0xC00];
	v34 =	vunpack.i.u.bf16.f32 v43;
	v32 =	vadd.f32 v44, v47  }
0x3c1: {  	v63 =	vld [tilespmem:s13+$0x30];
	[tilespmem:s8+$0x470] =	vst v5;
	v34 =	vadd.f32 v46, v34;
	v53 =	vunpack.i.l.bf16.f32 v48  }
0x3c2: {  	v37 =	vld [tilespmem:s19+$0x430];
	[tilespmem:s10+$0x820] =	vst v32;
	v33 =	vunpack.i.u.bf16.f32 v48;
	v35 =	vadd.f32 v49, v53  }
0x3c3: {  	v5 =	vld [tilespmem:s8+$0xC60];
	[tilespmem:s10+$0x830] =	vst v34;
	v32 =	vadd.f32 v50, v33  }
0x3c4: {  	v34 =	vld [tilespmem:s11+$0x420];
	[tilespmem:s28+$0x800] =	vst v35  }
0x3c5: {  	v62 =	vld [tilespmem:s28+$0x830];
	[tilespmem:s28+$0x810] =	vst v32  }
0x3c6: {  	v59 =	vld [tilespmem:s15+$0x410]  }
0x3c7: {  	v15 =	vld [tilespmem:s12+$0x400]  }
0x3c8: {  	v45 =	vadd.f32 v56, v36;
	v56 =	vld [tilespmem:s28+$0x840]  }
0x3c9: {  	[tilespmem:s13+$0x0] =	vst v39;
	v43 =	vld [tilespmem:s13+$0x470];
	v41 =	vunpack.i.l.bf16.f32 v34  }
0x3ca: {  	[tilespmem:s13+$0x10] =	vst v45;
	v47 =	vld [tilespmem:s10+$0x860];
	v57 =	vunpack.i.u.bf16.f32 v34;
	v58 =	vadd.f32 v52, v41  }
0x3cb: {  	v55 =	vunpack.i.l.bf16.f32 v37;
	v50 =	vld [tilespmem:s16+$0x10];
	v32 =	vadd.f32 v54, v57;
	v48 =	vunpack.i.l.bf16.f32 v59  }
0x3cc: {  	v11 =	vadd.f32 v11, v55;
	v55 =	vld [tilespmem:s10+$0xC30];
	[tilespmem:s10+$0x840] =	vst v58;
	v38 =	vunpack.i.u.bf16.f32 v59;
	v39 =	vadd.f32 v60, v48  }
0x3cd: {  	v35 =	vld [tilespmem:s13+$0x20];
	[tilespmem:s10+$0x850] =	vst v32;
	v34 =	vadd.f32 v62, v38  }
0x3ce: {  	v46 =	vld [tilespmem:s11+$0x430];
	[tilespmem:s28+$0x820] =	vst v39  }
0x3cf: {  	v49 =	vld [tilespmem:s10+$0x870];
	[tilespmem:s28+$0x830] =	vst v34  }
0x3d0: {  	v40 =	vunpack.i.u.bf16.f32 v50;
	v54 =	vld [tilespmem:s15+$0x420]  }
0x3d1: {  	[tilespmem:s14+$0x860] =	vst v11;
	v52 =	vld [tilespmem:s13+$0x50];
	v57 =	vunpack.i.l.bf16.f32 v50;
	v11 =	vadd.f32 v63, v40  }
0x3d2: {  	v58 =	vld [tilespmem:s28+$0x850];
	v35 =	vadd.f32 v35, v57;
	v59 =	vunpack.i.u.bf16.f32 v37  }
0x3d3: {  	v41 =	vld [tilespmem:s10+$0xC70];
	[tilespmem:s13+$0x30] =	vst v11;
	v8 =	vadd.f32 v8, v59;
	v42 =	vunpack.i.l.bf16.f32 v46  }
0x3d4: {  	v50 =	vld [tilespmem:s28+$0x870];
	[tilespmem:s13+$0x20] =	vst v35;
	v33 =	vunpack.i.u.bf16.f32 v46;
	v53 =	vadd.f32 v47, v42  }
0x3d5: {  	v63 =	vld [tilespmem:s13+$0x70];
	[tilespmem:s14+$0x870] =	vst v8;
	v32 =	vadd.f32 v49, v33;
	v62 =	vunpack.i.l.bf16.f32 v54  }
0x3d6: {  	v8 =	vld [tilespmem:s16+$0x20];
	[tilespmem:s10+$0x860] =	vst v53;
	v36 =	vunpack.i.u.bf16.f32 v54;
	v33 =	vadd.f32 v56, v62  }
0x3d7: {  	v40 =	vld [tilespmem:s13+$0x400];
	[tilespmem:s10+$0x870] =	vst v32;
	v34 =	vadd.f32 v58, v36  }
0x3d8: {  	v60 =	vld [tilespmem:s11+$0x440];
	[tilespmem:s28+$0x840] =	vst v33  }
0x3d9: {  	v11 =	vld [tilespmem:s10+$0xC10];
	[tilespmem:s28+$0x850] =	vst v34  }
0x3da: {  	v46 =	vld [tilespmem:s15+$0x430]  }
0x3db: {  	v48 =	vld [tilespmem:s28+$0x860];
	v49 =	vunpack.i.l.bf16.f32 v8  }
0x3dc: {  	v57 =	vld [tilespmem:s28+$0xC00];
	v8 =	vunpack.i.u.bf16.f32 v8;
	v51 =	vadd.f32 v51, v49  }
0x3dd: {  	v59 =	vld [tilespmem:s28+$0xC10];
	v8 =	vadd.f32 v52, v8;
	v45 =	vunpack.i.l.bf16.f32 v60  }
0x3de: {  	v42 =	vld [tilespmem:s13+$0x60];
	[tilespmem:s13+$0x40] =	vst v51;
	v47 =	vunpack.i.u.bf16.f32 v60;
	v32 =	vadd.f32 v61, v45  }
0x3df: {  	v44 =	vld [tilespmem:s19+$0x440];
	[tilespmem:s13+$0x50] =	vst v8;
	v11 =	vadd.f32 v11, v47;
	v52 =	vunpack.i.l.bf16.f32 v46  }
0x3e0: {  	v53 =	vld [tilespmem:s10+$0xC20];
	[tilespmem:s10+$0xC00] =	vst v32;
	v8 =	vunpack.i.u.bf16.f32 v46;
	v32 =	vadd.f32 v48, v52  }
0x3e1: {  	v54 =	vld [tilespmem:s16+$0x30];
	[tilespmem:s10+$0xC10] =	vst v11;
	v8 =	vadd.f32 v50, v8  }
0x3e2: {  	v36 =	vld [tilespmem:s13+$0x410];
	[tilespmem:s28+$0x860] =	vst v32  }
0x3e3: {  	v11 =	vld [tilespmem:s11+$0x450];
	[tilespmem:s28+$0x870] =	vst v8  }
0x3e4: {  	v56 =	vld [tilespmem:s15+$0x440]  }
0x3e5: {  	v51 =	vld [tilespmem:s10+$0xC40]  }
0x3e6: {  	v33 =	vld [tilespmem:s10+$0xC60];
	v58 =	vunpack.i.l.bf16.f32 v54  }
0x3e7: {  	v47 =	vld [tilespmem:s13+$0x440];
	v34 =	vunpack.i.u.bf16.f32 v54;
	v38 =	vadd.f32 v42, v58  }
0x3e8: {  	v45 =	vld [tilespmem:s13+$0x460];
	v34 =	vadd.f32 v63, v34;
	v8 =	vunpack.i.l.bf16.f32 v11;
	v11 =	vunpack.i.u.bf16.f32 v11  }
0x3e9: {  	v46 =	vld [tilespmem:s13+$0x430];
	[tilespmem:s13+$0x60] =	vst v38;
	v11 =	vadd.f32 v55, v11;
	v60 =	vunpack.i.l.bf16.f32 v56  }
0x3ea: {  	v63 =	vld [tilespmem:s28+$0xC20];
	[tilespmem:s13+$0x70] =	vst v34;
	v61 =	vunpack.i.u.bf16.f32 v56;
	v35 =	vadd.f32 v57, v60  }
0x3eb: {  	v42 =	vld [tilespmem:s13+$0x810];
	[tilespmem:s10+$0xC30] =	vst v11;
	v34 =	vadd.f32 v59, v61  }
0x3ec: {  	v11 =	vld [tilespmem:s16+$0x40];
	[tilespmem:s28+$0xC00] =	vst v35  }
0x3ed: {  	v58 =	vld [tilespmem:s28+$0xC40];
	[tilespmem:s28+$0xC10] =	vst v34  }
0x3ee: {  	v34 =	vld [tilespmem:s15+$0x450]  }
0x3ef: {  	v48 =	vld [tilespmem:s13+$0x450]  }
0x3f0: {  	v50 =	vld [tilespmem:s28+$0xC30];
	v8 =	vadd.f32 v53, v8  }
0x3f1: {  	v32 =	vld [tilespmem:s13+$0x420];
	v49 =	vunpack.i.l.bf16.f32 v11;
	v11 =	vunpack.i.u.bf16.f32 v11  }
0x3f2: {  	v53 =	vld [tilespmem:s10+$0xC50];
	[tilespmem:s10+$0xC20] =	vst v8;
	v11 =	vadd.f32 v36, v11  }
0x3f3: {  	v62 =	vld [tilespmem:s11+$0x460];
	v38 =	vadd.f32 v40, v49;
	v52 =	vunpack.i.l.bf16.f32 v34  }
0x3f4: {  	v8 =	vld [tilespmem:s8+$0xC70];
	[tilespmem:s13+$0x410] =	vst v11;
	v11 =	vunpack.i.u.bf16.f32 v34;
	v54 =	vadd.f32 v63, v52  }
0x3f5: {  	v40 =	vld [tilespmem:s13+$0x800];
	[tilespmem:s13+$0x400] =	vst v38;
	v11 =	vadd.f32 v50, v11  }
0x3f6: {  	v55 =	vld [tilespmem:s16+$0x50];
	[tilespmem:s28+$0xC20] =	vst v54  }
0x3f7: {  	v56 =	vunpack.i.l.bf16.f32 v15;
	v49 =	vld [tilespmem:s28+$0xC50];
	[tilespmem:s28+$0xC30] =	vst v11  }
0x3f8: {  	v11 =	vadd.f32 v31, v56;
	v31 =	vunpack.i.l.bf16.f32 v62;
	v57 =	vld [tilespmem:s15+$0x460]  }
0x3f9: {  	v37 =	vunpack.i.u.bf16.f32 v62;
	v35 =	vld [tilespmem:s13+$0x840];
	v31 =	vadd.f32 v51, v31  }
0x3fa: {  	v15 =	vunpack.i.u.bf16.f32 v15;
	v36 =	vld [tilespmem:s13+$0x850];
	[tilespmem:s8+$0x800] =	vst v11;
	v11 =	vadd.f32 v53, v37  }
0x3fb: {  	v15 =	vadd.f32 v30, v15;
	v38 =	vld [tilespmem:s13+$0x830];
	v59 =	vunpack.i.l.bf16.f32 v55;
	[tilespmem:s10+$0xC40] =	vst v31  }
0x3fc: {  	v37 =	vld [tilespmem:s13+$0x820];
	v31 =	vadd.f32 v32, v59;
	[tilespmem:s10+$0xC50] =	vst v11;
	v11 =	vunpack.i.u.bf16.f32 v55  }
0x3fd: {  	[tilespmem:s8+$0x810] =	vst v15;
	v32 =	vld [tilespmem:s13+$0x870];
	v11 =	vadd.f32 v46, v11;
	v30 =	vunpack.i.l.bf16.f32 v57  }
0x3fe: {  	v39 =	vld [tilespmem:s11+$0x470];
	[tilespmem:s13+$0x420] =	vst v31;
	v15 =	vunpack.i.u.bf16.f32 v57;
	v30 =	vadd.f32 v58, v30  }
0x3ff: {  	s25 =	simm.s32 $0x600;
	s11 =	simm.s32 $0x300;
	v31 =	vld [tilespmem:s13+$0x860];
	[tilespmem:s13+$0x430] =	vst v11;
	v11 =	vadd.f32 v49, v15  }
0x400: {  	s23 =	simm.s32 $0xC00;
	s18 =	sand.u32 $0x3FFFF800, s25;
	s0 =	sand.u32 $0x300, s11;
	v15 =	vld [tilespmem:s12+$0x410];
	[tilespmem:s28+$0xC40] =	vst v30  }
0x401: {  	s22 =	sand.u32 $0x3FFFF000, s23;
	s18 =	sadd.s32 $0x15200, s18;
	s23 =	sor.u32 $0x80, s0;
	v50 =	vld [tilespmem:s16+$0x60];
	[tilespmem:s28+$0xC50] =	vst v11  }
0x402: {  	s25 =	sadd.s32 $0x7200, s22;
	v34 =	vld [tilespmem:s15+$0x470];
	s15 =	sadd.s32 s23, s18  }
0x403: {  	s22 =	sadd.s32 s23, s25;
	v30 =	vld [tilespmem:s15+$0x0]  }
0x404: {  	v60 =	vld [tilespmem:s22+$0x0]  }
0x405: {  	s21 =	sadd.s32 s0, s25;
	v61 =	vld [tilespmem:s22+$0x10]  }
0x406: {  	v52 =	vld [tilespmem:s21+$0x0]  }
0x407: {  	v57 =	vld [tilespmem:s21+$0x10]  }
0x408: {  	v59 =	vld [tilespmem:s21+$0x20];
	s23 =	sadd.s32 s0, s18;
	v51 =	vunpack.i.l.bf16.f32 v30  }
0x409: {  	v62 =	vld [tilespmem:s23+$0x0];
	v30 =	vunpack.i.u.bf16.f32 v30;
	v46 =	vadd.f32 v60, v51  }
0x40a: {  	v63 =	vunpack.i.l.bf16.f32 v44;
	v53 =	vld [tilespmem:s21+$0x400];
	v30 =	vadd.f32 v61, v30  }
0x40b: {  	v13 =	vadd.f32 v13, v63;
	v11 =	vld [tilespmem:s13+$0xC00];
	v56 =	vunpack.i.l.bf16.f32 v15;
	[tilespmem:s22+$0x0] =	vst v46  }
0x40c: {  	v58 =	vld [tilespmem:s22+$0x30];
	v15 =	vunpack.i.u.bf16.f32 v15;
	v29 =	vadd.f32 v29, v56;
	[tilespmem:s22+$0x10] =	vst v30  }
0x40d: {  	[tilespmem:s14+$0xC00] =	vst v13;
	v13 =	vadd.f32 v24, v15;
	v15 =	vunpack.i.l.bf16.f32 v50;
	v30 =	vld [tilespmem:s15+$0x10]  }
0x40e: {  	v24 =	vld [tilespmem:s22+$0x20];
	v15 =	vadd.f32 v47, v15;
	[tilespmem:s8+$0x820] =	vst v29;
	v29 =	vunpack.i.l.bf16.f32 v62  }
0x40f: {  	v54 =	vld [tilespmem:s22+$0x50];
	[tilespmem:s8+$0x830] =	vst v13;
	v13 =	vunpack.i.u.bf16.f32 v62;
	v29 =	vadd.f32 v52, v29  }
0x410: {  	v44 =	vunpack.i.u.bf16.f32 v44;
	[tilespmem:s13+$0x440] =	vst v15;
	v62 =	vld [tilespmem:s22+$0x40];
	v15 =	vadd.f32 v57, v13  }
0x411: {  	v12 =	vadd.f32 v12, v44;
	v60 =	vld [tilespmem:s21+$0x30];
	[tilespmem:s21+$0x0] =	vst v29  }
0x412: {  	v61 =	vld [tilespmem:s12+$0x420];
	[tilespmem:s21+$0x10] =	vst v15;
	v29 =	vunpack.i.l.bf16.f32 v30  }
0x413: {  	[tilespmem:s14+$0xC10] =	vst v12;
	v12 =	vld [tilespmem:s23+$0x10];
	v15 =	vunpack.i.u.bf16.f32 v30;
	v24 =	vadd.f32 v24, v29  }
0x414: {  	v13 =	vld [tilespmem:s13+$0xC10];
	v15 =	vadd.f32 v58, v15  }
0x415: {  	v51 =	vld [tilespmem:s21+$0x50];
	[tilespmem:s22+$0x20] =	vst v24  }
0x416: {  	v46 =	vld [tilespmem:s21+$0x470];
	[tilespmem:s22+$0x30] =	vst v15  }
0x417: {  	v30 =	vunpack.i.u.bf16.f32 v50;
	v15 =	vld [tilespmem:s15+$0x20]  }
0x418: {  	v63 =	vunpack.i.l.bf16.f32 v12;
	v50 =	vld [tilespmem:s22+$0x470];
	v30 =	vadd.f32 v48, v30  }
0x419: {  	v12 =	vunpack.i.u.bf16.f32 v12;
	v29 =	vld [tilespmem:s19+$0x450];
	v47 =	vadd.f32 v59, v63  }
0x41a: {  	v48 =	vld [tilespmem:s21+$0x60];
	v58 =	vunpack.i.l.bf16.f32 v61;
	[tilespmem:s13+$0x450] =	vst v30;
	v30 =	vadd.f32 v60, v12  }
0x41b: {  	v14 =	vadd.f32 v14, v58;
	v58 =	vld [tilespmem:s21+$0x420];
	[tilespmem:s21+$0x20] =	vst v47  }
0x41c: {  	v24 =	vld [tilespmem:s21+$0x40];
	[tilespmem:s21+$0x30] =	vst v30;
	v55 =	vunpack.i.l.bf16.f32 v15  }
0x41d: {  	v56 =	vld [tilespmem:s23+$0x20];
	v15 =	vunpack.i.u.bf16.f32 v15;
	v30 =	vadd.f32 v62, v55  }
0x41e: {  	v12 =	vld [tilespmem:s13+$0xC20];
	v57 =	vadd.f32 v54, v15  }
0x41f: {  	v60 =	vld [tilespmem:s22+$0x60];
	[tilespmem:s22+$0x40] =	vst v30  }
0x420: {  	v47 =	vld [tilespmem:s21+$0x450];
	[tilespmem:s22+$0x50] =	vst v57  }
0x421: {  	v44 =	vunpack.i.u.bf16.f32 v61;
	v59 =	vld [tilespmem:s15+$0x30]  }
0x422: {  	v16 =	vadd.f32 v16, v44;
	v49 =	vld [tilespmem:s16+$0x70];
	v61 =	vunpack.i.l.bf16.f32 v56  }
0x423: {  	[tilespmem:s8+$0x840] =	vst v14;
	v62 =	vld [tilespmem:s22+$0x70];
	v14 =	vunpack.i.u.bf16.f32 v56;
	v24 =	vadd.f32 v24, v61  }
0x424: {  	[tilespmem:s8+$0x850] =	vst v16;
	v15 =	vld [tilespmem:s13+$0xC30];
	v16 =	vadd.f32 v51, v14  }
0x425: {  	v54 =	vld [tilespmem:s21+$0x410];
	[tilespmem:s21+$0x40] =	vst v24  }
0x426: {  	v55 =	vld [tilespmem:s12+$0x430];
	[tilespmem:s21+$0x50] =	vst v16;
	v24 =	vunpack.i.l.bf16.f32 v59  }
0x427: {  	v63 =	vunpack.i.l.bf16.f32 v49;
	v56 =	vld [tilespmem:s23+$0x30];
	v16 =	vunpack.i.u.bf16.f32 v59;
	v24 =	vadd.f32 v60, v24  }
0x428: {  	v44 =	vadd.f32 v45, v63;
	v63 =	vld [tilespmem:s22+$0x430];
	v57 =	vadd.f32 v62, v16  }
0x429: {  	v30 =	vld [tilespmem:s21+$0x70];
	[tilespmem:s22+$0x60] =	vst v24;
	v24 =	vunpack.i.l.bf16.f32 v29  }
0x42a: {  	v14 =	vld [tilespmem:s13+$0xC40];
	[tilespmem:s22+$0x70] =	vst v57;
	v18 =	vadd.f32 v18, v24  }
0x42b: {  	v29 =	vunpack.i.u.bf16.f32 v29;
	v24 =	vld [tilespmem:s15+$0x40]  }
0x42c: {  	v60 =	vld [tilespmem:s22+$0x400];
	[tilespmem:s14+$0xC20] =	vst v18;
	v18 =	vadd.f32 v19, v29;
	v19 =	vunpack.i.l.bf16.f32 v56  }
0x42d: {  	[tilespmem:s13+$0x460] =	vst v44;
	v44 =	vunpack.i.u.bf16.f32 v56;
	v29 =	vld [tilespmem:s22+$0x410];
	v19 =	vadd.f32 v48, v19  }
0x42e: {  	v61 =	vld [tilespmem:s21+$0x430];
	[tilespmem:s14+$0xC30] =	vst v18;
	v18 =	vadd.f32 v30, v44  }
0x42f: {  	v51 =	vld [tilespmem:s21+$0x460];
	v59 =	vunpack.i.u.bf16.f32 v49;
	[tilespmem:s21+$0x60] =	vst v19  }
0x430: {  	v16 =	vld [tilespmem:s13+$0xC50];
	v43 =	vadd.f32 v43, v59;
	v19 =	vunpack.i.l.bf16.f32 v24;
	[tilespmem:s21+$0x70] =	vst v18  }
0x431: {  	v18 =	vunpack.i.u.bf16.f32 v24;
	v19 =	vadd.f32 v60, v19;
	v24 =	vld [tilespmem:s23+$0x40]  }
0x432: {  	[tilespmem:s13+$0x470] =	vst v43;
	v43 =	vld [tilespmem:s28+$0xC70];
	v29 =	vadd.f32 v29, v18  }
0x433: {  	v62 =	vld [tilespmem:s16+$0x400];
	[tilespmem:s22+$0x400] =	vst v19  }
0x434: {  	v44 =	vld [tilespmem:s21+$0x440];
	v19 =	vunpack.i.l.bf16.f32 v55;
	[tilespmem:s22+$0x410] =	vst v29  }
0x435: {  	v30 =	vunpack.i.u.bf16.f32 v55;
	v19 =	vadd.f32 v22, v19;
	v29 =	vld [tilespmem:s15+$0x50]  }
0x436: {  	v23 =	vadd.f32 v23, v30;
	v22 =	vld [tilespmem:s22+$0x420];
	v30 =	vunpack.i.l.bf16.f32 v24  }
0x437: {  	v49 =	vld [tilespmem:s19+$0x460];
	[tilespmem:s8+$0x860] =	vst v19;
	v19 =	vunpack.i.u.bf16.f32 v24;
	v24 =	vadd.f32 v53, v30  }
0x438: {  	v18 =	vld [tilespmem:s13+$0xC60];
	[tilespmem:s8+$0x870] =	vst v23;
	v23 =	vadd.f32 v54, v19  }
0x439: {  	v55 =	vld [tilespmem:s22+$0x450];
	[tilespmem:s21+$0x400] =	vst v24  }
0x43a: {  	v52 =	vld [tilespmem:s12+$0x440];
	v24 =	vunpack.i.l.bf16.f32 v29;
	[tilespmem:s21+$0x410] =	vst v23  }
0x43b: {  	v23 =	vunpack.i.u.bf16.f32 v29;
	v22 =	vadd.f32 v22, v24;
	v24 =	vld [tilespmem:s23+$0x50]  }
0x43c: {  	v19 =	vld [tilespmem:s13+$0xC70];
	v23 =	vadd.f32 v63, v23  }
0x43d: {  	v30 =	vld [tilespmem:s21+$0x810];
	[tilespmem:s22+$0x420] =	vst v22;
	v22 =	vunpack.i.l.bf16.f32 v62  }
0x43e: {  	v54 =	vld [tilespmem:s22+$0x440];
	[tilespmem:s22+$0x430] =	vst v23;
	v23 =	vunpack.i.u.bf16.f32 v62;
	v22 =	vadd.f32 v40, v22  }
0x43f: {  	v57 =	vunpack.i.u.bf16.f32 v20;
	v53 =	vld [tilespmem:s15+$0x60];
	v42 =	vadd.f32 v42, v23  }
0x440: {  	v21 =	vadd.f32 v21, v57;
	v29 =	vld [tilespmem:s21+$0x800];
	v23 =	vunpack.i.l.bf16.f32 v24;
	[tilespmem:s13+$0x800] =	vst v22  }
0x441: {  	v63 =	vld [tilespmem:s22+$0x460];
	[tilespmem:s13+$0x810] =	vst v42;
	v56 =	vunpack.i.u.bf16.f32 v24;
	v22 =	vadd.f32 v58, v23  }
0x442: {  	[tilespmem:s20+$0xC70] =	vst v21;
	v42 =	vadd.f32 v61, v56;
	v58 =	vld [tilespmem:s16+$0x410];
	v56 =	vunpack.i.l.bf16.f32 v49  }
0x443: {  	v24 =	vld [tilespmem:s21+$0x830];
	v10 =	vadd.f32 v10, v56;
	[tilespmem:s21+$0x420] =	vst v22;
	v22 =	vunpack.i.l.bf16.f32 v20  }
0x444: {  	v23 =	vld [tilespmem:s21+$0x820];
	[tilespmem:s21+$0x430] =	vst v42;
	v21 =	vunpack.i.u.bf16.f32 v53;
	v17 =	vadd.f32 v17, v22  }
0x445: {  	v20 =	vld [tilespmem:s21+$0x840];
	v22 =	vunpack.i.l.bf16.f32 v53;
	v21 =	vadd.f32 v55, v21;
	[tilespmem:s14+$0xC40] =	vst v10  }
0x446: {  	v42 =	vld [tilespmem:s23+$0x60];
	v40 =	vadd.f32 v54, v22;
	[tilespmem:s20+$0xC60] =	vst v17;
	v17 =	vunpack.i.u.bf16.f32 v39;
	v39 =	vunpack.i.l.bf16.f32 v39  }
0x447: {  	v10 =	vunpack.i.u.bf16.f32 v49;
	v49 =	vld [tilespmem:s22+$0x800];
	v59 =	vunpack.i.l.bf16.f32 v58;
	[tilespmem:s22+$0x450] =	vst v21;
	v33 =	vadd.f32 v33, v39  }
0x448: {  	v22 =	vld [tilespmem:s21+$0x850];
	v60 =	vunpack.i.u.bf16.f32 v58;
	[tilespmem:s22+$0x440] =	vst v40;
	v37 =	vadd.f32 v37, v59  }
0x449: {  	v48 =	vunpack.i.l.bf16.f32 v52;
	v62 =	vadd.f32 v38, v60;
	v61 =	vld [tilespmem:s15+$0x70];
	[tilespmem:s10+$0xC60] =	vst v33  }
0x44a: {  	v54 =	vunpack.i.u.bf16.f32 v52;
	v21 =	vld [tilespmem:s21+$0x870];
	v41 =	vadd.f32 v41, v17;
	[tilespmem:s13+$0x820] =	vst v37;
	v37 =	vadd.f32 v27, v48  }
0x44b: {  	v17 =	vld [tilespmem:s21+$0x860];
	v45 =	vunpack.i.l.bf16.f32 v42;
	[tilespmem:s13+$0x830] =	vst v62;
	v53 =	vunpack.i.u.bf16.f32 v42;
	v42 =	vadd.f32 v28, v54  }
0x44c: {  	v40 =	vadd.f32 v44, v45;
	v55 =	vld [tilespmem:s16+$0x420];
	[tilespmem:s8+$0xC00] =	vst v37  }
0x44d: {  	v27 =	vld [tilespmem:s21+$0xC00];
	v33 =	vadd.f32 v47, v53;
	[tilespmem:s8+$0xC10] =	vst v42  }
0x44e: {  	v28 =	vld [tilespmem:s21+$0xC10];
	[tilespmem:s21+$0x440] =	vst v40;
	v57 =	vunpack.i.l.bf16.f32 v61  }
0x44f: {  	[tilespmem:s21+$0x450] =	vst v33;
	v60 =	vld [tilespmem:s12+$0x450];
	v58 =	vunpack.i.u.bf16.f32 v61;
	v33 =	vadd.f32 v63, v57  }
0x450: {  	[tilespmem:s10+$0xC70] =	vst v41;
	v59 =	vld [tilespmem:s23+$0x70];
	v37 =	vadd.f32 v50, v58  }
0x451: {  	v44 =	vld [tilespmem:s28+$0xC60];
	v61 =	vadd.f32 v9, v10;
	v63 =	vunpack.i.l.bf16.f32 v55;
	[tilespmem:s22+$0x460] =	vst v33  }
0x452: {  	v53 =	vld [tilespmem:s22+$0x810];
	v45 =	vunpack.i.u.bf16.f32 v55;
	[tilespmem:s22+$0x470] =	vst v37;
	v35 =	vadd.f32 v35, v63  }
0x453: {  	v9 =	vunpack.i.u.bf16.f32 v34;
	[tilespmem:s14+$0xC50] =	vst v61;
	v48 =	vadd.f32 v36, v45;
	v47 =	vld [tilespmem:s15+$0x400]  }
0x454: {  	v10 =	vld [tilespmem:s21+$0xC20];
	v62 =	vadd.f32 v43, v9;
	v52 =	vunpack.i.l.bf16.f32 v60;
	[tilespmem:s13+$0x840] =	vst v35  }
0x455: {  	v9 =	vld [tilespmem:s21+$0xC30];
	v50 =	vunpack.i.l.bf16.f32 v59;
	[tilespmem:s13+$0x850] =	vst v48;
	v35 =	vadd.f32 v26, v52  }
0x456: {  	v34 =	vunpack.i.l.bf16.f32 v34;
	[tilespmem:s28+$0xC70] =	vst v62;
	v54 =	vunpack.i.u.bf16.f32 v59;
	v37 =	vadd.f32 v51, v50;
	v57 =	vld [tilespmem:s16+$0x430]  }
0x457: {  	v61 =	vadd.f32 v44, v34;
	v34 =	vld [tilespmem:s21+$0xC60];
	v55 =	vunpack.i.u.bf16.f32 v60;
	v56 =	vadd.f32 v46, v54;
	[tilespmem:s8+$0xC20] =	vst v35  }
0x458: {  	v33 =	vld [tilespmem:s21+$0xC50];
	v58 =	vadd.f32 v25, v55;
	[tilespmem:s21+$0x460] =	vst v37;
	v59 =	vunpack.i.l.bf16.f32 v47  }
0x459: {  	v25 =	vld [tilespmem:s19+$0x470];
	[tilespmem:s21+$0x470] =	vst v56;
	v60 =	vunpack.i.u.bf16.f32 v47;
	v36 =	vadd.f32 v49, v59  }
0x45a: {  	[tilespmem:s8+$0xC30] =	vst v58;
	v37 =	vld [tilespmem:s23+$0x400];
	v38 =	vadd.f32 v53, v60  }
0x45b: {  	v35 =	vld [tilespmem:s12+$0x460];
	v63 =	vunpack.i.l.bf16.f32 v57;
	[tilespmem:s22+$0x800] =	vst v36  }
0x45c: {  	v26 =	vld [tilespmem:s21+$0xC40];
	v62 =	vunpack.i.u.bf16.f32 v57;
	[tilespmem:s22+$0x810] =	vst v38;
	v36 =	vadd.f32 v31, v63  }
0x45d: {  	s10 =	simm.s32 $0x6;
	[tilespmem:s28+$0xC60] =	vst v61;
	v31 =	vadd.f32 v32, v62;
	v32 =	vld [tilespmem:s15+$0x410]  }
.LBB2_5:
0x45e: {  	s10 =	sadd.s32 $0x2, s10;
	v38 =	vld [tilespmem:s22+$0x820];
	[tilespmem:s13+$0x860] =	vst v36;
	v36 =	vunpack.i.u.bf16.f32 v25;
	v25 =	vunpack.i.l.bf16.f32 v25  }
0x45f: {  	s11 =	sadd.s32 $0x100, s11;
	s0 =	sshll.u32 s10, $0x8;
	p1 =	slt.u32 s10, $0x1E;
	v39 =	vunpack.i.u.bf16.f32 v37;
	v37 =	vunpack.i.l.bf16.f32 v37;
	v40 =	vld [tilespmem:s22+$0x830];
	[tilespmem:s13+$0x870] =	vst v31;
	v25 =	vadd.f32 v3, v25;
	v3 =	vmovc v5;
	v5 =	vmovc v18  }
0x460: {  	s19 =	sand.u32 $0x300, s11;
	s18 =	sshll.u32 s10, $0x9;
	s0 =	sand.u32 $0x3FFFF800, s0;
	v41 =	vadd.f32 v29, v37;
	v29 =	vadd.f32 v30, v39;
	v30 =	vld [tilespmem:s16+$0x440];
	v31 =	vunpack.i.u.bf16.f32 v35  }
0x461: {  	v36 =	vadd.f32 v4, v36;
	v4 =	vmovc v8;
	s20 =	sand.u32 $0x3FFFF000, s18;
	s28 =	sor.u32 $0x80, s19;
	v35 =	vunpack.i.l.bf16.f32 v35;
	s0 =	sadd.s32 $0x15200, s0;
	v37 =	vld [tilespmem:s21+$0xC70];
	v31 =	vadd.f32 v7, v31;
	[tilespmem:s14+$0xC60] =	vst v25  }
0x462: {  	v8 =	vmovc v19;
	s25 =	sadd.s32 $0x7200, s20;
	v35 =	vadd.f32 v6, v35;
	v6 =	vmovc v14;
	v14 =	vmov v26;
	s18 =	sadd.s32 s19, s0;
	s20 =	sadd.s32 s28, s0;
	[tilespmem:s21+$0x800] =	vst v41;
	v39 =	vunpack.i.l.bf16.f32 v32;
	v25 =	vld [tilespmem:s22+$0xC60]  }
0x463: {  	v7 =	vmovc v16;
	v16 =	vmovc v33;
	v18 =	vmov v34;
	s0 =	sadd.s32 s19, s25;
	s19 =	sadd.s32 s28, s25;
	v19 =	vunpack.i.u.bf16.f32 v32;
	v26 =	vld [tilespmem:s20+$0x0];
	[tilespmem:s21+$0x810] =	vst v29;
	v29 =	vadd.f32 v38, v39  }
0x464: {  	v32 =	vld [tilespmem:s19+$0x0];
	v38 =	vadd.f32 v40, v19;
	[tilespmem:s8+$0xC40] =	vst v35  }
0x465: {  	v33 =	vld [tilespmem:s19+$0x10];
	[tilespmem:s22+$0x820] =	vst v29;
	v29 =	vunpack.i.u.bf16.f32 v30;
	v30 =	vunpack.i.l.bf16.f32 v30  }
0x466: {  	v34 =	vld [tilespmem:s18+$0x0];
	[tilespmem:s22+$0x830] =	vst v38;
	v30 =	vadd.f32 v11, v30;
	v29 =	vadd.f32 v13, v29;
	v19 =	vmovc v37;
	v11 =	vmov v27  }
0x467: {  	v13 =	vmov v28;
	v27 =	vld [tilespmem:s15+$0x420];
	[tilespmem:s8+$0xC50] =	vst v31  }
0x468: {  	v28 =	vunpack.i.l.bf16.f32 v26;
	v31 =	vld [tilespmem:s22+$0x840];
	[tilespmem:s13+$0xC00] =	vst v30  }
0x469: {  	v26 =	vunpack.i.u.bf16.f32 v26;
	v28 =	vadd.f32 v32, v28;
	v30 =	vld [tilespmem:s22+$0x850];
	[tilespmem:s13+$0xC10] =	vst v29  }
0x46a: {  	v29 =	vld [tilespmem:s0+$0x0];
	v26 =	vadd.f32 v33, v26;
	[tilespmem:s14+$0xC70] =	vst v36;
	s14 =	smov.u32 s8;
	s8 =	smov.u32 s13;
	s13 =	smov.u32 s21  }
0x46b: {  	s21 =	smov.u32 s0;
	v32 =	vunpack.i.u.bf16.f32 v34;
	v33 =	vunpack.i.l.bf16.f32 v34;
	v34 =	vld [tilespmem:s0+$0x10];
	[tilespmem:s19+$0x0] =	vst v28  }
0x46c: {  	v28 =	vld [tilespmem:s21+$0x20];
	[tilespmem:s19+$0x10] =	vst v26;
	v26 =	vunpack.i.l.bf16.f32 v27  }
0x46d: {  	v27 =	vunpack.i.u.bf16.f32 v27;
	v35 =	vld [tilespmem:s20+$0x10];
	v26 =	vadd.f32 v31, v26  }
0x46e: {  	v31 =	vld [tilespmem:s19+$0x20];
	v27 =	vadd.f32 v30, v27  }
0x46f: {  	v29 =	vadd.f32 v29, v33;
	v30 =	vld [tilespmem:s19+$0x30];
	[tilespmem:s22+$0x840] =	vst v26  }
0x470: {  	v26 =	vadd.f32 v34, v32;
	v32 =	vld [tilespmem:s21+$0x30];
	[tilespmem:s22+$0x850] =	vst v27  }
0x471: {  	[tilespmem:s21+$0x0] =	vst v29;
	v27 =	vld [tilespmem:s15+$0x430]  }
0x472: {  	[tilespmem:s21+$0x10] =	vst v26;
	v26 =	vunpack.i.l.bf16.f32 v35;
	v29 =	vld [tilespmem:s22+$0x860]  }
0x473: {  	v33 =	vunpack.i.u.bf16.f32 v35;
	v26 =	vadd.f32 v31, v26;
	v31 =	vld [tilespmem:s22+$0x870]  }
0x474: {  	v34 =	vld [tilespmem:s18+$0x10];
	v30 =	vadd.f32 v30, v33  }
0x475: {  	v33 =	vld [tilespmem:s21+$0x40];
	[tilespmem:s19+$0x20] =	vst v26  }
0x476: {  	v26 =	vld [tilespmem:s21+$0x50];
	[tilespmem:s19+$0x30] =	vst v30;
	v30 =	vunpack.i.l.bf16.f32 v27  }
0x477: {  	v27 =	vunpack.i.u.bf16.f32 v27;
	v35 =	vld [tilespmem:s20+$0x20];
	v29 =	vadd.f32 v29, v30  }
0x478: {  	v30 =	vld [tilespmem:s19+$0x40];
	v27 =	vadd.f32 v31, v27  }
0x479: {  	v31 =	vunpack.i.u.bf16.f32 v34;
	v34 =	vunpack.i.l.bf16.f32 v34;
	v36 =	vld [tilespmem:s19+$0x50];
	[tilespmem:s22+$0x860] =	vst v29  }
0x47a: {  	v28 =	vadd.f32 v28, v34;
	v29 =	vadd.f32 v32, v31;
	v31 =	vld [tilespmem:s21+$0x60];
	[tilespmem:s22+$0x870] =	vst v27  }
0x47b: {  	v27 =	vld [tilespmem:s15+$0x440]  }
0x47c: {  	[tilespmem:s21+$0x20] =	vst v28;
	v28 =	vunpack.i.l.bf16.f32 v35;
	v32 =	vld [tilespmem:s22+$0xC00]  }
0x47d: {  	[tilespmem:s21+$0x30] =	vst v29;
	v29 =	vunpack.i.u.bf16.f32 v35;
	v28 =	vadd.f32 v30, v28;
	v30 =	vld [tilespmem:s22+$0xC10]  }
0x47e: {  	v34 =	vld [tilespmem:s18+$0x20];
	v29 =	vadd.f32 v36, v29  }
0x47f: {  	v35 =	vld [tilespmem:s21+$0x70];
	[tilespmem:s19+$0x40] =	vst v28  }
0x480: {  	v28 =	vld [tilespmem:s21+$0x400];
	[tilespmem:s19+$0x50] =	vst v29;
	v29 =	vunpack.i.l.bf16.f32 v27  }
0x481: {  	v27 =	vunpack.i.u.bf16.f32 v27;
	v36 =	vld [tilespmem:s20+$0x30];
	v29 =	vadd.f32 v32, v29  }
0x482: {  	v32 =	vld [tilespmem:s19+$0x60];
	v27 =	vadd.f32 v30, v27  }
0x483: {  	v30 =	vunpack.i.u.bf16.f32 v34;
	v34 =	vunpack.i.l.bf16.f32 v34;
	v37 =	vld [tilespmem:s19+$0x70];
	[tilespmem:s22+$0xC00] =	vst v29  }
0x484: {  	v29 =	vadd.f32 v33, v34;
	v26 =	vadd.f32 v26, v30;
	v30 =	vld [tilespmem:s21+$0x410];
	[tilespmem:s22+$0xC10] =	vst v27  }
0x485: {  	v27 =	vld [tilespmem:s15+$0x450]  }
0x486: {  	[tilespmem:s21+$0x40] =	vst v29;
	v29 =	vunpack.i.l.bf16.f32 v36;
	v33 =	vld [tilespmem:s22+$0xC20]  }
0x487: {  	[tilespmem:s21+$0x50] =	vst v26;
	v26 =	vunpack.i.u.bf16.f32 v36;
	v29 =	vadd.f32 v32, v29;
	v32 =	vld [tilespmem:s22+$0xC30]  }
0x488: {  	v34 =	vld [tilespmem:s18+$0x30];
	v26 =	vadd.f32 v37, v26  }
0x489: {  	v36 =	vld [tilespmem:s21+$0x420];
	[tilespmem:s19+$0x60] =	vst v29  }
0x48a: {  	v37 =	vld [tilespmem:s21+$0x430];
	[tilespmem:s19+$0x70] =	vst v26;
	v26 =	vunpack.i.l.bf16.f32 v27  }
0x48b: {  	v27 =	vunpack.i.u.bf16.f32 v27;
	v29 =	vld [tilespmem:s20+$0x40];
	v26 =	vadd.f32 v33, v26  }
0x48c: {  	v33 =	vld [tilespmem:s19+$0x400];
	v27 =	vadd.f32 v32, v27  }
0x48d: {  	v32 =	vunpack.i.u.bf16.f32 v34;
	v34 =	vunpack.i.l.bf16.f32 v34;
	v38 =	vld [tilespmem:s19+$0x410];
	[tilespmem:s22+$0xC20] =	vst v26  }
0x48e: {  	v26 =	vadd.f32 v31, v34;
	v31 =	vadd.f32 v35, v32;
	v32 =	vld [tilespmem:s21+$0x440];
	[tilespmem:s22+$0xC30] =	vst v27  }
0x48f: {  	v27 =	vld [tilespmem:s15+$0x460]  }
0x490: {  	[tilespmem:s21+$0x60] =	vst v26;
	v26 =	vunpack.i.l.bf16.f32 v29;
	v34 =	vld [tilespmem:s22+$0xC40]  }
0x491: {  	v29 =	vunpack.i.u.bf16.f32 v29;
	[tilespmem:s21+$0x70] =	vst v31;
	v26 =	vadd.f32 v33, v26;
	v31 =	vld [tilespmem:s22+$0xC50]  }
0x492: {  	v33 =	vld [tilespmem:s18+$0x40];
	v29 =	vadd.f32 v38, v29  }
0x493: {  	v35 =	vld [tilespmem:s21+$0x450];
	[tilespmem:s19+$0x400] =	vst v26  }
0x494: {  	v26 =	vld [tilespmem:s21+$0x460];
	[tilespmem:s19+$0x410] =	vst v29;
	v29 =	vunpack.i.l.bf16.f32 v27  }
0x495: {  	v27 =	vunpack.i.u.bf16.f32 v27;
	v38 =	vld [tilespmem:s20+$0x50];
	v29 =	vadd.f32 v34, v29  }
0x496: {  	v34 =	vld [tilespmem:s19+$0x420];
	v27 =	vadd.f32 v31, v27  }
0x497: {  	v31 =	vunpack.i.u.bf16.f32 v33;
	v33 =	vunpack.i.l.bf16.f32 v33;
	v39 =	vld [tilespmem:s19+$0x430];
	[tilespmem:s22+$0xC40] =	vst v29  }
0x498: {  	v28 =	vadd.f32 v28, v33;
	v29 =	vadd.f32 v30, v31;
	v31 =	vld [tilespmem:s21+$0x470];
	[tilespmem:s22+$0xC50] =	vst v27  }
0x499: {  	v27 =	vld [tilespmem:s15+$0x470];
	s15 =	smov.u32 s20  }
0x49a: {  	[tilespmem:s21+$0x400] =	vst v28;
	v28 =	vunpack.i.l.bf16.f32 v38;
	v33 =	vld [tilespmem:s22+$0xC70]  }
0x49b: {  	v30 =	vunpack.i.u.bf16.f32 v38;
	[tilespmem:s21+$0x410] =	vst v29;
	v29 =	vld [tilespmem:s21+$0x800];
	v28 =	vadd.f32 v34, v28  }
0x49c: {  	v34 =	vld [tilespmem:s18+$0x50];
	v38 =	vadd.f32 v39, v30  }
0x49d: {  	v30 =	vld [tilespmem:s21+$0x810];
	[tilespmem:s19+$0x420] =	vst v28  }
0x49e: {  	[tilespmem:s19+$0x430] =	vst v38;
	v28 =	vld [tilespmem:s23+$0x410];
	v38 =	vunpack.i.u.bf16.f32 v27;
	v27 =	vunpack.i.l.bf16.f32 v27  }
0x49f: {  	v39 =	vld [tilespmem:s15+$0x60];
	v25 =	vadd.f32 v25, v27;
	v27 =	vadd.f32 v33, v38  }
0x4a0: {  	v33 =	vld [tilespmem:s19+$0x440]  }
0x4a1: {  	v38 =	vunpack.i.u.bf16.f32 v34;
	v34 =	vunpack.i.l.bf16.f32 v34;
	v40 =	vld [tilespmem:s19+$0x450];
	[tilespmem:s22+$0xC70] =	vst v27  }
0x4a2: {  	v27 =	vadd.f32 v36, v34;
	v34 =	vadd.f32 v37, v38;
	v36 =	vld [tilespmem:s21+$0x820];
	[tilespmem:s22+$0xC60] =	vst v25;
	s22 =	smov.u32 s19  }
0x4a3: {  	v25 =	vld [tilespmem:s21+$0x830];
	v37 =	vunpack.i.u.bf16.f32 v28;
	v28 =	vunpack.i.l.bf16.f32 v28  }
0x4a4: {  	[tilespmem:s21+$0x420] =	vst v27;
	v38 =	vld [tilespmem:s21+$0x840];
	v27 =	vunpack.i.l.bf16.f32 v39;
	v41 =	vadd.f32 v23, v28;
	v28 =	vadd.f32 v24, v37  }
0x4a5: {  	v24 =	vunpack.i.u.bf16.f32 v39;
	[tilespmem:s21+$0x430] =	vst v34;
	v34 =	vld [tilespmem:s21+$0x850];
	v27 =	vadd.f32 v33, v27  }
0x4a6: {  	v33 =	vld [tilespmem:s18+$0x60];
	v37 =	vadd.f32 v40, v24;
	[tilespmem:s13+$0x820] =	vst v41  }
0x4a7: {  	v39 =	vld [tilespmem:s21+$0x860];
	[tilespmem:s22+$0x440] =	vst v27;
	v23 =	vmov v36  }
0x4a8: {  	v40 =	vld [tilespmem:s21+$0x870];
	[tilespmem:s22+$0x450] =	vst v37;
	v24 =	vmov v25  }
0x4a9: {  	v25 =	vld [tilespmem:s15+$0x70];
	[tilespmem:s13+$0x830] =	vst v28  }
0x4aa: {  	v36 =	vld [tilespmem:s22+$0x460]  }
0x4ab: {  	v27 =	vunpack.i.u.bf16.f32 v33;
	v28 =	vunpack.i.l.bf16.f32 v33;
	v33 =	vld [tilespmem:s22+$0x470]  }
0x4ac: {  	v28 =	vadd.f32 v32, v28;
	v32 =	vadd.f32 v35, v27;
	v35 =	vld [tilespmem:s23+$0x420]  }
0x4ad: {  	v27 =	vld [tilespmem:s21+$0xC00]  }
0x4ae: {  	[tilespmem:s21+$0x440] =	vst v28;
	v28 =	vld [tilespmem:s21+$0xC10];
	v37 =	vunpack.i.l.bf16.f32 v25  }
0x4af: {  	v25 =	vunpack.i.u.bf16.f32 v25;
	[tilespmem:s21+$0x450] =	vst v32;
	v32 =	vadd.f32 v36, v37;
	v36 =	vld [tilespmem:s16+$0x450]  }
0x4b0: {  	v37 =	vld [tilespmem:s18+$0x70];
	v25 =	vadd.f32 v33, v25  }
0x4b1: {  	v33 =	vld [tilespmem:s21+$0xC20];
	[tilespmem:s22+$0x460] =	vst v32;
	v32 =	vunpack.i.u.bf16.f32 v35;
	v35 =	vunpack.i.l.bf16.f32 v35  }
0x4b2: {  	v41 =	vld [tilespmem:s21+$0xC30];
	[tilespmem:s22+$0x470] =	vst v25;
	v25 =	vadd.f32 v20, v35;
	v32 =	vadd.f32 v22, v32;
	v20 =	vmovc v38;
	v22 =	vmov v34  }
0x4b3: {  	v34 =	vld [tilespmem:s15+$0x400]  }
0x4b4: {  	v35 =	vld [tilespmem:s22+$0x800];
	[tilespmem:s13+$0x840] =	vst v25;
	v25 =	vunpack.i.u.bf16.f32 v36;
	v36 =	vunpack.i.l.bf16.f32 v36  }
0x4b5: {  	v38 =	vunpack.i.u.bf16.f32 v37;
	v37 =	vunpack.i.l.bf16.f32 v37;
	v42 =	vld [tilespmem:s22+$0x810];
	[tilespmem:s13+$0x850] =	vst v32;
	v32 =	vadd.f32 v12, v36;
	v12 =	vmovc v10  }
0x4b6: {  	v36 =	vadd.f32 v26, v37;
	v31 =	vadd.f32 v31, v38;
	v38 =	vld [tilespmem:s23+$0x430];
	v10 =	vmov v33  }
0x4b7: {  	v26 =	vld [tilespmem:s21+$0xC40];
	[tilespmem:s8+$0xC20] =	vst v32;
	v32 =	vadd.f32 v15, v25;
	v15 =	vmov v9;
	v9 =	vmov v41  }
0x4b8: {  	[tilespmem:s21+$0x460] =	vst v36;
	v33 =	vld [tilespmem:s21+$0xC50];
	v25 =	vunpack.i.l.bf16.f32 v34  }
.Ltmp3:
0x4b9: {  	[tilespmem:s21+$0x470] =	vst v31;
	v31 =	vunpack.i.u.bf16.f32 v34;
	v34 =	vadd.f32 v35, v25;
	v25 =	vld [tilespmem:s12+$0x470];
	s12 =	smov.u32 s16;
	s16 =	smov.u32 s23;
	(pc) =	sbr.rel @p1 .LBB2_5-.Ltmp3, $4  }
0x4ba: {  	s23 =	smov.u32 s18;
	v37 =	vld [tilespmem:s18+$0x400];
	v31 =	vadd.f32 v42, v31;
	[tilespmem:s8+$0xC30] =	vst v32  }
0x4bb: {  	[tilespmem:s22+$0x800] =	vst v34;
	v32 =	vunpack.i.u.bf16.f32 v38;
	v36 =	vunpack.i.l.bf16.f32 v38;
	v35 =	vld [tilespmem:s12+$0x460]  }
0x4bc: {  	v34 =	vld [tilespmem:s21+$0xC60];
	[tilespmem:s22+$0x810] =	vst v31;
	v36 =	vadd.f32 v17, v36;
	v31 =	vadd.f32 v21, v32;
	v17 =	vmovc v39;
	v21 =	vmov v40  }
0x4bd: {  	v32 =	vld [tilespmem:s15+$0x410]  }
0x4be: {  	_ = 	snop  }
0x4bf: {  	v38 =	vld [tilespmem:s22+$0x820];
	v39 =	vunpack.i.l.bf16.f32 v37  }
0x4c0: {  	v40 =	vld [tilespmem:s22+$0x830];
	v50 =	vunpack.i.u.bf16.f32 v37;
	v39 =	vadd.f32 v29, v39  }
0x4c1: {  	v30 =	vadd.f32 v30, v50  }
0x4c2: {  	[tilespmem:s21+$0x800] =	vst v39  }
0x4c3: {  	v51 =	vunpack.i.l.bf16.f32 v32;
	[tilespmem:s21+$0x810] =	vst v30  }
0x4c4: {  	v52 =	vunpack.i.u.bf16.f32 v32;
	v37 =	vadd.f32 v38, v51;
	v53 =	vld [tilespmem:s23+$0x410]  }
0x4c5: {  	v32 =	vadd.f32 v40, v52  }
0x4c6: {  	[tilespmem:s22+$0x820] =	vst v37  }
0x4c7: {  	[tilespmem:s22+$0x830] =	vst v32  }
0x4c8: {  	v32 =	vld [tilespmem:s15+$0x420]  }
0x4c9: {  	v54 =	vld [tilespmem:s22+$0x840];
	v55 =	vunpack.i.l.bf16.f32 v53  }
0x4ca: {  	v56 =	vld [tilespmem:s22+$0x850];
	v38 =	vunpack.i.u.bf16.f32 v53;
	v23 =	vadd.f32 v23, v55  }
0x4cb: {  	v24 =	vadd.f32 v24, v38  }
0x4cc: {  	[tilespmem:s21+$0x820] =	vst v23  }
0x4cd: {  	v23 =	vunpack.i.l.bf16.f32 v32;
	[tilespmem:s21+$0x830] =	vst v24  }
0x4ce: {  	v24 =	vunpack.i.u.bf16.f32 v32;
	v23 =	vadd.f32 v54, v23;
	v57 =	vld [tilespmem:s23+$0x420]  }
0x4cf: {  	v24 =	vadd.f32 v56, v24  }
0x4d0: {  	[tilespmem:s22+$0x840] =	vst v23  }
0x4d1: {  	[tilespmem:s22+$0x850] =	vst v24  }
0x4d2: {  	v23 =	vld [tilespmem:s15+$0x430]  }
0x4d3: {  	v24 =	vld [tilespmem:s22+$0x860];
	v58 =	vunpack.i.l.bf16.f32 v57  }
0x4d4: {  	v59 =	vld [tilespmem:s22+$0x870];
	v32 =	vunpack.i.u.bf16.f32 v57;
	v20 =	vadd.f32 v20, v58  }
0x4d5: {  	v22 =	vadd.f32 v22, v32  }
0x4d6: {  	[tilespmem:s21+$0x840] =	vst v20  }
0x4d7: {  	v20 =	vunpack.i.l.bf16.f32 v23;
	[tilespmem:s21+$0x850] =	vst v22  }
0x4d8: {  	v22 =	vunpack.i.u.bf16.f32 v23;
	v20 =	vadd.f32 v24, v20;
	v23 =	vld [tilespmem:s23+$0x430]  }
0x4d9: {  	v22 =	vadd.f32 v59, v22  }
0x4da: {  	[tilespmem:s22+$0x860] =	vst v20  }
0x4db: {  	[tilespmem:s22+$0x870] =	vst v22  }
0x4dc: {  	v20 =	vld [tilespmem:s15+$0x440]  }
0x4dd: {  	v22 =	vld [tilespmem:s22+$0xC00];
	v24 =	vunpack.i.l.bf16.f32 v23  }
0x4de: {  	[tilespmem:s13+$0x860] =	vst v36;
	v60 =	vld [tilespmem:s22+$0xC10];
	v23 =	vunpack.i.u.bf16.f32 v23;
	v17 =	vadd.f32 v17, v24  }
0x4df: {  	[tilespmem:s13+$0x870] =	vst v31;
	v21 =	vadd.f32 v21, v23  }
0x4e0: {  	v23 =	vld [tilespmem:s16+$0x440];
	[tilespmem:s21+$0x860] =	vst v17  }
0x4e1: {  	v17 =	vunpack.i.l.bf16.f32 v20;
	[tilespmem:s21+$0x870] =	vst v21  }
0x4e2: {  	v20 =	vunpack.i.u.bf16.f32 v20;
	v17 =	vadd.f32 v22, v17;
	v21 =	vld [tilespmem:s23+$0x440]  }
0x4e3: {  	v20 =	vadd.f32 v60, v20  }
0x4e4: {  	[tilespmem:s22+$0xC00] =	vst v17  }
0x4e5: {  	v17 =	vunpack.i.l.bf16.f32 v23;
	[tilespmem:s22+$0xC10] =	vst v20  }
0x4e6: {  	v20 =	vunpack.i.u.bf16.f32 v23;
	v11 =	vadd.f32 v11, v17;
	v17 =	vld [tilespmem:s15+$0x450]  }
0x4e7: {  	v13 =	vadd.f32 v13, v20;
	v20 =	vld [tilespmem:s22+$0xC20];
	v22 =	vunpack.i.l.bf16.f32 v21  }
0x4e8: {  	[tilespmem:s13+$0xC00] =	vst v11;
	v11 =	vld [tilespmem:s22+$0xC30];
	v21 =	vunpack.i.u.bf16.f32 v21;
	v22 =	vadd.f32 v27, v22  }
0x4e9: {  	[tilespmem:s13+$0xC10] =	vst v13;
	v13 =	vadd.f32 v28, v21  }
0x4ea: {  	v21 =	vld [tilespmem:s16+$0x450];
	[tilespmem:s21+$0xC00] =	vst v22  }
0x4eb: {  	v22 =	vunpack.i.l.bf16.f32 v17;
	[tilespmem:s21+$0xC10] =	vst v13  }
0x4ec: {  	v13 =	vunpack.i.u.bf16.f32 v17;
	v17 =	vadd.f32 v20, v22;
	v20 =	vld [tilespmem:s23+$0x450]  }
0x4ed: {  	v11 =	vadd.f32 v11, v13  }
0x4ee: {  	[tilespmem:s22+$0xC20] =	vst v17  }
0x4ef: {  	[tilespmem:s22+$0xC30] =	vst v11;
	v11 =	vunpack.i.l.bf16.f32 v21  }
0x4f0: {  	v17 =	vunpack.i.u.bf16.f32 v21;
	v13 =	vld [tilespmem:s15+$0x460];
	v11 =	vadd.f32 v12, v11  }
0x4f1: {  	v15 =	vadd.f32 v15, v17;
	v12 =	vld [tilespmem:s22+$0xC40];
	v17 =	vunpack.i.l.bf16.f32 v20  }
0x4f2: {  	v21 =	vld [tilespmem:s22+$0xC50];
	[tilespmem:s13+$0xC20] =	vst v11;
	v11 =	vunpack.i.u.bf16.f32 v20;
	v10 =	vadd.f32 v10, v17  }
0x4f3: {  	[tilespmem:s13+$0xC30] =	vst v15;
	v9 =	vadd.f32 v9, v11  }
0x4f4: {  	v11 =	vld [tilespmem:s16+$0x460];
	[tilespmem:s21+$0xC20] =	vst v10  }
0x4f5: {  	v10 =	vunpack.i.l.bf16.f32 v13;
	[tilespmem:s21+$0xC30] =	vst v9  }
0x4f6: {  	v9 =	vunpack.i.u.bf16.f32 v13;
	v10 =	vadd.f32 v12, v10;
	v12 =	vld [tilespmem:s23+$0x460]  }
0x4f7: {  	v13 =	vunpack.i.l.bf16.f32 v35;
	v9 =	vadd.f32 v21, v9  }
0x4f8: {  	v15 =	vunpack.i.u.bf16.f32 v35;
	v6 =	vadd.f32 v6, v13;
	[tilespmem:s22+$0xC40] =	vst v10  }
0x4f9: {  	v30 =	vld [tilespmem:s22+$0xC60];
	v7 =	vadd.f32 v7, v15;
	[tilespmem:s22+$0xC50] =	vst v9;
	v9 =	vunpack.i.l.bf16.f32 v11  }
0x4fa: {  	[tilespmem:s8+$0xC40] =	vst v6;
	v10 =	vunpack.i.u.bf16.f32 v11;
	v6 =	vld [tilespmem:s15+$0x470];
	v9 =	vadd.f32 v14, v9  }
0x4fb: {  	[tilespmem:s8+$0xC50] =	vst v7;
	v7 =	vld [tilespmem:s22+$0xC70];
	v10 =	vadd.f32 v16, v10;
	v11 =	vunpack.i.l.bf16.f32 v12  }
0x4fc: {  	v13 =	vld [tilespmem:s12+$0x470];
	[tilespmem:s13+$0xC40] =	vst v9;
	v9 =	vunpack.i.u.bf16.f32 v12;
	v11 =	vadd.f32 v26, v11  }
0x4fd: {  	v12 =	vunpack.i.l.bf16.f32 v25;
	[tilespmem:s13+$0xC50] =	vst v10;
	v9 =	vadd.f32 v33, v9  }
0x4fe: {  	v10 =	vunpack.i.u.bf16.f32 v25;
	v3 =	vadd.f32 v3, v12;
	v12 =	vld [tilespmem:s16+$0x470];
	[tilespmem:s21+$0xC40] =	vst v11  }
0x4ff: {  	v4 =	vadd.f32 v4, v10;
	v10 =	vunpack.i.u.bf16.f32 v6;
	[tilespmem:s21+$0xC50] =	vst v9  }
0x500: {  	[tilespmem:s14+$0xC60] =	vst v3;
	v3 =	vunpack.i.l.bf16.f32 v6;
	v6 =	vadd.f32 v7, v10  }
0x501: {  	[tilespmem:s14+$0xC70] =	vst v4;
	v4 =	vunpack.i.l.bf16.f32 v13;
	v3 =	vadd.f32 v30, v3  }
0x502: {  	v7 =	vld [tilespmem:s23+$0x470];
	v4 =	vadd.f32 v5, v4;
	[tilespmem:s22+$0xC70] =	vst v6;
	v6 =	vunpack.i.u.bf16.f32 v13  }
0x503: {  	[tilespmem:s22+$0xC60] =	vst v3;
	v5 =	vunpack.i.l.bf16.f32 v12;
	v3 =	vadd.f32 v8, v6  }
0x504: {  	v29 =	vld [tilespmem:s21+$0xC70];
	[tilespmem:s8+$0xC60] =	vst v4;
	v4 =	vunpack.i.u.bf16.f32 v12;
	v5 =	vadd.f32 v18, v5  }
0x505: {  	[tilespmem:s8+$0xC70] =	vst v3;
	v3 =	vadd.f32 v19, v4  }
0x506: {  	[tilespmem:s13+$0xC60] =	vst v5  }
0x507: {  	v4 =	vunpack.i.l.bf16.f32 v7;
	[tilespmem:s13+$0xC70] =	vst v3  }
0x508: {  	v5 =	vunpack.i.u.bf16.f32 v7;
	v4 =	vadd.f32 v34, v4;
	s0 =	rddreg [dreg:$0x7]  }
0x509: {  	v3 =	vadd.f32 v29, v5;
	s0 =	sadd.s32 s31, s0  }
0x50a: {  	[tilespmem:s21+$0xC60] =	vst v4;
	s0 =	sshll.u32 s0, $0x6  }
0x50b: {  	[tilespmem:s21+$0xC70] =	vst v3;
	s0 =	sadd.s32 s3, s0  }
0x50c: {  	[hbm4b:s0+s4] =	stream.linear.scatter [tilespmem:s29], [sflag:$0x6], $0x4000, $0x38;
	[tilespmem:$0x1B200] =	vst v63  }
0x50d: {  	s0 =	simm.s32 @!p0 $0x8  }
0x50e: {  	_ =	swait.ge @!p0 [sflag:s0], $0x4000  }
0x50f: {  	[sflag:s0] =	ssyncset.done @!p0 $0x0  }
0x510: {  	s14 =	sor.u32 $0x60, s31;
	[sflag:s0] =	ssyncadd.s32 @!p0 $0xFFFFC000  }
0x511: {  	v3 =	vld [tilespmem:s14+$0x0];
	_ =	sdelay $0x4  }
0x512: {  	v4 =	vshll.u32 v3, $0x2  }
0x513: {  	v3 =	vand.u32 $0x7, v3;
	v4 =	vand.u32 $0xFFFFFFE0, v4  }
0x514: {  	v3 =	vor.u32 v3, v4  }
0x515: {  	v4 =	vperm.xlane v3, v0;
	_ =	sdelay $0x1  }
0x516: {  	v4 =	vadd.s32 v1, v4;
	_ =	sdelay $0x1  }
0x517: {  	v3 =	vperm.xlane v3, v2;
	_ =	sdelay $0x1  }
0x518: {  	s25 =	simm.s32 $0xF200;
	s23 =	simm.s32 $0x0;
	v3 =	vadd.s32 v1, v3  }
0x519: {  	[tilespmem:s25], [sflag:$0x4] =	stream.indirect_vreg.gather [hbm4b:s2+s23], $0x80, v4, vm0, $0xb8;
	[tilespmem:$0x1B200] =	vst v63  }
0x51a: {  	s29 =	simm.s32 $0xFA00  }
0x51b: {  	[tilespmem:s29], [sflag:$0x4] =	stream.indirect_vreg.gather [hbm4b:s9+s23], $0x80, v4, vm0, $0xb8;
	[tilespmem:$0x1B200] =	vst v63  }
0x51c: {  	s10 =	simm.s32 $0x10200  }
0x51d: {  	[tilespmem:s10], [sflag:$0x4] =	stream.indirect_vreg.gather [hbm4b:s2+s23], $0x80, v3, vm0, $0xb8;
	[tilespmem:$0x1B200] =	vst v63  }
0x51e: {  	s11 =	simm.s32 $0x10A00  }
0x51f: {  	[tilespmem:s11], [sflag:$0x4] =	stream.indirect_vreg.gather [hbm4b:s9+s23], $0x80, v3, vm0, $0xb8;
	[tilespmem:$0x1B200] =	vst v63  }
0x520: {  	v3 =	vld [tilespmem:s31+$0x70];
	_ =	sdelay $0x4  }
0x521: {  	v4 =	vshll.u32 v3, $0x2  }
0x522: {  	v3 =	vand.u32 $0x7, v3;
	v4 =	vand.u32 $0xFFFFFFE0, v4  }
0x523: {  	v3 =	vor.u32 v3, v4  }
0x524: {  	v4 =	vperm.xlane v3, v0;
	_ =	sdelay $0x1  }
0x525: {  	v4 =	vadd.s32 v1, v4;
	_ =	sdelay $0x1  }
0x526: {  	v3 =	vperm.xlane v3, v2;
	_ =	sdelay $0x1  }
0x527: {  	s12 =	simm.s32 $0x11200;
	v3 =	vadd.s32 v1, v3  }
0x528: {  	[tilespmem:s12], [sflag:$0x4] =	stream.indirect_vreg.gather [hbm4b:s2+s23], $0x80, v4, vm0, $0xb8;
	[tilespmem:$0x1B200] =	vst v63  }
0x529: {  	s13 =	simm.s32 $0x11A00  }
0x52a: {  	[tilespmem:s13], [sflag:$0x4] =	stream.indirect_vreg.gather [hbm4b:s9+s23], $0x80, v4, vm0, $0xb8;
	[tilespmem:$0x1B200] =	vst v63  }
0x52b: {  	s15 =	simm.s32 $0x12200  }
0x52c: {  	[tilespmem:s15], [sflag:$0x4] =	stream.indirect_vreg.gather [hbm4b:s2+s23], $0x80, v3, vm0, $0xb8;
	[tilespmem:$0x1B200] =	vst v63  }
0x52d: {  	s16 =	simm.s32 $0x12A00  }
0x52e: {  	[tilespmem:s16], [sflag:$0x4] =	stream.indirect_vreg.gather [hbm4b:s9+s23], $0x80, v3, vm0, $0xb8;
	[tilespmem:$0x1B200] =	vst v63  }
0x52f: {  	v3 =	vld [tilespmem:s31+$0x1960];
	_ =	sdelay $0x4  }
0x530: {  	v4 =	vshll.u32 v3, $0x1  }
0x531: {  	v3 =	vand.u32 $0x7, v3;
	v4 =	vand.u32 $0xFFFFFFF0, v4  }
0x532: {  	v3 =	vor.u32 v3, v4  }
0x533: {  	v4 =	vperm.xlane v3, v0;
	_ =	sdelay $0x1  }
0x534: {  	v3 =	vperm.xlane v3, v2;
	v4 =	vadd.s32 v1, v4;
	_ =	sdelay $0x1  }
0x535: {  	v3 =	vadd.s32 v1, v3;
	_ =	sdelay $0x1  }
0x536: {  	s18 =	simm.s32 $0x19200  }
0x537: {  	[tilespmem:s18], [sflag:$0x4] =	stream.indirect_vreg.gather [hbm4b:s6+s23], $0x80, v4, vm0, $0xb8;
	[tilespmem:$0x1B200] =	vst v63  }
0x538: {  	s19 =	simm.s32 $0x19A00  }
0x539: {  	[tilespmem:s19], [sflag:$0x4] =	stream.indirect_vreg.gather [hbm4b:s6+s23], $0x80, v3, vm0, $0xb8;
	[tilespmem:$0x1B200] =	vst v63  }
0x53a: {  	v3 =	vld [tilespmem:s31+$0x1970];
	_ =	sdelay $0x4  }
0x53b: {  	v4 =	vshll.u32 v3, $0x1  }
0x53c: {  	v3 =	vand.u32 $0x7, v3;
	v4 =	vand.u32 $0xFFFFFFF0, v4  }
0x53d: {  	v3 =	vor.u32 v3, v4  }
0x53e: {  	v4 =	vperm.xlane v3, v0;
	_ =	sdelay $0x1  }
0x53f: {  	v3 =	vperm.xlane v3, v2;
	v4 =	vadd.s32 v1, v4;
	_ =	sdelay $0x1  }
0x540: {  	v3 =	vadd.s32 v1, v3;
	_ =	sdelay $0x1  }
0x541: {  	s20 =	simm.s32 $0x1A200  }
0x542: {  	[tilespmem:s20], [sflag:$0x4] =	stream.indirect_vreg.gather [hbm4b:s6+s23], $0x80, v4, vm0, $0xb8;
	[tilespmem:$0x1B200] =	vst v63  }
0x543: {  	s21 =	simm.s32 $0x1AA00  }
0x544: {  	[tilespmem:s21], [sflag:$0x4] =	stream.indirect_vreg.gather [hbm4b:s6+s23], $0x80, v3, vm0, $0xb8;
	[tilespmem:$0x1B200] =	vst v63  }
0x545: {  	s22 =	simm.s32 $0x0;
	_ =	swait.ge [sflag:s24], $0x4000  }
0x546: {  	s8 =	sand.u32 $0x3FFFF800, s22;
	[sflag:s24] =	ssyncset.done $0x0  }
0x547: {  	s8 =	sadd.s32 $0x17200, s8;
	[sflag:s24] =	ssyncadd.s32 $0xFFFFC000  }
0x548: {  	s0 =	sand.u32 $0x300, s23;
	s10 =	simm.s32 $0x0;
	_ =	swait.ge [sflag:s24], $0x2000  }
0x549: {  	s10 =	sand.u32 $0x3FFFF000, s10;
	s11 =	sor.u32 $0x80, s0;
	[sflag:s24] =	ssyncset.done $0x0  }
0x54a: {  	s10 =	sadd.s32 $0xB200, s10;
	s16 =	sadd.s32 s11, s8;
	[sflag:s24] =	ssyncadd.s32 $0xFFFFE000  }
0x54b: {  	s21 =	sadd.s32 s11, s10;
	v3 =	vld [tilespmem:s16+$0x0]  }
0x54c: {  	v4 =	vld [tilespmem:s21+$0x0]  }
0x54d: {  	v5 =	vld [tilespmem:s21+$0x10];
	_ =	sdelay $0x2  }
0x54e: {  	s20 =	sadd.s32 s0, s8;
	v6 =	vunpack.i.l.bf16.f32 v3  }
0x54f: {  	s8 =	sadd.s32 s0, s10;
	v7 =	vld [tilespmem:s20+$0x0];
	v3 =	vunpack.i.u.bf16.f32 v3;
	v4 =	vadd.f32 v4, v6  }
0x550: {  	v6 =	vld [tilespmem:s8+$0x0];
	v3 =	vadd.f32 v5, v3  }
0x551: {  	v5 =	vld [tilespmem:s8+$0x10];
	[tilespmem:s21+$0x0] =	vst v4  }
0x552: {  	[tilespmem:s21+$0x10] =	vst v3  }
0x553: {  	v3 =	vld [tilespmem:s16+$0x10]  }
0x554: {  	v9 =	vld [tilespmem:s21+$0x20];
	v8 =	vunpack.i.l.bf16.f32 v7  }
0x555: {  	v7 =	vunpack.i.u.bf16.f32 v7;
	v6 =	vadd.f32 v6, v8;
	v8 =	vld [tilespmem:s21+$0x30]  }
0x556: {  	v5 =	vadd.f32 v5, v7  }
0x557: {  	[tilespmem:s8+$0x0] =	vst v6  }
0x558: {  	[tilespmem:s8+$0x10] =	vst v5;
	v5 =	vunpack.i.l.bf16.f32 v3  }
0x559: {  	v3 =	vunpack.i.u.bf16.f32 v3;
	v6 =	vld [tilespmem:s20+$0x10];
	v5 =	vadd.f32 v9, v5  }
0x55a: {  	v4 =	vld [tilespmem:s8+$0x20];
	v3 =	vadd.f32 v8, v3  }
0x55b: {  	v7 =	vld [tilespmem:s8+$0x30];
	[tilespmem:s21+$0x20] =	vst v5  }
0x55c: {  	[tilespmem:s21+$0x30] =	vst v3  }
0x55d: {  	v3 =	vld [tilespmem:s16+$0x20]  }
0x55e: {  	v9 =	vld [tilespmem:s21+$0x40];
	v10 =	vunpack.i.l.bf16.f32 v6  }
0x55f: {  	v11 =	vld [tilespmem:s21+$0x50];
	v6 =	vunpack.i.u.bf16.f32 v6;
	v4 =	vadd.f32 v4, v10  }
0x560: {  	v6 =	vadd.f32 v7, v6  }
0x561: {  	[tilespmem:s8+$0x20] =	vst v4  }
0x562: {  	[tilespmem:s8+$0x30] =	vst v6;
	v4 =	vunpack.i.l.bf16.f32 v3  }
0x563: {  	v6 =	vld [tilespmem:s20+$0x20];
	v3 =	vunpack.i.u.bf16.f32 v3;
	v4 =	vadd.f32 v9, v4  }
0x564: {  	v8 =	vld [tilespmem:s8+$0x40];
	v3 =	vadd.f32 v11, v3  }
0x565: {  	v5 =	vld [tilespmem:s8+$0x50];
	[tilespmem:s21+$0x40] =	vst v4  }
0x566: {  	[tilespmem:s21+$0x50] =	vst v3  }
0x567: {  	v3 =	vld [tilespmem:s16+$0x30]  }
0x568: {  	v10 =	vld [tilespmem:s21+$0x60];
	v11 =	vunpack.i.l.bf16.f32 v6  }
0x569: {  	v12 =	vld [tilespmem:s21+$0x70];
	v6 =	vunpack.i.u.bf16.f32 v6;
	v8 =	vadd.f32 v8, v11  }
0x56a: {  	v5 =	vadd.f32 v5, v6  }
0x56b: {  	[tilespmem:s8+$0x40] =	vst v8  }
0x56c: {  	[tilespmem:s8+$0x50] =	vst v5;
	v8 =	vunpack.i.l.bf16.f32 v3  }
0x56d: {  	v3 =	vunpack.i.u.bf16.f32 v3;
	v5 =	vadd.f32 v10, v8;
	v8 =	vld [tilespmem:s20+$0x30]  }
0x56e: {  	v7 =	vld [tilespmem:s8+$0x60];
	v3 =	vadd.f32 v12, v3  }
0x56f: {  	v9 =	vld [tilespmem:s8+$0x70];
	[tilespmem:s21+$0x60] =	vst v5  }
0x570: {  	[tilespmem:s21+$0x70] =	vst v3  }
0x571: {  	v3 =	vld [tilespmem:s16+$0x40]  }
0x572: {  	v11 =	vld [tilespmem:s21+$0x400];
	v12 =	vunpack.i.l.bf16.f32 v8  }
0x573: {  	v13 =	vld [tilespmem:s21+$0x410];
	v8 =	vunpack.i.u.bf16.f32 v8;
	v7 =	vadd.f32 v7, v12  }
0x574: {  	v17 =	vld [tilespmem:s8+$0x460];
	v8 =	vadd.f32 v9, v8  }
0x575: {  	v20 =	vld [tilespmem:s8+$0x470];
	[tilespmem:s8+$0x60] =	vst v7  }
0x576: {  	v14 =	vld [tilespmem:s8+$0x800];
	v7 =	vunpack.i.l.bf16.f32 v3;
	[tilespmem:s8+$0x70] =	vst v8  }
0x577: {  	v3 =	vunpack.i.u.bf16.f32 v3;
	v7 =	vadd.f32 v11, v7;
	v8 =	vld [tilespmem:s20+$0x40]  }
0x578: {  	v4 =	vld [tilespmem:s8+$0x400];
	v3 =	vadd.f32 v13, v3  }
0x579: {  	v6 =	vld [tilespmem:s8+$0x410];
	[tilespmem:s21+$0x400] =	vst v7  }
0x57a: {  	v10 =	vld [tilespmem:s8+$0x420];
	[tilespmem:s21+$0x410] =	vst v3  }
0x57b: {  	v3 =	vld [tilespmem:s16+$0x50]  }
0x57c: {  	v7 =	vld [tilespmem:s21+$0x420];
	v11 =	vunpack.i.l.bf16.f32 v8  }
0x57d: {  	v13 =	vld [tilespmem:s21+$0x430];
	v8 =	vunpack.i.u.bf16.f32 v8;
	v4 =	vadd.f32 v4, v11  }
0x57e: {  	v5 =	vld [tilespmem:s8+$0x430];
	v6 =	vadd.f32 v6, v8  }
0x57f: {  	v9 =	vld [tilespmem:s8+$0x440];
	[tilespmem:s8+$0x400] =	vst v4  }
0x580: {  	v12 =	vld [tilespmem:s8+$0x450];
	[tilespmem:s8+$0x410] =	vst v6;
	v4 =	vunpack.i.l.bf16.f32 v3  }
0x581: {  	v3 =	vunpack.i.u.bf16.f32 v3;
	v4 =	vadd.f32 v7, v4;
	v7 =	vld [tilespmem:s20+$0x50]  }
0x582: {  	v3 =	vadd.f32 v13, v3;
	v16 =	vld [tilespmem:s8+$0x810]  }
0x583: {  	v8 =	vld [tilespmem:s21+$0x450];
	[tilespmem:s21+$0x420] =	vst v4  }
0x584: {  	v15 =	vld [tilespmem:s8+$0x850];
	[tilespmem:s21+$0x430] =	vst v3  }
0x585: {  	v3 =	vld [tilespmem:s16+$0x60]  }
0x586: {  	v4 =	vld [tilespmem:s21+$0x440]  }
0x587: {  	v18 =	vld [tilespmem:s21+$0x470];
	v6 =	vunpack.i.l.bf16.f32 v7  }
0x588: {  	v21 =	vld [tilespmem:s21+$0x810];
	v11 =	vunpack.i.u.bf16.f32 v7;
	v10 =	vadd.f32 v10, v6  }
0x589: {  	s25 =	simm.s32 $0x100;
	s23 =	simm.s32 $0x200;
	v19 =	vld [tilespmem:s8+$0xC30];
	v11 =	vadd.f32 v5, v11  }
0x58a: {  	s29 =	sand.u32 $0x300, s25;
	s13 =	simm.s32 $0x400;
	s0 =	sand.u32 $0x3FFFF800, s23;
	v22 =	vld [tilespmem:s21+$0x820];
	[tilespmem:s8+$0x420] =	vst v10;
	v10 =	vunpack.i.l.bf16.f32 v3  }
0x58b: {  	s15 =	sor.u32 $0x80, s29;
	s10 =	sand.u32 $0x3FFFF000, s13;
	s0 =	sadd.s32 $0x17200, s0;
	v23 =	vld [tilespmem:s21+$0x830];
	[tilespmem:s8+$0x430] =	vst v11;
	v3 =	vunpack.i.u.bf16.f32 v3;
	v4 =	vadd.f32 v4, v10  }
0x58c: {  	s18 =	sadd.s32 $0xB200, s10;
	s10 =	sadd.s32 s15, s0;
	v10 =	vld [tilespmem:s20+$0x60];
	v3 =	vadd.f32 v8, v3  }
0x58d: {  	v25 =	vld [tilespmem:s10+$0x0];
	[tilespmem:s21+$0x440] =	vst v4  }
0x58e: {  	v27 =	vld [tilespmem:s21+$0x840];
	[tilespmem:s21+$0x450] =	vst v3  }
0x58f: {  	v3 =	vld [tilespmem:s16+$0x70]  }
0x590: {  	s12 =	sadd.s32 s29, s18;
	v4 =	vld [tilespmem:s21+$0x460]  }
0x591: {  	s11 =	sadd.s32 s15, s18;
	v28 =	vld [tilespmem:s12+$0x0];
	v13 =	vunpack.i.l.bf16.f32 v10  }
0x592: {  	v30 =	vld [tilespmem:s11+$0x30];
	v10 =	vunpack.i.u.bf16.f32 v10;
	v9 =	vadd.f32 v9, v13  }
0x593: {  	v31 =	vld [tilespmem:s11+$0x50];
	v10 =	vadd.f32 v12, v10  }
0x594: {  	v62 =	vld [tilespmem:s11+$0x70];
	[tilespmem:s8+$0x440] =	vst v9;
	v9 =	vunpack.i.l.bf16.f32 v3  }
0x595: {  	v63 =	vld [tilespmem:s12+$0x410];
	[tilespmem:s8+$0x450] =	vst v10;
	v3 =	vunpack.i.u.bf16.f32 v3;
	v4 =	vadd.f32 v4, v9  }
0x596: {  	v9 =	vld [tilespmem:s20+$0x70];
	v3 =	vadd.f32 v18, v3  }
0x597: {  	s22 =	simm.s32 $0x200;
	v40 =	vld [tilespmem:s12+$0x420];
	[tilespmem:s21+$0x460] =	vst v4  }
0x598: {  	s25 =	simm.s32 $0x800;
	s19 =	simm.s32 $0x400;
	s23 =	sand.u32 $0x300, s22;
	v41 =	vld [tilespmem:s11+$0x400];
	[tilespmem:s21+$0x470] =	vst v3  }
0x599: {  	s13 =	sadd.s32 s29, s0;
	s0 =	sand.u32 $0x3FFFF800, s19;
	s29 =	sand.u32 $0x3FFFF000, s25;
	v3 =	vld [tilespmem:s16+$0x400]  }
0x59a: {  	s18 =	sor.u32 $0x80, s23;
	s19 =	sadd.s32 $0x17200, s0;
	s0 =	sadd.s32 $0xB200, s29;
	v4 =	vld [tilespmem:s21+$0x800]  }
0x59b: {  	s15 =	sadd.s32 s18, s19;
	s18 =	sadd.s32 s18, s0;
	v42 =	vld [tilespmem:s11+$0x410];
	v10 =	vunpack.i.l.bf16.f32 v9  }
0x59c: {  	v43 =	vld [tilespmem:s18+$0x50];
	v17 =	vadd.f32 v17, v10  }
0x59d: {  	v44 =	vld [tilespmem:s12+$0x450]  }
0x59e: {  	v45 =	vld [tilespmem:s12+$0x460];
	[tilespmem:s8+$0x460] =	vst v17;
	v17 =	vunpack.i.l.bf16.f32 v3  }
0x59f: {  	v46 =	vld [tilespmem:s12+$0x470];
	v3 =	vunpack.i.u.bf16.f32 v3;
	v4 =	vadd.f32 v4, v17  }
0x5a0: {  	v47 =	vld [tilespmem:s11+$0x440];
	v9 =	vunpack.i.u.bf16.f32 v9;
	v3 =	vadd.f32 v21, v3  }
0x5a1: {  	v48 =	vld [tilespmem:s11+$0x450];
	v20 =	vadd.f32 v20, v9;
	[tilespmem:s21+$0x800] =	vst v4  }
0x5a2: {  	v50 =	vld [tilespmem:s18+$0x420];
	[tilespmem:s21+$0x810] =	vst v3  }
0x5a3: {  	[tilespmem:s8+$0x470] =	vst v20;
	v20 =	vld [tilespmem:s16+$0x410]  }
0x5a4: {  	v51 =	vld [tilespmem:s18+$0x430]  }
0x5a5: {  	v52 =	vld [tilespmem:s11+$0x460]  }
0x5a6: {  	v7 =	vld [tilespmem:s8+$0x830]  }
0x5a7: {  	v6 =	vld [tilespmem:s8+$0x820]  }
0x5a8: {  	v5 =	vld [tilespmem:s8+$0x840];
	v24 =	vunpack.i.l.bf16.f32 v20  }
0x5a9: {  	v11 =	vld [tilespmem:s8+$0x860];
	v20 =	vunpack.i.u.bf16.f32 v20;
	v22 =	vadd.f32 v22, v24  }
0x5aa: {  	v24 =	vld [tilespmem:s11+$0x0];
	v20 =	vadd.f32 v23, v20  }
0x5ab: {  	v23 =	vld [tilespmem:s11+$0x10];
	[tilespmem:s21+$0x820] =	vst v22  }
0x5ac: {  	v8 =	vld [tilespmem:s8+$0x870];
	[tilespmem:s21+$0x830] =	vst v20  }
0x5ad: {  	v20 =	vld [tilespmem:s16+$0x420]  }
0x5ae: {  	v26 =	vunpack.i.l.bf16.f32 v25;
	v13 =	vld [tilespmem:s8+$0xC00]  }
0x5af: {  	v25 =	vunpack.i.u.bf16.f32 v25;
	v24 =	vadd.f32 v24, v26;
	v26 =	vld [tilespmem:s21+$0x850]  }
0x5b0: {  	v22 =	vld [tilespmem:s13+$0x0];
	v23 =	vadd.f32 v23, v25  }
0x5b1: {  	v12 =	vld [tilespmem:s8+$0xC10];
	[tilespmem:s11+$0x0] =	vst v24  }
0x5b2: {  	v25 =	vld [tilespmem:s12+$0x10];
	[tilespmem:s11+$0x10] =	vst v23;
	v23 =	vunpack.i.l.bf16.f32 v20  }
0x5b3: {  	v29 =	vld [tilespmem:s10+$0x10];
	v20 =	vunpack.i.u.bf16.f32 v20;
	v23 =	vadd.f32 v27, v23  }
0x5b4: {  	v27 =	vld [tilespmem:s11+$0x20];
	v20 =	vadd.f32 v26, v20  }
0x5b5: {  	v18 =	vld [tilespmem:s8+$0xC20];
	v26 =	vunpack.i.l.bf16.f32 v22;
	[tilespmem:s21+$0x840] =	vst v23  }
0x5b6: {  	v10 =	vld [tilespmem:s8+$0xC40];
	v22 =	vunpack.i.u.bf16.f32 v22;
	v23 =	vadd.f32 v28, v26;
	[tilespmem:s21+$0x850] =	vst v20  }
0x5b7: {  	v20 =	vadd.f32 v25, v22;
	v22 =	vld [tilespmem:s16+$0x430]  }
0x5b8: {  	v25 =	vld [tilespmem:s21+$0x860];
	[tilespmem:s12+$0x0] =	vst v23;
	v23 =	vunpack.i.l.bf16.f32 v29  }
0x5b9: {  	[tilespmem:s12+$0x10] =	vst v20;
	v20 =	vunpack.i.u.bf16.f32 v29;
	v23 =	vadd.f32 v27, v23;
	v27 =	vld [tilespmem:s21+$0x870]  }
0x5ba: {  	v28 =	vld [tilespmem:s13+$0x10];
	v20 =	vadd.f32 v30, v20  }
0x5bb: {  	v24 =	vld [tilespmem:s12+$0x20];
	[tilespmem:s11+$0x20] =	vst v23  }
0x5bc: {  	v26 =	vld [tilespmem:s12+$0x30];
	[tilespmem:s11+$0x30] =	vst v20;
	v20 =	vunpack.i.l.bf16.f32 v22  }
0x5bd: {  	v30 =	vld [tilespmem:s10+$0x20];
	v22 =	vunpack.i.u.bf16.f32 v22;
	v20 =	vadd.f32 v25, v20  }
0x5be: {  	v25 =	vld [tilespmem:s11+$0x40];
	v22 =	vadd.f32 v27, v22  }
0x5bf: {  	v9 =	vld [tilespmem:s8+$0xC50];
	v27 =	vunpack.i.l.bf16.f32 v28;
	[tilespmem:s21+$0x860] =	vst v20  }
0x5c0: {  	v21 =	vld [tilespmem:s20+$0x400];
	v20 =	vunpack.i.u.bf16.f32 v28;
	v24 =	vadd.f32 v24, v27;
	[tilespmem:s21+$0x870] =	vst v22  }
0x5c1: {  	v20 =	vadd.f32 v26, v20;
	v22 =	vld [tilespmem:s16+$0x440]  }
0x5c2: {  	v26 =	vld [tilespmem:s21+$0xC00];
	[tilespmem:s12+$0x20] =	vst v24;
	v24 =	vunpack.i.l.bf16.f32 v30  }
0x5c3: {  	[tilespmem:s12+$0x30] =	vst v20;
	v20 =	vunpack.i.u.bf16.f32 v30;
	v24 =	vadd.f32 v25, v24;
	v25 =	vld [tilespmem:s21+$0xC10]  }
0x5c4: {  	v29 =	vld [tilespmem:s12+$0x40];
	v20 =	vadd.f32 v31, v20  }
0x5c5: {  	v28 =	vld [tilespmem:s13+$0x20];
	[tilespmem:s11+$0x40] =	vst v24  }
0x5c6: {  	v23 =	vld [tilespmem:s12+$0x50];
	[tilespmem:s11+$0x50] =	vst v20;
	v61 =	vunpack.i.l.bf16.f32 v22  }
0x5c7: {  	v22 =	vunpack.i.u.bf16.f32 v22;
	v20 =	vld [tilespmem:s10+$0x30];
	v26 =	vadd.f32 v26, v61  }
0x5c8: {  	v22 =	vadd.f32 v25, v22;
	v25 =	vld [tilespmem:s15+$0x0]  }
0x5c9: {  	[tilespmem:s21+$0xC00] =	vst v26;
	v26 =	vld [tilespmem:s18+$0x0]  }
0x5ca: {  	v36 =	vunpack.i.l.bf16.f32 v28;
	[tilespmem:s21+$0xC10] =	vst v22;
	v22 =	vld [tilespmem:s18+$0x10]  }
0x5cb: {  	v27 =	vld [tilespmem:s12+$0x60];
	v28 =	vunpack.i.u.bf16.f32 v28;
	v29 =	vadd.f32 v29, v36  }
0x5cc: {  	v31 =	vld [tilespmem:s11+$0x60];
	v23 =	vadd.f32 v23, v28;
	v37 =	vunpack.i.l.bf16.f32 v20;
	v20 =	vunpack.i.u.bf16.f32 v20  }
0x5cd: {  	v28 =	vld [tilespmem:s16+$0x450];
	[tilespmem:s12+$0x40] =	vst v29;
	v20 =	vadd.f32 v62, v20;
	v38 =	vunpack.i.l.bf16.f32 v25  }
0x5ce: {  	v29 =	vld [tilespmem:s21+$0xC20];
	[tilespmem:s12+$0x50] =	vst v23;
	v25 =	vunpack.i.u.bf16.f32 v25;
	v26 =	vadd.f32 v26, v38  }
0x5cf: {  	v23 =	vld [tilespmem:s21+$0xC30];
	[tilespmem:s11+$0x70] =	vst v20;
	v20 =	vadd.f32 v22, v25  }
0x5d0: {  	v39 =	vld [tilespmem:s13+$0x30];
	[tilespmem:s18+$0x0] =	vst v26  }
0x5d1: {  	v30 =	vld [tilespmem:s12+$0x70];
	v31 =	vadd.f32 v31, v37;
	[tilespmem:s18+$0x10] =	vst v20  }
0x5d2: {  	v20 =	vld [tilespmem:s15+$0x10]  }
0x5d3: {  	[tilespmem:s11+$0x60] =	vst v31;
	v31 =	vld [tilespmem:s18+$0x20];
	v26 =	vunpack.i.l.bf16.f32 v28  }
0x5d4: {  	v28 =	vunpack.i.u.bf16.f32 v28;
	v26 =	vadd.f32 v29, v26;
	v29 =	vld [tilespmem:s18+$0x30]  }
0x5d5: {  	v17 =	vld [tilespmem:s21+$0xC60];
	v23 =	vadd.f32 v23, v28;
	v28 =	vunpack.i.l.bf16.f32 v39  }
0x5d6: {  	v3 =	vld [tilespmem:s8+$0xC60];
	v33 =	vunpack.i.u.bf16.f32 v39;
	[tilespmem:s21+$0xC20] =	vst v26;
	v26 =	vadd.f32 v27, v28  }
0x5d7: {  	v25 =	vld [tilespmem:s10+$0x40];
	v27 =	vadd.f32 v30, v33;
	[tilespmem:s21+$0xC30] =	vst v23;
	v23 =	vunpack.i.l.bf16.f32 v20  }
0x5d8: {  	v4 =	vld [tilespmem:s8+$0xC70];
	[tilespmem:s12+$0x60] =	vst v26;
	v20 =	vunpack.i.u.bf16.f32 v20;
	v23 =	vadd.f32 v31, v23  }
0x5d9: {  	v30 =	vld [tilespmem:s16+$0x460];
	[tilespmem:s12+$0x70] =	vst v27;
	v20 =	vadd.f32 v29, v20  }
0x5da: {  	v26 =	vld [tilespmem:s21+$0xC40];
	[tilespmem:s18+$0x20] =	vst v23  }
0x5db: {  	v27 =	vld [tilespmem:s21+$0xC50];
	[tilespmem:s18+$0x30] =	vst v20  }
0x5dc: {  	v20 =	vunpack.i.l.bf16.f32 v25;
	v29 =	vld [tilespmem:s15+$0x20]  }
0x5dd: {  	v31 =	vld [tilespmem:s18+$0x40];
	v25 =	vunpack.i.u.bf16.f32 v25;
	v20 =	vadd.f32 v41, v20  }
0x5de: {  	v58 =	vld [tilespmem:s11+$0x800];
	v25 =	vadd.f32 v42, v25  }
0x5df: {  	v23 =	vld [tilespmem:s13+$0x40];
	[tilespmem:s11+$0x400] =	vst v20;
	v20 =	vunpack.i.l.bf16.f32 v30  }
0x5e0: {  	v24 =	vld [tilespmem:s12+$0x400];
	[tilespmem:s11+$0x410] =	vst v25;
	v25 =	vunpack.i.u.bf16.f32 v30;
	v20 =	vadd.f32 v26, v20  }
0x5e1: {  	v59 =	vld [tilespmem:s11+$0x810];
	v25 =	vadd.f32 v27, v25;
	v27 =	vunpack.i.l.bf16.f32 v29  }
0x5e2: {  	v22 =	vld [tilespmem:s12+$0x430];
	[tilespmem:s21+$0xC40] =	vst v20;
	v20 =	vunpack.i.u.bf16.f32 v29;
	v27 =	vadd.f32 v31, v27  }
0x5e3: {  	v26 =	vld [tilespmem:s10+$0x50];
	[tilespmem:s21+$0xC50] =	vst v25;
	v25 =	vadd.f32 v43, v20  }
0x5e4: {  	v30 =	vld [tilespmem:s11+$0x420];
	v20 =	vunpack.i.l.bf16.f32 v23;
	[tilespmem:s18+$0x40] =	vst v27  }
0x5e5: {  	v29 =	vld [tilespmem:s11+$0x430];
	v23 =	vunpack.i.u.bf16.f32 v23;
	v24 =	vadd.f32 v24, v20;
	[tilespmem:s18+$0x50] =	vst v25  }
0x5e6: {  	v23 =	vadd.f32 v63, v23;
	v25 =	vunpack.i.l.bf16.f32 v21;
	v27 =	vld [tilespmem:s15+$0x30]  }
0x5e7: {  	v21 =	vunpack.i.u.bf16.f32 v21;
	v14 =	vadd.f32 v14, v25;
	[tilespmem:s12+$0x400] =	vst v24;
	v24 =	vld [tilespmem:s18+$0x60]  }
0x5e8: {  	v16 =	vadd.f32 v16, v21;
	v21 =	vunpack.i.l.bf16.f32 v26;
	[tilespmem:s12+$0x410] =	vst v23;
	v23 =	vld [tilespmem:s18+$0x70]  }
0x5e9: {  	v28 =	vld [tilespmem:s12+$0x440];
	v21 =	vadd.f32 v30, v21;
	[tilespmem:s8+$0x800] =	vst v14;
	v14 =	vunpack.i.u.bf16.f32 v26  }
0x5ea: {  	v41 =	vld [tilespmem:s18+$0x470];
	v14 =	vadd.f32 v29, v14  }
0x5eb: {  	v31 =	vld [tilespmem:s12+$0x800];
	[tilespmem:s11+$0x420] =	vst v21;
	v21 =	vunpack.i.l.bf16.f32 v27  }
0x5ec: {  	v20 =	vld [tilespmem:s16+$0x470];
	[tilespmem:s11+$0x430] =	vst v14;
	v14 =	vunpack.i.u.bf16.f32 v27;
	v21 =	vadd.f32 v24, v21  }
0x5ed: {  	v30 =	vld [tilespmem:s12+$0x810];
	[tilespmem:s8+$0x810] =	vst v16;
	v14 =	vadd.f32 v23, v14  }
0x5ee: {  	v16 =	vld [tilespmem:s13+$0x50];
	[tilespmem:s18+$0x60] =	vst v21  }
0x5ef: {  	v25 =	vld [tilespmem:s20+$0x410];
	[tilespmem:s18+$0x70] =	vst v14  }
0x5f0: {  	v21 =	vld [tilespmem:s15+$0x40]  }
0x5f1: {  	v23 =	vld [tilespmem:s18+$0x400]  }
0x5f2: {  	v27 =	vld [tilespmem:s18+$0x410]  }
0x5f3: {  	v26 =	vld [tilespmem:s10+$0x60];
	v14 =	vunpack.i.l.bf16.f32 v16  }
0x5f4: {  	v29 =	vld [tilespmem:s12+$0x820];
	v16 =	vunpack.i.u.bf16.f32 v16;
	v14 =	vadd.f32 v40, v14  }
0x5f5: {  	v24 =	vld [tilespmem:s12+$0x830];
	v16 =	vadd.f32 v22, v16;
	v22 =	vunpack.i.l.bf16.f32 v21  }
0x5f6: {  	v40 =	vld [tilespmem:s18+$0x460];
	[tilespmem:s12+$0x420] =	vst v14;
	v21 =	vunpack.i.u.bf16.f32 v21;
	v23 =	vadd.f32 v23, v22  }
0x5f7: {  	v14 =	vld [tilespmem:s12+$0x840];
	[tilespmem:s12+$0x430] =	vst v16;
	v21 =	vadd.f32 v27, v21  }
0x5f8: {  	v16 =	vld [tilespmem:s12+$0x850];
	v27 =	vunpack.i.l.bf16.f32 v26;
	[tilespmem:s18+$0x400] =	vst v23  }
0x5f9: {  	v49 =	vld [tilespmem:s13+$0x60];
	v26 =	vunpack.i.u.bf16.f32 v26;
	v27 =	vadd.f32 v47, v27;
	[tilespmem:s18+$0x410] =	vst v21  }
0x5fa: {  	v21 =	vadd.f32 v48, v26;
	v26 =	vld [tilespmem:s15+$0x50]  }
0x5fb: {  	v22 =	vld [tilespmem:s12+$0x860];
	[tilespmem:s11+$0x440] =	vst v27;
	v27 =	vunpack.i.l.bf16.f32 v25  }
0x5fc: {  	v23 =	vld [tilespmem:s12+$0x870];
	[tilespmem:s11+$0x450] =	vst v21;
	v21 =	vunpack.i.u.bf16.f32 v25;
	v6 =	vadd.f32 v6, v27  }
0x5fd: {  	v27 =	vld [tilespmem:s12+$0xC00];
	v7 =	vadd.f32 v7, v21  }
0x5fe: {  	v25 =	vld [tilespmem:s10+$0x70];
	v21 =	vunpack.i.l.bf16.f32 v49;
	[tilespmem:s8+$0x820] =	vst v6  }
0x5ff: {  	v6 =	vld [tilespmem:s11+$0x470];
	v28 =	vadd.f32 v28, v21;
	[tilespmem:s8+$0x830] =	vst v7;
	v21 =	vunpack.i.l.bf16.f32 v26  }
0x600: {  	v7 =	vunpack.i.u.bf16.f32 v26;
	v53 =	vld [tilespmem:s20+$0x420];
	v26 =	vadd.f32 v50, v21  }
0x601: {  	[tilespmem:s12+$0x440] =	vst v28;
	v28 =	vunpack.i.u.bf16.f32 v49;
	v49 =	vld [tilespmem:s18+$0x800];
	v7 =	vadd.f32 v51, v7  }
0x602: {  	v21 =	vld [tilespmem:s21+$0xC70];
	[tilespmem:s18+$0x420] =	vst v26  }
0x603: {  	v50 =	vld [tilespmem:s18+$0x810];
	v54 =	vunpack.i.l.bf16.f32 v25;
	[tilespmem:s18+$0x430] =	vst v7  }
0x604: {  	v7 =	vunpack.i.u.bf16.f32 v25;
	v25 =	vadd.f32 v52, v54;
	v55 =	vld [tilespmem:s15+$0x60]  }
0x605: {  	v6 =	vadd.f32 v6, v7;
	v7 =	vld [tilespmem:s18+$0x440]  }
0x606: {  	s19 =	sadd.s32 s23, s19;
	v26 =	vadd.f32 v44, v28;
	[tilespmem:s11+$0x460] =	vst v25;
	v25 =	vld [tilespmem:s18+$0x450]  }
0x607: {  	v51 =	vld [tilespmem:s19+$0x0]  }
0x608: {  	v28 =	vld [tilespmem:s12+$0xC10];
	[tilespmem:s12+$0x450] =	vst v26  }
0x609: {  	v44 =	vld [tilespmem:s11+$0x820];
	[tilespmem:s11+$0x470] =	vst v6;
	v6 =	vunpack.i.l.bf16.f32 v55  }
0x60a: {  	v56 =	vld [tilespmem:s13+$0x70];
	v35 =	vunpack.i.u.bf16.f32 v55;
	v6 =	vadd.f32 v7, v6  }
0x60b: {  	v57 =	vld [tilespmem:s10+$0x400];
	v7 =	vadd.f32 v25, v35  }
0x60c: {  	v52 =	vld [tilespmem:s11+$0x840];
	[tilespmem:s18+$0x440] =	vst v6  }
0x60d: {  	v54 =	vld [tilespmem:s11+$0x850];
	[tilespmem:s18+$0x450] =	vst v7  }
0x60e: {  	v34 =	vunpack.i.u.bf16.f32 v53;
	v62 =	vld [tilespmem:s15+$0x70]  }
0x60f: {  	s16 =	sadd.s32 s23, s0;
	v26 =	vld [tilespmem:s12+$0xC20];
	v15 =	vadd.f32 v15, v34;
	v60 =	vunpack.i.l.bf16.f32 v56  }
0x610: {  	v55 =	vld [tilespmem:s16+$0x0];
	v33 =	vadd.f32 v45, v60;
	v61 =	vunpack.i.l.bf16.f32 v57  }
0x611: {  	[tilespmem:s8+$0x850] =	vst v15;
	v25 =	vld [tilespmem:s12+$0xC30];
	v7 =	vunpack.i.u.bf16.f32 v57;
	v35 =	vadd.f32 v58, v61  }
0x612: {  	v42 =	vunpack.i.u.bf16.f32 v56;
	v56 =	vld [tilespmem:s16+$0x10];
	v63 =	vadd.f32 v59, v7;
	v7 =	vunpack.i.l.bf16.f32 v53;
	[tilespmem:s12+$0x460] =	vst v33  }
0x613: {  	v6 =	vld [tilespmem:s12+$0xC40];
	v5 =	vadd.f32 v5, v7;
	[tilespmem:s11+$0x800] =	vst v35;
	v45 =	vunpack.i.l.bf16.f32 v62  }
0x614: {  	v60 =	vld [tilespmem:s18+$0x820];
	[tilespmem:s11+$0x810] =	vst v63;
	v15 =	vunpack.i.u.bf16.f32 v62;
	v33 =	vadd.f32 v40, v45  }
0x615: {  	v36 =	vunpack.i.u.bf16.f32 v51;
	v61 =	vunpack.i.l.bf16.f32 v51;
	v51 =	vld [tilespmem:s16+$0x40];
	[tilespmem:s8+$0x840] =	vst v5;
	v35 =	vadd.f32 v41, v15  }
0x616: {  	v43 =	vld [tilespmem:s10+$0x410];
	[tilespmem:s18+$0x460] =	vst v33  }
0x617: {  	v5 =	vadd.f32 v46, v42;
	v46 =	vld [tilespmem:s11+$0x830];
	[tilespmem:s18+$0x470] =	vst v35  }
0x618: {  	v48 =	vld [tilespmem:s15+$0x400]  }
0x619: {  	v7 =	vld [tilespmem:s12+$0xC50]  }
0x61a: {  	v39 =	vadd.f32 v55, v61;
	v61 =	vld [tilespmem:s11+$0xC00]  }
0x61b: {  	v63 =	vld [tilespmem:s16+$0x30];
	v47 =	vunpack.i.l.bf16.f32 v43  }
0x61c: {  	v37 =	vld [tilespmem:s20+$0x430];
	v34 =	vunpack.i.u.bf16.f32 v43;
	v32 =	vadd.f32 v44, v47  }
0x61d: {  	[tilespmem:s12+$0x470] =	vst v5;
	v5 =	vld [tilespmem:s12+$0xC60];
	v34 =	vadd.f32 v46, v34;
	v53 =	vunpack.i.l.bf16.f32 v48  }
0x61e: {  	v62 =	vld [tilespmem:s18+$0x830];
	[tilespmem:s11+$0x820] =	vst v32;
	v33 =	vunpack.i.u.bf16.f32 v48;
	v35 =	vadd.f32 v49, v53  }
0x61f: {  	v15 =	vld [tilespmem:s13+$0x400];
	[tilespmem:s11+$0x830] =	vst v34;
	v32 =	vadd.f32 v50, v33  }
0x620: {  	v34 =	vld [tilespmem:s10+$0x420];
	[tilespmem:s18+$0x800] =	vst v35  }
0x621: {  	v45 =	vadd.f32 v56, v36;
	v56 =	vld [tilespmem:s18+$0x840];
	[tilespmem:s18+$0x810] =	vst v32  }
0x622: {  	v59 =	vld [tilespmem:s15+$0x410]  }
0x623: {  	v43 =	vld [tilespmem:s16+$0x470]  }
0x624: {  	v47 =	vld [tilespmem:s11+$0x860];
	v55 =	vunpack.i.l.bf16.f32 v37  }
0x625: {  	[tilespmem:s16+$0x0] =	vst v39;
	v11 =	vadd.f32 v11, v55;
	v55 =	vld [tilespmem:s11+$0xC30];
	v41 =	vunpack.i.l.bf16.f32 v34  }
0x626: {  	[tilespmem:s16+$0x10] =	vst v45;
	v49 =	vld [tilespmem:s11+$0x870];
	v57 =	vunpack.i.u.bf16.f32 v34;
	v58 =	vadd.f32 v52, v41  }
0x627: {  	v50 =	vld [tilespmem:s19+$0x10];
	v32 =	vadd.f32 v54, v57;
	v48 =	vunpack.i.l.bf16.f32 v59  }
0x628: {  	v35 =	vld [tilespmem:s16+$0x20];
	[tilespmem:s11+$0x840] =	vst v58;
	v38 =	vunpack.i.u.bf16.f32 v59;
	v39 =	vadd.f32 v60, v48  }
0x629: {  	v52 =	vld [tilespmem:s16+$0x50];
	[tilespmem:s11+$0x850] =	vst v32;
	v34 =	vadd.f32 v62, v38  }
0x62a: {  	v46 =	vld [tilespmem:s10+$0x430];
	[tilespmem:s18+$0x820] =	vst v39  }
0x62b: {  	v41 =	vld [tilespmem:s11+$0xC70];
	[tilespmem:s18+$0x830] =	vst v34  }
0x62c: {  	v40 =	vunpack.i.u.bf16.f32 v50;
	v54 =	vld [tilespmem:s15+$0x420]  }
0x62d: {  	[tilespmem:s8+$0x860] =	vst v11;
	v57 =	vunpack.i.l.bf16.f32 v50;
	v58 =	vld [tilespmem:s18+$0x850];
	v11 =	vadd.f32 v63, v40  }
0x62e: {  	v50 =	vld [tilespmem:s18+$0x870];
	v35 =	vadd.f32 v35, v57;
	v59 =	vunpack.i.u.bf16.f32 v37  }
0x62f: {  	v63 =	vld [tilespmem:s16+$0x70];
	[tilespmem:s16+$0x30] =	vst v11;
	v8 =	vadd.f32 v8, v59;
	v42 =	vunpack.i.l.bf16.f32 v46  }
0x630: {  	v40 =	vld [tilespmem:s16+$0x400];
	[tilespmem:s16+$0x20] =	vst v35;
	v33 =	vunpack.i.u.bf16.f32 v46;
	v53 =	vadd.f32 v47, v42  }
0x631: {  	v57 =	vld [tilespmem:s18+$0xC00];
	[tilespmem:s8+$0x870] =	vst v8;
	v32 =	vadd.f32 v49, v33;
	v62 =	vunpack.i.l.bf16.f32 v54  }
0x632: {  	v8 =	vld [tilespmem:s19+$0x20];
	[tilespmem:s11+$0x860] =	vst v53;
	v36 =	vunpack.i.u.bf16.f32 v54;
	v33 =	vadd.f32 v56, v62  }
0x633: {  	v11 =	vld [tilespmem:s11+$0xC10];
	[tilespmem:s11+$0x870] =	vst v32;
	v34 =	vadd.f32 v58, v36  }
0x634: {  	v60 =	vld [tilespmem:s10+$0x440];
	[tilespmem:s18+$0x840] =	vst v33  }
0x635: {  	v48 =	vld [tilespmem:s18+$0x860];
	[tilespmem:s18+$0x850] =	vst v34  }
0x636: {  	v46 =	vld [tilespmem:s15+$0x430]  }
0x637: {  	v59 =	vld [tilespmem:s18+$0xC10];
	v49 =	vunpack.i.l.bf16.f32 v8  }
0x638: {  	v42 =	vld [tilespmem:s16+$0x60];
	v8 =	vunpack.i.u.bf16.f32 v8;
	v51 =	vadd.f32 v51, v49  }
0x639: {  	v44 =	vld [tilespmem:s20+$0x440];
	v8 =	vadd.f32 v52, v8;
	v45 =	vunpack.i.l.bf16.f32 v60  }
0x63a: {  	v53 =	vld [tilespmem:s11+$0xC20];
	[tilespmem:s16+$0x40] =	vst v51;
	v47 =	vunpack.i.u.bf16.f32 v60;
	v32 =	vadd.f32 v61, v45  }
0x63b: {  	v36 =	vld [tilespmem:s16+$0x410];
	[tilespmem:s16+$0x50] =	vst v8;
	v11 =	vadd.f32 v11, v47;
	v52 =	vunpack.i.l.bf16.f32 v46  }
0x63c: {  	v51 =	vld [tilespmem:s11+$0xC40];
	[tilespmem:s11+$0xC00] =	vst v32;
	v8 =	vunpack.i.u.bf16.f32 v46;
	v32 =	vadd.f32 v48, v52  }
0x63d: {  	v54 =	vld [tilespmem:s19+$0x30];
	[tilespmem:s11+$0xC10] =	vst v11;
	v8 =	vadd.f32 v50, v8  }
0x63e: {  	v33 =	vld [tilespmem:s11+$0xC60];
	[tilespmem:s18+$0x860] =	vst v32  }
0x63f: {  	v11 =	vld [tilespmem:s10+$0x450];
	[tilespmem:s18+$0x870] =	vst v8  }
0x640: {  	v56 =	vld [tilespmem:s15+$0x440]  }
0x641: {  	v47 =	vld [tilespmem:s16+$0x440]  }
0x642: {  	v45 =	vld [tilespmem:s16+$0x460];
	v58 =	vunpack.i.l.bf16.f32 v54  }
0x643: {  	v34 =	vunpack.i.u.bf16.f32 v54;
	v46 =	vld [tilespmem:s16+$0x430];
	v38 =	vadd.f32 v42, v58  }
0x644: {  	v34 =	vadd.f32 v63, v34;
	v63 =	vld [tilespmem:s18+$0xC20];
	v8 =	vunpack.i.l.bf16.f32 v11;
	v11 =	vunpack.i.u.bf16.f32 v11  }
0x645: {  	v42 =	vld [tilespmem:s16+$0x810];
	[tilespmem:s16+$0x60] =	vst v38;
	v11 =	vadd.f32 v55, v11;
	v60 =	vunpack.i.l.bf16.f32 v56  }
0x646: {  	v58 =	vld [tilespmem:s18+$0xC40];
	[tilespmem:s16+$0x70] =	vst v34;
	v61 =	vunpack.i.u.bf16.f32 v56;
	v35 =	vadd.f32 v57, v60  }
0x647: {  	[tilespmem:s11+$0xC30] =	vst v11;
	v11 =	vld [tilespmem:s19+$0x40];
	v34 =	vadd.f32 v59, v61  }
0x648: {  	v48 =	vld [tilespmem:s16+$0x450];
	[tilespmem:s18+$0xC00] =	vst v35  }
0x649: {  	v50 =	vld [tilespmem:s18+$0xC30];
	[tilespmem:s18+$0xC10] =	vst v34  }
0x64a: {  	v34 =	vld [tilespmem:s15+$0x450]  }
0x64b: {  	v32 =	vld [tilespmem:s16+$0x420];
	v8 =	vadd.f32 v53, v8  }
0x64c: {  	v53 =	vld [tilespmem:s11+$0xC50];
	v49 =	vunpack.i.l.bf16.f32 v11  }
0x64d: {  	[tilespmem:s11+$0xC20] =	vst v8;
	v8 =	vld [tilespmem:s12+$0xC70];
	v11 =	vunpack.i.u.bf16.f32 v11;
	v38 =	vadd.f32 v40, v49  }
0x64e: {  	v62 =	vld [tilespmem:s10+$0x460];
	v11 =	vadd.f32 v36, v11  }
0x64f: {  	v40 =	vld [tilespmem:s16+$0x800];
	[tilespmem:s16+$0x400] =	vst v38;
	v52 =	vunpack.i.l.bf16.f32 v34  }
0x650: {  	v49 =	vld [tilespmem:s18+$0xC50];
	[tilespmem:s16+$0x410] =	vst v11;
	v11 =	vunpack.i.u.bf16.f32 v34;
	v54 =	vadd.f32 v63, v52  }
0x651: {  	v55 =	vld [tilespmem:s19+$0x50];
	v11 =	vadd.f32 v50, v11  }
0x652: {  	v56 =	vunpack.i.l.bf16.f32 v15;
	v35 =	vld [tilespmem:s16+$0x840];
	[tilespmem:s18+$0xC20] =	vst v54  }
0x653: {  	v36 =	vld [tilespmem:s16+$0x850];
	[tilespmem:s18+$0xC30] =	vst v11;
	v11 =	vadd.f32 v31, v56;
	v31 =	vunpack.i.l.bf16.f32 v62  }
0x654: {  	v37 =	vunpack.i.u.bf16.f32 v62;
	v57 =	vld [tilespmem:s15+$0x460];
	v31 =	vadd.f32 v51, v31  }
0x655: {  	v15 =	vunpack.i.u.bf16.f32 v15;
	v38 =	vld [tilespmem:s16+$0x830];
	[tilespmem:s12+$0x800] =	vst v11;
	v11 =	vadd.f32 v53, v37  }
0x656: {  	v15 =	vadd.f32 v30, v15;
	v59 =	vunpack.i.l.bf16.f32 v55;
	v37 =	vld [tilespmem:s16+$0x820];
	[tilespmem:s11+$0xC40] =	vst v31  }
0x657: {  	s28 =	simm.s32 $0x300;
	s25 =	simm.s32 $0xC00;
	v31 =	vadd.f32 v32, v59;
	v32 =	vld [tilespmem:s16+$0x870];
	[tilespmem:s11+$0xC50] =	vst v11;
	v11 =	vunpack.i.u.bf16.f32 v55  }
0x658: {  	s22 =	sand.u32 $0x300, s28;
	[tilespmem:s12+$0x810] =	vst v15;
	v39 =	vld [tilespmem:s10+$0x470];
	v11 =	vadd.f32 v46, v11;
	s10 =	sand.u32 $0x3FFFF000, s25  }
0x659: {  	s29 =	sor.u32 $0x80, s22;
	s23 =	simm.s32 $0x600;
	[tilespmem:s16+$0x420] =	vst v31;
	v31 =	vld [tilespmem:s16+$0x860];
	v15 =	vunpack.i.u.bf16.f32 v57;
	s25 =	sadd.s32 $0xB200, s10  }
0x65a: {  	s0 =	sand.u32 $0x3FFFF800, s23;
	v30 =	vunpack.i.l.bf16.f32 v57;
	[tilespmem:s16+$0x430] =	vst v11;
	v11 =	vadd.f32 v49, v15;
	v15 =	vld [tilespmem:s13+$0x410];
	s23 =	sadd.s32 s29, s25  }
0x65b: {  	s0 =	sadd.s32 $0x17200, s0;
	v30 =	vadd.f32 v58, v30;
	v60 =	vld [tilespmem:s23+$0x0]  }
0x65c: {  	s10 =	sadd.s32 s29, s0;
	v61 =	vld [tilespmem:s23+$0x10]  }
0x65d: {  	[tilespmem:s18+$0xC40] =	vst v30;
	v30 =	vld [tilespmem:s10+$0x0]  }
0x65e: {  	v50 =	vld [tilespmem:s19+$0x60]  }
0x65f: {  	v58 =	vld [tilespmem:s23+$0x30]  }
0x660: {  	v54 =	vld [tilespmem:s23+$0x50]  }
0x661: {  	[tilespmem:s18+$0xC50] =	vst v11;
	v11 =	vld [tilespmem:s16+$0xC00]  }
0x662: {  	v34 =	vld [tilespmem:s15+$0x470];
	s15 =	sadd.s32 s22, s0;
	v51 =	vunpack.i.l.bf16.f32 v30  }
0x663: {  	s22 =	sadd.s32 s22, s25;
	v62 =	vld [tilespmem:s15+$0x0];
	v30 =	vunpack.i.u.bf16.f32 v30;
	v46 =	vadd.f32 v60, v51  }
0x664: {  	v63 =	vunpack.i.l.bf16.f32 v44;
	v52 =	vld [tilespmem:s22+$0x0];
	v30 =	vadd.f32 v61, v30  }
0x665: {  	v13 =	vadd.f32 v13, v63;
	v57 =	vld [tilespmem:s22+$0x10];
	v56 =	vunpack.i.l.bf16.f32 v15;
	[tilespmem:s23+$0x0] =	vst v46  }
0x666: {  	v59 =	vld [tilespmem:s22+$0x20];
	v15 =	vunpack.i.u.bf16.f32 v15;
	v29 =	vadd.f32 v29, v56;
	[tilespmem:s23+$0x10] =	vst v30  }
0x667: {  	[tilespmem:s8+$0xC00] =	vst v13;
	v13 =	vadd.f32 v24, v15;
	v15 =	vunpack.i.l.bf16.f32 v50;
	v30 =	vld [tilespmem:s10+$0x10]  }
0x668: {  	v24 =	vld [tilespmem:s23+$0x20];
	v15 =	vadd.f32 v47, v15;
	[tilespmem:s12+$0x820] =	vst v29;
	v29 =	vunpack.i.l.bf16.f32 v62  }
0x669: {  	v53 =	vld [tilespmem:s22+$0x400];
	[tilespmem:s12+$0x830] =	vst v13;
	v13 =	vunpack.i.u.bf16.f32 v62;
	v29 =	vadd.f32 v52, v29  }
0x66a: {  	v44 =	vunpack.i.u.bf16.f32 v44;
	v60 =	vld [tilespmem:s22+$0x30];
	[tilespmem:s16+$0x440] =	vst v15;
	v15 =	vadd.f32 v57, v13  }
0x66b: {  	v12 =	vadd.f32 v12, v44;
	v51 =	vld [tilespmem:s22+$0x50];
	[tilespmem:s22+$0x0] =	vst v29  }
0x66c: {  	v61 =	vld [tilespmem:s13+$0x420];
	[tilespmem:s22+$0x10] =	vst v15;
	v29 =	vunpack.i.l.bf16.f32 v30  }
0x66d: {  	[tilespmem:s8+$0xC10] =	vst v12;
	v12 =	vld [tilespmem:s15+$0x10];
	v15 =	vunpack.i.u.bf16.f32 v30;
	v24 =	vadd.f32 v24, v29  }
0x66e: {  	v62 =	vld [tilespmem:s23+$0x40];
	v15 =	vadd.f32 v58, v15  }
0x66f: {  	v13 =	vld [tilespmem:s16+$0xC10];
	[tilespmem:s23+$0x20] =	vst v24  }
0x670: {  	v46 =	vld [tilespmem:s22+$0x470];
	[tilespmem:s23+$0x30] =	vst v15  }
0x671: {  	v30 =	vunpack.i.u.bf16.f32 v50;
	v15 =	vld [tilespmem:s10+$0x20]  }
0x672: {  	v50 =	vld [tilespmem:s23+$0x470];
	v30 =	vadd.f32 v48, v30;
	v63 =	vunpack.i.l.bf16.f32 v12  }
0x673: {  	v29 =	vld [tilespmem:s20+$0x450];
	v12 =	vunpack.i.u.bf16.f32 v12;
	v47 =	vadd.f32 v59, v63  }
0x674: {  	v48 =	vld [tilespmem:s22+$0x60];
	v58 =	vunpack.i.l.bf16.f32 v61;
	[tilespmem:s16+$0x450] =	vst v30;
	v30 =	vadd.f32 v60, v12  }
0x675: {  	v14 =	vadd.f32 v14, v58;
	v58 =	vld [tilespmem:s22+$0x420];
	[tilespmem:s22+$0x20] =	vst v47  }
0x676: {  	v24 =	vld [tilespmem:s22+$0x40];
	[tilespmem:s22+$0x30] =	vst v30;
	v55 =	vunpack.i.l.bf16.f32 v15  }
0x677: {  	v56 =	vld [tilespmem:s15+$0x20];
	v15 =	vunpack.i.u.bf16.f32 v15;
	v30 =	vadd.f32 v62, v55  }
0x678: {  	v12 =	vld [tilespmem:s16+$0xC20];
	v57 =	vadd.f32 v54, v15  }
0x679: {  	v60 =	vld [tilespmem:s23+$0x60];
	[tilespmem:s23+$0x40] =	vst v30  }
0x67a: {  	v49 =	vld [tilespmem:s19+$0x70];
	[tilespmem:s23+$0x50] =	vst v57  }
0x67b: {  	v44 =	vunpack.i.u.bf16.f32 v61;
	v59 =	vld [tilespmem:s10+$0x30]  }
0x67c: {  	v16 =	vadd.f32 v16, v44;
	v47 =	vld [tilespmem:s22+$0x450];
	v61 =	vunpack.i.l.bf16.f32 v56  }
0x67d: {  	[tilespmem:s12+$0x840] =	vst v14;
	v62 =	vld [tilespmem:s23+$0x70];
	v14 =	vunpack.i.u.bf16.f32 v56;
	v24 =	vadd.f32 v24, v61  }
0x67e: {  	[tilespmem:s12+$0x850] =	vst v16;
	v15 =	vld [tilespmem:s16+$0xC30];
	v16 =	vadd.f32 v51, v14  }
0x67f: {  	v54 =	vld [tilespmem:s22+$0x410];
	[tilespmem:s22+$0x40] =	vst v24  }
0x680: {  	v55 =	vld [tilespmem:s13+$0x430];
	[tilespmem:s22+$0x50] =	vst v16;
	v24 =	vunpack.i.l.bf16.f32 v59  }
0x681: {  	v63 =	vunpack.i.l.bf16.f32 v49;
	v56 =	vld [tilespmem:s15+$0x30];
	v16 =	vunpack.i.u.bf16.f32 v59;
	v24 =	vadd.f32 v60, v24  }
0x682: {  	v44 =	vadd.f32 v45, v63;
	v63 =	vld [tilespmem:s23+$0x430];
	v57 =	vadd.f32 v62, v16  }
0x683: {  	v30 =	vld [tilespmem:s22+$0x70];
	[tilespmem:s23+$0x60] =	vst v24;
	v24 =	vunpack.i.l.bf16.f32 v29  }
0x684: {  	v14 =	vld [tilespmem:s16+$0xC40];
	[tilespmem:s23+$0x70] =	vst v57;
	v18 =	vadd.f32 v18, v24  }
0x685: {  	v29 =	vunpack.i.u.bf16.f32 v29;
	v24 =	vld [tilespmem:s10+$0x40]  }
0x686: {  	v60 =	vld [tilespmem:s23+$0x400];
	[tilespmem:s8+$0xC20] =	vst v18;
	v18 =	vadd.f32 v19, v29;
	v19 =	vunpack.i.l.bf16.f32 v56  }
0x687: {  	[tilespmem:s16+$0x460] =	vst v44;
	v44 =	vunpack.i.u.bf16.f32 v56;
	v29 =	vld [tilespmem:s23+$0x410];
	v19 =	vadd.f32 v48, v19  }
0x688: {  	v61 =	vld [tilespmem:s22+$0x430];
	[tilespmem:s8+$0xC30] =	vst v18;
	v18 =	vadd.f32 v30, v44  }
0x689: {  	v51 =	vld [tilespmem:s22+$0x460];
	v59 =	vunpack.i.u.bf16.f32 v49;
	[tilespmem:s22+$0x60] =	vst v19  }
0x68a: {  	v16 =	vld [tilespmem:s16+$0xC50];
	v43 =	vadd.f32 v43, v59;
	v19 =	vunpack.i.l.bf16.f32 v24;
	[tilespmem:s22+$0x70] =	vst v18  }
0x68b: {  	v18 =	vunpack.i.u.bf16.f32 v24;
	v19 =	vadd.f32 v60, v19;
	v24 =	vld [tilespmem:s15+$0x40]  }
0x68c: {  	[tilespmem:s16+$0x470] =	vst v43;
	v43 =	vld [tilespmem:s18+$0xC70];
	v29 =	vadd.f32 v29, v18  }
0x68d: {  	v62 =	vld [tilespmem:s19+$0x400];
	[tilespmem:s23+$0x400] =	vst v19  }
0x68e: {  	v44 =	vld [tilespmem:s22+$0x440];
	v19 =	vunpack.i.l.bf16.f32 v55;
	[tilespmem:s23+$0x410] =	vst v29  }
0x68f: {  	v30 =	vunpack.i.u.bf16.f32 v55;
	v19 =	vadd.f32 v22, v19;
	v29 =	vld [tilespmem:s10+$0x50]  }
0x690: {  	v23 =	vadd.f32 v23, v30;
	v22 =	vld [tilespmem:s23+$0x420];
	v30 =	vunpack.i.l.bf16.f32 v24  }
0x691: {  	v49 =	vld [tilespmem:s20+$0x460];
	[tilespmem:s12+$0x860] =	vst v19;
	v19 =	vunpack.i.u.bf16.f32 v24;
	v24 =	vadd.f32 v53, v30  }
0x692: {  	v18 =	vld [tilespmem:s16+$0xC60];
	[tilespmem:s12+$0x870] =	vst v23;
	v23 =	vadd.f32 v54, v19  }
0x693: {  	v55 =	vld [tilespmem:s23+$0x450];
	[tilespmem:s22+$0x400] =	vst v24  }
0x694: {  	v52 =	vld [tilespmem:s13+$0x440];
	v24 =	vunpack.i.l.bf16.f32 v29;
	[tilespmem:s22+$0x410] =	vst v23  }
0x695: {  	v23 =	vunpack.i.u.bf16.f32 v29;
	v22 =	vadd.f32 v22, v24;
	v24 =	vld [tilespmem:s15+$0x50]  }
0x696: {  	v19 =	vld [tilespmem:s16+$0xC70];
	v23 =	vadd.f32 v63, v23  }
0x697: {  	v30 =	vld [tilespmem:s22+$0x810];
	[tilespmem:s23+$0x420] =	vst v22;
	v22 =	vunpack.i.l.bf16.f32 v62  }
0x698: {  	v54 =	vld [tilespmem:s23+$0x440];
	[tilespmem:s23+$0x430] =	vst v23;
	v23 =	vunpack.i.u.bf16.f32 v62;
	v22 =	vadd.f32 v40, v22  }
0x699: {  	v57 =	vunpack.i.u.bf16.f32 v20;
	v53 =	vld [tilespmem:s10+$0x60];
	v42 =	vadd.f32 v42, v23  }
0x69a: {  	v21 =	vadd.f32 v21, v57;
	v29 =	vld [tilespmem:s22+$0x800];
	v23 =	vunpack.i.l.bf16.f32 v24;
	[tilespmem:s16+$0x800] =	vst v22  }
0x69b: {  	v63 =	vld [tilespmem:s23+$0x460];
	[tilespmem:s16+$0x810] =	vst v42;
	v56 =	vunpack.i.u.bf16.f32 v24;
	v22 =	vadd.f32 v58, v23  }
0x69c: {  	[tilespmem:s21+$0xC70] =	vst v21;
	v42 =	vadd.f32 v61, v56;
	v58 =	vld [tilespmem:s19+$0x410];
	v56 =	vunpack.i.l.bf16.f32 v49  }
0x69d: {  	v24 =	vld [tilespmem:s22+$0x830];
	v10 =	vadd.f32 v10, v56;
	[tilespmem:s22+$0x420] =	vst v22;
	v22 =	vunpack.i.l.bf16.f32 v20  }
0x69e: {  	v23 =	vld [tilespmem:s22+$0x820];
	[tilespmem:s22+$0x430] =	vst v42;
	v21 =	vunpack.i.u.bf16.f32 v53;
	v17 =	vadd.f32 v17, v22  }
0x69f: {  	v20 =	vld [tilespmem:s22+$0x840];
	v22 =	vunpack.i.l.bf16.f32 v53;
	v21 =	vadd.f32 v55, v21;
	[tilespmem:s8+$0xC40] =	vst v10  }
0x6a0: {  	v42 =	vld [tilespmem:s15+$0x60];
	v40 =	vadd.f32 v54, v22;
	[tilespmem:s21+$0xC60] =	vst v17;
	v17 =	vunpack.i.u.bf16.f32 v39;
	v39 =	vunpack.i.l.bf16.f32 v39  }
0x6a1: {  	v10 =	vunpack.i.u.bf16.f32 v49;
	v49 =	vld [tilespmem:s23+$0x800];
	v59 =	vunpack.i.l.bf16.f32 v58;
	[tilespmem:s23+$0x450] =	vst v21;
	v33 =	vadd.f32 v33, v39  }
0x6a2: {  	v22 =	vld [tilespmem:s22+$0x850];
	v60 =	vunpack.i.u.bf16.f32 v58;
	[tilespmem:s23+$0x440] =	vst v40;
	v37 =	vadd.f32 v37, v59  }
0x6a3: {  	v48 =	vunpack.i.l.bf16.f32 v52;
	v62 =	vadd.f32 v38, v60;
	v61 =	vld [tilespmem:s10+$0x70];
	[tilespmem:s11+$0xC60] =	vst v33  }
0x6a4: {  	v54 =	vunpack.i.u.bf16.f32 v52;
	v21 =	vld [tilespmem:s22+$0x870];
	v41 =	vadd.f32 v41, v17;
	[tilespmem:s16+$0x820] =	vst v37;
	v37 =	vadd.f32 v27, v48  }
0x6a5: {  	v17 =	vld [tilespmem:s22+$0x860];
	v45 =	vunpack.i.l.bf16.f32 v42;
	[tilespmem:s16+$0x830] =	vst v62;
	v53 =	vunpack.i.u.bf16.f32 v42;
	v42 =	vadd.f32 v28, v54  }
0x6a6: {  	v40 =	vadd.f32 v44, v45;
	v55 =	vld [tilespmem:s19+$0x420];
	[tilespmem:s12+$0xC00] =	vst v37  }
0x6a7: {  	v27 =	vld [tilespmem:s22+$0xC00];
	v33 =	vadd.f32 v47, v53;
	[tilespmem:s12+$0xC10] =	vst v42  }
0x6a8: {  	v28 =	vld [tilespmem:s22+$0xC10];
	[tilespmem:s22+$0x440] =	vst v40;
	v57 =	vunpack.i.l.bf16.f32 v61  }
0x6a9: {  	[tilespmem:s22+$0x450] =	vst v33;
	v60 =	vld [tilespmem:s13+$0x450];
	v58 =	vunpack.i.u.bf16.f32 v61;
	v33 =	vadd.f32 v63, v57  }
0x6aa: {  	[tilespmem:s11+$0xC70] =	vst v41;
	v59 =	vld [tilespmem:s15+$0x70];
	v37 =	vadd.f32 v50, v58  }
0x6ab: {  	v44 =	vld [tilespmem:s18+$0xC60];
	v61 =	vadd.f32 v9, v10;
	v63 =	vunpack.i.l.bf16.f32 v55;
	[tilespmem:s23+$0x460] =	vst v33  }
0x6ac: {  	v53 =	vld [tilespmem:s23+$0x810];
	v45 =	vunpack.i.u.bf16.f32 v55;
	[tilespmem:s23+$0x470] =	vst v37;
	v35 =	vadd.f32 v35, v63  }
0x6ad: {  	v9 =	vunpack.i.u.bf16.f32 v34;
	[tilespmem:s8+$0xC50] =	vst v61;
	v48 =	vadd.f32 v36, v45;
	v47 =	vld [tilespmem:s10+$0x400]  }
0x6ae: {  	v10 =	vld [tilespmem:s22+$0xC20];
	v62 =	vadd.f32 v43, v9;
	v52 =	vunpack.i.l.bf16.f32 v60;
	[tilespmem:s16+$0x840] =	vst v35  }
0x6af: {  	v9 =	vld [tilespmem:s22+$0xC30];
	v50 =	vunpack.i.l.bf16.f32 v59;
	[tilespmem:s16+$0x850] =	vst v48;
	v35 =	vadd.f32 v26, v52  }
0x6b0: {  	v34 =	vunpack.i.l.bf16.f32 v34;
	[tilespmem:s18+$0xC70] =	vst v62;
	v54 =	vunpack.i.u.bf16.f32 v59;
	v37 =	vadd.f32 v51, v50;
	v57 =	vld [tilespmem:s19+$0x430]  }
0x6b1: {  	v61 =	vadd.f32 v44, v34;
	v34 =	vld [tilespmem:s22+$0xC60];
	v55 =	vunpack.i.u.bf16.f32 v60;
	v56 =	vadd.f32 v46, v54;
	[tilespmem:s12+$0xC20] =	vst v35  }
0x6b2: {  	v33 =	vld [tilespmem:s22+$0xC50];
	v58 =	vadd.f32 v25, v55;
	[tilespmem:s22+$0x460] =	vst v37;
	v59 =	vunpack.i.l.bf16.f32 v47  }
0x6b3: {  	v25 =	vld [tilespmem:s20+$0x470];
	[tilespmem:s22+$0x470] =	vst v56;
	v60 =	vunpack.i.u.bf16.f32 v47;
	v36 =	vadd.f32 v49, v59  }
0x6b4: {  	[tilespmem:s12+$0xC30] =	vst v58;
	v37 =	vld [tilespmem:s15+$0x400];
	v38 =	vadd.f32 v53, v60  }
0x6b5: {  	v35 =	vld [tilespmem:s13+$0x460];
	v63 =	vunpack.i.l.bf16.f32 v57;
	[tilespmem:s23+$0x800] =	vst v36  }
0x6b6: {  	v26 =	vld [tilespmem:s22+$0xC40];
	v62 =	vunpack.i.u.bf16.f32 v57;
	[tilespmem:s23+$0x810] =	vst v38;
	v36 =	vadd.f32 v31, v63  }
0x6b7: {  	s11 =	simm.s32 $0x6;
	[tilespmem:s18+$0xC60] =	vst v61;
	v31 =	vadd.f32 v32, v62;
	v32 =	vld [tilespmem:s10+$0x410]  }
.LBB2_7:
0x6b8: {  	s11 =	sadd.s32 $0x2, s11;
	v38 =	vld [tilespmem:s23+$0x820];
	[tilespmem:s16+$0x860] =	vst v36;
	v36 =	vunpack.i.u.bf16.f32 v25;
	v25 =	vunpack.i.l.bf16.f32 v25  }
0x6b9: {  	s28 =	sadd.s32 $0x100, s28;
	s0 =	sshll.u32 s11, $0x8;
	p0 =	slt.u32 s11, $0x1E;
	v39 =	vunpack.i.u.bf16.f32 v37;
	v37 =	vunpack.i.l.bf16.f32 v37;
	v40 =	vld [tilespmem:s23+$0x830];
	[tilespmem:s16+$0x870] =	vst v31;
	v25 =	vadd.f32 v3, v25;
	v3 =	vmovc v5;
	v5 =	vmovc v18  }
0x6ba: {  	s20 =	sand.u32 $0x300, s28;
	s18 =	sshll.u32 s11, $0x9;
	s0 =	sand.u32 $0x3FFFF800, s0;
	v41 =	vadd.f32 v29, v37;
	v29 =	vadd.f32 v30, v39;
	v30 =	vld [tilespmem:s19+$0x440];
	v31 =	vunpack.i.u.bf16.f32 v35  }
0x6bb: {  	v36 =	vadd.f32 v4, v36;
	v4 =	vmovc v8;
	s21 =	sand.u32 $0x3FFFF000, s18;
	s25 =	sor.u32 $0x80, s20;
	v35 =	vunpack.i.l.bf16.f32 v35;
	s0 =	sadd.s32 $0x17200, s0;
	v37 =	vld [tilespmem:s22+$0xC70];
	v31 =	vadd.f32 v7, v31;
	[tilespmem:s8+$0xC60] =	vst v25  }
0x6bc: {  	v8 =	vmovc v19;
	s29 =	sadd.s32 $0xB200, s21;
	v35 =	vadd.f32 v6, v35;
	v6 =	vmovc v14;
	v14 =	vmov v26;
	s18 =	sadd.s32 s20, s0;
	s21 =	sadd.s32 s25, s0;
	[tilespmem:s22+$0x800] =	vst v41;
	v39 =	vunpack.i.l.bf16.f32 v32;
	v25 =	vld [tilespmem:s23+$0xC60]  }
0x6bd: {  	v7 =	vmovc v16;
	v16 =	vmovc v33;
	v18 =	vmov v34;
	s0 =	sadd.s32 s20, s29;
	s20 =	sadd.s32 s25, s29;
	v19 =	vunpack.i.u.bf16.f32 v32;
	v26 =	vld [tilespmem:s21+$0x0];
	[tilespmem:s22+$0x810] =	vst v29;
	v29 =	vadd.f32 v38, v39  }
0x6be: {  	v32 =	vld [tilespmem:s20+$0x0];
	v38 =	vadd.f32 v40, v19;
	[tilespmem:s12+$0xC40] =	vst v35  }
0x6bf: {  	v33 =	vld [tilespmem:s20+$0x10];
	[tilespmem:s23+$0x820] =	vst v29;
	v29 =	vunpack.i.u.bf16.f32 v30;
	v30 =	vunpack.i.l.bf16.f32 v30  }
0x6c0: {  	v34 =	vld [tilespmem:s18+$0x0];
	[tilespmem:s23+$0x830] =	vst v38;
	v30 =	vadd.f32 v11, v30;
	v29 =	vadd.f32 v13, v29;
	v19 =	vmovc v37;
	v11 =	vmov v27  }
0x6c1: {  	v13 =	vmov v28;
	v27 =	vld [tilespmem:s10+$0x420];
	[tilespmem:s12+$0xC50] =	vst v31  }
0x6c2: {  	v28 =	vunpack.i.l.bf16.f32 v26;
	v31 =	vld [tilespmem:s23+$0x840];
	[tilespmem:s16+$0xC00] =	vst v30  }
0x6c3: {  	v26 =	vunpack.i.u.bf16.f32 v26;
	v28 =	vadd.f32 v32, v28;
	v30 =	vld [tilespmem:s23+$0x850];
	[tilespmem:s16+$0xC10] =	vst v29  }
0x6c4: {  	v29 =	vld [tilespmem:s0+$0x0];
	v26 =	vadd.f32 v33, v26;
	[tilespmem:s8+$0xC70] =	vst v36;
	s8 =	smov.u32 s12;
	s12 =	smov.u32 s16;
	s16 =	smov.u32 s22  }
0x6c5: {  	s22 =	smov.u32 s0;
	v32 =	vunpack.i.u.bf16.f32 v34;
	v33 =	vunpack.i.l.bf16.f32 v34;
	v34 =	vld [tilespmem:s0+$0x10];
	[tilespmem:s20+$0x0] =	vst v28  }
0x6c6: {  	v28 =	vld [tilespmem:s22+$0x20];
	[tilespmem:s20+$0x10] =	vst v26;
	v26 =	vunpack.i.l.bf16.f32 v27  }
0x6c7: {  	v27 =	vunpack.i.u.bf16.f32 v27;
	v35 =	vld [tilespmem:s21+$0x10];
	v26 =	vadd.f32 v31, v26  }
0x6c8: {  	v31 =	vld [tilespmem:s20+$0x20];
	v27 =	vadd.f32 v30, v27  }
0x6c9: {  	v29 =	vadd.f32 v29, v33;
	v30 =	vld [tilespmem:s20+$0x30];
	[tilespmem:s23+$0x840] =	vst v26  }
0x6ca: {  	v26 =	vadd.f32 v34, v32;
	v32 =	vld [tilespmem:s22+$0x30];
	[tilespmem:s23+$0x850] =	vst v27  }
0x6cb: {  	[tilespmem:s22+$0x0] =	vst v29;
	v27 =	vld [tilespmem:s10+$0x430]  }
0x6cc: {  	[tilespmem:s22+$0x10] =	vst v26;
	v26 =	vunpack.i.l.bf16.f32 v35;
	v29 =	vld [tilespmem:s23+$0x860]  }
0x6cd: {  	v33 =	vunpack.i.u.bf16.f32 v35;
	v26 =	vadd.f32 v31, v26;
	v31 =	vld [tilespmem:s23+$0x870]  }
0x6ce: {  	v34 =	vld [tilespmem:s18+$0x10];
	v30 =	vadd.f32 v30, v33  }
0x6cf: {  	v33 =	vld [tilespmem:s22+$0x40];
	[tilespmem:s20+$0x20] =	vst v26  }
0x6d0: {  	v26 =	vld [tilespmem:s22+$0x50];
	[tilespmem:s20+$0x30] =	vst v30;
	v30 =	vunpack.i.l.bf16.f32 v27  }
0x6d1: {  	v27 =	vunpack.i.u.bf16.f32 v27;
	v35 =	vld [tilespmem:s21+$0x20];
	v29 =	vadd.f32 v29, v30  }
0x6d2: {  	v30 =	vld [tilespmem:s20+$0x40];
	v27 =	vadd.f32 v31, v27  }
0x6d3: {  	v31 =	vunpack.i.u.bf16.f32 v34;
	v34 =	vunpack.i.l.bf16.f32 v34;
	v36 =	vld [tilespmem:s20+$0x50];
	[tilespmem:s23+$0x860] =	vst v29  }
0x6d4: {  	v28 =	vadd.f32 v28, v34;
	v29 =	vadd.f32 v32, v31;
	v31 =	vld [tilespmem:s22+$0x60];
	[tilespmem:s23+$0x870] =	vst v27  }
0x6d5: {  	v27 =	vld [tilespmem:s10+$0x440]  }
0x6d6: {  	[tilespmem:s22+$0x20] =	vst v28;
	v28 =	vunpack.i.l.bf16.f32 v35;
	v32 =	vld [tilespmem:s23+$0xC00]  }
0x6d7: {  	[tilespmem:s22+$0x30] =	vst v29;
	v29 =	vunpack.i.u.bf16.f32 v35;
	v28 =	vadd.f32 v30, v28;
	v30 =	vld [tilespmem:s23+$0xC10]  }
0x6d8: {  	v34 =	vld [tilespmem:s18+$0x20];
	v29 =	vadd.f32 v36, v29  }
0x6d9: {  	v35 =	vld [tilespmem:s22+$0x70];
	[tilespmem:s20+$0x40] =	vst v28  }
0x6da: {  	v28 =	vld [tilespmem:s22+$0x400];
	[tilespmem:s20+$0x50] =	vst v29;
	v29 =	vunpack.i.l.bf16.f32 v27  }
0x6db: {  	v27 =	vunpack.i.u.bf16.f32 v27;
	v36 =	vld [tilespmem:s21+$0x30];
	v29 =	vadd.f32 v32, v29  }
0x6dc: {  	v32 =	vld [tilespmem:s20+$0x60];
	v27 =	vadd.f32 v30, v27  }
0x6dd: {  	v30 =	vunpack.i.u.bf16.f32 v34;
	v34 =	vunpack.i.l.bf16.f32 v34;
	v37 =	vld [tilespmem:s20+$0x70];
	[tilespmem:s23+$0xC00] =	vst v29  }
0x6de: {  	v29 =	vadd.f32 v33, v34;
	v26 =	vadd.f32 v26, v30;
	v30 =	vld [tilespmem:s22+$0x410];
	[tilespmem:s23+$0xC10] =	vst v27  }
0x6df: {  	v27 =	vld [tilespmem:s10+$0x450]  }
0x6e0: {  	[tilespmem:s22+$0x40] =	vst v29;
	v29 =	vunpack.i.l.bf16.f32 v36;
	v33 =	vld [tilespmem:s23+$0xC20]  }
0x6e1: {  	[tilespmem:s22+$0x50] =	vst v26;
	v26 =	vunpack.i.u.bf16.f32 v36;
	v29 =	vadd.f32 v32, v29;
	v32 =	vld [tilespmem:s23+$0xC30]  }
0x6e2: {  	v34 =	vld [tilespmem:s18+$0x30];
	v26 =	vadd.f32 v37, v26  }
0x6e3: {  	v36 =	vld [tilespmem:s22+$0x420];
	[tilespmem:s20+$0x60] =	vst v29  }
0x6e4: {  	v37 =	vld [tilespmem:s22+$0x430];
	[tilespmem:s20+$0x70] =	vst v26;
	v26 =	vunpack.i.l.bf16.f32 v27  }
0x6e5: {  	v27 =	vunpack.i.u.bf16.f32 v27;
	v29 =	vld [tilespmem:s21+$0x40];
	v26 =	vadd.f32 v33, v26  }
0x6e6: {  	v33 =	vld [tilespmem:s20+$0x400];
	v27 =	vadd.f32 v32, v27  }
0x6e7: {  	v32 =	vunpack.i.u.bf16.f32 v34;
	v34 =	vunpack.i.l.bf16.f32 v34;
	v38 =	vld [tilespmem:s20+$0x410];
	[tilespmem:s23+$0xC20] =	vst v26  }
0x6e8: {  	v26 =	vadd.f32 v31, v34;
	v31 =	vadd.f32 v35, v32;
	v32 =	vld [tilespmem:s22+$0x440];
	[tilespmem:s23+$0xC30] =	vst v27  }
0x6e9: {  	v27 =	vld [tilespmem:s10+$0x460]  }
0x6ea: {  	[tilespmem:s22+$0x60] =	vst v26;
	v26 =	vunpack.i.l.bf16.f32 v29;
	v34 =	vld [tilespmem:s23+$0xC40]  }
0x6eb: {  	v29 =	vunpack.i.u.bf16.f32 v29;
	[tilespmem:s22+$0x70] =	vst v31;
	v26 =	vadd.f32 v33, v26;
	v31 =	vld [tilespmem:s23+$0xC50]  }
0x6ec: {  	v33 =	vld [tilespmem:s18+$0x40];
	v29 =	vadd.f32 v38, v29  }
0x6ed: {  	v35 =	vld [tilespmem:s22+$0x450];
	[tilespmem:s20+$0x400] =	vst v26  }
0x6ee: {  	v26 =	vld [tilespmem:s22+$0x460];
	[tilespmem:s20+$0x410] =	vst v29;
	v29 =	vunpack.i.l.bf16.f32 v27  }
0x6ef: {  	v27 =	vunpack.i.u.bf16.f32 v27;
	v38 =	vld [tilespmem:s21+$0x50];
	v29 =	vadd.f32 v34, v29  }
0x6f0: {  	v34 =	vld [tilespmem:s20+$0x420];
	v27 =	vadd.f32 v31, v27  }
0x6f1: {  	v31 =	vunpack.i.u.bf16.f32 v33;
	v33 =	vunpack.i.l.bf16.f32 v33;
	v39 =	vld [tilespmem:s20+$0x430];
	[tilespmem:s23+$0xC40] =	vst v29  }
0x6f2: {  	v28 =	vadd.f32 v28, v33;
	v29 =	vadd.f32 v30, v31;
	v31 =	vld [tilespmem:s22+$0x470];
	[tilespmem:s23+$0xC50] =	vst v27  }
0x6f3: {  	v27 =	vld [tilespmem:s10+$0x470];
	s10 =	smov.u32 s21  }
0x6f4: {  	[tilespmem:s22+$0x400] =	vst v28;
	v28 =	vunpack.i.l.bf16.f32 v38;
	v33 =	vld [tilespmem:s23+$0xC70]  }
0x6f5: {  	v30 =	vunpack.i.u.bf16.f32 v38;
	[tilespmem:s22+$0x410] =	vst v29;
	v29 =	vld [tilespmem:s22+$0x800];
	v28 =	vadd.f32 v34, v28  }
0x6f6: {  	v34 =	vld [tilespmem:s18+$0x50];
	v38 =	vadd.f32 v39, v30  }
0x6f7: {  	v30 =	vld [tilespmem:s22+$0x810];
	[tilespmem:s20+$0x420] =	vst v28  }
0x6f8: {  	[tilespmem:s20+$0x430] =	vst v38;
	v28 =	vld [tilespmem:s15+$0x410];
	v38 =	vunpack.i.u.bf16.f32 v27;
	v27 =	vunpack.i.l.bf16.f32 v27  }
0x6f9: {  	v39 =	vld [tilespmem:s10+$0x60];
	v25 =	vadd.f32 v25, v27;
	v27 =	vadd.f32 v33, v38  }
0x6fa: {  	v33 =	vld [tilespmem:s20+$0x440]  }
0x6fb: {  	v38 =	vunpack.i.u.bf16.f32 v34;
	v34 =	vunpack.i.l.bf16.f32 v34;
	v40 =	vld [tilespmem:s20+$0x450];
	[tilespmem:s23+$0xC70] =	vst v27  }
0x6fc: {  	v27 =	vadd.f32 v36, v34;
	v34 =	vadd.f32 v37, v38;
	v36 =	vld [tilespmem:s22+$0x820];
	[tilespmem:s23+$0xC60] =	vst v25;
	s23 =	smov.u32 s20  }
0x6fd: {  	v25 =	vld [tilespmem:s22+$0x830];
	v37 =	vunpack.i.u.bf16.f32 v28;
	v28 =	vunpack.i.l.bf16.f32 v28  }
0x6fe: {  	[tilespmem:s22+$0x420] =	vst v27;
	v38 =	vld [tilespmem:s22+$0x840];
	v27 =	vunpack.i.l.bf16.f32 v39;
	v41 =	vadd.f32 v23, v28;
	v28 =	vadd.f32 v24, v37  }
0x6ff: {  	v24 =	vunpack.i.u.bf16.f32 v39;
	[tilespmem:s22+$0x430] =	vst v34;
	v34 =	vld [tilespmem:s22+$0x850];
	v27 =	vadd.f32 v33, v27  }
0x700: {  	v33 =	vld [tilespmem:s18+$0x60];
	v37 =	vadd.f32 v40, v24;
	[tilespmem:s16+$0x820] =	vst v41  }
0x701: {  	v39 =	vld [tilespmem:s22+$0x860];
	[tilespmem:s23+$0x440] =	vst v27;
	v23 =	vmov v36  }
0x702: {  	v40 =	vld [tilespmem:s22+$0x870];
	[tilespmem:s23+$0x450] =	vst v37;
	v24 =	vmov v25  }
0x703: {  	v25 =	vld [tilespmem:s10+$0x70];
	[tilespmem:s16+$0x830] =	vst v28  }
0x704: {  	v36 =	vld [tilespmem:s23+$0x460]  }
0x705: {  	v27 =	vunpack.i.u.bf16.f32 v33;
	v28 =	vunpack.i.l.bf16.f32 v33;
	v33 =	vld [tilespmem:s23+$0x470]  }
0x706: {  	v28 =	vadd.f32 v32, v28;
	v32 =	vadd.f32 v35, v27;
	v35 =	vld [tilespmem:s15+$0x420]  }
0x707: {  	v27 =	vld [tilespmem:s22+$0xC00]  }
0x708: {  	[tilespmem:s22+$0x440] =	vst v28;
	v28 =	vld [tilespmem:s22+$0xC10];
	v37 =	vunpack.i.l.bf16.f32 v25  }
0x709: {  	v25 =	vunpack.i.u.bf16.f32 v25;
	[tilespmem:s22+$0x450] =	vst v32;
	v32 =	vadd.f32 v36, v37;
	v36 =	vld [tilespmem:s19+$0x450]  }
0x70a: {  	v37 =	vld [tilespmem:s18+$0x70];
	v25 =	vadd.f32 v33, v25  }
0x70b: {  	v33 =	vld [tilespmem:s22+$0xC20];
	[tilespmem:s23+$0x460] =	vst v32;
	v32 =	vunpack.i.u.bf16.f32 v35;
	v35 =	vunpack.i.l.bf16.f32 v35  }
0x70c: {  	v41 =	vld [tilespmem:s22+$0xC30];
	[tilespmem:s23+$0x470] =	vst v25;
	v25 =	vadd.f32 v20, v35;
	v32 =	vadd.f32 v22, v32;
	v20 =	vmovc v38;
	v22 =	vmov v34  }
0x70d: {  	v34 =	vld [tilespmem:s10+$0x400]  }
0x70e: {  	v35 =	vld [tilespmem:s23+$0x800];
	[tilespmem:s16+$0x840] =	vst v25;
	v25 =	vunpack.i.u.bf16.f32 v36;
	v36 =	vunpack.i.l.bf16.f32 v36  }
0x70f: {  	v38 =	vunpack.i.u.bf16.f32 v37;
	v37 =	vunpack.i.l.bf16.f32 v37;
	v42 =	vld [tilespmem:s23+$0x810];
	[tilespmem:s16+$0x850] =	vst v32;
	v32 =	vadd.f32 v12, v36;
	v12 =	vmovc v10  }
0x710: {  	v36 =	vadd.f32 v26, v37;
	v31 =	vadd.f32 v31, v38;
	v38 =	vld [tilespmem:s15+$0x430];
	v10 =	vmov v33  }
0x711: {  	v26 =	vld [tilespmem:s22+$0xC40];
	[tilespmem:s12+$0xC20] =	vst v32;
	v32 =	vadd.f32 v15, v25;
	v15 =	vmov v9;
	v9 =	vmov v41  }
0x712: {  	[tilespmem:s22+$0x460] =	vst v36;
	v33 =	vld [tilespmem:s22+$0xC50];
	v25 =	vunpack.i.l.bf16.f32 v34  }
.Ltmp4:
0x713: {  	[tilespmem:s22+$0x470] =	vst v31;
	v31 =	vunpack.i.u.bf16.f32 v34;
	v34 =	vadd.f32 v35, v25;
	v25 =	vld [tilespmem:s13+$0x470];
	s13 =	smov.u32 s19;
	s19 =	smov.u32 s15;
	(pc) =	sbr.rel @p0 .LBB2_7-.Ltmp4, $4  }
0x714: {  	s15 =	smov.u32 s18;
	v37 =	vld [tilespmem:s18+$0x400];
	v31 =	vadd.f32 v42, v31;
	[tilespmem:s12+$0xC30] =	vst v32  }
0x715: {  	[tilespmem:s23+$0x800] =	vst v34;
	v32 =	vunpack.i.u.bf16.f32 v38;
	v36 =	vunpack.i.l.bf16.f32 v38;
	v35 =	vld [tilespmem:s13+$0x460]  }
0x716: {  	v34 =	vld [tilespmem:s22+$0xC60];
	[tilespmem:s23+$0x810] =	vst v31;
	v36 =	vadd.f32 v17, v36;
	v31 =	vadd.f32 v21, v32;
	v17 =	vmovc v39;
	v21 =	vmov v40  }
0x717: {  	v32 =	vld [tilespmem:s10+$0x410]  }
0x718: {  	_ = 	snop  }
0x719: {  	v39 =	vunpack.i.l.bf16.f32 v37  }
0x71a: {  	v38 =	vld [tilespmem:s23+$0x820];
	v57 =	vunpack.i.u.bf16.f32 v37;
	v39 =	vadd.f32 v29, v39  }
0x71b: {  	v40 =	vld [tilespmem:s23+$0x830];
	v30 =	vadd.f32 v30, v57  }
0x71c: {  	[tilespmem:s22+$0x800] =	vst v39  }
0x71d: {  	[tilespmem:s22+$0x810] =	vst v30  }
0x71e: {  	v58 =	vunpack.i.l.bf16.f32 v32;
	v60 =	vld [tilespmem:s15+$0x410]  }
0x71f: {  	v59 =	vunpack.i.u.bf16.f32 v32;
	v37 =	vadd.f32 v38, v58  }
0x720: {  	v32 =	vadd.f32 v40, v59  }
0x721: {  	[tilespmem:s23+$0x820] =	vst v37  }
0x722: {  	[tilespmem:s23+$0x830] =	vst v32  }
0x723: {  	v32 =	vld [tilespmem:s10+$0x420];
	v62 =	vunpack.i.l.bf16.f32 v60  }
0x724: {  	v61 =	vld [tilespmem:s23+$0x840];
	v38 =	vunpack.i.u.bf16.f32 v60;
	v23 =	vadd.f32 v23, v62  }
0x725: {  	v63 =	vld [tilespmem:s23+$0x850];
	v24 =	vadd.f32 v24, v38  }
0x726: {  	[tilespmem:s22+$0x820] =	vst v23  }
0x727: {  	[tilespmem:s22+$0x830] =	vst v24  }
0x728: {  	v38 =	vunpack.i.l.bf16.f32 v32;
	v41 =	vld [tilespmem:s15+$0x420]  }
0x729: {  	v39 =	vunpack.i.u.bf16.f32 v32;
	v23 =	vadd.f32 v61, v38  }
0x72a: {  	v24 =	vadd.f32 v63, v39  }
0x72b: {  	[tilespmem:s23+$0x840] =	vst v23  }
0x72c: {  	[tilespmem:s23+$0x850] =	vst v24  }
0x72d: {  	v23 =	vld [tilespmem:s10+$0x430];
	v43 =	vunpack.i.l.bf16.f32 v41  }
0x72e: {  	v42 =	vld [tilespmem:s23+$0x860];
	v32 =	vunpack.i.u.bf16.f32 v41;
	v20 =	vadd.f32 v20, v43  }
0x72f: {  	v44 =	vld [tilespmem:s23+$0x870];
	v22 =	vadd.f32 v22, v32  }
0x730: {  	[tilespmem:s22+$0x840] =	vst v20  }
0x731: {  	[tilespmem:s22+$0x850] =	vst v22  }
0x732: {  	v45 =	vunpack.i.l.bf16.f32 v23;
	v47 =	vld [tilespmem:s15+$0x430]  }
0x733: {  	v46 =	vunpack.i.u.bf16.f32 v23;
	v20 =	vadd.f32 v42, v45  }
0x734: {  	v22 =	vadd.f32 v44, v46  }
0x735: {  	[tilespmem:s23+$0x860] =	vst v20  }
0x736: {  	[tilespmem:s23+$0x870] =	vst v22  }
0x737: {  	v20 =	vld [tilespmem:s10+$0x440];
	v49 =	vunpack.i.l.bf16.f32 v47  }
0x738: {  	v48 =	vld [tilespmem:s23+$0xC00];
	[tilespmem:s16+$0x860] =	vst v36;
	v23 =	vunpack.i.u.bf16.f32 v47;
	v17 =	vadd.f32 v17, v49  }
0x739: {  	v50 =	vld [tilespmem:s23+$0xC10];
	[tilespmem:s16+$0x870] =	vst v31;
	v21 =	vadd.f32 v21, v23  }
0x73a: {  	v51 =	vld [tilespmem:s19+$0x440];
	[tilespmem:s22+$0x860] =	vst v17  }
0x73b: {  	[tilespmem:s22+$0x870] =	vst v21  }
0x73c: {  	v52 =	vunpack.i.l.bf16.f32 v20;
	v21 =	vld [tilespmem:s15+$0x440]  }
0x73d: {  	v20 =	vunpack.i.u.bf16.f32 v20;
	v17 =	vadd.f32 v48, v52  }
0x73e: {  	v20 =	vadd.f32 v50, v20  }
0x73f: {  	v53 =	vunpack.i.l.bf16.f32 v51;
	[tilespmem:s23+$0xC00] =	vst v17  }
0x740: {  	v54 =	vunpack.i.u.bf16.f32 v51;
	v11 =	vadd.f32 v11, v53;
	[tilespmem:s23+$0xC10] =	vst v20  }
0x741: {  	v13 =	vadd.f32 v13, v54;
	v55 =	vld [tilespmem:s10+$0x450];
	v57 =	vunpack.i.l.bf16.f32 v21  }
0x742: {  	v56 =	vld [tilespmem:s23+$0xC20];
	[tilespmem:s16+$0xC00] =	vst v11;
	v21 =	vunpack.i.u.bf16.f32 v21;
	v22 =	vadd.f32 v27, v57  }
0x743: {  	v58 =	vld [tilespmem:s23+$0xC30];
	[tilespmem:s16+$0xC10] =	vst v13;
	v59 =	vadd.f32 v28, v21  }
0x744: {  	v60 =	vld [tilespmem:s19+$0x450];
	[tilespmem:s22+$0xC00] =	vst v22  }
0x745: {  	[tilespmem:s22+$0xC10] =	vst v59  }
0x746: {  	v61 =	vunpack.i.l.bf16.f32 v55;
	v24 =	vld [tilespmem:s15+$0x450]  }
0x747: {  	v62 =	vunpack.i.u.bf16.f32 v55;
	v63 =	vadd.f32 v56, v61  }
0x748: {  	v11 =	vadd.f32 v58, v62  }
0x749: {  	v31 =	vunpack.i.u.bf16.f32 v60;
	[tilespmem:s23+$0xC20] =	vst v63  }
0x74a: {  	v15 =	vadd.f32 v15, v31;
	v27 =	vunpack.i.l.bf16.f32 v60;
	[tilespmem:s23+$0xC30] =	vst v11  }
0x74b: {  	v11 =	vadd.f32 v12, v27;
	v28 =	vld [tilespmem:s10+$0x460];
	v36 =	vunpack.i.l.bf16.f32 v24  }
0x74c: {  	[tilespmem:s16+$0xC30] =	vst v15;
	v32 =	vld [tilespmem:s23+$0xC40];
	v38 =	vunpack.i.u.bf16.f32 v24;
	v10 =	vadd.f32 v10, v36  }
0x74d: {  	v37 =	vld [tilespmem:s23+$0xC50];
	[tilespmem:s16+$0xC20] =	vst v11;
	v9 =	vadd.f32 v9, v38  }
0x74e: {  	v43 =	vunpack.i.l.bf16.f32 v35;
	v39 =	vld [tilespmem:s19+$0x460];
	[tilespmem:s22+$0xC20] =	vst v10  }
0x74f: {  	v6 =	vadd.f32 v6, v43;
	v44 =	vunpack.i.u.bf16.f32 v35;
	[tilespmem:s22+$0xC30] =	vst v9  }
0x750: {  	v7 =	vadd.f32 v7, v44;
	v40 =	vunpack.i.l.bf16.f32 v28;
	v42 =	vld [tilespmem:s15+$0x460]  }
0x751: {  	[tilespmem:s12+$0xC40] =	vst v6;
	v41 =	vunpack.i.u.bf16.f32 v28;
	v10 =	vadd.f32 v32, v40  }
0x752: {  	v53 =	vunpack.i.u.bf16.f32 v25;
	[tilespmem:s12+$0xC50] =	vst v7;
	v9 =	vadd.f32 v37, v41  }
0x753: {  	v4 =	vadd.f32 v4, v53;
	v45 =	vunpack.i.l.bf16.f32 v39;
	[tilespmem:s23+$0xC40] =	vst v10  }
0x754: {  	v50 =	vld [tilespmem:s13+$0x470];
	v47 =	vunpack.i.u.bf16.f32 v39;
	[tilespmem:s23+$0xC50] =	vst v9;
	v9 =	vadd.f32 v14, v45  }
0x755: {  	[tilespmem:s8+$0xC70] =	vst v4;
	v10 =	vadd.f32 v16, v47;
	v46 =	vld [tilespmem:s10+$0x470];
	v49 =	vunpack.i.l.bf16.f32 v42  }
0x756: {  	v30 =	vld [tilespmem:s23+$0xC60];
	[tilespmem:s16+$0xC40] =	vst v9;
	v51 =	vunpack.i.u.bf16.f32 v42;
	v11 =	vadd.f32 v26, v49  }
0x757: {  	v48 =	vld [tilespmem:s23+$0xC70];
	v52 =	vunpack.i.l.bf16.f32 v25;
	[tilespmem:s16+$0xC50] =	vst v10;
	v9 =	vadd.f32 v33, v51  }
0x758: {  	v3 =	vadd.f32 v3, v52;
	v54 =	vld [tilespmem:s19+$0x470];
	[tilespmem:s22+$0xC40] =	vst v11  }
0x759: {  	v58 =	vunpack.i.l.bf16.f32 v50;
	[tilespmem:s22+$0xC50] =	vst v9  }
0x75a: {  	[tilespmem:s8+$0xC60] =	vst v3;
	v4 =	vadd.f32 v5, v58;
	v3 =	vunpack.i.l.bf16.f32 v46;
	v57 =	vld [tilespmem:s15+$0x470]  }
0x75b: {  	v55 =	vunpack.i.u.bf16.f32 v46;
	v3 =	vadd.f32 v30, v3  }
0x75c: {  	v29 =	vld [tilespmem:s22+$0xC70];
	v59 =	vunpack.i.u.bf16.f32 v50;
	[tilespmem:s12+$0xC60] =	vst v4;
	v56 =	vadd.f32 v48, v55  }
0x75d: {  	v60 =	vunpack.i.l.bf16.f32 v54;
	[tilespmem:s23+$0xC60] =	vst v3;
	v3 =	vadd.f32 v8, v59  }
0x75e: {  	v61 =	vunpack.i.u.bf16.f32 v54;
	[tilespmem:s23+$0xC70] =	vst v56;
	v5 =	vadd.f32 v18, v60  }
0x75f: {  	[tilespmem:s12+$0xC70] =	vst v3;
	v3 =	vadd.f32 v19, v61;
	v62 =	vunpack.i.l.bf16.f32 v57  }
0x760: {  	[tilespmem:s16+$0xC60] =	vst v5;
	v63 =	vunpack.i.u.bf16.f32 v57;
	v4 =	vadd.f32 v34, v62  }
0x761: {  	s0 =	sadd.s32 s5, s7;
	[tilespmem:s16+$0xC70] =	vst v3;
	v3 =	vadd.f32 v29, v63  }
0x762: {  	s28 =	simm.s32 $0xB200;
	p0 =	seq.s32 s30, $0x31;
	s0 =	sshll.u32 s0, $0x6;
	[tilespmem:s22+$0xC60] =	vst v4  }
.Ltmp5:
0x763: {  	s29 =	simm.s32 $0x5;
	s0 =	sadd.s32 s3, s0;
	[tilespmem:s22+$0xC70] =	vst v3;
	(pc) =	sbr.rel @p0 .LBB2_10-.Ltmp5, $4  }
0x764: {  	[hbm4b:s0+s4] =	stream.linear.scatter [tilespmem:s28], [sflag:$0x7], $0x4000, $0x38;
	[tilespmem:$0x1B200] =	vst v63  }
0x765: {  	_ =	swait.ge [sflag:s29], $0x4000  }
0x766: {  	[sflag:s29] =	ssyncset.done $0x0  }
0x767: {  	[sflag:s29] =	ssyncadd.s32 $0xFFFFC000  }
0x768: {  	v3 =	vld [tilespmem:s31+$0x80];
	_ =	sdelay $0x4  }
0x769: {  	v4 =	vshll.u32 v3, $0x2  }
0x76a: {  	v3 =	vand.u32 $0x7, v3;
	v4 =	vand.u32 $0xFFFFFFE0, v4  }
0x76b: {  	v3 =	vor.u32 v3, v4  }
0x76c: {  	v4 =	vperm.xlane v3, v0;
	_ =	sdelay $0x1  }
0x76d: {  	v4 =	vadd.s32 v1, v4;
	_ =	sdelay $0x1  }
0x76e: {  	v3 =	vperm.xlane v3, v2;
	_ =	sdelay $0x1  }
0x76f: {  	s0 =	simm.s32 $0x3200;
	v3 =	vadd.s32 v1, v3  }
0x770: {  	[tilespmem:s0], [sflag:$0x1] =	stream.indirect_vreg.gather [hbm4b:s2+s4], $0x80, v4, vm0, $0xb8;
	[tilespmem:$0x1B200] =	vst v63  }
0x771: {  	s15 =	simm.s32 $0x3A00  }
0x772: {  	[tilespmem:s15], [sflag:$0x1] =	stream.indirect_vreg.gather [hbm4b:s9+s4], $0x80, v4, vm0, $0xb8;
	[tilespmem:$0x1B200] =	vst v63  }
0x773: {  	s16 =	simm.s32 $0x4200  }
0x774: {  	[tilespmem:s16], [sflag:$0x1] =	stream.indirect_vreg.gather [hbm4b:s2+s4], $0x80, v3, vm0, $0xb8;
	[tilespmem:$0x1B200] =	vst v63  }
0x775: {  	s18 =	simm.s32 $0x4A00  }
0x776: {  	[tilespmem:s18], [sflag:$0x1] =	stream.indirect_vreg.gather [hbm4b:s9+s4], $0x80, v3, vm0, $0xb8;
	[tilespmem:$0x1B200] =	vst v63  }
0x777: {  	v3 =	vld [tilespmem:s31+$0x90];
	_ =	sdelay $0x4  }
0x778: {  	v61 =	vshll.u32 v3, $0x2  }
0x779: {  	v3 =	vand.u32 $0x7, v3;
	v4 =	vand.u32 $0xFFFFFFE0, v61  }
0x77a: {  	v3 =	vor.u32 v3, v4  }
0x77b: {  	v4 =	vperm.xlane v3, v0;
	_ =	sdelay $0x1  }
0x77c: {  	v4 =	vadd.s32 v1, v4;
	_ =	sdelay $0x1  }
0x77d: {  	v3 =	vperm.xlane v3, v2;
	_ =	sdelay $0x1  }
0x77e: {  	s19 =	simm.s32 $0x5200;
	v3 =	vadd.s32 v1, v3  }
0x77f: {  	[tilespmem:s19], [sflag:$0x1] =	stream.indirect_vreg.gather [hbm4b:s2+s4], $0x80, v4, vm0, $0xb8;
	[tilespmem:$0x1B200] =	vst v63  }
0x780: {  	s20 =	simm.s32 $0x5A00  }
0x781: {  	[tilespmem:s20], [sflag:$0x1] =	stream.indirect_vreg.gather [hbm4b:s9+s4], $0x80, v4, vm0, $0xb8;
	[tilespmem:$0x1B200] =	vst v63  }
0x782: {  	s21 =	simm.s32 $0x6200  }
0x783: {  	[tilespmem:s21], [sflag:$0x1] =	stream.indirect_vreg.gather [hbm4b:s2+s4], $0x80, v3, vm0, $0xb8;
	[tilespmem:$0x1B200] =	vst v63  }
0x784: {  	s22 =	simm.s32 $0x6A00  }
0x785: {  	[tilespmem:s22], [sflag:$0x1] =	stream.indirect_vreg.gather [hbm4b:s9+s4], $0x80, v3, vm0, $0xb8;
	[tilespmem:$0x1B200] =	vst v63  }
0x786: {  	v3 =	vld [tilespmem:s31+$0x1980];
	_ =	sdelay $0x4  }
0x787: {  	v62 =	vshll.u32 v3, $0x1  }
0x788: {  	v3 =	vand.u32 $0x7, v3;
	v4 =	vand.u32 $0xFFFFFFF0, v62  }
0x789: {  	v3 =	vor.u32 v3, v4  }
0x78a: {  	v4 =	vperm.xlane v3, v0;
	_ =	sdelay $0x1  }
0x78b: {  	v3 =	vperm.xlane v3, v2;
	v4 =	vadd.s32 v1, v4;
	_ =	sdelay $0x1  }
0x78c: {  	v3 =	vadd.s32 v1, v3;
	_ =	sdelay $0x1  }
0x78d: {  	s23 =	simm.s32 $0x13200  }
0x78e: {  	[tilespmem:s23], [sflag:$0x1] =	stream.indirect_vreg.gather [hbm4b:s6+s4], $0x80, v4, vm0, $0xb8;
	[tilespmem:$0x1B200] =	vst v63  }
0x78f: {  	s25 =	simm.s32 $0x13A00  }
0x790: {  	[tilespmem:s25], [sflag:$0x1] =	stream.indirect_vreg.gather [hbm4b:s6+s4], $0x80, v3, vm0, $0xb8;
	[tilespmem:$0x1B200] =	vst v63  }
0x791: {  	v3 =	vld [tilespmem:s31+$0x1990];
	_ =	sdelay $0x4  }
0x792: {  	v63 =	vshll.u32 v3, $0x1  }
0x793: {  	v3 =	vand.u32 $0x7, v3;
	v4 =	vand.u32 $0xFFFFFFF0, v63  }
0x794: {  	v3 =	vor.u32 v3, v4  }
0x795: {  	v4 =	vperm.xlane v3, v0;
	_ =	sdelay $0x1  }
0x796: {  	v3 =	vperm.xlane v3, v2;
	v4 =	vadd.s32 v1, v4;
	_ =	sdelay $0x1  }
0x797: {  	v3 =	vadd.s32 v1, v3;
	_ =	sdelay $0x1  }
0x798: {  	s28 =	simm.s32 $0x14200  }
0x799: {  	[tilespmem:s28], [sflag:$0x1] =	stream.indirect_vreg.gather [hbm4b:s6+s4], $0x80, v4, vm0, $0xb8;
	[tilespmem:$0x1B200] =	vst v63  }
0x79a: {  	s29 =	simm.s32 $0x14A00  }
0x79b: {  	[tilespmem:s29], [sflag:$0x1] =	stream.indirect_vreg.gather [hbm4b:s6+s4], $0x80, v3, vm0, $0xb8;
	[tilespmem:$0x1B200] =	vst v63  }
.LBB2_10:
0x79c: {  	_ =	swait.ge [sflag:s26], $0x4000  }
0x79d: {  	s0 =	simm.s32 $0x0;
	s7 =	simm.s32 $0x0;
	[sflag:s26] =	ssyncset.done $0x0  }
0x79e: {  	s8 =	simm.s32 $0x0;
	s0 =	sand.u32 $0x300, s0;
	[sflag:s26] =	ssyncadd.s32 $0xFFFFC000  }
0x79f: {  	s7 =	sand.u32 $0x3FFFF800, s7;
	s8 =	sand.u32 $0x3FFFF000, s8;
	_ =	swait.ge [sflag:s26], $0x2000  }
0x7a0: {  	s7 =	sadd.s32 $0x19200, s7;
	s10 =	sor.u32 $0x80, s0;
	[sflag:s26] =	ssyncset.done $0x0  }
0x7a1: {  	s8 =	sadd.s32 $0xF200, s8;
	s11 =	sadd.s32 s10, s7;
	[sflag:s26] =	ssyncadd.s32 $0xFFFFE000  }
0x7a2: {  	s20 =	sadd.s32 s10, s8;
	v3 =	vld [tilespmem:s11+$0x0]  }
0x7a3: {  	v4 =	vld [tilespmem:s20+$0x0]  }
0x7a4: {  	v5 =	vld [tilespmem:s20+$0x10];
	_ =	sdelay $0x2  }
0x7a5: {  	s19 =	sadd.s32 s0, s7;
	v6 =	vunpack.i.l.bf16.f32 v3  }
0x7a6: {  	s7 =	sadd.s32 s0, s8;
	v7 =	vld [tilespmem:s19+$0x0];
	v3 =	vunpack.i.u.bf16.f32 v3;
	v4 =	vadd.f32 v4, v6  }
0x7a7: {  	v6 =	vld [tilespmem:s7+$0x0];
	v3 =	vadd.f32 v5, v3  }
0x7a8: {  	v5 =	vld [tilespmem:s7+$0x10];
	[tilespmem:s20+$0x0] =	vst v4  }
0x7a9: {  	[tilespmem:s20+$0x10] =	vst v3  }
0x7aa: {  	v3 =	vld [tilespmem:s11+$0x10]  }
0x7ab: {  	v9 =	vld [tilespmem:s20+$0x20];
	v8 =	vunpack.i.l.bf16.f32 v7  }
0x7ac: {  	v7 =	vunpack.i.u.bf16.f32 v7;
	v6 =	vadd.f32 v6, v8;
	v8 =	vld [tilespmem:s20+$0x30]  }
0x7ad: {  	v5 =	vadd.f32 v5, v7;
	_ =	sdelay $0x1  }
0x7ae: {  	[tilespmem:s7+$0x10] =	vst v5;
	v5 =	vunpack.i.l.bf16.f32 v3  }
0x7af: {  	[tilespmem:s7+$0x0] =	vst v6;
	v3 =	vunpack.i.u.bf16.f32 v3;
	v5 =	vadd.f32 v9, v5  }
0x7b0: {  	v6 =	vld [tilespmem:s19+$0x10];
	v3 =	vadd.f32 v8, v3  }
0x7b1: {  	v4 =	vld [tilespmem:s7+$0x20];
	[tilespmem:s20+$0x20] =	vst v5  }
0x7b2: {  	v7 =	vld [tilespmem:s7+$0x30];
	[tilespmem:s20+$0x30] =	vst v3  }
0x7b3: {  	v3 =	vld [tilespmem:s11+$0x20]  }
0x7b4: {  	v9 =	vld [tilespmem:s20+$0x40]  }
0x7b5: {  	v11 =	vld [tilespmem:s20+$0x50];
	v10 =	vunpack.i.l.bf16.f32 v6  }
0x7b6: {  	v6 =	vunpack.i.u.bf16.f32 v6;
	v4 =	vadd.f32 v4, v10  }
0x7b7: {  	v6 =	vadd.f32 v7, v6  }
0x7b8: {  	[tilespmem:s7+$0x20] =	vst v4;
	v4 =	vunpack.i.l.bf16.f32 v3  }
0x7b9: {  	[tilespmem:s7+$0x30] =	vst v6;
	v3 =	vunpack.i.u.bf16.f32 v3;
	v4 =	vadd.f32 v9, v4  }
0x7ba: {  	v6 =	vld [tilespmem:s19+$0x20];
	v3 =	vadd.f32 v11, v3  }
0x7bb: {  	v8 =	vld [tilespmem:s7+$0x40];
	[tilespmem:s20+$0x40] =	vst v4  }
0x7bc: {  	v5 =	vld [tilespmem:s7+$0x50];
	[tilespmem:s20+$0x50] =	vst v3  }
0x7bd: {  	v3 =	vld [tilespmem:s11+$0x30]  }
0x7be: {  	v4 =	vld [tilespmem:s20+$0x60]  }
0x7bf: {  	v12 =	vld [tilespmem:s20+$0x70];
	v11 =	vunpack.i.l.bf16.f32 v6  }
0x7c0: {  	v6 =	vunpack.i.u.bf16.f32 v6;
	v8 =	vadd.f32 v8, v11  }
0x7c1: {  	v5 =	vadd.f32 v5, v6  }
0x7c2: {  	[tilespmem:s7+$0x40] =	vst v8;
	v8 =	vunpack.i.l.bf16.f32 v3  }
0x7c3: {  	[tilespmem:s7+$0x50] =	vst v5;
	v3 =	vunpack.i.u.bf16.f32 v3;
	v4 =	vadd.f32 v4, v8  }
0x7c4: {  	v5 =	vld [tilespmem:s19+$0x30];
	v3 =	vadd.f32 v12, v3  }
0x7c5: {  	v7 =	vld [tilespmem:s7+$0x60];
	[tilespmem:s20+$0x60] =	vst v4  }
0x7c6: {  	v9 =	vld [tilespmem:s7+$0x70];
	[tilespmem:s20+$0x70] =	vst v3  }
0x7c7: {  	v3 =	vld [tilespmem:s11+$0x40]  }
0x7c8: {  	v4 =	vld [tilespmem:s20+$0x400]  }
0x7c9: {  	v13 =	vld [tilespmem:s20+$0x410];
	v11 =	vunpack.i.l.bf16.f32 v5  }
0x7ca: {  	v5 =	vunpack.i.u.bf16.f32 v5;
	v7 =	vadd.f32 v7, v11  }
0x7cb: {  	v14 =	vld [tilespmem:s7+$0x450];
	v5 =	vadd.f32 v9, v5  }
0x7cc: {  	v15 =	vld [tilespmem:s20+$0x430];
	[tilespmem:s7+$0x60] =	vst v7;
	v7 =	vunpack.i.l.bf16.f32 v3  }
0x7cd: {  	v10 =	vld [tilespmem:s7+$0x400];
	[tilespmem:s7+$0x70] =	vst v5;
	v3 =	vunpack.i.u.bf16.f32 v3;
	v4 =	vadd.f32 v4, v7  }
0x7ce: {  	v5 =	vld [tilespmem:s19+$0x40];
	v3 =	vadd.f32 v13, v3  }
0x7cf: {  	v6 =	vld [tilespmem:s7+$0x410];
	[tilespmem:s20+$0x400] =	vst v4  }
0x7d0: {  	v8 =	vld [tilespmem:s7+$0x420];
	[tilespmem:s20+$0x410] =	vst v3  }
0x7d1: {  	v7 =	vld [tilespmem:s11+$0x50]  }
0x7d2: {  	v13 =	vld [tilespmem:s20+$0x420]  }
0x7d3: {  	v12 =	vld [tilespmem:s7+$0x430];
	v3 =	vunpack.i.l.bf16.f32 v5;
	v5 =	vunpack.i.u.bf16.f32 v5  }
0x7d4: {  	v9 =	vld [tilespmem:s7+$0x440];
	v5 =	vadd.f32 v6, v5  }
0x7d5: {  	v11 =	vld [tilespmem:s7+$0x800];
	v10 =	vadd.f32 v10, v3  }
0x7d6: {  	v4 =	vld [tilespmem:s7+$0x460];
	[tilespmem:s7+$0x410] =	vst v5;
	v5 =	vunpack.i.l.bf16.f32 v7  }
0x7d7: {  	v3 =	vld [tilespmem:s7+$0x470];
	[tilespmem:s7+$0x400] =	vst v10;
	v6 =	vunpack.i.u.bf16.f32 v7;
	v5 =	vadd.f32 v13, v5  }
0x7d8: {  	v7 =	vld [tilespmem:s19+$0x50];
	v6 =	vadd.f32 v15, v6  }
0x7d9: {  	v13 =	vld [tilespmem:s7+$0x810];
	[tilespmem:s20+$0x420] =	vst v5  }
0x7da: {  	[tilespmem:s20+$0x430] =	vst v6  }
0x7db: {  	v5 =	vld [tilespmem:s11+$0x60]  }
0x7dc: {  	v6 =	vld [tilespmem:s20+$0x440]  }
0x7dd: {  	v10 =	vld [tilespmem:s20+$0x450];
	_ =	sdelay $0x2  }
0x7de: {  	v15 =	vunpack.i.l.bf16.f32 v5  }
0x7df: {  	v5 =	vunpack.i.u.bf16.f32 v5;
	v6 =	vadd.f32 v6, v15  }
0x7e0: {  	v5 =	vadd.f32 v10, v5  }
0x7e1: {  	[tilespmem:s20+$0x440] =	vst v6  }
0x7e2: {  	v20 =	vld [tilespmem:s7+$0x820];
	[tilespmem:s20+$0x450] =	vst v5  }
0x7e3: {  	v6 =	vld [tilespmem:s11+$0x70]  }
0x7e4: {  	v10 =	vld [tilespmem:s20+$0x460];
	v5 =	vunpack.i.l.bf16.f32 v7  }
0x7e5: {  	s23 =	simm.s32 $0x200;
	s25 =	simm.s32 $0x100;
	v5 =	vadd.f32 v8, v5;
	v8 =	vld [tilespmem:s20+$0x470]  }
0x7e6: {  	s28 =	simm.s32 $0x400;
	s8 =	sand.u32 $0x300, s25;
	s0 =	sand.u32 $0x3FFFF800, s23;
	v21 =	vld [tilespmem:s7+$0x830];
	v7 =	vunpack.i.u.bf16.f32 v7  }
0x7e7: {  	s10 =	sand.u32 $0x3FFFF000, s28;
	s0 =	sadd.s32 $0x19200, s0;
	s12 =	sor.u32 $0x80, s8;
	v16 =	vld [tilespmem:s20+$0x800];
	v7 =	vadd.f32 v12, v7  }
0x7e8: {  	s13 =	sadd.s32 $0xF200, s10;
	s29 =	sadd.s32 s12, s0;
	v17 =	vld [tilespmem:s20+$0x810];
	v12 =	vunpack.i.l.bf16.f32 v6  }
0x7e9: {  	s15 =	sadd.s32 s12, s13;
	v18 =	vld [tilespmem:s29+$0x0];
	[tilespmem:s7+$0x430] =	vst v7;
	v6 =	vunpack.i.u.bf16.f32 v6;
	v7 =	vadd.f32 v10, v12  }
0x7ea: {  	v19 =	vld [tilespmem:s15+$0x0];
	[tilespmem:s7+$0x420] =	vst v5;
	v8 =	vadd.f32 v8, v6  }
0x7eb: {  	v23 =	vld [tilespmem:s15+$0x10];
	[tilespmem:s20+$0x460] =	vst v7  }
0x7ec: {  	v10 =	vld [tilespmem:s19+$0x60];
	[tilespmem:s20+$0x470] =	vst v8  }
0x7ed: {  	v15 =	vld [tilespmem:s11+$0x400]  }
0x7ee: {  	s12 =	sadd.s32 s8, s0;
	s8 =	sadd.s32 s8, s13;
	v26 =	vld [tilespmem:s15+$0x30]  }
0x7ef: {  	v27 =	vld [tilespmem:s8+$0x0]  }
0x7f0: {  	v28 =	vld [tilespmem:s8+$0x30]  }
0x7f1: {  	v29 =	vld [tilespmem:s8+$0x50];
	v12 =	vunpack.i.l.bf16.f32 v10;
	v10 =	vunpack.i.u.bf16.f32 v10  }
0x7f2: {  	v31 =	vld [tilespmem:s8+$0x420];
	v10 =	vadd.f32 v14, v10;
	v14 =	vunpack.i.l.bf16.f32 v15  }
0x7f3: {  	v32 =	vld [tilespmem:s8+$0x430];
	v15 =	vunpack.i.u.bf16.f32 v15;
	v14 =	vadd.f32 v16, v14  }
0x7f4: {  	v33 =	vld [tilespmem:s8+$0x440];
	[tilespmem:s7+$0x450] =	vst v10;
	v10 =	vadd.f32 v17, v15  }
0x7f5: {  	v35 =	vld [tilespmem:s8+$0x450];
	[tilespmem:s20+$0x800] =	vst v14  }
0x7f6: {  	v36 =	vld [tilespmem:s8+$0x460];
	[tilespmem:s20+$0x810] =	vst v10  }
0x7f7: {  	v15 =	vld [tilespmem:s11+$0x410]  }
0x7f8: {  	v16 =	vld [tilespmem:s20+$0x820]  }
0x7f9: {  	v17 =	vld [tilespmem:s20+$0x830]  }
0x7fa: {  	v54 =	vld [tilespmem:s15+$0x800]  }
0x7fb: {  	v59 =	vld [tilespmem:s15+$0x820]  }
0x7fc: {  	v60 =	vld [tilespmem:s15+$0x830];
	v22 =	vunpack.i.l.bf16.f32 v15  }
0x7fd: {  	v5 =	vld [tilespmem:s7+$0x840];
	v24 =	vunpack.i.u.bf16.f32 v15;
	v22 =	vadd.f32 v16, v22  }
0x7fe: {  	v6 =	vld [tilespmem:s7+$0x850];
	v17 =	vadd.f32 v17, v24  }
0x7ff: {  	v7 =	vld [tilespmem:s7+$0x860];
	[tilespmem:s20+$0x820] =	vst v22;
	v22 =	vunpack.i.l.bf16.f32 v18  }
0x800: {  	v8 =	vld [tilespmem:s7+$0x870];
	[tilespmem:s20+$0x830] =	vst v17;
	v17 =	vunpack.i.u.bf16.f32 v18;
	v18 =	vadd.f32 v19, v22  }
0x801: {  	v19 =	vld [tilespmem:s11+$0x420];
	v17 =	vadd.f32 v23, v17  }
0x802: {  	v22 =	vld [tilespmem:s20+$0x840];
	[tilespmem:s15+$0x0] =	vst v18  }
0x803: {  	v18 =	vld [tilespmem:s20+$0x850];
	[tilespmem:s15+$0x10] =	vst v17  }
0x804: {  	v12 =	vadd.f32 v9, v12;
	v17 =	vld [tilespmem:s29+$0x10]  }
0x805: {  	v23 =	vld [tilespmem:s15+$0x20]  }
0x806: {  	v9 =	vld [tilespmem:s7+$0xC00];
	[tilespmem:s7+$0x440] =	vst v12;
	v25 =	vunpack.i.l.bf16.f32 v19  }
0x807: {  	v14 =	vld [tilespmem:s19+$0x70];
	v19 =	vunpack.i.u.bf16.f32 v19;
	v22 =	vadd.f32 v22, v25  }
0x808: {  	v24 =	vld [tilespmem:s12+$0x0];
	v18 =	vadd.f32 v18, v19  }
0x809: {  	v12 =	vld [tilespmem:s7+$0xC10];
	[tilespmem:s20+$0x840] =	vst v22;
	v22 =	vunpack.i.l.bf16.f32 v17  }
0x80a: {  	v25 =	vld [tilespmem:s8+$0x10];
	v17 =	vunpack.i.u.bf16.f32 v17;
	[tilespmem:s20+$0x850] =	vst v18;
	v18 =	vadd.f32 v23, v22  }
0x80b: {  	v17 =	vadd.f32 v26, v17;
	v26 =	vld [tilespmem:s20+$0x860]  }
0x80c: {  	v23 =	vunpack.i.l.bf16.f32 v14;
	v22 =	vld [tilespmem:s11+$0x430];
	[tilespmem:s15+$0x20] =	vst v18  }
0x80d: {  	v4 =	vadd.f32 v4, v23;
	v23 =	vld [tilespmem:s20+$0x870];
	v18 =	vunpack.i.l.bf16.f32 v24;
	[tilespmem:s15+$0x30] =	vst v17  }
0x80e: {  	v17 =	vunpack.i.u.bf16.f32 v24;
	v18 =	vadd.f32 v27, v18;
	v24 =	vld [tilespmem:s29+$0x20]  }
0x80f: {  	[tilespmem:s7+$0x460] =	vst v4;
	v4 =	vadd.f32 v25, v17;
	v25 =	vld [tilespmem:s15+$0x40]  }
0x810: {  	[tilespmem:s8+$0x0] =	vst v18;
	v18 =	vld [tilespmem:s15+$0x50]  }
0x811: {  	v10 =	vld [tilespmem:s7+$0xC20];
	[tilespmem:s8+$0x10] =	vst v4;
	v4 =	vunpack.i.l.bf16.f32 v22  }
0x812: {  	v27 =	vld [tilespmem:s12+$0x10];
	v22 =	vunpack.i.u.bf16.f32 v22;
	v4 =	vadd.f32 v26, v4  }
0x813: {  	v19 =	vld [tilespmem:s8+$0x20];
	v22 =	vadd.f32 v23, v22;
	v23 =	vunpack.i.l.bf16.f32 v24  }
0x814: {  	v15 =	vld [tilespmem:s7+$0xC30];
	[tilespmem:s20+$0x860] =	vst v4;
	v4 =	vunpack.i.u.bf16.f32 v24;
	v23 =	vadd.f32 v25, v23  }
0x815: {  	v16 =	vld [tilespmem:s7+$0xC40];
	[tilespmem:s20+$0x870] =	vst v22;
	v4 =	vadd.f32 v18, v4  }
0x816: {  	v39 =	vld [tilespmem:s15+$0x840];
	v14 =	vunpack.i.u.bf16.f32 v14;
	[tilespmem:s15+$0x40] =	vst v23  }
0x817: {  	v3 =	vadd.f32 v3, v14;
	v14 =	vld [tilespmem:s15+$0x70];
	v22 =	vunpack.i.l.bf16.f32 v27;
	[tilespmem:s15+$0x50] =	vst v4  }
0x818: {  	v4 =	vunpack.i.u.bf16.f32 v27;
	v19 =	vadd.f32 v19, v22;
	v22 =	vld [tilespmem:s29+$0x30]  }
0x819: {  	v25 =	vld [tilespmem:s15+$0x60];
	v4 =	vadd.f32 v28, v4  }
0x81a: {  	v18 =	vld [tilespmem:s11+$0x440];
	[tilespmem:s8+$0x20] =	vst v19  }
0x81b: {  	[tilespmem:s8+$0x30] =	vst v4;
	v4 =	vld [tilespmem:s20+$0xC10]  }
0x81c: {  	v19 =	vld [tilespmem:s12+$0x20]  }
0x81d: {  	v26 =	vld [tilespmem:s8+$0x40];
	v28 =	vunpack.i.l.bf16.f32 v22  }
0x81e: {  	v44 =	vld [tilespmem:s15+$0x850];
	v22 =	vunpack.i.u.bf16.f32 v22;
	v25 =	vadd.f32 v25, v28  }
0x81f: {  	v17 =	vld [tilespmem:s7+$0xC50];
	[tilespmem:s7+$0x470] =	vst v3;
	v14 =	vadd.f32 v14, v22  }
0x820: {  	v23 =	vld [tilespmem:s20+$0xC00];
	v30 =	vunpack.i.l.bf16.f32 v18;
	v18 =	vunpack.i.u.bf16.f32 v18;
	[tilespmem:s15+$0x60] =	vst v25  }
0x821: {  	v3 =	vld [tilespmem:s7+$0xC60];
	v4 =	vadd.f32 v4, v18;
	v18 =	vunpack.i.l.bf16.f32 v19;
	[tilespmem:s15+$0x70] =	vst v14  }
0x822: {  	v14 =	vunpack.i.u.bf16.f32 v19;
	v18 =	vadd.f32 v26, v18;
	v19 =	vld [tilespmem:s29+$0x40]  }
0x823: {  	v14 =	vadd.f32 v29, v14;
	[tilespmem:s20+$0xC10] =	vst v4;
	v4 =	vld [tilespmem:s15+$0x400]  }
0x824: {  	[tilespmem:s8+$0x40] =	vst v18;
	v18 =	vld [tilespmem:s15+$0x410]  }
0x825: {  	v24 =	vld [tilespmem:s8+$0x60];
	v23 =	vadd.f32 v23, v30;
	[tilespmem:s8+$0x50] =	vst v14  }
0x826: {  	v14 =	vld [tilespmem:s12+$0x30]  }
0x827: {  	[tilespmem:s20+$0xC00] =	vst v23;
	v28 =	vld [tilespmem:s8+$0x70];
	v29 =	vunpack.i.l.bf16.f32 v19  }
0x828: {  	v23 =	vld [tilespmem:s11+$0x450];
	v19 =	vunpack.i.u.bf16.f32 v19;
	v4 =	vadd.f32 v4, v29  }
0x829: {  	v26 =	vld [tilespmem:s20+$0xC20];
	v18 =	vadd.f32 v18, v19  }
0x82a: {  	v30 =	vld [tilespmem:s20+$0xC30];
	[tilespmem:s15+$0x400] =	vst v4  }
0x82b: {  	v27 =	vld [tilespmem:s19+$0x400];
	v4 =	vunpack.i.l.bf16.f32 v14;
	[tilespmem:s15+$0x410] =	vst v18  }
0x82c: {  	v14 =	vunpack.i.u.bf16.f32 v14;
	v4 =	vadd.f32 v24, v4;
	v18 =	vld [tilespmem:s29+$0x50]  }
0x82d: {  	v19 =	vunpack.i.l.bf16.f32 v23;
	v14 =	vadd.f32 v28, v14;
	v24 =	vld [tilespmem:s15+$0x420]  }
0x82e: {  	v23 =	vunpack.i.u.bf16.f32 v23;
	v19 =	vadd.f32 v26, v19;
	v26 =	vld [tilespmem:s15+$0x430];
	[tilespmem:s8+$0x60] =	vst v4  }
0x82f: {  	v22 =	vld [tilespmem:s8+$0x400];
	v23 =	vadd.f32 v30, v23;
	[tilespmem:s8+$0x70] =	vst v14  }
0x830: {  	v14 =	vld [tilespmem:s12+$0x40]  }
0x831: {  	v25 =	vld [tilespmem:s8+$0x410];
	[tilespmem:s20+$0xC30] =	vst v23;
	v23 =	vunpack.i.l.bf16.f32 v18  }
0x832: {  	v29 =	vld [tilespmem:s8+$0x810];
	v18 =	vunpack.i.u.bf16.f32 v18;
	v23 =	vadd.f32 v24, v23  }
0x833: {  	v30 =	vld [tilespmem:s8+$0x800];
	[tilespmem:s20+$0xC20] =	vst v19;
	v18 =	vadd.f32 v26, v18  }
0x834: {  	v28 =	vld [tilespmem:s8+$0x470];
	[tilespmem:s15+$0x420] =	vst v23  }
0x835: {  	v19 =	vld [tilespmem:s20+$0xC60];
	v23 =	vunpack.i.l.bf16.f32 v14;
	[tilespmem:s15+$0x430] =	vst v18  }
0x836: {  	v14 =	vunpack.i.u.bf16.f32 v14;
	v18 =	vadd.f32 v22, v23;
	v22 =	vld [tilespmem:s29+$0x60]  }
0x837: {  	v14 =	vadd.f32 v25, v14;
	v23 =	vld [tilespmem:s15+$0x440]  }
0x838: {  	v24 =	vunpack.i.l.bf16.f32 v27;
	[tilespmem:s8+$0x400] =	vst v18;
	v18 =	vld [tilespmem:s15+$0x450]  }
0x839: {  	v4 =	vld [tilespmem:s7+$0xC70];
	v11 =	vadd.f32 v11, v24;
	v25 =	vunpack.i.u.bf16.f32 v27;
	[tilespmem:s8+$0x410] =	vst v14  }
0x83a: {  	v13 =	vadd.f32 v13, v25;
	v24 =	vld [tilespmem:s12+$0x50]  }
0x83b: {  	v34 =	vld [tilespmem:s11+$0x460];
	[tilespmem:s7+$0x800] =	vst v11;
	v11 =	vunpack.i.l.bf16.f32 v22  }
0x83c: {  	v26 =	vld [tilespmem:s8+$0x850];
	[tilespmem:s7+$0x810] =	vst v13;
	v13 =	vunpack.i.u.bf16.f32 v22;
	v11 =	vadd.f32 v23, v11  }
0x83d: {  	v27 =	vld [tilespmem:s20+$0xC40];
	v13 =	vadd.f32 v18, v13  }
0x83e: {  	v25 =	vld [tilespmem:s15+$0x470];
	[tilespmem:s15+$0x440] =	vst v11  }
0x83f: {  	v14 =	vld [tilespmem:s8+$0x820];
	v18 =	vunpack.i.l.bf16.f32 v24;
	[tilespmem:s15+$0x450] =	vst v13  }
0x840: {  	v13 =	vadd.f32 v31, v18;
	v18 =	vld [tilespmem:s29+$0x70]  }
0x841: {  	v23 =	vunpack.i.u.bf16.f32 v24;
	v24 =	vld [tilespmem:s15+$0x460]  }
0x842: {  	v22 =	vld [tilespmem:s19+$0x410];
	v23 =	vadd.f32 v32, v23  }
0x843: {  	v11 =	vld [tilespmem:s8+$0x830];
	[tilespmem:s8+$0x420] =	vst v13  }
0x844: {  	v31 =	vld [tilespmem:s20+$0xC50];
	[tilespmem:s8+$0x430] =	vst v23  }
0x845: {  	v23 =	vld [tilespmem:s12+$0x60];
	v53 =	vunpack.i.l.bf16.f32 v18  }
0x846: {  	v13 =	vld [tilespmem:s8+$0x840];
	v18 =	vunpack.i.u.bf16.f32 v18;
	v32 =	vadd.f32 v24, v53  }
0x847: {  	v37 =	vunpack.i.l.bf16.f32 v34;
	v24 =	vld [tilespmem:s8+$0x860];
	v38 =	vadd.f32 v25, v18  }
0x848: {  	v27 =	vadd.f32 v27, v37;
	v25 =	vunpack.i.l.bf16.f32 v22;
	v18 =	vld [tilespmem:s8+$0x870];
	[tilespmem:s15+$0x460] =	vst v32  }
0x849: {  	v22 =	vunpack.i.u.bf16.f32 v22;
	v20 =	vadd.f32 v20, v25;
	v25 =	vld [tilespmem:s8+$0xC00];
	[tilespmem:s15+$0x470] =	vst v38  }
0x84a: {  	[tilespmem:s20+$0xC40] =	vst v27;
	v27 =	vunpack.i.u.bf16.f32 v34;
	v21 =	vadd.f32 v21, v22;
	v22 =	vunpack.i.l.bf16.f32 v23;
	v32 =	vld [tilespmem:s29+$0x400]  }
0x84b: {  	[tilespmem:s7+$0x820] =	vst v20;
	v20 =	vadd.f32 v33, v22;
	v22 =	vadd.f32 v31, v27;
	v31 =	vld [tilespmem:s15+$0x810]  }
0x84c: {  	v27 =	vld [tilespmem:s8+$0xC10]  }
0x84d: {  	[tilespmem:s7+$0x830] =	vst v21;
	v21 =	vunpack.i.u.bf16.f32 v23;
	v23 =	vld [tilespmem:s20+$0xC70]  }
0x84e: {  	v38 =	vld [tilespmem:s15+$0xC60];
	v21 =	vadd.f32 v35, v21;
	[tilespmem:s8+$0x440] =	vst v20  }
0x84f: {  	s21 =	simm.s32 $0x400;
	s22 =	simm.s32 $0x200;
	v55 =	vld [tilespmem:s19+$0x420];
	[tilespmem:s20+$0xC50] =	vst v22;
	v20 =	vunpack.i.l.bf16.f32 v32  }
0x850: {  	s0 =	sand.u32 $0x3FFFF800, s21;
	v22 =	vld [tilespmem:s11+$0x470];
	[tilespmem:s8+$0x450] =	vst v21;
	s11 =	sand.u32 $0x300, s22;
	v21 =	vunpack.i.u.bf16.f32 v32;
	v20 =	vadd.f32 v54, v20  }
0x851: {  	s23 =	simm.s32 $0x800;
	s0 =	sadd.s32 $0x19200, s0;
	v56 =	vld [tilespmem:s12+$0x70];
	s16 =	sor.u32 $0x80, s11;
	v31 =	vadd.f32 v31, v21  }
0x852: {  	s13 =	sand.u32 $0x3FFFF000, s23;
	s28 =	sadd.s32 s16, s0;
	v21 =	vld [tilespmem:s8+$0xC20];
	[tilespmem:s15+$0x800] =	vst v20  }
0x853: {  	s13 =	sadd.s32 $0xF200, s13;
	v61 =	vld [tilespmem:s28+$0x0];
	[tilespmem:s15+$0x810] =	vst v31  }
0x854: {  	s18 =	sadd.s32 s16, s13;
	v58 =	vld [tilespmem:s29+$0x410]  }
0x855: {  	v62 =	vld [tilespmem:s18+$0x0];
	v31 =	vunpack.i.u.bf16.f32 v55  }
0x856: {  	s13 =	sadd.s32 s11, s13;
	v63 =	vld [tilespmem:s18+$0x10];
	v6 =	vadd.f32 v6, v31;
	v31 =	vunpack.i.l.bf16.f32 v56  }
0x857: {  	v40 =	vld [tilespmem:s13+$0x0];
	v31 =	vadd.f32 v36, v31  }
0x858: {  	v45 =	vld [tilespmem:s13+$0x10]  }
0x859: {  	v46 =	vld [tilespmem:s13+$0x20];
	[tilespmem:s8+$0x460] =	vst v31;
	v31 =	vunpack.i.l.bf16.f32 v58  }
0x85a: {  	v48 =	vld [tilespmem:s18+$0x20];
	v32 =	vunpack.i.u.bf16.f32 v58;
	v31 =	vadd.f32 v59, v31  }
0x85b: {  	s16 =	sadd.s32 s11, s0;
	v42 =	vld [tilespmem:s18+$0x30];
	v32 =	vadd.f32 v60, v32  }
0x85c: {  	v57 =	vunpack.i.l.bf16.f32 v55;
	[tilespmem:s15+$0x820] =	vst v31;
	v31 =	vld [tilespmem:s16+$0x0]  }
0x85d: {  	v51 =	vld [tilespmem:s13+$0x30];
	v5 =	vadd.f32 v5, v57;
	v43 =	vunpack.i.l.bf16.f32 v61;
	[tilespmem:s15+$0x830] =	vst v32  }
0x85e: {  	v37 =	vunpack.i.u.bf16.f32 v61;
	v33 =	vadd.f32 v62, v43;
	v32 =	vld [tilespmem:s29+$0x420]  }
0x85f: {  	v57 =	vld [tilespmem:s13+$0x40];
	[tilespmem:s7+$0x840] =	vst v5;
	v34 =	vadd.f32 v63, v37  }
0x860: {  	v20 =	vld [tilespmem:s8+$0xC30];
	v52 =	vunpack.i.u.bf16.f32 v56;
	[tilespmem:s18+$0x0] =	vst v33  }
0x861: {  	v55 =	vld [tilespmem:s15+$0x860];
	v28 =	vadd.f32 v28, v52;
	[tilespmem:s18+$0x10] =	vst v34;
	v49 =	vunpack.i.l.bf16.f32 v31  }
0x862: {  	[tilespmem:s7+$0x850] =	vst v6;
	v41 =	vld [tilespmem:s28+$0x10];
	v31 =	vunpack.i.u.bf16.f32 v31;
	v50 =	vadd.f32 v40, v49  }
0x863: {  	v5 =	vld [tilespmem:s8+$0xC40];
	[tilespmem:s8+$0x470] =	vst v28;
	v47 =	vunpack.i.l.bf16.f32 v32;
	v31 =	vadd.f32 v45, v31  }
0x864: {  	v56 =	vld [tilespmem:s15+$0x870];
	v32 =	vunpack.i.u.bf16.f32 v32;
	v34 =	vadd.f32 v39, v47;
	[tilespmem:s13+$0x0] =	vst v50  }
0x865: {  	v6 =	vld [tilespmem:s8+$0xC50];
	v32 =	vadd.f32 v44, v32;
	[tilespmem:s13+$0x10] =	vst v31  }
0x866: {  	v61 =	vld [tilespmem:s18+$0x50];
	[tilespmem:s15+$0x840] =	vst v34  }
0x867: {  	v54 =	vunpack.i.l.bf16.f32 v41;
	[tilespmem:s15+$0x850] =	vst v32;
	v28 =	vld [tilespmem:s16+$0x10]  }
0x868: {  	v31 =	vunpack.i.u.bf16.f32 v41;
	v32 =	vadd.f32 v48, v54;
	v53 =	vld [tilespmem:s29+$0x430]  }
0x869: {  	v36 =	vld [tilespmem:s19+$0x430];
	v31 =	vadd.f32 v42, v31  }
0x86a: {  	v62 =	vld [tilespmem:s13+$0x50];
	[tilespmem:s18+$0x20] =	vst v32  }
0x86b: {  	v63 =	vld [tilespmem:s13+$0x60];
	[tilespmem:s18+$0x30] =	vst v31  }
0x86c: {  	v58 =	vld [tilespmem:s28+$0x20];
	v60 =	vunpack.i.l.bf16.f32 v28;
	v28 =	vunpack.i.u.bf16.f32 v28  }
0x86d: {  	v43 =	vld [tilespmem:s15+$0xC30];
	v31 =	vunpack.i.l.bf16.f32 v53;
	v28 =	vadd.f32 v51, v28  }
0x86e: {  	v59 =	vld [tilespmem:s18+$0x40];
	v35 =	vunpack.i.u.bf16.f32 v53;
	v31 =	vadd.f32 v55, v31  }
0x86f: {  	v37 =	vld [tilespmem:s13+$0x810];
	v35 =	vadd.f32 v56, v35;
	[tilespmem:s13+$0x30] =	vst v28  }
0x870: {  	v45 =	vld [tilespmem:s15+$0xC00];
	[tilespmem:s15+$0x860] =	vst v31;
	v31 =	vadd.f32 v46, v60  }
0x871: {  	v49 =	vld [tilespmem:s18+$0x60];
	v28 =	vunpack.i.u.bf16.f32 v58;
	[tilespmem:s15+$0x870] =	vst v35  }
0x872: {  	v28 =	vadd.f32 v61, v28;
	v35 =	vld [tilespmem:s29+$0x440];
	[tilespmem:s13+$0x20] =	vst v31;
	v31 =	vunpack.i.l.bf16.f32 v58  }
0x873: {  	v31 =	vadd.f32 v59, v31;
	v46 =	vld [tilespmem:s16+$0x20]  }
0x874: {  	v40 =	vld [tilespmem:s13+$0x440];
	[tilespmem:s18+$0x50] =	vst v28  }
0x875: {  	v39 =	vld [tilespmem:s12+$0x400];
	[tilespmem:s18+$0x40] =	vst v31;
	v31 =	vunpack.i.l.bf16.f32 v36  }
0x876: {  	v28 =	vunpack.i.u.bf16.f32 v36;
	v7 =	vadd.f32 v7, v31;
	v31 =	vld [tilespmem:s28+$0x30]  }
0x877: {  	v47 =	vld [tilespmem:s15+$0xC10];
	v8 =	vadd.f32 v8, v28;
	v28 =	vunpack.i.l.bf16.f32 v35  }
0x878: {  	v50 =	vld [tilespmem:s18+$0x70];
	[tilespmem:s7+$0x860] =	vst v7;
	v7 =	vadd.f32 v45, v28;
	v28 =	vunpack.i.l.bf16.f32 v46  }
0x879: {  	v44 =	vld [tilespmem:s13+$0x450];
	[tilespmem:s7+$0x870] =	vst v8;
	v8 =	vunpack.i.u.bf16.f32 v46;
	v28 =	vadd.f32 v57, v28  }
0x87a: {  	v48 =	vld [tilespmem:s13+$0x70];
	v8 =	vadd.f32 v62, v8  }
0x87b: {  	v42 =	vld [tilespmem:s13+$0x430];
	[tilespmem:s13+$0x40] =	vst v28;
	v28 =	vunpack.i.l.bf16.f32 v31  }
0x87c: {  	v34 =	vld [tilespmem:s13+$0x830];
	[tilespmem:s13+$0x50] =	vst v8;
	v8 =	vunpack.i.u.bf16.f32 v31;
	v28 =	vadd.f32 v49, v28  }
0x87d: {  	v31 =	vld [tilespmem:s16+$0x30];
	v8 =	vadd.f32 v50, v8  }
0x87e: {  	v51 =	vld [tilespmem:s13+$0x400];
	[tilespmem:s18+$0x60] =	vst v28  }
0x87f: {  	v53 =	vld [tilespmem:s13+$0x410];
	[tilespmem:s18+$0x70] =	vst v8  }
0x880: {  	v52 =	vunpack.i.u.bf16.f32 v35;
	v8 =	vld [tilespmem:s28+$0x40]  }
0x881: {  	v32 =	vadd.f32 v47, v52;
	v28 =	vld [tilespmem:s18+$0x400]  }
0x882: {  	v55 =	vld [tilespmem:s18+$0x410];
	v54 =	vunpack.i.l.bf16.f32 v31  }
0x883: {  	v56 =	vld [tilespmem:s15+$0xC20];
	[tilespmem:s15+$0xC10] =	vst v32;
	v31 =	vunpack.i.u.bf16.f32 v31;
	v33 =	vadd.f32 v63, v54  }
0x884: {  	v61 =	vld [tilespmem:s18+$0x430];
	[tilespmem:s15+$0xC00] =	vst v7;
	v31 =	vadd.f32 v48, v31  }
0x885: {  	v32 =	vld [tilespmem:s29+$0x450];
	[tilespmem:s13+$0x60] =	vst v33;
	v57 =	vunpack.i.l.bf16.f32 v8  }
0x886: {  	v59 =	vld [tilespmem:s18+$0x420];
	[tilespmem:s13+$0x70] =	vst v31;
	v8 =	vunpack.i.u.bf16.f32 v8;
	v28 =	vadd.f32 v28, v57  }
0x887: {  	v31 =	vld [tilespmem:s16+$0x40];
	v58 =	vadd.f32 v55, v8  }
0x888: {  	v36 =	vld [tilespmem:s13+$0x420];
	[tilespmem:s18+$0x400] =	vst v28  }
0x889: {  	v47 =	vld [tilespmem:s18+$0x440];
	[tilespmem:s18+$0x410] =	vst v58  }
0x88a: {  	v28 =	vunpack.i.l.bf16.f32 v32;
	v33 =	vld [tilespmem:s28+$0x50]  }
0x88b: {  	v45 =	vld [tilespmem:s13+$0x460];
	v32 =	vunpack.i.u.bf16.f32 v32;
	v28 =	vadd.f32 v56, v28  }
0x88c: {  	v46 =	vld [tilespmem:s13+$0x470];
	v32 =	vadd.f32 v43, v32;
	v60 =	vunpack.i.l.bf16.f32 v31  }
0x88d: {  	v35 =	vld [tilespmem:s19+$0x440];
	[tilespmem:s15+$0xC20] =	vst v28;
	v28 =	vunpack.i.u.bf16.f32 v31;
	v31 =	vadd.f32 v51, v60  }
0x88e: {  	v7 =	vld [tilespmem:s8+$0xC60];
	[tilespmem:s15+$0xC30] =	vst v32;
	v28 =	vadd.f32 v53, v28  }
0x88f: {  	v63 =	vld [tilespmem:s15+$0xC40];
	[tilespmem:s13+$0x400] =	vst v31;
	v31 =	vunpack.i.l.bf16.f32 v33  }
0x890: {  	v48 =	vld [tilespmem:s18+$0x450];
	[tilespmem:s13+$0x410] =	vst v28;
	v28 =	vunpack.i.u.bf16.f32 v33;
	v31 =	vadd.f32 v59, v31  }
0x891: {  	v62 =	vld [tilespmem:s29+$0x460];
	v33 =	vadd.f32 v61, v28  }
0x892: {  	v52 =	vld [tilespmem:s16+$0x50];
	[tilespmem:s18+$0x420] =	vst v31  }
0x893: {  	v8 =	vld [tilespmem:s8+$0xC70];
	[tilespmem:s18+$0x430] =	vst v33  }
0x894: {  	v31 =	vunpack.i.l.bf16.f32 v39;
	v53 =	vld [tilespmem:s28+$0x60]  }
0x895: {  	v54 =	vunpack.i.u.bf16.f32 v39;
	v55 =	vld [tilespmem:s15+$0xC50];
	v30 =	vadd.f32 v30, v31  }
0x896: {  	v29 =	vadd.f32 v29, v54;
	v32 =	vld [tilespmem:s13+$0x850];
	v58 =	vunpack.i.l.bf16.f32 v62  }
0x897: {  	v28 =	vld [tilespmem:s13+$0x800];
	v59 =	vadd.f32 v63, v58;
	[tilespmem:s8+$0x800] =	vst v30;
	v30 =	vunpack.i.u.bf16.f32 v52  }
0x898: {  	[tilespmem:s8+$0x810] =	vst v29;
	v33 =	vld [tilespmem:s13+$0x820];
	v31 =	vunpack.i.l.bf16.f32 v52;
	v30 =	vadd.f32 v42, v30  }
0x899: {  	v58 =	vld [tilespmem:s18+$0x800];
	[tilespmem:s15+$0xC40] =	vst v59;
	v31 =	vadd.f32 v36, v31;
	v29 =	vunpack.i.l.bf16.f32 v53  }
0x89a: {  	v59 =	vld [tilespmem:s18+$0x810];
	[tilespmem:s13+$0x430] =	vst v30;
	v30 =	vunpack.i.u.bf16.f32 v53;
	v29 =	vadd.f32 v47, v29  }
0x89b: {  	v56 =	vld [tilespmem:s12+$0x410];
	[tilespmem:s13+$0x420] =	vst v31;
	v30 =	vadd.f32 v48, v30  }
0x89c: {  	v57 =	vld [tilespmem:s16+$0x60];
	[tilespmem:s18+$0x440] =	vst v29  }
0x89d: {  	v31 =	vld [tilespmem:s13+$0x840];
	[tilespmem:s18+$0x450] =	vst v30  }
0x89e: {  	v60 =	vld [tilespmem:s28+$0x70]  }
0x89f: {  	v30 =	vunpack.i.u.bf16.f32 v62;
	v62 =	vld [tilespmem:s18+$0x460]  }
0x8a0: {  	s25 =	simm.s32 $0x600;
	v48 =	vld [tilespmem:s18+$0x470];
	v61 =	vunpack.i.l.bf16.f32 v56;
	v30 =	vadd.f32 v55, v30  }
0x8a1: {  	s11 =	simm.s32 $0x300;
	s0 =	sand.u32 $0x3FFFF800, s25;
	v29 =	vld [tilespmem:s13+$0x860];
	v49 =	vunpack.i.u.bf16.f32 v56;
	v14 =	vadd.f32 v14, v61;
	v63 =	vunpack.i.l.bf16.f32 v57  }
0x8a2: {  	s22 =	sand.u32 $0x300, s11;
	s0 =	sadd.s32 $0x19200, s0;
	v39 =	vadd.f32 v11, v49;
	v11 =	vld [tilespmem:s13+$0xC00];
	[tilespmem:s15+$0xC50] =	vst v30;
	v36 =	vadd.f32 v40, v63  }
0x8a3: {  	s23 =	sadd.s32 s22, s0;
	v55 =	vunpack.i.l.bf16.f32 v35;
	v49 =	vld [tilespmem:s18+$0x820];
	[tilespmem:s8+$0x820] =	vst v14;
	v51 =	vunpack.i.l.bf16.f32 v60  }
0x8a4: {  	v9 =	vadd.f32 v9, v55;
	v55 =	vld [tilespmem:s23+$0x0];
	[tilespmem:s13+$0x440] =	vst v36;
	v52 =	vunpack.i.u.bf16.f32 v60;
	v36 =	vadd.f32 v62, v51  }
0x8a5: {  	v30 =	vld [tilespmem:s13+$0x870];
	[tilespmem:s8+$0x830] =	vst v39;
	v54 =	vadd.f32 v48, v52  }
0x8a6: {  	v14 =	vunpack.i.u.bf16.f32 v57;
	v53 =	vld [tilespmem:s12+$0x420];
	[tilespmem:s18+$0x460] =	vst v36  }
0x8a7: {  	v35 =	vunpack.i.u.bf16.f32 v35;
	v50 =	vadd.f32 v44, v14;
	v14 =	vld [tilespmem:s13+$0xC10];
	[tilespmem:s18+$0x470] =	vst v54  }
0x8a8: {  	v12 =	vadd.f32 v12, v35;
	v57 =	vld [tilespmem:s28+$0x400]  }
0x8a9: {  	v39 =	vld [tilespmem:s29+$0x470];
	[tilespmem:s7+$0xC00] =	vst v9  }
0x8aa: {  	[tilespmem:s7+$0xC10] =	vst v12;
	v12 =	vld [tilespmem:s13+$0xC20]  }
0x8ab: {  	s29 =	simm.s32 $0xC00;
	v60 =	vld [tilespmem:s19+$0x450];
	v41 =	vunpack.i.u.bf16.f32 v53  }
0x8ac: {  	s21 =	sor.u32 $0x80, s22;
	s10 =	sand.u32 $0x3FFFF000, s29;
	[tilespmem:s13+$0x450] =	vst v50;
	v50 =	vld [tilespmem:s18+$0x830];
	v26 =	vadd.f32 v26, v41  }
0x8ad: {  	s25 =	sadd.s32 $0xF200, s10;
	s10 =	sadd.s32 s21, s0;
	v56 =	vld [tilespmem:s16+$0x70];
	v63 =	vunpack.i.l.bf16.f32 v57  }
0x8ae: {  	v52 =	vld [tilespmem:s10+$0x0];
	s21 =	sadd.s32 s21, s25;
	[tilespmem:s8+$0x850] =	vst v26;
	v26 =	vunpack.i.u.bf16.f32 v57;
	v40 =	vadd.f32 v58, v63  }
0x8af: {  	v9 =	vunpack.i.l.bf16.f32 v53;
	v53 =	vld [tilespmem:s21+$0x0];
	v26 =	vadd.f32 v59, v26  }
0x8b0: {  	v54 =	vld [tilespmem:s21+$0x10];
	[tilespmem:s18+$0x800] =	vst v40  }
0x8b1: {  	v9 =	vadd.f32 v13, v9;
	v13 =	vld [tilespmem:s13+$0xC30];
	[tilespmem:s18+$0x810] =	vst v26  }
0x8b2: {  	v48 =	vld [tilespmem:s28+$0x410]  }
0x8b3: {  	v41 =	vld [tilespmem:s15+$0xC70]  }
0x8b4: {  	[tilespmem:s8+$0x840] =	vst v9;
	v9 =	vld [tilespmem:s13+$0xC40]  }
0x8b5: {  	s22 =	sadd.s32 s22, s25;
	v61 =	vunpack.i.l.bf16.f32 v56;
	v36 =	vunpack.i.u.bf16.f32 v56;
	v35 =	vld [tilespmem:s12+$0x430]  }
0x8b6: {  	v62 =	vadd.f32 v45, v61;
	v45 =	vunpack.i.l.bf16.f32 v60;
	v36 =	vadd.f32 v46, v36;
	v46 =	vld [tilespmem:s22+$0x30]  }
0x8b7: {  	v56 =	vunpack.i.l.bf16.f32 v52;
	v47 =	vadd.f32 v10, v45;
	v10 =	vld [tilespmem:s13+$0xC50];
	v51 =	vunpack.i.l.bf16.f32 v48  }
0x8b8: {  	v44 =	vadd.f32 v53, v56;
	v56 =	vld [tilespmem:s18+$0x860];
	[tilespmem:s13+$0x460] =	vst v62;
	v42 =	vunpack.i.u.bf16.f32 v48;
	v43 =	vadd.f32 v49, v51  }
0x8b9: {  	[tilespmem:s13+$0x470] =	vst v36;
	v57 =	vld [tilespmem:s18+$0x840];
	v36 =	vadd.f32 v50, v42  }
0x8ba: {  	v62 =	vld [tilespmem:s21+$0x20];
	[tilespmem:s18+$0x820] =	vst v43  }
0x8bb: {  	v59 =	vld [tilespmem:s22+$0x0];
	[tilespmem:s18+$0x830] =	vst v36  }
0x8bc: {  	v36 =	vld [tilespmem:s28+$0x420]  }
0x8bd: {  	v58 =	vld [tilespmem:s18+$0x850]  }
0x8be: {  	v45 =	vunpack.i.u.bf16.f32 v52;
	[tilespmem:s21+$0x0] =	vst v44;
	v44 =	vld [tilespmem:s22+$0x20]  }
0x8bf: {  	v26 =	vunpack.i.u.bf16.f32 v60;
	v60 =	vld [tilespmem:s22+$0x10];
	v42 =	vadd.f32 v54, v45  }
0x8c0: {  	[tilespmem:s7+$0xC20] =	vst v47;
	v63 =	vunpack.i.l.bf16.f32 v55;
	v47 =	vld [tilespmem:s22+$0x60];
	v15 =	vadd.f32 v15, v26  }
0x8c1: {  	v26 =	vld [tilespmem:s16+$0x400];
	v52 =	vadd.f32 v59, v63;
	[tilespmem:s21+$0x10] =	vst v42;
	v61 =	vunpack.i.l.bf16.f32 v36  }
0x8c2: {  	[tilespmem:s7+$0xC30] =	vst v15;
	v49 =	vld [tilespmem:s10+$0x10];
	v36 =	vunpack.i.u.bf16.f32 v36;
	v42 =	vadd.f32 v57, v61  }
0x8c3: {  	v15 =	vld [tilespmem:s13+$0xC60];
	[tilespmem:s22+$0x0] =	vst v52;
	v51 =	vunpack.i.u.bf16.f32 v55;
	v36 =	vadd.f32 v58, v36  }
0x8c4: {  	v50 =	vld [tilespmem:s21+$0x30];
	v53 =	vadd.f32 v60, v51;
	[tilespmem:s18+$0x840] =	vst v42  }
0x8c5: {  	v40 =	vld [tilespmem:s19+$0x460];
	[tilespmem:s18+$0x850] =	vst v36  }
0x8c6: {  	[tilespmem:s22+$0x10] =	vst v53;
	v54 =	vld [tilespmem:s28+$0x430]  }
0x8c7: {  	v59 =	vld [tilespmem:s23+$0x10];
	v55 =	vunpack.i.l.bf16.f32 v49  }
0x8c8: {  	v57 =	vunpack.i.u.bf16.f32 v49;
	v43 =	vadd.f32 v62, v55;
	v58 =	vld [tilespmem:s18+$0x870]  }
0x8c9: {  	v52 =	vld [tilespmem:s21+$0x70];
	v36 =	vadd.f32 v50, v57  }
0x8ca: {  	v48 =	vld [tilespmem:s22+$0x410];
	[tilespmem:s21+$0x20] =	vst v43  }
0x8cb: {  	v51 =	vld [tilespmem:s21+$0x50];
	[tilespmem:s21+$0x30] =	vst v36;
	v60 =	vunpack.i.l.bf16.f32 v54  }
0x8cc: {  	v61 =	vld [tilespmem:s10+$0x20];
	v42 =	vunpack.i.u.bf16.f32 v54;
	v36 =	vadd.f32 v56, v60  }
0x8cd: {  	v62 =	vld [tilespmem:s21+$0x40];
	v63 =	vunpack.i.l.bf16.f32 v59;
	v42 =	vadd.f32 v58, v42  }
0x8ce: {  	v49 =	vld [tilespmem:s22+$0x40];
	v44 =	vadd.f32 v44, v63;
	v54 =	vunpack.i.u.bf16.f32 v59;
	[tilespmem:s18+$0x860] =	vst v36  }
0x8cf: {  	v56 =	vld [tilespmem:s18+$0xC00];
	[tilespmem:s18+$0x870] =	vst v42;
	v36 =	vadd.f32 v46, v54  }
0x8d0: {  	[tilespmem:s22+$0x20] =	vst v44;
	v42 =	vld [tilespmem:s28+$0x440]  }
0x8d1: {  	v58 =	vld [tilespmem:s18+$0xC10];
	v55 =	vunpack.i.l.bf16.f32 v61;
	[tilespmem:s22+$0x30] =	vst v36  }
0x8d2: {  	v57 =	vunpack.i.u.bf16.f32 v61;
	v44 =	vadd.f32 v62, v55;
	v59 =	vld [tilespmem:s23+$0x20]  }
0x8d3: {  	v43 =	vld [tilespmem:s22+$0x50];
	v36 =	vadd.f32 v51, v57  }
0x8d4: {  	v50 =	vld [tilespmem:s22+$0x70];
	[tilespmem:s21+$0x40] =	vst v44  }
0x8d5: {  	v62 =	vld [tilespmem:s21+$0x60];
	[tilespmem:s21+$0x50] =	vst v36;
	v60 =	vunpack.i.l.bf16.f32 v42  }
0x8d6: {  	v61 =	vld [tilespmem:s10+$0x30];
	v42 =	vunpack.i.u.bf16.f32 v42;
	v36 =	vadd.f32 v56, v60  }
0x8d7: {  	v54 =	vld [tilespmem:s21+$0x400];
	v42 =	vadd.f32 v58, v42;
	v63 =	vunpack.i.l.bf16.f32 v59  }
0x8d8: {  	v44 =	vld [tilespmem:s22+$0x400];
	v56 =	vunpack.i.u.bf16.f32 v59;
	[tilespmem:s18+$0xC00] =	vst v36;
	v45 =	vadd.f32 v49, v63  }
0x8d9: {  	v58 =	vld [tilespmem:s18+$0xC20];
	[tilespmem:s18+$0xC10] =	vst v42;
	v36 =	vadd.f32 v43, v56  }
0x8da: {  	v42 =	vld [tilespmem:s28+$0x450];
	[tilespmem:s22+$0x40] =	vst v45  }
0x8db: {  	v60 =	vld [tilespmem:s18+$0xC30];
	v57 =	vunpack.i.l.bf16.f32 v61;
	[tilespmem:s22+$0x50] =	vst v36  }
0x8dc: {  	v59 =	vunpack.i.u.bf16.f32 v61;
	v43 =	vadd.f32 v62, v57;
	v61 =	vld [tilespmem:s23+$0x30]  }
0x8dd: {  	v51 =	vld [tilespmem:s22+$0x420];
	v36 =	vadd.f32 v52, v59  }
0x8de: {  	v53 =	vunpack.i.l.bf16.f32 v35;
	v56 =	vld [tilespmem:s21+$0x410];
	[tilespmem:s21+$0x60] =	vst v43  }
0x8df: {  	v24 =	vadd.f32 v24, v53;
	v59 =	vld [tilespmem:s18+$0xC50];
	[tilespmem:s21+$0x70] =	vst v36;
	v62 =	vunpack.i.l.bf16.f32 v42  }
0x8e0: {  	v63 =	vld [tilespmem:s10+$0x40];
	v42 =	vunpack.i.u.bf16.f32 v42;
	v36 =	vadd.f32 v58, v62  }
0x8e1: {  	[tilespmem:s8+$0x860] =	vst v24;
	v52 =	vld [tilespmem:s22+$0x460];
	v42 =	vadd.f32 v60, v42;
	v55 =	vunpack.i.l.bf16.f32 v61  }
0x8e2: {  	v43 =	vld [tilespmem:s22+$0x430];
	v49 =	vunpack.i.u.bf16.f32 v61;
	[tilespmem:s18+$0xC20] =	vst v36;
	v45 =	vadd.f32 v47, v55  }
0x8e3: {  	v35 =	vunpack.i.u.bf16.f32 v35;
	v58 =	vld [tilespmem:s18+$0xC40];
	[tilespmem:s18+$0xC30] =	vst v42;
	v24 =	vadd.f32 v50, v49  }
0x8e4: {  	v18 =	vadd.f32 v18, v35;
	v42 =	vld [tilespmem:s28+$0x460];
	[tilespmem:s22+$0x60] =	vst v45  }
0x8e5: {  	v61 =	vld [tilespmem:s21+$0x420];
	v57 =	vunpack.i.l.bf16.f32 v63;
	[tilespmem:s22+$0x70] =	vst v24  }
0x8e6: {  	[tilespmem:s8+$0x870] =	vst v18;
	v24 =	vunpack.i.u.bf16.f32 v63;
	v35 =	vadd.f32 v54, v57;
	v18 =	vld [tilespmem:s23+$0x40]  }
0x8e7: {  	v47 =	vld [tilespmem:s22+$0x440];
	v24 =	vadd.f32 v56, v24  }
0x8e8: {  	v49 =	vld [tilespmem:s12+$0x440];
	[tilespmem:s21+$0x400] =	vst v35  }
0x8e9: {  	v50 =	vld [tilespmem:s22+$0x450];
	[tilespmem:s21+$0x410] =	vst v24;
	v24 =	vunpack.i.l.bf16.f32 v42  }
0x8ea: {  	v35 =	vld [tilespmem:s10+$0x50];
	v24 =	vadd.f32 v58, v24  }
0x8eb: {  	v63 =	vld [tilespmem:s21+$0x430];
	v62 =	vunpack.i.l.bf16.f32 v18  }
0x8ec: {  	v45 =	vld [tilespmem:s22+$0x470];
	v18 =	vunpack.i.u.bf16.f32 v18;
	[tilespmem:s18+$0xC40] =	vst v24;
	v24 =	vadd.f32 v44, v62  }
0x8ed: {  	v57 =	vld [tilespmem:s21+$0x440];
	v54 =	vadd.f32 v48, v18  }
0x8ee: {  	v60 =	vunpack.i.u.bf16.f32 v42;
	v58 =	vld [tilespmem:s21+$0x450];
	[tilespmem:s22+$0x400] =	vst v24  }
0x8ef: {  	v36 =	vadd.f32 v59, v60;
	v18 =	vld [tilespmem:s13+$0xC70];
	v24 =	vunpack.i.l.bf16.f32 v35;
	[tilespmem:s22+$0x410] =	vst v54  }
0x8f0: {  	v35 =	vunpack.i.u.bf16.f32 v35;
	v24 =	vadd.f32 v61, v24;
	v55 =	vld [tilespmem:s23+$0x50]  }
0x8f1: {  	[tilespmem:s18+$0xC50] =	vst v36;
	v36 =	vld [tilespmem:s22+$0x810];
	v56 =	vadd.f32 v63, v35  }
0x8f2: {  	v48 =	vld [tilespmem:s28+$0x470];
	[tilespmem:s21+$0x420] =	vst v24;
	v24 =	vunpack.i.l.bf16.f32 v26;
	v26 =	vunpack.i.u.bf16.f32 v26  }
0x8f3: {  	v35 =	vld [tilespmem:s22+$0x800];
	[tilespmem:s21+$0x430] =	vst v56;
	v24 =	vadd.f32 v28, v24;
	v28 =	vadd.f32 v37, v26  }
0x8f4: {  	v44 =	vld [tilespmem:s10+$0x60]  }
0x8f5: {  	v26 =	vunpack.i.l.bf16.f32 v55;
	[tilespmem:s13+$0x810] =	vst v28;
	v28 =	vld [tilespmem:s22+$0x830]  }
0x8f6: {  	v59 =	vunpack.i.u.bf16.f32 v22;
	[tilespmem:s13+$0x800] =	vst v24;
	v42 =	vunpack.i.u.bf16.f32 v55;
	v55 =	vld [tilespmem:s21+$0x460];
	v24 =	vadd.f32 v51, v26  }
0x8f7: {  	v23 =	vadd.f32 v23, v59;
	v26 =	vld [tilespmem:s22+$0x820]  }
0x8f8: {  	v42 =	vadd.f32 v43, v42;
	v60 =	vld [tilespmem:s16+$0x410];
	[tilespmem:s22+$0x420] =	vst v24;
	v24 =	vunpack.i.l.bf16.f32 v22  }
0x8f9: {  	[tilespmem:s20+$0xC70] =	vst v23;
	v43 =	vld [tilespmem:s18+$0xC70];
	v23 =	vunpack.i.u.bf16.f32 v44;
	v19 =	vadd.f32 v19, v24  }
0x8fa: {  	v22 =	vld [tilespmem:s22+$0x840];
	[tilespmem:s22+$0x430] =	vst v42;
	v24 =	vunpack.i.l.bf16.f32 v44;
	v23 =	vadd.f32 v58, v23  }
0x8fb: {  	v62 =	vld [tilespmem:s23+$0x60];
	v61 =	vadd.f32 v57, v24;
	[tilespmem:s20+$0xC60] =	vst v19;
	v19 =	vunpack.i.u.bf16.f32 v39  }
0x8fc: {  	v58 =	vld [tilespmem:s21+$0x470];
	v39 =	vunpack.i.l.bf16.f32 v39;
	[tilespmem:s21+$0x450] =	vst v23;
	v63 =	vadd.f32 v41, v19  }
0x8fd: {  	v24 =	vld [tilespmem:s22+$0x850];
	v46 =	vunpack.i.l.bf16.f32 v60;
	[tilespmem:s21+$0x440] =	vst v61;
	v38 =	vadd.f32 v38, v39  }
0x8fe: {  	v23 =	vld [tilespmem:s22+$0x870];
	v53 =	vunpack.i.u.bf16.f32 v60;
	v33 =	vadd.f32 v33, v46;
	[tilespmem:s15+$0xC70] =	vst v63  }
0x8ff: {  	v60 =	vunpack.i.u.bf16.f32 v49;
	v34 =	vadd.f32 v34, v53;
	v54 =	vld [tilespmem:s10+$0x70];
	[tilespmem:s15+$0xC60] =	vst v38  }
0x900: {  	v19 =	vld [tilespmem:s22+$0x860];
	v42 =	vadd.f32 v27, v60;
	v56 =	vunpack.i.l.bf16.f32 v62;
	[tilespmem:s13+$0x820] =	vst v33  }
0x901: {  	v27 =	vld [tilespmem:s22+$0xC10];
	[tilespmem:s13+$0x830] =	vst v34;
	v59 =	vunpack.i.u.bf16.f32 v62;
	v38 =	vadd.f32 v47, v56  }
0x902: {  	v57 =	vunpack.i.l.bf16.f32 v49;
	[tilespmem:s8+$0xC10] =	vst v42;
	v34 =	vadd.f32 v50, v59;
	v61 =	vld [tilespmem:s16+$0x420]  }
0x903: {  	v53 =	vld [tilespmem:s21+$0x800];
	v33 =	vadd.f32 v25, v57;
	v62 =	vunpack.i.l.bf16.f32 v40;
	[tilespmem:s22+$0x440] =	vst v38  }
0x904: {  	v25 =	vld [tilespmem:s22+$0xC00];
	v16 =	vadd.f32 v16, v62;
	[tilespmem:s22+$0x450] =	vst v34;
	v44 =	vunpack.i.l.bf16.f32 v54  }
0x905: {  	[tilespmem:s8+$0xC00] =	vst v33;
	v39 =	vunpack.i.u.bf16.f32 v54;
	v46 =	vld [tilespmem:s23+$0x70];
	v34 =	vadd.f32 v55, v44  }
0x906: {  	[tilespmem:s7+$0xC40] =	vst v16;
	v16 =	vunpack.i.u.bf16.f32 v40;
	v47 =	vld [tilespmem:s12+$0x450];
	v39 =	vadd.f32 v58, v39  }
0x907: {  	v63 =	vld [tilespmem:s18+$0xC60];
	v49 =	vadd.f32 v17, v16;
	v51 =	vunpack.i.l.bf16.f32 v61;
	[tilespmem:s21+$0x460] =	vst v34  }
0x908: {  	v17 =	vld [tilespmem:s22+$0xC20];
	v38 =	vunpack.i.u.bf16.f32 v61;
	[tilespmem:s21+$0x470] =	vst v39;
	v31 =	vadd.f32 v31, v51  }
0x909: {  	v16 =	vunpack.i.u.bf16.f32 v48;
	[tilespmem:s7+$0xC50] =	vst v49;
	v32 =	vadd.f32 v32, v38;
	v39 =	vld [tilespmem:s10+$0x400]  }
0x90a: {  	v50 =	vadd.f32 v43, v16;
	v16 =	vld [tilespmem:s22+$0xC30];
	v54 =	vunpack.i.l.bf16.f32 v46;
	[tilespmem:s13+$0x840] =	vst v31  }
0x90b: {  	v55 =	vld [tilespmem:s21+$0x810];
	v31 =	vunpack.i.l.bf16.f32 v47;
	[tilespmem:s13+$0x850] =	vst v32;
	v38 =	vadd.f32 v52, v54  }
0x90c: {  	[tilespmem:s18+$0xC70] =	vst v50;
	v56 =	vunpack.i.u.bf16.f32 v46;
	v31 =	vadd.f32 v21, v31;
	v58 =	vld [tilespmem:s16+$0x430]  }
0x90d: {  	v57 =	vunpack.i.u.bf16.f32 v47;
	v21 =	vld [tilespmem:s22+$0xC40];
	v32 =	vadd.f32 v45, v56;
	[tilespmem:s22+$0x460] =	vst v38  }
0x90e: {  	v37 =	vadd.f32 v20, v57;
	[tilespmem:s8+$0xC20] =	vst v31;
	v31 =	vld [tilespmem:s22+$0xC50];
	v20 =	vunpack.i.l.bf16.f32 v39  }
0x90f: {  	[tilespmem:s22+$0x470] =	vst v32;
	v59 =	vunpack.i.u.bf16.f32 v39;
	v34 =	vadd.f32 v53, v20;
	v20 =	vld [tilespmem:s19+$0x470]  }
0x910: {  	v60 =	vunpack.i.l.bf16.f32 v48;
	[tilespmem:s8+$0xC30] =	vst v37;
	v38 =	vld [tilespmem:s23+$0x400];
	v41 =	vadd.f32 v55, v59  }
0x911: {  	v61 =	vadd.f32 v63, v60;
	v33 =	vld [tilespmem:s12+$0x460];
	v63 =	vunpack.i.l.bf16.f32 v58;
	[tilespmem:s21+$0x800] =	vst v34  }
0x912: {  	v32 =	vld [tilespmem:s22+$0xC60];
	v62 =	vunpack.i.u.bf16.f32 v58;
	[tilespmem:s21+$0x810] =	vst v41;
	v37 =	vadd.f32 v29, v63  }
0x913: {  	s15 =	simm.s32 $0x6;
	[tilespmem:s18+$0xC60] =	vst v61;
	v34 =	vadd.f32 v30, v62;
	v30 =	vld [tilespmem:s10+$0x410]  }
.LBB2_11:
0x914: {  	s15 =	sadd.s32 $0x2, s15;
	v29 =	vld [tilespmem:s21+$0x820];
	[tilespmem:s13+$0x860] =	vst v37;
	v37 =	vunpack.i.u.bf16.f32 v20;
	v20 =	vunpack.i.l.bf16.f32 v20  }
0x915: {  	s11 =	sadd.s32 $0x100, s11;
	s0 =	sshll.u32 s15, $0x8;
	p1 =	slt.u32 s15, $0x1E;
	v39 =	vunpack.i.u.bf16.f32 v38;
	v38 =	vunpack.i.l.bf16.f32 v38;
	v40 =	vld [tilespmem:s21+$0x830];
	[tilespmem:s13+$0x870] =	vst v34;
	v20 =	vadd.f32 v3, v20;
	v3 =	vmovc v7;
	v7 =	vmovc v15  }
0x916: {  	s19 =	sand.u32 $0x300, s11;
	s18 =	sshll.u32 s15, $0x9;
	s0 =	sand.u32 $0x3FFFF800, s0;
	v41 =	vadd.f32 v35, v38;
	v34 =	vadd.f32 v36, v39;
	v35 =	vld [tilespmem:s16+$0x440];
	v36 =	vunpack.i.u.bf16.f32 v33  }
0x917: {  	v37 =	vadd.f32 v4, v37;
	v4 =	vmovc v8;
	s20 =	sand.u32 $0x3FFFF000, s18;
	s25 =	sor.u32 $0x80, s19;
	v33 =	vunpack.i.l.bf16.f32 v33;
	s0 =	sadd.s32 $0x19200, s0;
	v38 =	vld [tilespmem:s22+$0xC70];
	v36 =	vadd.f32 v6, v36;
	[tilespmem:s7+$0xC60] =	vst v20  }
0x918: {  	v8 =	vmovc v18;
	s28 =	sadd.s32 $0xF200, s20;
	v33 =	vadd.f32 v5, v33;
	v5 =	vmovc v9;
	v9 =	vmov v21;
	s18 =	sadd.s32 s19, s0;
	s20 =	sadd.s32 s25, s0;
	[tilespmem:s22+$0x800] =	vst v41;
	v39 =	vunpack.i.l.bf16.f32 v30;
	v20 =	vld [tilespmem:s21+$0xC60]  }
0x919: {  	v6 =	vmovc v10;
	v10 =	vmovc v31;
	v15 =	vmov v32;
	s0 =	sadd.s32 s19, s28;
	s19 =	sadd.s32 s25, s28;
	v18 =	vunpack.i.u.bf16.f32 v30;
	v21 =	vld [tilespmem:s20+$0x0];
	[tilespmem:s22+$0x810] =	vst v34;
	v29 =	vadd.f32 v29, v39  }
0x91a: {  	v30 =	vld [tilespmem:s19+$0x0];
	v34 =	vadd.f32 v40, v18;
	[tilespmem:s8+$0xC40] =	vst v33  }
0x91b: {  	v31 =	vld [tilespmem:s19+$0x10];
	[tilespmem:s21+$0x820] =	vst v29;
	v29 =	vunpack.i.u.bf16.f32 v35;
	v32 =	vunpack.i.l.bf16.f32 v35  }
0x91c: {  	v33 =	vld [tilespmem:s18+$0x0];
	[tilespmem:s21+$0x830] =	vst v34;
	v32 =	vadd.f32 v11, v32;
	v29 =	vadd.f32 v14, v29;
	v18 =	vmovc v38;
	v11 =	vmov v25  }
0x91d: {  	v14 =	vmov v27;
	v25 =	vld [tilespmem:s10+$0x420];
	[tilespmem:s8+$0xC50] =	vst v36  }
0x91e: {  	v27 =	vunpack.i.l.bf16.f32 v21;
	v34 =	vld [tilespmem:s21+$0x840];
	[tilespmem:s13+$0xC00] =	vst v32  }
0x91f: {  	v21 =	vunpack.i.u.bf16.f32 v21;
	v27 =	vadd.f32 v30, v27;
	v30 =	vld [tilespmem:s21+$0x850];
	[tilespmem:s13+$0xC10] =	vst v29  }
0x920: {  	v29 =	vld [tilespmem:s0+$0x0];
	v21 =	vadd.f32 v31, v21;
	[tilespmem:s7+$0xC70] =	vst v37;
	s7 =	smov.u32 s8;
	s8 =	smov.u32 s13;
	s13 =	smov.u32 s22  }
0x921: {  	s22 =	smov.u32 s0;
	v31 =	vunpack.i.u.bf16.f32 v33;
	v32 =	vunpack.i.l.bf16.f32 v33;
	v33 =	vld [tilespmem:s0+$0x10];
	[tilespmem:s19+$0x0] =	vst v27  }
0x922: {  	v27 =	vld [tilespmem:s22+$0x20];
	[tilespmem:s19+$0x10] =	vst v21;
	v21 =	vunpack.i.l.bf16.f32 v25  }
0x923: {  	v25 =	vunpack.i.u.bf16.f32 v25;
	v35 =	vld [tilespmem:s20+$0x10];
	v21 =	vadd.f32 v34, v21  }
0x924: {  	v34 =	vld [tilespmem:s19+$0x20];
	v25 =	vadd.f32 v30, v25  }
0x925: {  	v29 =	vadd.f32 v29, v32;
	v30 =	vld [tilespmem:s19+$0x30];
	[tilespmem:s21+$0x840] =	vst v21  }
0x926: {  	v21 =	vadd.f32 v33, v31;
	v31 =	vld [tilespmem:s22+$0x30];
	[tilespmem:s21+$0x850] =	vst v25  }
0x927: {  	[tilespmem:s22+$0x0] =	vst v29;
	v25 =	vld [tilespmem:s10+$0x430]  }
0x928: {  	[tilespmem:s22+$0x10] =	vst v21;
	v21 =	vunpack.i.l.bf16.f32 v35;
	v29 =	vld [tilespmem:s21+$0x860]  }
0x929: {  	v32 =	vunpack.i.u.bf16.f32 v35;
	v21 =	vadd.f32 v34, v21;
	v33 =	vld [tilespmem:s21+$0x870]  }
0x92a: {  	v34 =	vld [tilespmem:s18+$0x10];
	v30 =	vadd.f32 v30, v32  }
0x92b: {  	v32 =	vld [tilespmem:s22+$0x40];
	[tilespmem:s19+$0x20] =	vst v21  }
0x92c: {  	v21 =	vld [tilespmem:s22+$0x50];
	[tilespmem:s19+$0x30] =	vst v30;
	v30 =	vunpack.i.l.bf16.f32 v25  }
0x92d: {  	v25 =	vunpack.i.u.bf16.f32 v25;
	v35 =	vld [tilespmem:s20+$0x20];
	v29 =	vadd.f32 v29, v30  }
0x92e: {  	v30 =	vld [tilespmem:s19+$0x40];
	v25 =	vadd.f32 v33, v25  }
0x92f: {  	v33 =	vunpack.i.u.bf16.f32 v34;
	v34 =	vunpack.i.l.bf16.f32 v34;
	v36 =	vld [tilespmem:s19+$0x50];
	[tilespmem:s21+$0x860] =	vst v29  }
0x930: {  	v27 =	vadd.f32 v27, v34;
	v29 =	vadd.f32 v31, v33;
	v31 =	vld [tilespmem:s22+$0x60];
	[tilespmem:s21+$0x870] =	vst v25  }
0x931: {  	v25 =	vld [tilespmem:s10+$0x440]  }
0x932: {  	[tilespmem:s22+$0x20] =	vst v27;
	v27 =	vunpack.i.l.bf16.f32 v35;
	v33 =	vld [tilespmem:s21+$0xC00]  }
0x933: {  	[tilespmem:s22+$0x30] =	vst v29;
	v29 =	vunpack.i.u.bf16.f32 v35;
	v27 =	vadd.f32 v30, v27;
	v30 =	vld [tilespmem:s21+$0xC10]  }
0x934: {  	v34 =	vld [tilespmem:s18+$0x20];
	v29 =	vadd.f32 v36, v29  }
0x935: {  	v35 =	vld [tilespmem:s22+$0x70];
	[tilespmem:s19+$0x40] =	vst v27  }
0x936: {  	v27 =	vld [tilespmem:s22+$0x400];
	[tilespmem:s19+$0x50] =	vst v29;
	v29 =	vunpack.i.l.bf16.f32 v25  }
0x937: {  	v25 =	vunpack.i.u.bf16.f32 v25;
	v36 =	vld [tilespmem:s20+$0x30];
	v29 =	vadd.f32 v33, v29  }
0x938: {  	v33 =	vld [tilespmem:s19+$0x60];
	v25 =	vadd.f32 v30, v25  }
0x939: {  	v30 =	vunpack.i.u.bf16.f32 v34;
	v34 =	vunpack.i.l.bf16.f32 v34;
	v37 =	vld [tilespmem:s19+$0x70];
	[tilespmem:s21+$0xC00] =	vst v29  }
0x93a: {  	v29 =	vadd.f32 v32, v34;
	v21 =	vadd.f32 v21, v30;
	v30 =	vld [tilespmem:s22+$0x410];
	[tilespmem:s21+$0xC10] =	vst v25  }
0x93b: {  	v25 =	vld [tilespmem:s10+$0x450]  }
0x93c: {  	[tilespmem:s22+$0x40] =	vst v29;
	v29 =	vunpack.i.l.bf16.f32 v36;
	v32 =	vld [tilespmem:s21+$0xC20]  }
0x93d: {  	[tilespmem:s22+$0x50] =	vst v21;
	v21 =	vunpack.i.u.bf16.f32 v36;
	v29 =	vadd.f32 v33, v29;
	v33 =	vld [tilespmem:s21+$0xC30]  }
0x93e: {  	v34 =	vld [tilespmem:s18+$0x30];
	v21 =	vadd.f32 v37, v21  }
0x93f: {  	v37 =	vld [tilespmem:s22+$0x420];
	[tilespmem:s19+$0x60] =	vst v29  }
0x940: {  	v29 =	vld [tilespmem:s22+$0x430];
	[tilespmem:s19+$0x70] =	vst v21;
	v21 =	vunpack.i.l.bf16.f32 v25  }
0x941: {  	v25 =	vunpack.i.u.bf16.f32 v25;
	v36 =	vld [tilespmem:s20+$0x40];
	v21 =	vadd.f32 v32, v21  }
0x942: {  	v32 =	vld [tilespmem:s19+$0x400];
	v25 =	vadd.f32 v33, v25  }
0x943: {  	v33 =	vunpack.i.u.bf16.f32 v34;
	v34 =	vunpack.i.l.bf16.f32 v34;
	v38 =	vld [tilespmem:s19+$0x410];
	[tilespmem:s21+$0xC20] =	vst v21  }
0x944: {  	v21 =	vadd.f32 v31, v34;
	v31 =	vadd.f32 v35, v33;
	v33 =	vld [tilespmem:s22+$0x440];
	[tilespmem:s21+$0xC30] =	vst v25  }
0x945: {  	v25 =	vld [tilespmem:s10+$0x460]  }
0x946: {  	[tilespmem:s22+$0x60] =	vst v21;
	v21 =	vunpack.i.l.bf16.f32 v36;
	v34 =	vld [tilespmem:s21+$0xC40]  }
0x947: {  	[tilespmem:s22+$0x70] =	vst v31;
	v31 =	vunpack.i.u.bf16.f32 v36;
	v21 =	vadd.f32 v32, v21;
	v32 =	vld [tilespmem:s21+$0xC50]  }
0x948: {  	v35 =	vld [tilespmem:s18+$0x40];
	v31 =	vadd.f32 v38, v31  }
0x949: {  	v38 =	vld [tilespmem:s22+$0x450];
	[tilespmem:s19+$0x400] =	vst v21  }
0x94a: {  	v21 =	vld [tilespmem:s22+$0x460];
	[tilespmem:s19+$0x410] =	vst v31;
	v31 =	vunpack.i.l.bf16.f32 v25  }
0x94b: {  	v25 =	vunpack.i.u.bf16.f32 v25;
	v36 =	vld [tilespmem:s20+$0x50];
	v31 =	vadd.f32 v34, v31  }
0x94c: {  	v34 =	vld [tilespmem:s19+$0x420];
	v25 =	vadd.f32 v32, v25  }
0x94d: {  	v32 =	vunpack.i.u.bf16.f32 v35;
	v35 =	vunpack.i.l.bf16.f32 v35;
	v39 =	vld [tilespmem:s19+$0x430];
	[tilespmem:s21+$0xC40] =	vst v31  }
0x94e: {  	v27 =	vadd.f32 v27, v35;
	v30 =	vadd.f32 v30, v32;
	v31 =	vld [tilespmem:s22+$0x470];
	[tilespmem:s21+$0xC50] =	vst v25  }
0x94f: {  	v25 =	vld [tilespmem:s10+$0x470];
	s10 =	smov.u32 s20  }
0x950: {  	[tilespmem:s22+$0x400] =	vst v27;
	v27 =	vunpack.i.l.bf16.f32 v36;
	v32 =	vld [tilespmem:s21+$0xC70]  }
0x951: {  	[tilespmem:s22+$0x410] =	vst v30;
	v35 =	vld [tilespmem:s22+$0x800];
	v30 =	vunpack.i.u.bf16.f32 v36;
	v27 =	vadd.f32 v34, v27  }
0x952: {  	v34 =	vld [tilespmem:s18+$0x50];
	v30 =	vadd.f32 v39, v30  }
0x953: {  	v36 =	vld [tilespmem:s22+$0x810];
	[tilespmem:s19+$0x420] =	vst v27  }
0x954: {  	[tilespmem:s19+$0x430] =	vst v30;
	v27 =	vld [tilespmem:s23+$0x410];
	v30 =	vunpack.i.u.bf16.f32 v25;
	v25 =	vunpack.i.l.bf16.f32 v25  }
0x955: {  	v39 =	vld [tilespmem:s10+$0x60];
	v20 =	vadd.f32 v20, v25;
	v25 =	vadd.f32 v32, v30  }
0x956: {  	v30 =	vld [tilespmem:s19+$0x440]  }
0x957: {  	v32 =	vunpack.i.u.bf16.f32 v34;
	v34 =	vunpack.i.l.bf16.f32 v34;
	v40 =	vld [tilespmem:s19+$0x450];
	[tilespmem:s21+$0xC70] =	vst v25  }
0x958: {  	v25 =	vadd.f32 v37, v34;
	v29 =	vadd.f32 v29, v32;
	v32 =	vld [tilespmem:s22+$0x820];
	[tilespmem:s21+$0xC60] =	vst v20;
	s21 =	smov.u32 s19  }
0x959: {  	v20 =	vld [tilespmem:s22+$0x830];
	v34 =	vunpack.i.u.bf16.f32 v27;
	v27 =	vunpack.i.l.bf16.f32 v27  }
0x95a: {  	[tilespmem:s22+$0x420] =	vst v25;
	v37 =	vld [tilespmem:s22+$0x840];
	v25 =	vunpack.i.l.bf16.f32 v39;
	v41 =	vadd.f32 v26, v27;
	v27 =	vadd.f32 v28, v34  }
0x95b: {  	v28 =	vunpack.i.u.bf16.f32 v39;
	[tilespmem:s22+$0x430] =	vst v29;
	v29 =	vld [tilespmem:s22+$0x850];
	v25 =	vadd.f32 v30, v25  }
0x95c: {  	v30 =	vld [tilespmem:s18+$0x60];
	v34 =	vadd.f32 v40, v28;
	[tilespmem:s13+$0x820] =	vst v41  }
0x95d: {  	v39 =	vld [tilespmem:s22+$0x860];
	[tilespmem:s21+$0x440] =	vst v25;
	v26 =	vmov v32  }
0x95e: {  	v40 =	vld [tilespmem:s22+$0x870];
	[tilespmem:s21+$0x450] =	vst v34;
	v28 =	vmov v20  }
0x95f: {  	v20 =	vld [tilespmem:s10+$0x70];
	[tilespmem:s13+$0x830] =	vst v27  }
0x960: {  	v32 =	vld [tilespmem:s21+$0x460]  }
0x961: {  	v25 =	vunpack.i.u.bf16.f32 v30;
	v27 =	vunpack.i.l.bf16.f32 v30;
	v30 =	vld [tilespmem:s21+$0x470]  }
0x962: {  	v27 =	vadd.f32 v33, v27;
	v33 =	vadd.f32 v38, v25;
	v34 =	vld [tilespmem:s23+$0x420]  }
0x963: {  	v25 =	vld [tilespmem:s22+$0xC00]  }
0x964: {  	[tilespmem:s22+$0x440] =	vst v27;
	v27 =	vld [tilespmem:s22+$0xC10];
	v38 =	vunpack.i.l.bf16.f32 v20  }
0x965: {  	v20 =	vunpack.i.u.bf16.f32 v20;
	[tilespmem:s22+$0x450] =	vst v33;
	v32 =	vadd.f32 v32, v38;
	v33 =	vld [tilespmem:s16+$0x450]  }
0x966: {  	v38 =	vld [tilespmem:s18+$0x70];
	v20 =	vadd.f32 v30, v20  }
0x967: {  	v30 =	vld [tilespmem:s22+$0xC20];
	[tilespmem:s21+$0x460] =	vst v32;
	v32 =	vunpack.i.u.bf16.f32 v34;
	v34 =	vunpack.i.l.bf16.f32 v34  }
0x968: {  	v41 =	vld [tilespmem:s22+$0xC30];
	[tilespmem:s21+$0x470] =	vst v20;
	v20 =	vadd.f32 v22, v34;
	v32 =	vadd.f32 v24, v32;
	v22 =	vmovc v37;
	v24 =	vmov v29  }
0x969: {  	v29 =	vld [tilespmem:s10+$0x400]  }
0x96a: {  	v34 =	vld [tilespmem:s21+$0x800];
	[tilespmem:s13+$0x840] =	vst v20;
	v20 =	vunpack.i.u.bf16.f32 v33;
	v33 =	vunpack.i.l.bf16.f32 v33  }
0x96b: {  	v37 =	vunpack.i.u.bf16.f32 v38;
	v38 =	vunpack.i.l.bf16.f32 v38;
	v42 =	vld [tilespmem:s21+$0x810];
	[tilespmem:s13+$0x850] =	vst v32;
	v32 =	vadd.f32 v12, v33;
	v12 =	vmovc v17  }
0x96c: {  	v33 =	vadd.f32 v21, v38;
	v37 =	vadd.f32 v31, v37;
	v43 =	vld [tilespmem:s23+$0x430];
	v17 =	vmov v30  }
0x96d: {  	v30 =	vadd.f32 v13, v20;
	v13 =	vmov v16;
	v21 =	vld [tilespmem:s22+$0xC40];
	[tilespmem:s8+$0xC20] =	vst v32;
	v16 =	vmov v41  }
0x96e: {  	[tilespmem:s22+$0x460] =	vst v33;
	v31 =	vld [tilespmem:s22+$0xC50];
	v20 =	vunpack.i.l.bf16.f32 v29  }
.Ltmp6:
0x96f: {  	v29 =	vunpack.i.u.bf16.f32 v29;
	[tilespmem:s22+$0x470] =	vst v37;
	v32 =	vadd.f32 v34, v20;
	v20 =	vld [tilespmem:s12+$0x470];
	s12 =	smov.u32 s16;
	s16 =	smov.u32 s23;
	(pc) =	sbr.rel @p1 .LBB2_11-.Ltmp6, $4  }
0x970: {  	s23 =	smov.u32 s18;
	v38 =	vld [tilespmem:s18+$0x400];
	v29 =	vadd.f32 v42, v29;
	[tilespmem:s8+$0xC30] =	vst v30  }
0x971: {  	[tilespmem:s21+$0x800] =	vst v32;
	v30 =	vunpack.i.u.bf16.f32 v43;
	v34 =	vunpack.i.l.bf16.f32 v43;
	v33 =	vld [tilespmem:s12+$0x460]  }
0x972: {  	v32 =	vld [tilespmem:s22+$0xC60];
	[tilespmem:s21+$0x810] =	vst v29;
	v37 =	vadd.f32 v19, v34;
	v34 =	vadd.f32 v23, v30;
	v19 =	vmovc v39;
	v23 =	vmov v40  }
0x973: {  	v30 =	vld [tilespmem:s10+$0x410]  }
0x974: {  	_ = 	snop  }
0x975: {  	v29 =	vunpack.i.l.bf16.f32 v38  }
0x976: {  	v39 =	vld [tilespmem:s21+$0x820];
	v57 =	vunpack.i.u.bf16.f32 v38;
	v35 =	vadd.f32 v35, v29  }
0x977: {  	v40 =	vld [tilespmem:s21+$0x830];
	v36 =	vadd.f32 v36, v57  }
0x978: {  	[tilespmem:s22+$0x800] =	vst v35  }
0x979: {  	[tilespmem:s22+$0x810] =	vst v36  }
0x97a: {  	v58 =	vunpack.i.l.bf16.f32 v30;
	v60 =	vld [tilespmem:s23+$0x410]  }
0x97b: {  	v59 =	vunpack.i.u.bf16.f32 v30;
	v35 =	vadd.f32 v39, v58  }
0x97c: {  	v36 =	vadd.f32 v40, v59  }
0x97d: {  	[tilespmem:s21+$0x820] =	vst v35  }
0x97e: {  	[tilespmem:s21+$0x830] =	vst v36  }
0x97f: {  	v35 =	vld [tilespmem:s10+$0x420];
	v62 =	vunpack.i.l.bf16.f32 v60  }
0x980: {  	v61 =	vld [tilespmem:s21+$0x840];
	v38 =	vunpack.i.u.bf16.f32 v60;
	v26 =	vadd.f32 v26, v62  }
0x981: {  	v63 =	vld [tilespmem:s21+$0x850];
	v28 =	vadd.f32 v28, v38  }
0x982: {  	[tilespmem:s22+$0x820] =	vst v26  }
0x983: {  	[tilespmem:s22+$0x830] =	vst v28  }
0x984: {  	v41 =	vunpack.i.l.bf16.f32 v35;
	v43 =	vld [tilespmem:s23+$0x420]  }
0x985: {  	v42 =	vunpack.i.u.bf16.f32 v35;
	v26 =	vadd.f32 v61, v41  }
0x986: {  	v28 =	vadd.f32 v63, v42  }
0x987: {  	[tilespmem:s21+$0x840] =	vst v26  }
0x988: {  	[tilespmem:s21+$0x850] =	vst v28  }
0x989: {  	v26 =	vld [tilespmem:s10+$0x430];
	v45 =	vunpack.i.l.bf16.f32 v43  }
0x98a: {  	v44 =	vld [tilespmem:s21+$0x860];
	v35 =	vunpack.i.u.bf16.f32 v43;
	v22 =	vadd.f32 v22, v45  }
0x98b: {  	v46 =	vld [tilespmem:s21+$0x870];
	v24 =	vadd.f32 v24, v35  }
0x98c: {  	[tilespmem:s22+$0x840] =	vst v22  }
0x98d: {  	[tilespmem:s22+$0x850] =	vst v24  }
0x98e: {  	v47 =	vunpack.i.l.bf16.f32 v26;
	v49 =	vld [tilespmem:s23+$0x430]  }
0x98f: {  	v48 =	vunpack.i.u.bf16.f32 v26;
	v22 =	vadd.f32 v44, v47  }
0x990: {  	v24 =	vadd.f32 v46, v48  }
0x991: {  	[tilespmem:s21+$0x860] =	vst v22  }
0x992: {  	[tilespmem:s21+$0x870] =	vst v24  }
0x993: {  	v22 =	vld [tilespmem:s10+$0x440];
	v51 =	vunpack.i.l.bf16.f32 v49  }
0x994: {  	v50 =	vld [tilespmem:s21+$0xC00];
	[tilespmem:s13+$0x860] =	vst v37;
	v26 =	vunpack.i.u.bf16.f32 v49;
	v19 =	vadd.f32 v19, v51  }
0x995: {  	v52 =	vld [tilespmem:s21+$0xC10];
	[tilespmem:s13+$0x870] =	vst v34;
	v23 =	vadd.f32 v23, v26  }
0x996: {  	v53 =	vld [tilespmem:s16+$0x440];
	[tilespmem:s22+$0x860] =	vst v19  }
0x997: {  	[tilespmem:s22+$0x870] =	vst v23  }
0x998: {  	v54 =	vunpack.i.l.bf16.f32 v22;
	v23 =	vld [tilespmem:s23+$0x440]  }
0x999: {  	v22 =	vunpack.i.u.bf16.f32 v22;
	v19 =	vadd.f32 v50, v54  }
0x99a: {  	v22 =	vadd.f32 v52, v22  }
0x99b: {  	v55 =	vunpack.i.l.bf16.f32 v53;
	[tilespmem:s21+$0xC00] =	vst v19  }
0x99c: {  	v56 =	vunpack.i.u.bf16.f32 v53;
	v11 =	vadd.f32 v11, v55;
	[tilespmem:s21+$0xC10] =	vst v22  }
0x99d: {  	v14 =	vadd.f32 v14, v56;
	v57 =	vld [tilespmem:s10+$0x450];
	v59 =	vunpack.i.l.bf16.f32 v23  }
0x99e: {  	v58 =	vld [tilespmem:s21+$0xC20];
	[tilespmem:s13+$0xC00] =	vst v11;
	v23 =	vunpack.i.u.bf16.f32 v23;
	v24 =	vadd.f32 v25, v59  }
0x99f: {  	[tilespmem:s13+$0xC10] =	vst v14;
	v60 =	vld [tilespmem:s21+$0xC30];
	v61 =	vadd.f32 v27, v23  }
0x9a0: {  	v62 =	vld [tilespmem:s16+$0x450];
	[tilespmem:s22+$0xC00] =	vst v24  }
0x9a1: {  	[tilespmem:s22+$0xC10] =	vst v61  }
0x9a2: {  	v63 =	vunpack.i.l.bf16.f32 v57;
	v27 =	vld [tilespmem:s23+$0x450]  }
0x9a3: {  	v25 =	vunpack.i.u.bf16.f32 v57;
	v26 =	vadd.f32 v58, v63  }
0x9a4: {  	v11 =	vadd.f32 v60, v25  }
0x9a5: {  	v35 =	vunpack.i.u.bf16.f32 v62;
	[tilespmem:s21+$0xC20] =	vst v26  }
0x9a6: {  	v28 =	vunpack.i.l.bf16.f32 v62;
	v13 =	vadd.f32 v13, v35;
	[tilespmem:s21+$0xC30] =	vst v11  }
0x9a7: {  	v11 =	vadd.f32 v12, v28;
	v34 =	vld [tilespmem:s10+$0x460];
	v37 =	vunpack.i.l.bf16.f32 v27  }
0x9a8: {  	v36 =	vld [tilespmem:s21+$0xC40];
	[tilespmem:s13+$0xC30] =	vst v13;
	v39 =	vunpack.i.u.bf16.f32 v27;
	v17 =	vadd.f32 v17, v37  }
0x9a9: {  	v38 =	vld [tilespmem:s21+$0xC50];
	[tilespmem:s13+$0xC20] =	vst v11;
	v11 =	vadd.f32 v16, v39  }
0x9aa: {  	v43 =	vunpack.i.l.bf16.f32 v33;
	v13 =	vld [tilespmem:s16+$0x460];
	[tilespmem:s22+$0xC20] =	vst v17  }
0x9ab: {  	v5 =	vadd.f32 v5, v43;
	v44 =	vunpack.i.u.bf16.f32 v33;
	[tilespmem:s22+$0xC30] =	vst v11  }
0x9ac: {  	v6 =	vadd.f32 v6, v44;
	v40 =	vunpack.i.l.bf16.f32 v34;
	v42 =	vld [tilespmem:s23+$0x460]  }
0x9ad: {  	[tilespmem:s8+$0xC40] =	vst v5;
	v41 =	vunpack.i.u.bf16.f32 v34;
	v12 =	vadd.f32 v36, v40  }
0x9ae: {  	v53 =	vunpack.i.u.bf16.f32 v20;
	[tilespmem:s8+$0xC50] =	vst v6;
	v11 =	vadd.f32 v38, v41  }
0x9af: {  	v4 =	vadd.f32 v4, v53;
	v45 =	vunpack.i.l.bf16.f32 v13;
	[tilespmem:s21+$0xC40] =	vst v12  }
0x9b0: {  	v50 =	vld [tilespmem:s12+$0x470];
	v47 =	vunpack.i.u.bf16.f32 v13;
	[tilespmem:s21+$0xC50] =	vst v11;
	v9 =	vadd.f32 v9, v45  }
0x9b1: {  	[tilespmem:s7+$0xC70] =	vst v4;
	v10 =	vadd.f32 v10, v47;
	v46 =	vld [tilespmem:s10+$0x470];
	v49 =	vunpack.i.l.bf16.f32 v42  }
0x9b2: {  	v30 =	vld [tilespmem:s21+$0xC60];
	[tilespmem:s13+$0xC40] =	vst v9;
	v51 =	vunpack.i.u.bf16.f32 v42;
	v11 =	vadd.f32 v21, v49  }
0x9b3: {  	v48 =	vld [tilespmem:s21+$0xC70];
	v52 =	vunpack.i.l.bf16.f32 v20;
	[tilespmem:s13+$0xC50] =	vst v10;
	v9 =	vadd.f32 v31, v51  }
0x9b4: {  	v3 =	vadd.f32 v3, v52;
	v54 =	vld [tilespmem:s16+$0x470];
	[tilespmem:s22+$0xC40] =	vst v11  }
0x9b5: {  	v58 =	vunpack.i.l.bf16.f32 v50;
	[tilespmem:s22+$0xC50] =	vst v9  }
0x9b6: {  	[tilespmem:s7+$0xC60] =	vst v3;
	v4 =	vadd.f32 v7, v58;
	v3 =	vunpack.i.l.bf16.f32 v46;
	v57 =	vld [tilespmem:s23+$0x470]  }
0x9b7: {  	v55 =	vunpack.i.u.bf16.f32 v46;
	v3 =	vadd.f32 v30, v3  }
0x9b8: {  	v29 =	vld [tilespmem:s22+$0xC70];
	v59 =	vunpack.i.u.bf16.f32 v50;
	[tilespmem:s8+$0xC60] =	vst v4;
	v56 =	vadd.f32 v48, v55  }
0x9b9: {  	v60 =	vunpack.i.l.bf16.f32 v54;
	[tilespmem:s21+$0xC60] =	vst v3;
	v3 =	vadd.f32 v8, v59  }
0x9ba: {  	v61 =	vunpack.i.u.bf16.f32 v54;
	[tilespmem:s21+$0xC70] =	vst v56;
	v5 =	vadd.f32 v15, v60  }
0x9bb: {  	[tilespmem:s8+$0xC70] =	vst v3;
	v3 =	vadd.f32 v18, v61;
	v62 =	vunpack.i.l.bf16.f32 v57  }
0x9bc: {  	[tilespmem:s13+$0xC60] =	vst v5;
	v63 =	vunpack.i.u.bf16.f32 v57;
	v4 =	vadd.f32 v32, v62  }
0x9bd: {  	s0 =	sadd.s32 s5, s14;
	[tilespmem:s13+$0xC70] =	vst v3;
	v3 =	vadd.f32 v29, v63  }
0x9be: {  	s25 =	simm.s32 $0xF200;
	s0 =	sshll.u32 s0, $0x6;
	[tilespmem:s22+$0xC60] =	vst v4  }
.Ltmp7:
0x9bf: {  	s28 =	simm.s32 $0x6;
	s0 =	sadd.s32 s3, s0;
	[tilespmem:s22+$0xC70] =	vst v3;
	(pc) =	sbr.rel @p0 .LBB2_14-.Ltmp7, $4  }
0x9c0: {  	[hbm4b:s0+s4] =	stream.linear.scatter [tilespmem:s25], [sflag:$0x8], $0x4000, $0x38;
	[tilespmem:$0x1B200] =	vst v63  }
0x9c1: {  	_ =	swait.ge [sflag:s28], $0x4000  }
0x9c2: {  	[sflag:s28] =	ssyncset.done $0x0  }
0x9c3: {  	s29 =	simm.s32 $0x7200;
	[sflag:s28] =	ssyncadd.s32 $0xFFFFC000  }
0x9c4: {  	v3 =	vld [tilespmem:s31+$0xA0];
	_ =	sdelay $0x4  }
0x9c5: {  	v4 =	vshll.u32 v3, $0x2  }
0x9c6: {  	v3 =	vand.u32 $0x7, v3;
	v4 =	vand.u32 $0xFFFFFFE0, v4  }
0x9c7: {  	v3 =	vor.u32 v3, v4  }
0x9c8: {  	v4 =	vperm.xlane v3, v0;
	_ =	sdelay $0x1  }
0x9c9: {  	v4 =	vadd.s32 v1, v4;
	_ =	sdelay $0x1  }
0x9ca: {  	v3 =	vperm.xlane v3, v2;
	_ =	sdelay $0x1  }
0x9cb: {  	v3 =	vadd.s32 v1, v3  }
0x9cc: {  	[tilespmem:s29], [sflag:$0x2] =	stream.indirect_vreg.gather [hbm4b:s2+s4], $0x80, v4, vm0, $0xb8;
	[tilespmem:$0x1B200] =	vst v63  }
0x9cd: {  	s0 =	simm.s32 $0x7A00  }
0x9ce: {  	[tilespmem:s0], [sflag:$0x2] =	stream.indirect_vreg.gather [hbm4b:s9+s4], $0x80, v4, vm0, $0xb8;
	[tilespmem:$0x1B200] =	vst v63  }
0x9cf: {  	s16 =	simm.s32 $0x8200  }
0x9d0: {  	[tilespmem:s16], [sflag:$0x2] =	stream.indirect_vreg.gather [hbm4b:s2+s4], $0x80, v3, vm0, $0xb8;
	[tilespmem:$0x1B200] =	vst v63  }
0x9d1: {  	s18 =	simm.s32 $0x8A00  }
0x9d2: {  	[tilespmem:s18], [sflag:$0x2] =	stream.indirect_vreg.gather [hbm4b:s9+s4], $0x80, v3, vm0, $0xb8;
	[tilespmem:$0x1B200] =	vst v63  }
0x9d3: {  	v3 =	vld [tilespmem:s31+$0xB0];
	_ =	sdelay $0x4  }
0x9d4: {  	v61 =	vshll.u32 v3, $0x2  }
0x9d5: {  	v3 =	vand.u32 $0x7, v3;
	v4 =	vand.u32 $0xFFFFFFE0, v61  }
0x9d6: {  	v3 =	vor.u32 v3, v4  }
0x9d7: {  	v4 =	vperm.xlane v3, v0;
	_ =	sdelay $0x1  }
0x9d8: {  	v4 =	vadd.s32 v1, v4;
	_ =	sdelay $0x1  }
0x9d9: {  	v3 =	vperm.xlane v3, v2;
	_ =	sdelay $0x1  }
0x9da: {  	s19 =	simm.s32 $0x9200;
	v3 =	vadd.s32 v1, v3  }
0x9db: {  	[tilespmem:s19], [sflag:$0x2] =	stream.indirect_vreg.gather [hbm4b:s2+s4], $0x80, v4, vm0, $0xb8;
	[tilespmem:$0x1B200] =	vst v63  }
0x9dc: {  	s20 =	simm.s32 $0x9A00  }
0x9dd: {  	[tilespmem:s20], [sflag:$0x2] =	stream.indirect_vreg.gather [hbm4b:s9+s4], $0x80, v4, vm0, $0xb8;
	[tilespmem:$0x1B200] =	vst v63  }
0x9de: {  	s21 =	simm.s32 $0xA200  }
0x9df: {  	[tilespmem:s21], [sflag:$0x2] =	stream.indirect_vreg.gather [hbm4b:s2+s4], $0x80, v3, vm0, $0xb8;
	[tilespmem:$0x1B200] =	vst v63  }
0x9e0: {  	s22 =	simm.s32 $0xAA00  }
0x9e1: {  	[tilespmem:s22], [sflag:$0x2] =	stream.indirect_vreg.gather [hbm4b:s9+s4], $0x80, v3, vm0, $0xb8;
	[tilespmem:$0x1B200] =	vst v63  }
0x9e2: {  	v3 =	vld [tilespmem:s31+$0x19A0];
	_ =	sdelay $0x4  }
0x9e3: {  	v62 =	vshll.u32 v3, $0x1  }
0x9e4: {  	v3 =	vand.u32 $0x7, v3;
	v4 =	vand.u32 $0xFFFFFFF0, v62  }
0x9e5: {  	v3 =	vor.u32 v3, v4  }
0x9e6: {  	v4 =	vperm.xlane v3, v0;
	_ =	sdelay $0x1  }
0x9e7: {  	v3 =	vperm.xlane v3, v2;
	v4 =	vadd.s32 v1, v4;
	_ =	sdelay $0x1  }
0x9e8: {  	v3 =	vadd.s32 v1, v3;
	_ =	sdelay $0x1  }
0x9e9: {  	s23 =	simm.s32 $0x15200  }
0x9ea: {  	[tilespmem:s23], [sflag:$0x2] =	stream.indirect_vreg.gather [hbm4b:s6+s4], $0x80, v4, vm0, $0xb8;
	[tilespmem:$0x1B200] =	vst v63  }
0x9eb: {  	s25 =	simm.s32 $0x15A00  }
0x9ec: {  	[tilespmem:s25], [sflag:$0x2] =	stream.indirect_vreg.gather [hbm4b:s6+s4], $0x80, v3, vm0, $0xb8;
	[tilespmem:$0x1B200] =	vst v63  }
0x9ed: {  	v3 =	vld [tilespmem:s31+$0x19B0];
	_ =	sdelay $0x4  }
0x9ee: {  	v63 =	vshll.u32 v3, $0x1  }
0x9ef: {  	v3 =	vand.u32 $0x7, v3;
	v4 =	vand.u32 $0xFFFFFFF0, v63  }
0x9f0: {  	v3 =	vor.u32 v3, v4  }
0x9f1: {  	v4 =	vperm.xlane v3, v0;
	_ =	sdelay $0x1  }
0x9f2: {  	v3 =	vperm.xlane v3, v2;
	v4 =	vadd.s32 v1, v4;
	_ =	sdelay $0x1  }
0x9f3: {  	v3 =	vadd.s32 v1, v3  }
.Ltmp8:
0x9f4: {  	_ = 	snop;
	(pc) =	sbr.rel .LBB2_2-.Ltmp8, $4  }
0x9f5: {  	s28 =	simm.s32 $0x16200  }
0x9f6: {  	[tilespmem:s28], [sflag:$0x2] =	stream.indirect_vreg.gather [hbm4b:s6+s4], $0x80, v4, vm0, $0xb8;
	[tilespmem:$0x1B200] =	vst v63  }
0x9f7: {  	s30 =	sadd.s32 $0x1, s30;
	s31 =	simm.s32 $0x16A00  }
0x9f8: {  	[tilespmem:s31], [sflag:$0x2] =	stream.indirect_vreg.gather [hbm4b:s6+s4], $0x80, v3, vm0, $0xb8;
	[tilespmem:$0x1B200] =	vst v63  }
.LBB2_15:
0x9f9: {  	_ =	sfence.sel $0x180000  }
0x9fa: {  	[bflag:$0x0] =	sbarrier.arrive $0xFFFF  }
0x9fb: {  	_ =	strace $0x90000047  }
0x9fc: {  	s0 =	stileid.u32;
	[bflag:$0x2] =	sbarrier.arrive $0xFFFF  }
0x9fd: {  	p0 =	sne.s32 s0, $0x0;
	s0 =	rddreg [dreg:$0x3]  }
0x9fe: {  	s0 =	sadd.s32 @!p0 $0x100000, s0  }
0x9ff: {  	[sflag:s0] =	ssyncadd.tile.s32 @!p0 $0x1;
	_ =	shalt  }
.Lfunc_end2:
_tile_overlayer_lowered:
.L_overlay_start_2:
0xa00: {  	(tag) =	ssettag $0x2  }
0xa01: {  	s0 =	rddreg [dreg:$0x0];
	s2 =	stileid.u32  }
0xa02: {  	s1 =	rddreg [dreg:$0x1];
	p0 =	sne.s32 s2, $0x0  }
0xa03: {  	s3 =	rddreg [dreg:$0x2];
	[bflag:$0x3] =	sbarrier.arrive $0xFFFF;
	s2 =	simm.s32 @!p0 $0x1C09  }
0xa04: {  	[timem:s3], [sflag:s2] =	dma.local @!p0 [hbm:s0], s1  }
0xa05: {  	s0 =	simm.s32 @!p0 $0x9  }
0xa06: {  	_ =	swait.ge @!p0 [sflag:s0], s1  }
0xa07: {  	s1 =	ssub.s32 @!p0 $0x0, s1;
	[sflag:s0] =	ssyncset.done @!p0 $0x0  }
0xa08: {  	[sflag:s0] =	ssyncadd.s32 @!p0 s1  }
0xa09: {  	[bflag:$0x3] =	sbarrier.arrive $0xFFFF  }
0xa0a: {  	_ =	shalt  }

</sc_bundles>
